<compile_context>
chip_gen: v7x
topology: tpu7x:2x2x1
jax: 0.10.2.dev20260603
libtpu: 0.0.44.dev20260713+nightly
codegen_flags: <defaults>
</compile_context>

<pallas_src>
import functools

import jax
import jax.numpy as jnp
from jax import lax
from jax.experimental import pallas as pl
from jax.experimental.pallas import tpu as pltpu
from jax.experimental.pallas import tpu_sc as plsc

N = 10000
NP = 10112
E = 320000
NW = 32
CH = 128
TPC = 80
EP = NW * TPC * CH
RS = NP // 16
NB = 3

_mesh = plsc.VectorSubcoreMesh(core_axis_name="c", subcore_axis_name="s")
_sc_params = pltpu.CompilerParams(use_tc_tiling_on_sc=False)


@functools.partial(
    pl.kernel,
    out_type=jax.ShapeDtypeStruct((2, NP, 16), jnp.float32),
    mesh=_mesh,
    compiler_params=_sc_params,
    scratch_types=[
        pltpu.VMEM((TPC, CH), jnp.int32),
        pltpu.VMEM((CH, 16), jnp.float32),
        pltpu.VMEM_SHARED((NP, 16), jnp.float32),
    ],
)
def _deg_sc(dst_hbm, zeros_hbm, ones_hbm, out_hbm, dstv, onesv, deg_sp):
    c = lax.axis_index("c")
    s = lax.axis_index("s")
    w = c * 16 + s
    pltpu.sync_copy(zeros_hbm.at[pl.ds(s * RS, RS)], deg_sp.at[pl.ds(s * RS, RS)])
    pltpu.sync_copy(ones_hbm, onesv)
    pltpu.sync_copy(dst_hbm.at[w], dstv)
    plsc.subcore_barrier()

    def body(j, carry):
        pltpu.sync_copy(onesv, deg_sp.at[dstv.at[j]], add=True)
        return carry

    lax.fori_loop(0, TPC, body, 0)
    plsc.subcore_barrier()
    pltpu.sync_copy(deg_sp.at[pl.ds(s * RS, RS)], out_hbm.at[c, pl.ds(s * RS, RS)])


@functools.partial(
    pl.kernel,
    out_type=jax.ShapeDtypeStruct((2, NP, 64), jnp.float32),
    mesh=_mesh,
    compiler_params=_sc_params,
    scratch_types=[
        pltpu.VMEM((TPC, CH), jnp.int32),
        pltpu.VMEM((TPC, CH), jnp.int32),
        pltpu.VMEM((NB, CH, 64), jnp.float32),
        pltpu.VMEM_SHARED((NP, 64), jnp.float32),
        pltpu.VMEM_SHARED((NP, 64), jnp.float32),
        pltpu.SemaphoreType.DMA,
        pltpu.SemaphoreType.DMA,
        pltpu.SemaphoreType.DMA,
    ],
)
def _agg_sc(hs_hbm, src_hbm, dst_hbm, zeros_hbm, out_hbm,
            srcv, dstv, rows, agg_sp, hs_sp, gsem0, gsem1, gsem2):
    gsems = (gsem0, gsem1, gsem2)
    c = lax.axis_index("c")
    s = lax.axis_index("s")
    w = c * 16 + s
    stripe = pl.ds(s * RS, RS)

    @pl.when(c == 0)
    def _():
        pltpu.sync_copy(hs_hbm.at[stripe], agg_sp.at[stripe])

    @pl.when(c == 1)
    def _():
        pltpu.sync_copy(zeros_hbm.at[stripe], agg_sp.at[stripe])

    pltpu.sync_copy(hs_hbm.at[stripe], hs_sp.at[stripe])
    pltpu.sync_copy(src_hbm.at[w], srcv)
    pltpu.sync_copy(dst_hbm.at[w], dstv)
    plsc.subcore_barrier()

    def gstart(j, b):
        pltpu.make_async_copy(hs_sp.at[srcv.at[j]], rows.at[b], gsems[b]).start()

    def gwait(j, b):
        pltpu.make_async_copy(hs_sp.at[srcv.at[j]], rows.at[b], gsems[b]).wait()

    def scat(j, b):
        pltpu.sync_copy(rows.at[b], agg_sp.at[dstv.at[j]], add=True)

    gstart(0, 0)
    gstart(1, 1)

    def body(i, carry):
        for b in range(NB):
            j = i * NB + b
            gwait(j, b)

            @pl.when(j + 2 < TPC)
            def _():
                gstart(j + 2, (b + 2) % NB)

            scat(j, b)
        return carry

    lax.fori_loop(0, TPC // NB, body, 0)
    for j in range((TPC // NB) * NB, TPC):
        gwait(j, j % NB)
        scat(j, j % NB)
    plsc.subcore_barrier()
    pltpu.sync_copy(agg_sp.at[stripe], out_hbm.at[c, stripe])


def _tc_first(x_ref, w_ref, degp_ref, hs_ref, dinv_ref):
    deg = degp_ref[0, :, 0:1] + degp_ref[1, :, 0:1] + 1.0
    rows = lax.broadcasted_iota(jnp.int32, (NP, 1), 0)
    dinv = jnp.where(rows < N, lax.rsqrt(deg), 0.0)
    t = jnp.dot(x_ref[...], w_ref[...], preferred_element_type=jnp.float32)
    hs_ref[:N] = t * dinv[:N]
    hs_ref[N:] = jnp.zeros((NP - N, 64), jnp.float32)
    dinv_ref[...] = jnp.broadcast_to(dinv, (NP, 16))


def _tc_mid(p_ref, dinv_ref, b_ref, w_ref, out_ref):
    dinv = dinv_ref[:, 0:1]
    agg = p_ref[0] + p_ref[1]
    h = jnp.maximum(agg * dinv + b_ref[...], 0.0)
    out_ref[...] = jnp.dot(h, w_ref[...], preferred_element_type=jnp.float32) * dinv


def _tc_pre4(p_ref, dinv_ref, b_ref, out_ref):
    dinv = dinv_ref[:, 0:1]
    agg = p_ref[0] + p_ref[1]
    out_ref[...] = jnp.maximum(agg * dinv + b_ref[...], 0.0) * dinv


def _tc_last(p_ref, dinv_ref, w_ref, b_ref, out_ref):
    dinv = dinv_ref[:N, 0:1]
    agg = (p_ref[0, :N] + p_ref[1, :N]) * dinv
    out_ref[...] = jnp.dot(agg, w_ref[...], preferred_element_type=jnp.float32) + b_ref[...]


def _f32(*shape):
    return jax.ShapeDtypeStruct(shape, jnp.float32)


_GB = 8
_BM = NP // _GB


def _mid_call(p, dinv, b, w):
    return pl.pallas_call(
        _tc_mid,
        grid=(_GB,),
        in_specs=[
            pl.BlockSpec((2, _BM, 64), lambda i: (0, i, 0)),
            pl.BlockSpec((_BM, 16), lambda i: (i, 0)),
            pl.BlockSpec((1, 64), lambda i: (0, 0)),
            pl.BlockSpec((64, 64), lambda i: (0, 0)),
        ],
        out_specs=pl.BlockSpec((_BM, 64), lambda i: (i, 0)),
        out_shape=_f32(NP, 64),
    )(p, dinv, b, w)


def _pre4_call(p, dinv, b):
    return pl.pallas_call(
        _tc_pre4,
        grid=(_GB,),
        in_specs=[
            pl.BlockSpec((2, _BM, 64), lambda i: (0, i, 0)),
            pl.BlockSpec((_BM, 16), lambda i: (i, 0)),
            pl.BlockSpec((1, 64), lambda i: (0, 0)),
        ],
        out_specs=pl.BlockSpec((_BM, 64), lambda i: (i, 0)),
        out_shape=_f32(NP, 64),
    )(p, dinv, b)


def kernel(x, edge_index, W1, b1, W2, b2, W3, b3, W4, b4):
    f32 = jnp.float32
    pad = EP - E
    srcb = jnp.concatenate(
        [edge_index[0], jnp.zeros((pad,), jnp.int32)]).reshape(NW, TPC, CH)
    dstb = jnp.concatenate(
        [edge_index[1], jnp.full((pad,), N, jnp.int32)]).reshape(NW, TPC, CH)
    zeros64 = jnp.zeros((NP, 64), f32)
    zeros16 = jnp.zeros((NP, 16), f32)
    ones16 = jnp.ones((CH, 16), f32)

    degp = _deg_sc(dstb, zeros16, ones16)
    hs1, dinv16 = pl.pallas_call(
        _tc_first, out_shape=(_f32(NP, 64), _f32(NP, 16)))(x, W1, degp)
    p1 = _agg_sc(hs1, srcb, dstb, zeros64)
    hs2 = _mid_call(p1, dinv16, b1.reshape(1, 64), W2)
    p2 = _agg_sc(hs2, srcb, dstb, zeros64)
    hs3 = _mid_call(p2, dinv16, b2.reshape(1, 64), W3)
    p3 = _agg_sc(hs3, srcb, dstb, zeros64)
    hs4 = _pre4_call(p3, dinv16, b3.reshape(1, 64))
    p4 = _agg_sc(hs4, srcb, dstb, zeros64)
    out = pl.pallas_call(_tc_last, out_shape=_f32(N, 128))(
        p4, dinv16, W4, b4.reshape(1, 128))
    return out

# --- scband reference (transcript-rebuilt; emitter-appended) ---
"""Pipeline reference for scband-simple-net-deep-31516470018049 (READ-ONLY COPY).

The authoritative reference and input builder live on the scoring server;
editing this copy changes nothing except your own understanding.
"""

import jax, jax.numpy as jnp
import numpy as np

N = 10000
E = 320000
D_IN = 128
D_OUT = 128
H = 64


def _glorot(key, shape):
    lim = float(np.sqrt(6.0 / (shape[0] + shape[1])))
    return jax.random.uniform(key, shape, jnp.float32, -lim, lim)


def setup_inputs(seed: int = 0) -> dict:
    key = jax.random.key(seed)
    ks = jax.random.split(key, 8)
    x = jax.random.normal(ks[0], (N, D_IN), dtype=jnp.float32)
    edge_index = jax.random.randint(ks[1], (2, E), 0, N, dtype=jnp.int32)
    W1 = _glorot(ks[2], (D_IN, H))
    b1 = jnp.zeros((H,), jnp.float32)
    W2 = _glorot(ks[3], (H, H))
    b2 = jnp.zeros((H,), jnp.float32)
    W3 = _glorot(ks[4], (H, H))
    b3 = jnp.zeros((H,), jnp.float32)
    W4 = _glorot(ks[5], (H, D_OUT))
    b4 = jnp.zeros((D_OUT,), jnp.float32)
    return {"x": x, "edge_index": edge_index, "W1": W1, "b1": b1, "W2": W2, "b2": b2, "W3": W3, "b3": b3, "W4": W4, "b4": b4}


def _gcn_conv(x, W, b, src, dst, n):
    # PyG GCNConv: linear transform, then symmetric-normalized aggregation, then bias
    h = x @ W
    ones = jnp.ones((src.shape[0],), h.dtype)
    deg = jnp.zeros((n,), h.dtype).at[dst].add(ones)
    dinv = jnp.where(deg > 0, jax.lax.rsqrt(jnp.maximum(deg, 1e-12)), 0.0)
    norm = dinv[src] * dinv[dst]
    msg = h[src] * norm[:, None]
    out = jnp.zeros((n, h.shape[1]), h.dtype).at[dst].add(msg)
    return out + b


def reference(x, edge_index, W1, b1, W2, b2, W3, b3, W4, b4):
    n = x.shape[0]
    # add self-loops once (shared across all 4 GCN layers)
    loops = jnp.arange(n, dtype=edge_index.dtype)
    src = jnp.concatenate([edge_index[0], loops])
    dst = jnp.concatenate([edge_index[1], loops])
    h = jax.nn.relu(_gcn_conv(x, W1, b1, src, dst, n))
    h = jax.nn.relu(_gcn_conv(h, W2, b2, src, dst, n))
    h = jax.nn.relu(_gcn_conv(h, W3, b3, src, dst, n))
    out = _gcn_conv(h, W4, b4, src, dst, n)
    return out

if __name__ == "__main__":
    import jax
    _d = setup_inputs()
    print(jax.jit(kernel)(*tuple(_d.values())))

</pallas_src>

<mosaic_0001>
#map = affine_map<(d0, d1) -> (0, 0)>
#map1 = affine_map<(d0, d1) -> (0, 0, 0)>
module attributes {stable_mosaic.version = 14 : i64} {
  func.func @_agg_sc(%arg0: i32, %arg1: i32, %arg2: memref<10112x64xf32, #tpu.memory_space<hbm>>, %arg3: memref<32x80x128xi32, #tpu.memory_space<hbm>>, %arg4: memref<32x80x128xi32, #tpu.memory_space<hbm>>, %arg5: memref<10112x64xf32, #tpu.memory_space<hbm>>, %arg6: memref<2x10112x64xf32, #tpu.memory_space<hbm>>, %arg7: memref<80x128xi32, #tpu.memory_space<vmem>>, %arg8: memref<80x128xi32, #tpu.memory_space<vmem>>, %arg9: memref<3x128x64xf32, #tpu.memory_space<vmem>>, %arg10: memref<10112x64xf32, #tpu.memory_space<vmem_shared>>, %arg11: memref<10112x64xf32, #tpu.memory_space<vmem_shared>>, %arg12: memref<!tpu.dma_semaphore, #tpu.memory_space<semaphore_mem>>, %arg13: memref<!tpu.dma_semaphore, #tpu.memory_space<semaphore_mem>>, %arg14: memref<!tpu.dma_semaphore, #tpu.memory_space<semaphore_mem>>) attributes {dimension_semantics = [#tpu.dimension_semantics<core_parallel>, #tpu.dimension_semantics<subcore_parallel>], iteration_bounds = array<i64: 2, 16>, scalar_prefetch = 0 : i64, scratch_operands = 8 : i64, tpu.core_type = #tpu.core_type<sc_vector_subcore>, window_params = [{transform_indices = #map}, {transform_indices = #map1}, {transform_indices = #map1}, {transform_indices = #map}, {transform_indices = #map1}]} {
    %mul3A = arith.constant 16 : i32
    %mul3A_0 = arith.muli %arg0, %mul3A : i32
    %add3A = arith.addi %mul3A_0, %arg1 : i32
    %mul3A_1 = arith.constant 632 : i32
    %mul3A_2 = arith.muli %arg1, %mul3A_1 : i32
    %eq3A = arith.constant 0 : i32
    %eq3A_3 = arith.cmpi eq, %arg0, %eq3A : i32
    %convert_element_type3A = arith.extui %eq3A_3 : i1 to i32
    %cond3A = arith.constant 0 : i32
    %cond3A_4 = arith.cmpi ne, %convert_element_type3A, %cond3A : i32
    scf.if %cond3A_4 {
      "tpu.region"() ({
        %run_scoped3A_65 = tpu.sem_alloc : memref<!tpu.dma_semaphore, #tpu.memory_space<semaphore_mem>>
        %dma_start3A_66 = arith.constant 0 : i32
        %dma_start3A_67 = tpu.memref_slice %arg10[%mul3A_2, %dma_start3A_66] : memref<10112x64xf32, #tpu.memory_space<vmem_shared>> -> memref<632x64xf32, #tpu.memory_space<vmem_shared>>
        %dma_start3A_68 = arith.constant 0 : i32
        %dma_start3A_69 = tpu.memref_slice %arg2[%mul3A_2, %dma_start3A_68] : memref<10112x64xf32, #tpu.memory_space<hbm>> -> memref<632x64xf32, #tpu.memory_space<hbm>>
        tpu.enqueue_dma source(%dma_start3A_69 : memref<632x64xf32, #tpu.memory_space<hbm>>) target(%dma_start3A_67 : memref<632x64xf32, #tpu.memory_space<vmem_shared>>) target_semaphore(%run_scoped3A_65 : memref<!tpu.dma_semaphore, #tpu.memory_space<semaphore_mem>>)
        %dma_wait3A_70 = arith.constant 0 : i32
        %dma_wait3A_71 = tpu.memref_slice %arg10[%mul3A_2, %dma_wait3A_70] : memref<10112x64xf32, #tpu.memory_space<vmem_shared>> -> memref<632x64xf32, #tpu.memory_space<vmem_shared>>
        %dma_wait3A_72 = arith.constant 0 : i32
        %dma_wait3A_73 = tpu.memref_slice %arg2[%mul3A_2, %dma_wait3A_72] : memref<10112x64xf32, #tpu.memory_space<hbm>> -> memref<632x64xf32, #tpu.memory_space<hbm>>
        tpu.wait_dma2 semaphore(%run_scoped3A_65 : memref<!tpu.dma_semaphore, #tpu.memory_space<semaphore_mem>>) src(%dma_wait3A_73 : memref<632x64xf32, #tpu.memory_space<hbm>>) dst(%dma_wait3A_71 : memref<632x64xf32, #tpu.memory_space<vmem_shared>>)
        tpu.yield
      }) : () -> ()
    } else {
    }
    %eq3A_5 = arith.constant 1 : i32
    %eq3A_6 = arith.cmpi eq, %arg0, %eq3A_5 : i32
    %convert_element_type3A_7 = arith.extui %eq3A_6 : i1 to i32
    %cond3A_8 = arith.constant 0 : i32
    %cond3A_9 = arith.cmpi ne, %convert_element_type3A_7, %cond3A_8 : i32
    scf.if %cond3A_9 {
      "tpu.region"() ({
        %run_scoped3A_65 = tpu.sem_alloc : memref<!tpu.dma_semaphore, #tpu.memory_space<semaphore_mem>>
        %dma_start3A_66 = arith.constant 0 : i32
        %dma_start3A_67 = tpu.memref_slice %arg10[%mul3A_2, %dma_start3A_66] : memref<10112x64xf32, #tpu.memory_space<vmem_shared>> -> memref<632x64xf32, #tpu.memory_space<vmem_shared>>
        %dma_start3A_68 = arith.constant 0 : i32
        %dma_start3A_69 = tpu.memref_slice %arg5[%mul3A_2, %dma_start3A_68] : memref<10112x64xf32, #tpu.memory_space<hbm>> -> memref<632x64xf32, #tpu.memory_space<hbm>>
        tpu.enqueue_dma source(%dma_start3A_69 : memref<632x64xf32, #tpu.memory_space<hbm>>) target(%dma_start3A_67 : memref<632x64xf32, #tpu.memory_space<vmem_shared>>) target_semaphore(%run_scoped3A_65 : memref<!tpu.dma_semaphore, #tpu.memory_space<semaphore_mem>>)
        %dma_wait3A_70 = arith.constant 0 : i32
        %dma_wait3A_71 = tpu.memref_slice %arg10[%mul3A_2, %dma_wait3A_70] : memref<10112x64xf32, #tpu.memory_space<vmem_shared>> -> memref<632x64xf32, #tpu.memory_space<vmem_shared>>
        %dma_wait3A_72 = arith.constant 0 : i32
        %dma_wait3A_73 = tpu.memref_slice %arg5[%mul3A_2, %dma_wait3A_72] : memref<10112x64xf32, #tpu.memory_space<hbm>> -> memref<632x64xf32, #tpu.memory_space<hbm>>
        tpu.wait_dma2 semaphore(%run_scoped3A_65 : memref<!tpu.dma_semaphore, #tpu.memory_space<semaphore_mem>>) src(%dma_wait3A_73 : memref<632x64xf32, #tpu.memory_space<hbm>>) dst(%dma_wait3A_71 : memref<632x64xf32, #tpu.memory_space<vmem_shared>>)
        tpu.yield
      }) : () -> ()
    } else {
    }
    "tpu.region"() ({
      %run_scoped3A_65 = tpu.sem_alloc : memref<!tpu.dma_semaphore, #tpu.memory_space<semaphore_mem>>
      %dma_start3A_66 = arith.constant 0 : i32
      %dma_start3A_67 = tpu.memref_slice %arg11[%mul3A_2, %dma_start3A_66] : memref<10112x64xf32, #tpu.memory_space<vmem_shared>> -> memref<632x64xf32, #tpu.memory_space<vmem_shared>>
      %dma_start3A_68 = arith.constant 0 : i32
      %dma_start3A_69 = tpu.memref_slice %arg2[%mul3A_2, %dma_start3A_68] : memref<10112x64xf32, #tpu.memory_space<hbm>> -> memref<632x64xf32, #tpu.memory_space<hbm>>
      tpu.enqueue_dma source(%dma_start3A_69 : memref<632x64xf32, #tpu.memory_space<hbm>>) target(%dma_start3A_67 : memref<632x64xf32, #tpu.memory_space<vmem_shared>>) target_semaphore(%run_scoped3A_65 : memref<!tpu.dma_semaphore, #tpu.memory_space<semaphore_mem>>)
      %dma_wait3A_70 = arith.constant 0 : i32
      %dma_wait3A_71 = tpu.memref_slice %arg11[%mul3A_2, %dma_wait3A_70] : memref<10112x64xf32, #tpu.memory_space<vmem_shared>> -> memref<632x64xf32, #tpu.memory_space<vmem_shared>>
      %dma_wait3A_72 = arith.constant 0 : i32
      %dma_wait3A_73 = tpu.memref_slice %arg2[%mul3A_2, %dma_wait3A_72] : memref<10112x64xf32, #tpu.memory_space<hbm>> -> memref<632x64xf32, #tpu.memory_space<hbm>>
      tpu.wait_dma2 semaphore(%run_scoped3A_65 : memref<!tpu.dma_semaphore, #tpu.memory_space<semaphore_mem>>) src(%dma_wait3A_73 : memref<632x64xf32, #tpu.memory_space<hbm>>) dst(%dma_wait3A_71 : memref<632x64xf32, #tpu.memory_space<vmem_shared>>)
      tpu.yield
    }) : () -> ()
    "tpu.region"() ({
      %run_scoped3A_65 = tpu.sem_alloc : memref<!tpu.dma_semaphore, #tpu.memory_space<semaphore_mem>>
      %dma_start3A_66 = arith.constant 0 : i32
      %dma_start3A_67 = arith.constant 0 : i32
      %dma_start3A_68 = tpu.memref_slice %arg3[%add3A, %dma_start3A_66, %dma_start3A_67] : memref<32x80x128xi32, #tpu.memory_space<hbm>> -> memref<1x80x128xi32, #tpu.memory_space<hbm>>
      %dma_start3A_69 = tpu.memref_squeeze %dma_start3A_68 : memref<1x80x128xi32, #tpu.memory_space<hbm>> -> memref<80x128xi32, #tpu.memory_space<hbm>>
      %dma_start3A_70 = arith.constant 0 : i32
      %dma_start3A_71 = arith.constant 0 : i32
      %dma_start3A_72 = tpu.memref_slice %arg3[%add3A, %dma_start3A_70, %dma_start3A_71] : memref<32x80x128xi32, #tpu.memory_space<hbm>> -> memref<1x80x128xi32, #tpu.memory_space<hbm>>
      %dma_start3A_73 = tpu.memref_squeeze %dma_start3A_72 : memref<1x80x128xi32, #tpu.memory_space<hbm>> -> memref<80x128xi32, #tpu.memory_space<hbm>>
      tpu.enqueue_dma source(%dma_start3A_73 : memref<80x128xi32, #tpu.memory_space<hbm>>) target(%arg7 : memref<80x128xi32, #tpu.memory_space<vmem>>) target_semaphore(%run_scoped3A_65 : memref<!tpu.dma_semaphore, #tpu.memory_space<semaphore_mem>>)
      %dma_wait3A_74 = arith.constant 0 : i32
      %dma_wait3A_75 = arith.constant 0 : i32
      %dma_wait3A_76 = tpu.memref_slice %arg3[%add3A, %dma_wait3A_74, %dma_wait3A_75] : memref<32x80x128xi32, #tpu.memory_space<hbm>> -> memref<1x80x128xi32, #tpu.memory_space<hbm>>
      %dma_wait3A_77 = tpu.memref_squeeze %dma_wait3A_76 : memref<1x80x128xi32, #tpu.memory_space<hbm>> -> memref<80x128xi32, #tpu.memory_space<hbm>>
      %dma_wait3A_78 = arith.constant 0 : i32
      %dma_wait3A_79 = arith.constant 0 : i32
      %dma_wait3A_80 = tpu.memref_slice %arg3[%add3A, %dma_wait3A_78, %dma_wait3A_79] : memref<32x80x128xi32, #tpu.memory_space<hbm>> -> memref<1x80x128xi32, #tpu.memory_space<hbm>>
      %dma_wait3A_81 = tpu.memref_squeeze %dma_wait3A_80 : memref<1x80x128xi32, #tpu.memory_space<hbm>> -> memref<80x128xi32, #tpu.memory_space<hbm>>
      tpu.wait_dma2 semaphore(%run_scoped3A_65 : memref<!tpu.dma_semaphore, #tpu.memory_space<semaphore_mem>>) src(%dma_wait3A_81 : memref<80x128xi32, #tpu.memory_space<hbm>>) dst(%arg7 : memref<80x128xi32, #tpu.memory_space<vmem>>)
      tpu.yield
    }) : () -> ()
    "tpu.region"() ({
      %run_scoped3A_65 = tpu.sem_alloc : memref<!tpu.dma_semaphore, #tpu.memory_space<semaphore_mem>>
      %dma_start3A_66 = arith.constant 0 : i32
      %dma_start3A_67 = arith.constant 0 : i32
      %dma_start3A_68 = tpu.memref_slice %arg4[%add3A, %dma_start3A_66, %dma_start3A_67] : memref<32x80x128xi32, #tpu.memory_space<hbm>> -> memref<1x80x128xi32, #tpu.memory_space<hbm>>
      %dma_start3A_69 = tpu.memref_squeeze %dma_start3A_68 : memref<1x80x128xi32, #tpu.memory_space<hbm>> -> memref<80x128xi32, #tpu.memory_space<hbm>>
      %dma_start3A_70 = arith.constant 0 : i32
      %dma_start3A_71 = arith.constant 0 : i32
      %dma_start3A_72 = tpu.memref_slice %arg4[%add3A, %dma_start3A_70, %dma_start3A_71] : memref<32x80x128xi32, #tpu.memory_space<hbm>> -> memref<1x80x128xi32, #tpu.memory_space<hbm>>
      %dma_start3A_73 = tpu.memref_squeeze %dma_start3A_72 : memref<1x80x128xi32, #tpu.memory_space<hbm>> -> memref<80x128xi32, #tpu.memory_space<hbm>>
      tpu.enqueue_dma source(%dma_start3A_73 : memref<80x128xi32, #tpu.memory_space<hbm>>) target(%arg8 : memref<80x128xi32, #tpu.memory_space<vmem>>) target_semaphore(%run_scoped3A_65 : memref<!tpu.dma_semaphore, #tpu.memory_space<semaphore_mem>>)
      %dma_wait3A_74 = arith.constant 0 : i32
      %dma_wait3A_75 = arith.constant 0 : i32
      %dma_wait3A_76 = tpu.memref_slice %arg4[%add3A, %dma_wait3A_74, %dma_wait3A_75] : memref<32x80x128xi32, #tpu.memory_space<hbm>> -> memref<1x80x128xi32, #tpu.memory_space<hbm>>
      %dma_wait3A_77 = tpu.memref_squeeze %dma_wait3A_76 : memref<1x80x128xi32, #tpu.memory_space<hbm>> -> memref<80x128xi32, #tpu.memory_space<hbm>>
      %dma_wait3A_78 = arith.constant 0 : i32
      %dma_wait3A_79 = arith.constant 0 : i32
      %dma_wait3A_80 = tpu.memref_slice %arg4[%add3A, %dma_wait3A_78, %dma_wait3A_79] : memref<32x80x128xi32, #tpu.memory_space<hbm>> -> memref<1x80x128xi32, #tpu.memory_space<hbm>>
      %dma_wait3A_81 = tpu.memref_squeeze %dma_wait3A_80 : memref<1x80x128xi32, #tpu.memory_space<hbm>> -> memref<80x128xi32, #tpu.memory_space<hbm>>
      tpu.wait_dma2 semaphore(%run_scoped3A_65 : memref<!tpu.dma_semaphore, #tpu.memory_space<semaphore_mem>>) src(%dma_wait3A_81 : memref<80x128xi32, #tpu.memory_space<hbm>>) dst(%arg8 : memref<80x128xi32, #tpu.memory_space<vmem>>)
      tpu.yield
    }) : () -> ()
    %barrier3A = arith.constant 0 : index
    tpu.barrier barrier_id(%barrier3A)
    %dma_start3A = arith.constant 0 : i32
    %dma_start3A_10 = arith.constant 0 : i32
    %dma_start3A_11 = arith.constant 0 : i32
    %dma_start3A_12 = arith.constant 0 : i32
    %dma_start3A_13 = tpu.memref_slice %arg9[%dma_start3A_10, %dma_start3A_11, %dma_start3A_12] : memref<3x128x64xf32, #tpu.memory_space<vmem>> -> memref<1x128x64xf32, #tpu.memory_space<vmem>>
    %dma_start3A_14 = tpu.memref_squeeze %dma_start3A_13 : memref<1x128x64xf32, #tpu.memory_space<vmem>> -> memref<128x64xf32, #tpu.memory_space<vmem>>
    %dma_start3A_15 = arith.constant 0 : i32
    %dma_start3A_16 = tpu.memref_slice %arg7[%dma_start3A, %dma_start3A_15] : memref<80x128xi32, #tpu.memory_space<vmem>> -> memref<1x128xi32, #tpu.memory_space<vmem>>
    %dma_start3A_17 = tpu.memref_squeeze %dma_start3A_16 : memref<1x128xi32, #tpu.memory_space<vmem>> -> memref<128xi32, #tpu.memory_space<vmem>>
    %dma_start3A_18 = arith.constant 0 : i32
    %dma_start3A_19 = arith.constant 0 : i32
    %dma_start3A_20 = tpu.memref_slice %arg11[%dma_start3A_18, %dma_start3A_19] : memref<10112x64xf32, #tpu.memory_space<vmem_shared>> -> memref<10112x64xf32, #tpu.memory_space<vmem_shared>>
    tpu.enqueue_indirect_dma source(%dma_start3A_20 : memref<10112x64xf32, #tpu.memory_space<vmem_shared>>) target(%dma_start3A_14 : memref<128x64xf32, #tpu.memory_space<vmem>>) offsets(%dma_start3A_17 : memref<128xi32, #tpu.memory_space<vmem>>) semaphore(%arg12 : memref<!tpu.dma_semaphore, #tpu.memory_space<semaphore_mem>>)
    %dma_start3A_21 = arith.constant 1 : i32
    %dma_start3A_22 = arith.constant 1 : i32
    %dma_start3A_23 = arith.constant 0 : i32
    %dma_start3A_24 = arith.constant 0 : i32
    %dma_start3A_25 = tpu.memref_slice %arg9[%dma_start3A_22, %dma_start3A_23, %dma_start3A_24] : memref<3x128x64xf32, #tpu.memory_space<vmem>> -> memref<1x128x64xf32, #tpu.memory_space<vmem>>
    %dma_start3A_26 = tpu.memref_squeeze %dma_start3A_25 : memref<1x128x64xf32, #tpu.memory_space<vmem>> -> memref<128x64xf32, #tpu.memory_space<vmem>>
    %dma_start3A_27 = arith.constant 0 : i32
    %dma_start3A_28 = tpu.memref_slice %arg7[%dma_start3A_21, %dma_start3A_27] : memref<80x128xi32, #tpu.memory_space<vmem>> -> memref<1x128xi32, #tpu.memory_space<vmem>>
    %dma_start3A_29 = tpu.memref_squeeze %dma_start3A_28 : memref<1x128xi32, #tpu.memory_space<vmem>> -> memref<128xi32, #tpu.memory_space<vmem>>
    %dma_start3A_30 = arith.constant 0 : i32
    %dma_start3A_31 = arith.constant 0 : i32
    %dma_start3A_32 = tpu.memref_slice %arg11[%dma_start3A_30, %dma_start3A_31] : memref<10112x64xf32, #tpu.memory_space<vmem_shared>> -> memref<10112x64xf32, #tpu.memory_space<vmem_shared>>
    tpu.enqueue_indirect_dma source(%dma_start3A_32 : memref<10112x64xf32, #tpu.memory_space<vmem_shared>>) target(%dma_start3A_26 : memref<128x64xf32, #tpu.memory_space<vmem>>) offsets(%dma_start3A_29 : memref<128xi32, #tpu.memory_space<vmem>>) semaphore(%arg13 : memref<!tpu.dma_semaphore, #tpu.memory_space<semaphore_mem>>)
    %scan3A = arith.constant 0 : i32
    %scan3A_33 = arith.constant 0 : i32
    %scan3A_34 = arith.constant 26 : i32
    %scan3A_35 = arith.addi %scan3A_33, %scan3A_34 : i32
    %scan3A_36 = arith.constant 1 : i32
    scf.for %scan3A_65 = %scan3A_33 to %scan3A_35 step %scan3A_36  : i32 {
      %mul3A_66 = arith.constant 3 : i32
      %mul3A_67 = arith.muli %scan3A_65, %mul3A_66 : i32
      %add3A_68 = arith.constant 0 : i32
      %add3A_69 = arith.addi %mul3A_67, %add3A_68 : i32
      %dma_wait3A_70 = arith.constant 0 : i32
      %dma_wait3A_71 = arith.constant 0 : i32
      %dma_wait3A_72 = arith.constant 0 : i32
      %dma_wait3A_73 = tpu.memref_slice %arg9[%dma_wait3A_70, %dma_wait3A_71, %dma_wait3A_72] : memref<3x128x64xf32, #tpu.memory_space<vmem>> -> memref<1x128x64xf32, #tpu.memory_space<vmem>>
      %dma_wait3A_74 = tpu.memref_squeeze %dma_wait3A_73 : memref<1x128x64xf32, #tpu.memory_space<vmem>> -> memref<128x64xf32, #tpu.memory_space<vmem>>
      %dma_wait3A_75 = arith.constant 0 : i32
      %dma_wait3A_76 = tpu.memref_slice %arg7[%add3A_69, %dma_wait3A_75] : memref<80x128xi32, #tpu.memory_space<vmem>> -> memref<1x128xi32, #tpu.memory_space<vmem>>
      %dma_wait3A_77 = tpu.memref_squeeze %dma_wait3A_76 : memref<1x128xi32, #tpu.memory_space<vmem>> -> memref<128xi32, #tpu.memory_space<vmem>>
      %dma_wait3A_78 = arith.constant 0 : i32
      %dma_wait3A_79 = arith.constant 0 : i32
      %dma_wait3A_80 = tpu.memref_slice %arg11[%dma_wait3A_78, %dma_wait3A_79] : memref<10112x64xf32, #tpu.memory_space<vmem_shared>> -> memref<10112x64xf32, #tpu.memory_space<vmem_shared>>
      tpu.wait_indirect_dma semaphore(%arg12 : memref<!tpu.dma_semaphore, #tpu.memory_space<semaphore_mem>>) src(%dma_wait3A_80 : memref<10112x64xf32, #tpu.memory_space<vmem_shared>>) dst(%dma_wait3A_74 : memref<128x64xf32, #tpu.memory_space<vmem>>)
      %add3A_81 = arith.constant 2 : i32
      %add3A_82 = arith.addi %add3A_69, %add3A_81 : i32
      %lt3A = arith.constant 80 : i32
      %lt3A_83 = arith.cmpi slt, %add3A_82, %lt3A : i32
      %convert_element_type3A_84 = arith.extui %lt3A_83 : i1 to i32
      %cond3A_85 = arith.constant 0 : i32
      %cond3A_86 = arith.cmpi ne, %convert_element_type3A_84, %cond3A_85 : i32
      scf.if %cond3A_86 {
        %add3A_134 = arith.constant 2 : i32
        %add3A_135 = arith.addi %add3A_69, %add3A_134 : i32
        %dma_start3A_136 = arith.constant 2 : i32
        %dma_start3A_137 = arith.constant 0 : i32
        %dma_start3A_138 = arith.constant 0 : i32
        %dma_start3A_139 = tpu.memref_slice %arg9[%dma_start3A_136, %dma_start3A_137, %dma_start3A_138] : memref<3x128x64xf32, #tpu.memory_space<vmem>> -> memref<1x128x64xf32, #tpu.memory_space<vmem>>
        %dma_start3A_140 = tpu.memref_squeeze %dma_start3A_139 : memref<1x128x64xf32, #tpu.memory_space<vmem>> -> memref<128x64xf32, #tpu.memory_space<vmem>>
        %dma_start3A_141 = arith.constant 0 : i32
        %dma_start3A_142 = tpu.memref_slice %arg7[%add3A_135, %dma_start3A_141] : memref<80x128xi32, #tpu.memory_space<vmem>> -> memref<1x128xi32, #tpu.memory_space<vmem>>
        %dma_start3A_143 = tpu.memref_squeeze %dma_start3A_142 : memref<1x128xi32, #tpu.memory_space<vmem>> -> memref<128xi32, #tpu.memory_space<vmem>>
        %dma_start3A_144 = arith.constant 0 : i32
        %dma_start3A_145 = arith.constant 0 : i32
        %dma_start3A_146 = tpu.memref_slice %arg11[%dma_start3A_144, %dma_start3A_145] : memref<10112x64xf32, #tpu.memory_space<vmem_shared>> -> memref<10112x64xf32, #tpu.memory_space<vmem_shared>>
        tpu.enqueue_indirect_dma source(%dma_start3A_146 : memref<10112x64xf32, #tpu.memory_space<vmem_shared>>) target(%dma_start3A_140 : memref<128x64xf32, #tpu.memory_space<vmem>>) offsets(%dma_start3A_143 : memref<128xi32, #tpu.memory_space<vmem>>) semaphore(%arg14 : memref<!tpu.dma_semaphore, #tpu.memory_space<semaphore_mem>>)
      } else {
      }
      %run_scoped3A_87 = arith.constant 0 : i32
      "tpu.region"() ({
        %run_scoped3A_134 = tpu.sem_alloc : memref<!tpu.dma_semaphore, #tpu.memory_space<semaphore_mem>>
        %dma_start3A_135 = arith.constant 0 : i32
        %dma_start3A_136 = arith.constant 0 : i32
        %dma_start3A_137 = tpu.memref_slice %arg9[%run_scoped3A_87, %dma_start3A_135, %dma_start3A_136] : memref<3x128x64xf32, #tpu.memory_space<vmem>> -> memref<1x128x64xf32, #tpu.memory_space<vmem>>
        %dma_start3A_138 = tpu.memref_squeeze %dma_start3A_137 : memref<1x128x64xf32, #tpu.memory_space<vmem>> -> memref<128x64xf32, #tpu.memory_space<vmem>>
        %dma_start3A_139 = arith.constant 0 : i32
        %dma_start3A_140 = tpu.memref_slice %arg8[%add3A_69, %dma_start3A_139] : memref<80x128xi32, #tpu.memory_space<vmem>> -> memref<1x128xi32, #tpu.memory_space<vmem>>
        %dma_start3A_141 = tpu.memref_squeeze %dma_start3A_140 : memref<1x128xi32, #tpu.memory_space<vmem>> -> memref<128xi32, #tpu.memory_space<vmem>>
        %dma_start3A_142 = arith.constant 0 : i32
        %dma_start3A_143 = arith.constant 0 : i32
        %dma_start3A_144 = tpu.memref_slice %arg10[%dma_start3A_142, %dma_start3A_143] : memref<10112x64xf32, #tpu.memory_space<vmem_shared>> -> memref<10112x64xf32, #tpu.memory_space<vmem_shared>>
        tpu.enqueue_indirect_dma source(%dma_start3A_138 : memref<128x64xf32, #tpu.memory_space<vmem>>) target(%dma_start3A_144 : memref<10112x64xf32, #tpu.memory_space<vmem_shared>>) offsets(%dma_start3A_141 : memref<128xi32, #tpu.memory_space<vmem>>) semaphore(%run_scoped3A_134 : memref<!tpu.dma_semaphore, #tpu.memory_space<semaphore_mem>>) {add = true}
        %dma_wait3A_145 = arith.constant 0 : i32
        %dma_wait3A_146 = arith.constant 0 : i32
        %dma_wait3A_147 = tpu.memref_slice %arg9[%run_scoped3A_87, %dma_wait3A_145, %dma_wait3A_146] : memref<3x128x64xf32, #tpu.memory_space<vmem>> -> memref<1x128x64xf32, #tpu.memory_space<vmem>>
        %dma_wait3A_148 = tpu.memref_squeeze %dma_wait3A_147 : memref<1x128x64xf32, #tpu.memory_space<vmem>> -> memref<128x64xf32, #tpu.memory_space<vmem>>
        %dma_wait3A_149 = arith.constant 0 : i32
        %dma_wait3A_150 = tpu.memref_slice %arg8[%add3A_69, %dma_wait3A_149] : memref<80x128xi32, #tpu.memory_space<vmem>> -> memref<1x128xi32, #tpu.memory_space<vmem>>
        %dma_wait3A_151 = tpu.memref_squeeze %dma_wait3A_150 : memref<1x128xi32, #tpu.memory_space<vmem>> -> memref<128xi32, #tpu.memory_space<vmem>>
        %dma_wait3A_152 = arith.constant 0 : i32
        %dma_wait3A_153 = arith.constant 0 : i32
        %dma_wait3A_154 = tpu.memref_slice %arg10[%dma_wait3A_152, %dma_wait3A_153] : memref<10112x64xf32, #tpu.memory_space<vmem_shared>> -> memref<10112x64xf32, #tpu.memory_space<vmem_shared>>
        tpu.wait_indirect_dma semaphore(%run_scoped3A_134 : memref<!tpu.dma_semaphore, #tpu.memory_space<semaphore_mem>>) src(%dma_wait3A_148 : memref<128x64xf32, #tpu.memory_space<vmem>>) dst(%dma_wait3A_154 : memref<10112x64xf32, #tpu.memory_space<vmem_shared>>)
        tpu.yield
      }) : () -> ()
      %mul3A_88 = arith.constant 3 : i32
      %mul3A_89 = arith.muli %scan3A_65, %mul3A_88 : i32
      %add3A_90 = arith.constant 1 : i32
      %add3A_91 = arith.addi %mul3A_89, %add3A_90 : i32
      %dma_wait3A_92 = arith.constant 1 : i32
      %dma_wait3A_93 = arith.constant 0 : i32
      %dma_wait3A_94 = arith.constant 0 : i32
      %dma_wait3A_95 = tpu.memref_slice %arg9[%dma_wait3A_92, %dma_wait3A_93, %dma_wait3A_94] : memref<3x128x64xf32, #tpu.memory_space<vmem>> -> memref<1x128x64xf32, #tpu.memory_space<vmem>>
      %dma_wait3A_96 = tpu.memref_squeeze %dma_wait3A_95 : memref<1x128x64xf32, #tpu.memory_space<vmem>> -> memref<128x64xf32, #tpu.memory_space<vmem>>
      %dma_wait3A_97 = arith.constant 0 : i32
      %dma_wait3A_98 = tpu.memref_slice %arg7[%add3A_91, %dma_wait3A_97] : memref<80x128xi32, #tpu.memory_space<vmem>> -> memref<1x128xi32, #tpu.memory_space<vmem>>
      %dma_wait3A_99 = tpu.memref_squeeze %dma_wait3A_98 : memref<1x128xi32, #tpu.memory_space<vmem>> -> memref<128xi32, #tpu.memory_space<vmem>>
      %dma_wait3A_100 = arith.constant 0 : i32
      %dma_wait3A_101 = arith.constant 0 : i32
      %dma_wait3A_102 = tpu.memref_slice %arg11[%dma_wait3A_100, %dma_wait3A_101] : memref<10112x64xf32, #tpu.memory_space<vmem_shared>> -> memref<10112x64xf32, #tpu.memory_space<vmem_shared>>
      tpu.wait_indirect_dma semaphore(%arg13 : memref<!tpu.dma_semaphore, #tpu.memory_space<semaphore_mem>>) src(%dma_wait3A_102 : memref<10112x64xf32, #tpu.memory_space<vmem_shared>>) dst(%dma_wait3A_96 : memref<128x64xf32, #tpu.memory_space<vmem>>)
      %add3A_103 = arith.constant 2 : i32
      %add3A_104 = arith.addi %add3A_91, %add3A_103 : i32
      %lt3A_105 = arith.constant 80 : i32
      %lt3A_106 = arith.cmpi slt, %add3A_104, %lt3A_105 : i32
      %convert_element_type3A_107 = arith.extui %lt3A_106 : i1 to i32
      %cond3A_108 = arith.constant 0 : i32
      %cond3A_109 = arith.cmpi ne, %convert_element_type3A_107, %cond3A_108 : i32
      scf.if %cond3A_109 {
        %add3A_134 = arith.constant 2 : i32
        %add3A_135 = arith.addi %add3A_91, %add3A_134 : i32
        %dma_start3A_136 = arith.constant 0 : i32
        %dma_start3A_137 = arith.constant 0 : i32
        %dma_start3A_138 = arith.constant 0 : i32
        %dma_start3A_139 = tpu.memref_slice %arg9[%dma_start3A_136, %dma_start3A_137, %dma_start3A_138] : memref<3x128x64xf32, #tpu.memory_space<vmem>> -> memref<1x128x64xf32, #tpu.memory_space<vmem>>
        %dma_start3A_140 = tpu.memref_squeeze %dma_start3A_139 : memref<1x128x64xf32, #tpu.memory_space<vmem>> -> memref<128x64xf32, #tpu.memory_space<vmem>>
        %dma_start3A_141 = arith.constant 0 : i32
        %dma_start3A_142 = tpu.memref_slice %arg7[%add3A_135, %dma_start3A_141] : memref<80x128xi32, #tpu.memory_space<vmem>> -> memref<1x128xi32, #tpu.memory_space<vmem>>
        %dma_start3A_143 = tpu.memref_squeeze %dma_start3A_142 : memref<1x128xi32, #tpu.memory_space<vmem>> -> memref<128xi32, #tpu.memory_space<vmem>>
        %dma_start3A_144 = arith.constant 0 : i32
        %dma_start3A_145 = arith.constant 0 : i32
        %dma_start3A_146 = tpu.memref_slice %arg11[%dma_start3A_144, %dma_start3A_145] : memref<10112x64xf32, #tpu.memory_space<vmem_shared>> -> memref<10112x64xf32, #tpu.memory_space<vmem_shared>>
        tpu.enqueue_indirect_dma source(%dma_start3A_146 : memref<10112x64xf32, #tpu.memory_space<vmem_shared>>) target(%dma_start3A_140 : memref<128x64xf32, #tpu.memory_space<vmem>>) offsets(%dma_start3A_143 : memref<128xi32, #tpu.memory_space<vmem>>) semaphore(%arg12 : memref<!tpu.dma_semaphore, #tpu.memory_space<semaphore_mem>>)
      } else {
      }
      %run_scoped3A_110 = arith.constant 1 : i32
      "tpu.region"() ({
        %run_scoped3A_134 = tpu.sem_alloc : memref<!tpu.dma_semaphore, #tpu.memory_space<semaphore_mem>>
        %dma_start3A_135 = arith.constant 0 : i32
        %dma_start3A_136 = arith.constant 0 : i32
        %dma_start3A_137 = tpu.memref_slice %arg9[%run_scoped3A_110, %dma_start3A_135, %dma_start3A_136] : memref<3x128x64xf32, #tpu.memory_space<vmem>> -> memref<1x128x64xf32, #tpu.memory_space<vmem>>
        %dma_start3A_138 = tpu.memref_squeeze %dma_start3A_137 : memref<1x128x64xf32, #tpu.memory_space<vmem>> -> memref<128x64xf32, #tpu.memory_space<vmem>>
        %dma_start3A_139 = arith.constant 0 : i32
        %dma_start3A_140 = tpu.memref_slice %arg8[%add3A_91, %dma_start3A_139] : memref<80x128xi32, #tpu.memory_space<vmem>> -> memref<1x128xi32, #tpu.memory_space<vmem>>
        %dma_start3A_141 = tpu.memref_squeeze %dma_start3A_140 : memref<1x128xi32, #tpu.memory_space<vmem>> -> memref<128xi32, #tpu.memory_space<vmem>>
        %dma_start3A_142 = arith.constant 0 : i32
        %dma_start3A_143 = arith.constant 0 : i32
        %dma_start3A_144 = tpu.memref_slice %arg10[%dma_start3A_142, %dma_start3A_143] : memref<10112x64xf32, #tpu.memory_space<vmem_shared>> -> memref<10112x64xf32, #tpu.memory_space<vmem_shared>>
        tpu.enqueue_indirect_dma source(%dma_start3A_138 : memref<128x64xf32, #tpu.memory_space<vmem>>) target(%dma_start3A_144 : memref<10112x64xf32, #tpu.memory_space<vmem_shared>>) offsets(%dma_start3A_141 : memref<128xi32, #tpu.memory_space<vmem>>) semaphore(%run_scoped3A_134 : memref<!tpu.dma_semaphore, #tpu.memory_space<semaphore_mem>>) {add = true}
        %dma_wait3A_145 = arith.constant 0 : i32
        %dma_wait3A_146 = arith.constant 0 : i32
        %dma_wait3A_147 = tpu.memref_slice %arg9[%run_scoped3A_110, %dma_wait3A_145, %dma_wait3A_146] : memref<3x128x64xf32, #tpu.memory_space<vmem>> -> memref<1x128x64xf32, #tpu.memory_space<vmem>>
        %dma_wait3A_148 = tpu.memref_squeeze %dma_wait3A_147 : memref<1x128x64xf32, #tpu.memory_space<vmem>> -> memref<128x64xf32, #tpu.memory_space<vmem>>
        %dma_wait3A_149 = arith.constant 0 : i32
        %dma_wait3A_150 = tpu.memref_slice %arg8[%add3A_91, %dma_wait3A_149] : memref<80x128xi32, #tpu.memory_space<vmem>> -> memref<1x128xi32, #tpu.memory_space<vmem>>
        %dma_wait3A_151 = tpu.memref_squeeze %dma_wait3A_150 : memref<1x128xi32, #tpu.memory_space<vmem>> -> memref<128xi32, #tpu.memory_space<vmem>>
        %dma_wait3A_152 = arith.constant 0 : i32
        %dma_wait3A_153 = arith.constant 0 : i32
        %dma_wait3A_154 = tpu.memref_slice %arg10[%dma_wait3A_152, %dma_wait3A_153] : memref<10112x64xf32, #tpu.memory_space<vmem_shared>> -> memref<10112x64xf32, #tpu.memory_space<vmem_shared>>
        tpu.wait_indirect_dma semaphore(%run_scoped3A_134 : memref<!tpu.dma_semaphore, #tpu.memory_space<semaphore_mem>>) src(%dma_wait3A_148 : memref<128x64xf32, #tpu.memory_space<vmem>>) dst(%dma_wait3A_154 : memref<10112x64xf32, #tpu.memory_space<vmem_shared>>)
        tpu.yield
      }) : () -> ()
      %mul3A_111 = arith.constant 3 : i32
      %mul3A_112 = arith.muli %scan3A_65, %mul3A_111 : i32
      %add3A_113 = arith.constant 2 : i32
      %add3A_114 = arith.addi %mul3A_112, %add3A_113 : i32
      %dma_wait3A_115 = arith.constant 2 : i32
      %dma_wait3A_116 = arith.constant 0 : i32
      %dma_wait3A_117 = arith.constant 0 : i32
      %dma_wait3A_118 = tpu.memref_slice %arg9[%dma_wait3A_115, %dma_wait3A_116, %dma_wait3A_117] : memref<3x128x64xf32, #tpu.memory_space<vmem>> -> memref<1x128x64xf32, #tpu.memory_space<vmem>>
      %dma_wait3A_119 = tpu.memref_squeeze %dma_wait3A_118 : memref<1x128x64xf32, #tpu.memory_space<vmem>> -> memref<128x64xf32, #tpu.memory_space<vmem>>
      %dma_wait3A_120 = arith.constant 0 : i32
      %dma_wait3A_121 = tpu.memref_slice %arg7[%add3A_114, %dma_wait3A_120] : memref<80x128xi32, #tpu.memory_space<vmem>> -> memref<1x128xi32, #tpu.memory_space<vmem>>
      %dma_wait3A_122 = tpu.memref_squeeze %dma_wait3A_121 : memref<1x128xi32, #tpu.memory_space<vmem>> -> memref<128xi32, #tpu.memory_space<vmem>>
      %dma_wait3A_123 = arith.constant 0 : i32
      %dma_wait3A_124 = arith.constant 0 : i32
      %dma_wait3A_125 = tpu.memref_slice %arg11[%dma_wait3A_123, %dma_wait3A_124] : memref<10112x64xf32, #tpu.memory_space<vmem_shared>> -> memref<10112x64xf32, #tpu.memory_space<vmem_shared>>
      tpu.wait_indirect_dma semaphore(%arg14 : memref<!tpu.dma_semaphore, #tpu.memory_space<semaphore_mem>>) src(%dma_wait3A_125 : memref<10112x64xf32, #tpu.memory_space<vmem_shared>>) dst(%dma_wait3A_119 : memref<128x64xf32, #tpu.memory_space<vmem>>)
      %add3A_126 = arith.constant 2 : i32
      %add3A_127 = arith.addi %add3A_114, %add3A_126 : i32
      %lt3A_128 = arith.constant 80 : i32
      %lt3A_129 = arith.cmpi slt, %add3A_127, %lt3A_128 : i32
      %convert_element_type3A_130 = arith.extui %lt3A_129 : i1 to i32
      %cond3A_131 = arith.constant 0 : i32
      %cond3A_132 = arith.cmpi ne, %convert_element_type3A_130, %cond3A_131 : i32
      scf.if %cond3A_132 {
        %add3A_134 = arith.constant 2 : i32
        %add3A_135 = arith.addi %add3A_114, %add3A_134 : i32
        %dma_start3A_136 = arith.constant 1 : i32
        %dma_start3A_137 = arith.constant 0 : i32
        %dma_start3A_138 = arith.constant 0 : i32
        %dma_start3A_139 = tpu.memref_slice %arg9[%dma_start3A_136, %dma_start3A_137, %dma_start3A_138] : memref<3x128x64xf32, #tpu.memory_space<vmem>> -> memref<1x128x64xf32, #tpu.memory_space<vmem>>
        %dma_start3A_140 = tpu.memref_squeeze %dma_start3A_139 : memref<1x128x64xf32, #tpu.memory_space<vmem>> -> memref<128x64xf32, #tpu.memory_space<vmem>>
        %dma_start3A_141 = arith.constant 0 : i32
        %dma_start3A_142 = tpu.memref_slice %arg7[%add3A_135, %dma_start3A_141] : memref<80x128xi32, #tpu.memory_space<vmem>> -> memref<1x128xi32, #tpu.memory_space<vmem>>
        %dma_start3A_143 = tpu.memref_squeeze %dma_start3A_142 : memref<1x128xi32, #tpu.memory_space<vmem>> -> memref<128xi32, #tpu.memory_space<vmem>>
        %dma_start3A_144 = arith.constant 0 : i32
        %dma_start3A_145 = arith.constant 0 : i32
        %dma_start3A_146 = tpu.memref_slice %arg11[%dma_start3A_144, %dma_start3A_145] : memref<10112x64xf32, #tpu.memory_space<vmem_shared>> -> memref<10112x64xf32, #tpu.memory_space<vmem_shared>>
        tpu.enqueue_indirect_dma source(%dma_start3A_146 : memref<10112x64xf32, #tpu.memory_space<vmem_shared>>) target(%dma_start3A_140 : memref<128x64xf32, #tpu.memory_space<vmem>>) offsets(%dma_start3A_143 : memref<128xi32, #tpu.memory_space<vmem>>) semaphore(%arg13 : memref<!tpu.dma_semaphore, #tpu.memory_space<semaphore_mem>>)
      } else {
      }
      %run_scoped3A_133 = arith.constant 2 : i32
      "tpu.region"() ({
        %run_scoped3A_134 = tpu.sem_alloc : memref<!tpu.dma_semaphore, #tpu.memory_space<semaphore_mem>>
        %dma_start3A_135 = arith.constant 0 : i32
        %dma_start3A_136 = arith.constant 0 : i32
        %dma_start3A_137 = tpu.memref_slice %arg9[%run_scoped3A_133, %dma_start3A_135, %dma_start3A_136] : memref<3x128x64xf32, #tpu.memory_space<vmem>> -> memref<1x128x64xf32, #tpu.memory_space<vmem>>
        %dma_start3A_138 = tpu.memref_squeeze %dma_start3A_137 : memref<1x128x64xf32, #tpu.memory_space<vmem>> -> memref<128x64xf32, #tpu.memory_space<vmem>>
        %dma_start3A_139 = arith.constant 0 : i32
        %dma_start3A_140 = tpu.memref_slice %arg8[%add3A_114, %dma_start3A_139] : memref<80x128xi32, #tpu.memory_space<vmem>> -> memref<1x128xi32, #tpu.memory_space<vmem>>
        %dma_start3A_141 = tpu.memref_squeeze %dma_start3A_140 : memref<1x128xi32, #tpu.memory_space<vmem>> -> memref<128xi32, #tpu.memory_space<vmem>>
        %dma_start3A_142 = arith.constant 0 : i32
        %dma_start3A_143 = arith.constant 0 : i32
        %dma_start3A_144 = tpu.memref_slice %arg10[%dma_start3A_142, %dma_start3A_143] : memref<10112x64xf32, #tpu.memory_space<vmem_shared>> -> memref<10112x64xf32, #tpu.memory_space<vmem_shared>>
        tpu.enqueue_indirect_dma source(%dma_start3A_138 : memref<128x64xf32, #tpu.memory_space<vmem>>) target(%dma_start3A_144 : memref<10112x64xf32, #tpu.memory_space<vmem_shared>>) offsets(%dma_start3A_141 : memref<128xi32, #tpu.memory_space<vmem>>) semaphore(%run_scoped3A_134 : memref<!tpu.dma_semaphore, #tpu.memory_space<semaphore_mem>>) {add = true}
        %dma_wait3A_145 = arith.constant 0 : i32
        %dma_wait3A_146 = arith.constant 0 : i32
        %dma_wait3A_147 = tpu.memref_slice %arg9[%run_scoped3A_133, %dma_wait3A_145, %dma_wait3A_146] : memref<3x128x64xf32, #tpu.memory_space<vmem>> -> memref<1x128x64xf32, #tpu.memory_space<vmem>>
        %dma_wait3A_148 = tpu.memref_squeeze %dma_wait3A_147 : memref<1x128x64xf32, #tpu.memory_space<vmem>> -> memref<128x64xf32, #tpu.memory_space<vmem>>
        %dma_wait3A_149 = arith.constant 0 : i32
        %dma_wait3A_150 = tpu.memref_slice %arg8[%add3A_114, %dma_wait3A_149] : memref<80x128xi32, #tpu.memory_space<vmem>> -> memref<1x128xi32, #tpu.memory_space<vmem>>
        %dma_wait3A_151 = tpu.memref_squeeze %dma_wait3A_150 : memref<1x128xi32, #tpu.memory_space<vmem>> -> memref<128xi32, #tpu.memory_space<vmem>>
        %dma_wait3A_152 = arith.constant 0 : i32
        %dma_wait3A_153 = arith.constant 0 : i32
        %dma_wait3A_154 = tpu.memref_slice %arg10[%dma_wait3A_152, %dma_wait3A_153] : memref<10112x64xf32, #tpu.memory_space<vmem_shared>> -> memref<10112x64xf32, #tpu.memory_space<vmem_shared>>
        tpu.wait_indirect_dma semaphore(%run_scoped3A_134 : memref<!tpu.dma_semaphore, #tpu.memory_space<semaphore_mem>>) src(%dma_wait3A_148 : memref<128x64xf32, #tpu.memory_space<vmem>>) dst(%dma_wait3A_154 : memref<10112x64xf32, #tpu.memory_space<vmem_shared>>)
        tpu.yield
      }) : () -> ()
    }
    %scan3A_37 = arith.constant 26 : i32
    %dma_wait3A = arith.constant 78 : i32
    %dma_wait3A_38 = arith.constant 0 : i32
    %dma_wait3A_39 = arith.constant 0 : i32
    %dma_wait3A_40 = arith.constant 0 : i32
    %dma_wait3A_41 = tpu.memref_slice %arg9[%dma_wait3A_38, %dma_wait3A_39, %dma_wait3A_40] : memref<3x128x64xf32, #tpu.memory_space<vmem>> -> memref<1x128x64xf32, #tpu.memory_space<vmem>>
    %dma_wait3A_42 = tpu.memref_squeeze %dma_wait3A_41 : memref<1x128x64xf32, #tpu.memory_space<vmem>> -> memref<128x64xf32, #tpu.memory_space<vmem>>
    %dma_wait3A_43 = arith.constant 0 : i32
    %dma_wait3A_44 = tpu.memref_slice %arg7[%dma_wait3A, %dma_wait3A_43] : memref<80x128xi32, #tpu.memory_space<vmem>> -> memref<1x128xi32, #tpu.memory_space<vmem>>
    %dma_wait3A_45 = tpu.memref_squeeze %dma_wait3A_44 : memref<1x128xi32, #tpu.memory_space<vmem>> -> memref<128xi32, #tpu.memory_space<vmem>>
    %dma_wait3A_46 = arith.constant 0 : i32
    %dma_wait3A_47 = arith.constant 0 : i32
    %dma_wait3A_48 = tpu.memref_slice %arg11[%dma_wait3A_46, %dma_wait3A_47] : memref<10112x64xf32, #tpu.memory_space<vmem_shared>> -> memref<10112x64xf32, #tpu.memory_space<vmem_shared>>
    tpu.wait_indirect_dma semaphore(%arg12 : memref<!tpu.dma_semaphore, #tpu.memory_space<semaphore_mem>>) src(%dma_wait3A_48 : memref<10112x64xf32, #tpu.memory_space<vmem_shared>>) dst(%dma_wait3A_42 : memref<128x64xf32, #tpu.memory_space<vmem>>)
    %run_scoped3A = arith.constant 0 : i32
    %run_scoped3A_49 = arith.constant 78 : i32
    "tpu.region"() ({
      %run_scoped3A_65 = tpu.sem_alloc : memref<!tpu.dma_semaphore, #tpu.memory_space<semaphore_mem>>
      %dma_start3A_66 = arith.constant 0 : i32
      %dma_start3A_67 = arith.constant 0 : i32
      %dma_start3A_68 = tpu.memref_slice %arg9[%run_scoped3A, %dma_start3A_66, %dma_start3A_67] : memref<3x128x64xf32, #tpu.memory_space<vmem>> -> memref<1x128x64xf32, #tpu.memory_space<vmem>>
      %dma_start3A_69 = tpu.memref_squeeze %dma_start3A_68 : memref<1x128x64xf32, #tpu.memory_space<vmem>> -> memref<128x64xf32, #tpu.memory_space<vmem>>
      %dma_start3A_70 = arith.constant 0 : i32
      %dma_start3A_71 = tpu.memref_slice %arg8[%run_scoped3A_49, %dma_start3A_70] : memref<80x128xi32, #tpu.memory_space<vmem>> -> memref<1x128xi32, #tpu.memory_space<vmem>>
      %dma_start3A_72 = tpu.memref_squeeze %dma_start3A_71 : memref<1x128xi32, #tpu.memory_space<vmem>> -> memref<128xi32, #tpu.memory_space<vmem>>
      %dma_start3A_73 = arith.constant 0 : i32
      %dma_start3A_74 = arith.constant 0 : i32
      %dma_start3A_75 = tpu.memref_slice %arg10[%dma_start3A_73, %dma_start3A_74] : memref<10112x64xf32, #tpu.memory_space<vmem_shared>> -> memref<10112x64xf32, #tpu.memory_space<vmem_shared>>
      tpu.enqueue_indirect_dma source(%dma_start3A_69 : memref<128x64xf32, #tpu.memory_space<vmem>>) target(%dma_start3A_75 : memref<10112x64xf32, #tpu.memory_space<vmem_shared>>) offsets(%dma_start3A_72 : memref<128xi32, #tpu.memory_space<vmem>>) semaphore(%run_scoped3A_65 : memref<!tpu.dma_semaphore, #tpu.memory_space<semaphore_mem>>) {add = true}
      %dma_wait3A_76 = arith.constant 0 : i32
      %dma_wait3A_77 = arith.constant 0 : i32
      %dma_wait3A_78 = tpu.memref_slice %arg9[%run_scoped3A, %dma_wait3A_76, %dma_wait3A_77] : memref<3x128x64xf32, #tpu.memory_space<vmem>> -> memref<1x128x64xf32, #tpu.memory_space<vmem>>
      %dma_wait3A_79 = tpu.memref_squeeze %dma_wait3A_78 : memref<1x128x64xf32, #tpu.memory_space<vmem>> -> memref<128x64xf32, #tpu.memory_space<vmem>>
      %dma_wait3A_80 = arith.constant 0 : i32
      %dma_wait3A_81 = tpu.memref_slice %arg8[%run_scoped3A_49, %dma_wait3A_80] : memref<80x128xi32, #tpu.memory_space<vmem>> -> memref<1x128xi32, #tpu.memory_space<vmem>>
      %dma_wait3A_82 = tpu.memref_squeeze %dma_wait3A_81 : memref<1x128xi32, #tpu.memory_space<vmem>> -> memref<128xi32, #tpu.memory_space<vmem>>
      %dma_wait3A_83 = arith.constant 0 : i32
      %dma_wait3A_84 = arith.constant 0 : i32
      %dma_wait3A_85 = tpu.memref_slice %arg10[%dma_wait3A_83, %dma_wait3A_84] : memref<10112x64xf32, #tpu.memory_space<vmem_shared>> -> memref<10112x64xf32, #tpu.memory_space<vmem_shared>>
      tpu.wait_indirect_dma semaphore(%run_scoped3A_65 : memref<!tpu.dma_semaphore, #tpu.memory_space<semaphore_mem>>) src(%dma_wait3A_79 : memref<128x64xf32, #tpu.memory_space<vmem>>) dst(%dma_wait3A_85 : memref<10112x64xf32, #tpu.memory_space<vmem_shared>>)
      tpu.yield
    }) : () -> ()
    %dma_wait3A_50 = arith.constant 79 : i32
    %dma_wait3A_51 = arith.constant 1 : i32
    %dma_wait3A_52 = arith.constant 0 : i32
    %dma_wait3A_53 = arith.constant 0 : i32
    %dma_wait3A_54 = tpu.memref_slice %arg9[%dma_wait3A_51, %dma_wait3A_52, %dma_wait3A_53] : memref<3x128x64xf32, #tpu.memory_space<vmem>> -> memref<1x128x64xf32, #tpu.memory_space<vmem>>
    %dma_wait3A_55 = tpu.memref_squeeze %dma_wait3A_54 : memref<1x128x64xf32, #tpu.memory_space<vmem>> -> memref<128x64xf32, #tpu.memory_space<vmem>>
    %dma_wait3A_56 = arith.constant 0 : i32
    %dma_wait3A_57 = tpu.memref_slice %arg7[%dma_wait3A_50, %dma_wait3A_56] : memref<80x128xi32, #tpu.memory_space<vmem>> -> memref<1x128xi32, #tpu.memory_space<vmem>>
    %dma_wait3A_58 = tpu.memref_squeeze %dma_wait3A_57 : memref<1x128xi32, #tpu.memory_space<vmem>> -> memref<128xi32, #tpu.memory_space<vmem>>
    %dma_wait3A_59 = arith.constant 0 : i32
    %dma_wait3A_60 = arith.constant 0 : i32
    %dma_wait3A_61 = tpu.memref_slice %arg11[%dma_wait3A_59, %dma_wait3A_60] : memref<10112x64xf32, #tpu.memory_space<vmem_shared>> -> memref<10112x64xf32, #tpu.memory_space<vmem_shared>>
    tpu.wait_indirect_dma semaphore(%arg13 : memref<!tpu.dma_semaphore, #tpu.memory_space<semaphore_mem>>) src(%dma_wait3A_61 : memref<10112x64xf32, #tpu.memory_space<vmem_shared>>) dst(%dma_wait3A_55 : memref<128x64xf32, #tpu.memory_space<vmem>>)
    %run_scoped3A_62 = arith.constant 1 : i32
    %run_scoped3A_63 = arith.constant 79 : i32
    "tpu.region"() ({
      %run_scoped3A_65 = tpu.sem_alloc : memref<!tpu.dma_semaphore, #tpu.memory_space<semaphore_mem>>
      %dma_start3A_66 = arith.constant 0 : i32
      %dma_start3A_67 = arith.constant 0 : i32
      %dma_start3A_68 = tpu.memref_slice %arg9[%run_scoped3A_62, %dma_start3A_66, %dma_start3A_67] : memref<3x128x64xf32, #tpu.memory_space<vmem>> -> memref<1x128x64xf32, #tpu.memory_space<vmem>>
      %dma_start3A_69 = tpu.memref_squeeze %dma_start3A_68 : memref<1x128x64xf32, #tpu.memory_space<vmem>> -> memref<128x64xf32, #tpu.memory_space<vmem>>
      %dma_start3A_70 = arith.constant 0 : i32
      %dma_start3A_71 = tpu.memref_slice %arg8[%run_scoped3A_63, %dma_start3A_70] : memref<80x128xi32, #tpu.memory_space<vmem>> -> memref<1x128xi32, #tpu.memory_space<vmem>>
      %dma_start3A_72 = tpu.memref_squeeze %dma_start3A_71 : memref<1x128xi32, #tpu.memory_space<vmem>> -> memref<128xi32, #tpu.memory_space<vmem>>
      %dma_start3A_73 = arith.constant 0 : i32
      %dma_start3A_74 = arith.constant 0 : i32
      %dma_start3A_75 = tpu.memref_slice %arg10[%dma_start3A_73, %dma_start3A_74] : memref<10112x64xf32, #tpu.memory_space<vmem_shared>> -> memref<10112x64xf32, #tpu.memory_space<vmem_shared>>
      tpu.enqueue_indirect_dma source(%dma_start3A_69 : memref<128x64xf32, #tpu.memory_space<vmem>>) target(%dma_start3A_75 : memref<10112x64xf32, #tpu.memory_space<vmem_shared>>) offsets(%dma_start3A_72 : memref<128xi32, #tpu.memory_space<vmem>>) semaphore(%run_scoped3A_65 : memref<!tpu.dma_semaphore, #tpu.memory_space<semaphore_mem>>) {add = true}
      %dma_wait3A_76 = arith.constant 0 : i32
      %dma_wait3A_77 = arith.constant 0 : i32
      %dma_wait3A_78 = tpu.memref_slice %arg9[%run_scoped3A_62, %dma_wait3A_76, %dma_wait3A_77] : memref<3x128x64xf32, #tpu.memory_space<vmem>> -> memref<1x128x64xf32, #tpu.memory_space<vmem>>
      %dma_wait3A_79 = tpu.memref_squeeze %dma_wait3A_78 : memref<1x128x64xf32, #tpu.memory_space<vmem>> -> memref<128x64xf32, #tpu.memory_space<vmem>>
      %dma_wait3A_80 = arith.constant 0 : i32
      %dma_wait3A_81 = tpu.memref_slice %arg8[%run_scoped3A_63, %dma_wait3A_80] : memref<80x128xi32, #tpu.memory_space<vmem>> -> memref<1x128xi32, #tpu.memory_space<vmem>>
      %dma_wait3A_82 = tpu.memref_squeeze %dma_wait3A_81 : memref<1x128xi32, #tpu.memory_space<vmem>> -> memref<128xi32, #tpu.memory_space<vmem>>
      %dma_wait3A_83 = arith.constant 0 : i32
      %dma_wait3A_84 = arith.constant 0 : i32
      %dma_wait3A_85 = tpu.memref_slice %arg10[%dma_wait3A_83, %dma_wait3A_84] : memref<10112x64xf32, #tpu.memory_space<vmem_shared>> -> memref<10112x64xf32, #tpu.memory_space<vmem_shared>>
      tpu.wait_indirect_dma semaphore(%run_scoped3A_65 : memref<!tpu.dma_semaphore, #tpu.memory_space<semaphore_mem>>) src(%dma_wait3A_79 : memref<128x64xf32, #tpu.memory_space<vmem>>) dst(%dma_wait3A_85 : memref<10112x64xf32, #tpu.memory_space<vmem_shared>>)
      tpu.yield
    }) : () -> ()
    %barrier3A_64 = arith.constant 0 : index
    tpu.barrier barrier_id(%barrier3A_64)
    "tpu.region"() ({
      %run_scoped3A_65 = tpu.sem_alloc : memref<!tpu.dma_semaphore, #tpu.memory_space<semaphore_mem>>
      %dma_start3A_66 = arith.constant 0 : i32
      %dma_start3A_67 = tpu.memref_slice %arg6[%arg0, %mul3A_2, %dma_start3A_66] : memref<2x10112x64xf32, #tpu.memory_space<hbm>> -> memref<1x632x64xf32, #tpu.memory_space<hbm>>
      %dma_start3A_68 = tpu.memref_squeeze %dma_start3A_67 : memref<1x632x64xf32, #tpu.memory_space<hbm>> -> memref<632x64xf32, #tpu.memory_space<hbm>>
      %dma_start3A_69 = arith.constant 0 : i32
      %dma_start3A_70 = tpu.memref_slice %arg10[%mul3A_2, %dma_start3A_69] : memref<10112x64xf32, #tpu.memory_space<vmem_shared>> -> memref<632x64xf32, #tpu.memory_space<vmem_shared>>
      tpu.enqueue_dma source(%dma_start3A_70 : memref<632x64xf32, #tpu.memory_space<vmem_shared>>) target(%dma_start3A_68 : memref<632x64xf32, #tpu.memory_space<hbm>>) target_semaphore(%run_scoped3A_65 : memref<!tpu.dma_semaphore, #tpu.memory_space<semaphore_mem>>)
      %dma_wait3A_71 = arith.constant 0 : i32
      %dma_wait3A_72 = tpu.memref_slice %arg6[%arg0, %mul3A_2, %dma_wait3A_71] : memref<2x10112x64xf32, #tpu.memory_space<hbm>> -> memref<1x632x64xf32, #tpu.memory_space<hbm>>
      %dma_wait3A_73 = tpu.memref_squeeze %dma_wait3A_72 : memref<1x632x64xf32, #tpu.memory_space<hbm>> -> memref<632x64xf32, #tpu.memory_space<hbm>>
      %dma_wait3A_74 = arith.constant 0 : i32
      %dma_wait3A_75 = tpu.memref_slice %arg10[%mul3A_2, %dma_wait3A_74] : memref<10112x64xf32, #tpu.memory_space<vmem_shared>> -> memref<632x64xf32, #tpu.memory_space<vmem_shared>>
      tpu.wait_dma2 semaphore(%run_scoped3A_65 : memref<!tpu.dma_semaphore, #tpu.memory_space<semaphore_mem>>) src(%dma_wait3A_75 : memref<632x64xf32, #tpu.memory_space<vmem_shared>>) dst(%dma_wait3A_73 : memref<632x64xf32, #tpu.memory_space<hbm>>)
      tpu.yield
    }) : () -> ()
    return
  }
}

#map = affine_map<(d0, d1) -> (0, 0)>
#map1 = affine_map<(d0, d1) -> (0, 0, 0)>
module attributes {stable_mosaic.version = 14 : i64} {
  func.func @_agg_sc(%arg0: i32, %arg1: i32, %arg2: memref<10112x64xf32, #tpu.memory_space<hbm>>, %arg3: memref<32x80x128xi32, #tpu.memory_space<hbm>>, %arg4: memref<32x80x128xi32, #tpu.memory_space<hbm>>, %arg5: memref<10112x64xf32, #tpu.memory_space<hbm>>, %arg6: memref<2x10112x64xf32, #tpu.memory_space<hbm>>, %arg7: memref<80x128xi32, #tpu.memory_space<vmem>>, %arg8: memref<80x128xi32, #tpu.memory_space<vmem>>, %arg9: memref<3x128x64xf32, #tpu.memory_space<vmem>>, %arg10: memref<10112x64xf32, #tpu.memory_space<vmem_shared>>, %arg11: memref<10112x64xf32, #tpu.memory_space<vmem_shared>>, %arg12: memref<!tpu.dma_semaphore, #tpu.memory_space<semaphore_mem>>, %arg13: memref<!tpu.dma_semaphore, #tpu.memory_space<semaphore_mem>>, %arg14: memref<!tpu.dma_semaphore, #tpu.memory_space<semaphore_mem>>) attributes {dimension_semantics = [#tpu.dimension_semantics<core_parallel>, #tpu.dimension_semantics<subcore_parallel>], iteration_bounds = array<i64: 2, 16>, scalar_prefetch = 0 : i64, scratch_operands = 8 : i64, tpu.core_type = #tpu.core_type<sc_vector_subcore>, window_params = [{transform_indices = #map}, {transform_indices = #map1}, {transform_indices = #map1}, {transform_indices = #map}, {transform_indices = #map1}]} {
    %mul3A = arith.constant 16 : i32
    %mul3A_0 = arith.muli %arg0, %mul3A : i32
    %add3A = arith.addi %mul3A_0, %arg1 : i32
    %mul3A_1 = arith.constant 632 : i32
    %mul3A_2 = arith.muli %arg1, %mul3A_1 : i32
    %eq3A = arith.constant 0 : i32
    %eq3A_3 = arith.cmpi eq, %arg0, %eq3A : i32
    %convert_element_type3A = arith.extui %eq3A_3 : i1 to i32
    %cond3A = arith.constant 0 : i32
    %cond3A_4 = arith.cmpi ne, %convert_element_type3A, %cond3A : i32
    scf.if %cond3A_4 {
      "tpu.region"() ({
        %run_scoped3A_65 = tpu.sem_alloc : memref<!tpu.dma_semaphore, #tpu.memory_space<semaphore_mem>>
        %dma_start3A_66 = arith.constant 0 : i32
        %dma_start3A_67 = tpu.memref_slice %arg10[%mul3A_2, %dma_start3A_66] : memref<10112x64xf32, #tpu.memory_space<vmem_shared>> -> memref<632x64xf32, #tpu.memory_space<vmem_shared>>
        %dma_start3A_68 = arith.constant 0 : i32
        %dma_start3A_69 = tpu.memref_slice %arg2[%mul3A_2, %dma_start3A_68] : memref<10112x64xf32, #tpu.memory_space<hbm>> -> memref<632x64xf32, #tpu.memory_space<hbm>>
        tpu.enqueue_dma source(%dma_start3A_69 : memref<632x64xf32, #tpu.memory_space<hbm>>) target(%dma_start3A_67 : memref<632x64xf32, #tpu.memory_space<vmem_shared>>) target_semaphore(%run_scoped3A_65 : memref<!tpu.dma_semaphore, #tpu.memory_space<semaphore_mem>>)
        %dma_wait3A_70 = arith.constant 0 : i32
        %dma_wait3A_71 = tpu.memref_slice %arg10[%mul3A_2, %dma_wait3A_70] : memref<10112x64xf32, #tpu.memory_space<vmem_shared>> -> memref<632x64xf32, #tpu.memory_space<vmem_shared>>
        %dma_wait3A_72 = arith.constant 0 : i32
        %dma_wait3A_73 = tpu.memref_slice %arg2[%mul3A_2, %dma_wait3A_72] : memref<10112x64xf32, #tpu.memory_space<hbm>> -> memref<632x64xf32, #tpu.memory_space<hbm>>
        tpu.wait_dma2 semaphore(%run_scoped3A_65 : memref<!tpu.dma_semaphore, #tpu.memory_space<semaphore_mem>>) src(%dma_wait3A_73 : memref<632x64xf32, #tpu.memory_space<hbm>>) dst(%dma_wait3A_71 : memref<632x64xf32, #tpu.memory_space<vmem_shared>>)
        tpu.yield
      }) : () -> ()
    } else {
    }
    %eq3A_5 = arith.constant 1 : i32
    %eq3A_6 = arith.cmpi eq, %arg0, %eq3A_5 : i32
    %convert_element_type3A_7 = arith.extui %eq3A_6 : i1 to i32
    %cond3A_8 = arith.constant 0 : i32
    %cond3A_9 = arith.cmpi ne, %convert_element_type3A_7, %cond3A_8 : i32
    scf.if %cond3A_9 {
      "tpu.region"() ({
        %run_scoped3A_65 = tpu.sem_alloc : memref<!tpu.dma_semaphore, #tpu.memory_space<semaphore_mem>>
        %dma_start3A_66 = arith.constant 0 : i32
        %dma_start3A_67 = tpu.memref_slice %arg10[%mul3A_2, %dma_start3A_66] : memref<10112x64xf32, #tpu.memory_space<vmem_shared>> -> memref<632x64xf32, #tpu.memory_space<vmem_shared>>
        %dma_start3A_68 = arith.constant 0 : i32
        %dma_start3A_69 = tpu.memref_slice %arg5[%mul3A_2, %dma_start3A_68] : memref<10112x64xf32, #tpu.memory_space<hbm>> -> memref<632x64xf32, #tpu.memory_space<hbm>>
        tpu.enqueue_dma source(%dma_start3A_69 : memref<632x64xf32, #tpu.memory_space<hbm>>) target(%dma_start3A_67 : memref<632x64xf32, #tpu.memory_space<vmem_shared>>) target_semaphore(%run_scoped3A_65 : memref<!tpu.dma_semaphore, #tpu.memory_space<semaphore_mem>>)
        %dma_wait3A_70 = arith.constant 0 : i32
        %dma_wait3A_71 = tpu.memref_slice %arg10[%mul3A_2, %dma_wait3A_70] : memref<10112x64xf32, #tpu.memory_space<vmem_shared>> -> memref<632x64xf32, #tpu.memory_space<vmem_shared>>
        %dma_wait3A_72 = arith.constant 0 : i32
        %dma_wait3A_73 = tpu.memref_slice %arg5[%mul3A_2, %dma_wait3A_72] : memref<10112x64xf32, #tpu.memory_space<hbm>> -> memref<632x64xf32, #tpu.memory_space<hbm>>
        tpu.wait_dma2 semaphore(%run_scoped3A_65 : memref<!tpu.dma_semaphore, #tpu.memory_space<semaphore_mem>>) src(%dma_wait3A_73 : memref<632x64xf32, #tpu.memory_space<hbm>>) dst(%dma_wait3A_71 : memref<632x64xf32, #tpu.memory_space<vmem_shared>>)
        tpu.yield
      }) : () -> ()
    } else {
    }
    "tpu.region"() ({
      %run_scoped3A_65 = tpu.sem_alloc : memref<!tpu.dma_semaphore, #tpu.memory_space<semaphore_mem>>
      %dma_start3A_66 = arith.constant 0 : i32
      %dma_start3A_67 = tpu.memref_slice %arg11[%mul3A_2, %dma_start3A_66] : memref<10112x64xf32, #tpu.memory_space<vmem_shared>> -> memref<632x64xf32, #tpu.memory_space<vmem_shared>>
      %dma_start3A_68 = arith.constant 0 : i32
      %dma_start3A_69 = tpu.memref_slice %arg2[%mul3A_2, %dma_start3A_68] : memref<10112x64xf32, #tpu.memory_space<hbm>> -> memref<632x64xf32, #tpu.memory_space<hbm>>
      tpu.enqueue_dma source(%dma_start3A_69 : memref<632x64xf32, #tpu.memory_space<hbm>>) target(%dma_start3A_67 : memref<632x64xf32, #tpu.memory_space<vmem_shared>>) target_semaphore(%run_scoped3A_65 : memref<!tpu.dma_semaphore, #tpu.memory_space<semaphore_mem>>)
      %dma_wait3A_70 = arith.constant 0 : i32
      %dma_wait3A_71 = tpu.memref_slice %arg11[%mul3A_2, %dma_wait3A_70] : memref<10112x64xf32, #tpu.memory_space<vmem_shared>> -> memref<632x64xf32, #tpu.memory_space<vmem_shared>>
      %dma_wait3A_72 = arith.constant 0 : i32
      %dma_wait3A_73 = tpu.memref_slice %arg2[%mul3A_2, %dma_wait3A_72] : memref<10112x64xf32, #tpu.memory_space<hbm>> -> memref<632x64xf32, #tpu.memory_space<hbm>>
      tpu.wait_dma2 semaphore(%run_scoped3A_65 : memref<!tpu.dma_semaphore, #tpu.memory_space<semaphore_mem>>) src(%dma_wait3A_73 : memref<632x64xf32, #tpu.memory_space<hbm>>) dst(%dma_wait3A_71 : memref<632x64xf32, #tpu.memory_space<vmem_shared>>)
      tpu.yield
    }) : () -> ()
    "tpu.region"() ({
      %run_scoped3A_65 = tpu.sem_alloc : memref<!tpu.dma_semaphore, #tpu.memory_space<semaphore_mem>>
      %dma_start3A_66 = arith.constant 0 : i32
      %dma_start3A_67 = arith.constant 0 : i32
      %dma_start3A_68 = tpu.memref_slice %arg3[%add3A, %dma_start3A_66, %dma_start3A_67] : memref<32x80x128xi32, #tpu.memory_space<hbm>> -> memref<1x80x128xi32, #tpu.memory_space<hbm>>
      %dma_start3A_69 = tpu.memref_squeeze %dma_start3A_68 : memref<1x80x128xi32, #tpu.memory_space<hbm>> -> memref<80x128xi32, #tpu.memory_space<hbm>>
      %dma_start3A_70 = arith.constant 0 : i32
      %dma_start3A_71 = arith.constant 0 : i32
      %dma_start3A_72 = tpu.memref_slice %arg3[%add3A, %dma_start3A_70, %dma_start3A_71] : memref<32x80x128xi32, #tpu.memory_space<hbm>> -> memref<1x80x128xi32, #tpu.memory_space<hbm>>
      %dma_start3A_73 = tpu.memref_squeeze %dma_start3A_72 : memref<1x80x128xi32, #tpu.memory_space<hbm>> -> memref<80x128xi32, #tpu.memory_space<hbm>>
      tpu.enqueue_dma source(%dma_start3A_73 : memref<80x128xi32, #tpu.memory_space<hbm>>) target(%arg7 : memref<80x128xi32, #tpu.memory_space<vmem>>) target_semaphore(%run_scoped3A_65 : memref<!tpu.dma_semaphore, #tpu.memory_space<semaphore_mem>>)
      %dma_wait3A_74 = arith.constant 0 : i32
      %dma_wait3A_75 = arith.constant 0 : i32
      %dma_wait3A_76 = tpu.memref_slice %arg3[%add3A, %dma_wait3A_74, %dma_wait3A_75] : memref<32x80x128xi32, #tpu.memory_space<hbm>> -> memref<1x80x128xi32, #tpu.memory_space<hbm>>
      %dma_wait3A_77 = tpu.memref_squeeze %dma_wait3A_76 : memref<1x80x128xi32, #tpu.memory_space<hbm>> -> memref<80x128xi32, #tpu.memory_space<hbm>>
      %dma_wait3A_78 = arith.constant 0 : i32
      %dma_wait3A_79 = arith.constant 0 : i32
      %dma_wait3A_80 = tpu.memref_slice %arg3[%add3A, %dma_wait3A_78, %dma_wait3A_79] : memref<32x80x128xi32, #tpu.memory_space<hbm>> -> memref<1x80x128xi32, #tpu.memory_space<hbm>>
      %dma_wait3A_81 = tpu.memref_squeeze %dma_wait3A_80 : memref<1x80x128xi32, #tpu.memory_space<hbm>> -> memref<80x128xi32, #tpu.memory_space<hbm>>
      tpu.wait_dma2 semaphore(%run_scoped3A_65 : memref<!tpu.dma_semaphore, #tpu.memory_space<semaphore_mem>>) src(%dma_wait3A_81 : memref<80x128xi32, #tpu.memory_space<hbm>>) dst(%arg7 : memref<80x128xi32, #tpu.memory_space<vmem>>)
      tpu.yield
    }) : () -> ()
    "tpu.region"() ({
      %run_scoped3A_65 = tpu.sem_alloc : memref<!tpu.dma_semaphore, #tpu.memory_space<semaphore_mem>>
      %dma_start3A_66 = arith.constant 0 : i32
      %dma_start3A_67 = arith.constant 0 : i32
      %dma_start3A_68 = tpu.memref_slice %arg4[%add3A, %dma_start3A_66, %dma_start3A_67] : memref<32x80x128xi32, #tpu.memory_space<hbm>> -> memref<1x80x128xi32, #tpu.memory_space<hbm>>
      %dma_start3A_69 = tpu.memref_squeeze %dma_start3A_68 : memref<1x80x128xi32, #tpu.memory_space<hbm>> -> memref<80x128xi32, #tpu.memory_space<hbm>>
      %dma_start3A_70 = arith.constant 0 : i32
      %dma_start3A_71 = arith.constant 0 : i32
      %dma_start3A_72 = tpu.memref_slice %arg4[%add3A, %dma_start3A_70, %dma_start3A_71] : memref<32x80x128xi32, #tpu.memory_space<hbm>> -> memref<1x80x128xi32, #tpu.memory_space<hbm>>
      %dma_start3A_73 = tpu.memref_squeeze %dma_start3A_72 : memref<1x80x128xi32, #tpu.memory_space<hbm>> -> memref<80x128xi32, #tpu.memory_space<hbm>>
      tpu.enqueue_dma source(%dma_start3A_73 : memref<80x128xi32, #tpu.memory_space<hbm>>) target(%arg8 : memref<80x128xi32, #tpu.memory_space<vmem>>) target_semaphore(%run_scoped3A_65 : memref<!tpu.dma_semaphore, #tpu.memory_space<semaphore_mem>>)
      %dma_wait3A_74 = arith.constant 0 : i32
      %dma_wait3A_75 = arith.constant 0 : i32
      %dma_wait3A_76 = tpu.memref_slice %arg4[%add3A, %dma_wait3A_74, %dma_wait3A_75] : memref<32x80x128xi32, #tpu.memory_space<hbm>> -> memref<1x80x128xi32, #tpu.memory_space<hbm>>
      %dma_wait3A_77 = tpu.memref_squeeze %dma_wait3A_76 : memref<1x80x128xi32, #tpu.memory_space<hbm>> -> memref<80x128xi32, #tpu.memory_space<hbm>>
      %dma_wait3A_78 = arith.constant 0 : i32
      %dma_wait3A_79 = arith.constant 0 : i32
      %dma_wait3A_80 = tpu.memref_slice %arg4[%add3A, %dma_wait3A_78, %dma_wait3A_79] : memref<32x80x128xi32, #tpu.memory_space<hbm>> -> memref<1x80x128xi32, #tpu.memory_space<hbm>>
      %dma_wait3A_81 = tpu.memref_squeeze %dma_wait3A_80 : memref<1x80x128xi32, #tpu.memory_space<hbm>> -> memref<80x128xi32, #tpu.memory_space<hbm>>
      tpu.wait_dma2 semaphore(%run_scoped3A_65 : memref<!tpu.dma_semaphore, #tpu.memory_space<semaphore_mem>>) src(%dma_wait3A_81 : memref<80x128xi32, #tpu.memory_space<hbm>>) dst(%arg8 : memref<80x128xi32, #tpu.memory_space<vmem>>)
      tpu.yield
    }) : () -> ()
    %barrier3A = arith.constant 0 : index
    tpu.barrier barrier_id(%barrier3A)
    %dma_start3A = arith.constant 0 : i32
    %dma_start3A_10 = arith.constant 0 : i32
    %dma_start3A_11 = arith.constant 0 : i32
    %dma_start3A_12 = arith.constant 0 : i32
    %dma_start3A_13 = tpu.memref_slice %arg9[%dma_start3A_10, %dma_start3A_11, %dma_start3A_12] : memref<3x128x64xf32, #tpu.memory_space<vmem>> -> memref<1x128x64xf32, #tpu.memory_space<vmem>>
    %dma_start3A_14 = tpu.memref_squeeze %dma_start3A_13 : memref<1x128x64xf32, #tpu.memory_space<vmem>> -> memref<128x64xf32, #tpu.memory_space<vmem>>
    %dma_start3A_15 = arith.constant 0 : i32
    %dma_start3A_16 = tpu.memref_slice %arg7[%dma_start3A, %dma_start3A_15] : memref<80x128xi32, #tpu.memory_space<vmem>> -> memref<1x128xi32, #tpu.memory_space<vmem>>
    %dma_start3A_17 = tpu.memref_squeeze %dma_start3A_16 : memref<1x128xi32, #tpu.memory_space<vmem>> -> memref<128xi32, #tpu.memory_space<vmem>>
    %dma_start3A_18 = arith.constant 0 : i32
    %dma_start3A_19 = arith.constant 0 : i32
    %dma_start3A_20 = tpu.memref_slice %arg11[%dma_start3A_18, %dma_start3A_19] : memref<10112x64xf32, #tpu.memory_space<vmem_shared>> -> memref<10112x64xf32, #tpu.memory_space<vmem_shared>>
    tpu.enqueue_indirect_dma source(%dma_start3A_20 : memref<10112x64xf32, #tpu.memory_space<vmem_shared>>) target(%dma_start3A_14 : memref<128x64xf32, #tpu.memory_space<vmem>>) offsets(%dma_start3A_17 : memref<128xi32, #tpu.memory_space<vmem>>) semaphore(%arg12 : memref<!tpu.dma_semaphore, #tpu.memory_space<semaphore_mem>>)
    %dma_start3A_21 = arith.constant 1 : i32
    %dma_start3A_22 = arith.constant 1 : i32
    %dma_start3A_23 = arith.constant 0 : i32
    %dma_start3A_24 = arith.constant 0 : i32
    %dma_start3A_25 = tpu.memref_slice %arg9[%dma_start3A_22, %dma_start3A_23, %dma_start3A_24] : memref<3x128x64xf32, #tpu.memory_space<vmem>> -> memref<1x128x64xf32, #tpu.memory_space<vmem>>
    %dma_start3A_26 = tpu.memref_squeeze %dma_start3A_25 : memref<1x128x64xf32, #tpu.memory_space<vmem>> -> memref<128x64xf32, #tpu.memory_space<vmem>>
    %dma_start3A_27 = arith.constant 0 : i32
    %dma_start3A_28 = tpu.memref_slice %arg7[%dma_start3A_21, %dma_start3A_27] : memref<80x128xi32, #tpu.memory_space<vmem>> -> memref<1x128xi32, #tpu.memory_space<vmem>>
    %dma_start3A_29 = tpu.memref_squeeze %dma_start3A_28 : memref<1x128xi32, #tpu.memory_space<vmem>> -> memref<128xi32, #tpu.memory_space<vmem>>
    %dma_start3A_30 = arith.constant 0 : i32
    %dma_start3A_31 = arith.constant 0 : i32
    %dma_start3A_32 = tpu.memref_slice %arg11[%dma_start3A_30, %dma_start3A_31] : memref<10112x64xf32, #tpu.memory_space<vmem_shared>> -> memref<10112x64xf32, #tpu.memory_space<vmem_shared>>
    tpu.enqueue_indirect_dma source(%dma_start3A_32 : memref<10112x64xf32, #tpu.memory_space<vmem_shared>>) target(%dma_start3A_26 : memref<128x64xf32, #tpu.memory_space<vmem>>) offsets(%dma_start3A_29 : memref<128xi32, #tpu.memory_space<vmem>>) semaphore(%arg13 : memref<!tpu.dma_semaphore, #tpu.memory_space<semaphore_mem>>)
    %scan3A = arith.constant 0 : i32
    %scan3A_33 = arith.constant 0 : i32
    %scan3A_34 = arith.constant 26 : i32
    %scan3A_35 = arith.addi %scan3A_33, %scan3A_34 : i32
    %scan3A_36 = arith.constant 1 : i32
    scf.for %scan3A_65 = %scan3A_33 to %scan3A_35 step %scan3A_36  : i32 {
      %mul3A_66 = arith.constant 3 : i32
      %mul3A_67 = arith.muli %scan3A_65, %mul3A_66 : i32
      %add3A_68 = arith.constant 0 : i32
      %add3A_69 = arith.addi %mul3A_67, %add3A_68 : i32
      %dma_wait3A_70 = arith.constant 0 : i32
      %dma_wait3A_71 = arith.constant 0 : i32
      %dma_wait3A_72 = arith.constant 0 : i32
      %dma_wait3A_73 = tpu.memref_slice %arg9[%dma_wait3A_70, %dma_wait3A_71, %dma_wait3A_72] : memref<3x128x64xf32, #tpu.memory_space<vmem>> -> memref<1x128x64xf32, #tpu.memory_space<vmem>>
      %dma_wait3A_74 = tpu.memref_squeeze %dma_wait3A_73 : memref<1x128x64xf32, #tpu.memory_space<vmem>> -> memref<128x64xf32, #tpu.memory_space<vmem>>
      %dma_wait3A_75 = arith.constant 0 : i32
      %dma_wait3A_76 = tpu.memref_slice %arg7[%add3A_69, %dma_wait3A_75] : memref<80x128xi32, #tpu.memory_space<vmem>> -> memref<1x128xi32, #tpu.memory_space<vmem>>
      %dma_wait3A_77 = tpu.memref_squeeze %dma_wait3A_76 : memref<1x128xi32, #tpu.memory_space<vmem>> -> memref<128xi32, #tpu.memory_space<vmem>>
      %dma_wait3A_78 = arith.constant 0 : i32
      %dma_wait3A_79 = arith.constant 0 : i32
      %dma_wait3A_80 = tpu.memref_slice %arg11[%dma_wait3A_78, %dma_wait3A_79] : memref<10112x64xf32, #tpu.memory_space<vmem_shared>> -> memref<10112x64xf32, #tpu.memory_space<vmem_shared>>
      tpu.wait_indirect_dma semaphore(%arg12 : memref<!tpu.dma_semaphore, #tpu.memory_space<semaphore_mem>>) src(%dma_wait3A_80 : memref<10112x64xf32, #tpu.memory_space<vmem_shared>>) dst(%dma_wait3A_74 : memref<128x64xf32, #tpu.memory_space<vmem>>)
      %add3A_81 = arith.constant 2 : i32
      %add3A_82 = arith.addi %add3A_69, %add3A_81 : i32
      %lt3A = arith.constant 80 : i32
      %lt3A_83 = arith.cmpi slt, %add3A_82, %lt3A : i32
      %convert_element_type3A_84 = arith.extui %lt3A_83 : i1 to i32
      %cond3A_85 = arith.constant 0 : i32
      %cond3A_86 = arith.cmpi ne, %convert_element_type3A_84, %cond3A_85 : i32
      scf.if %cond3A_86 {
        %add3A_134 = arith.constant 2 : i32
        %add3A_135 = arith.addi %add3A_69, %add3A_134 : i32
        %dma_start3A_136 = arith.constant 2 : i32
        %dma_start3A_137 = arith.constant 0 : i32
        %dma_start3A_138 = arith.constant 0 : i32
        %dma_start3A_139 = tpu.memref_slice %arg9[%dma_start3A_136, %dma_start3A_137, %dma_start3A_138] : memref<3x128x64xf32, #tpu.memory_space<vmem>> -> memref<1x128x64xf32, #tpu.memory_space<vmem>>
        %dma_start3A_140 = tpu.memref_squeeze %dma_start3A_139 : memref<1x128x64xf32, #tpu.memory_space<vmem>> -> memref<128x64xf32, #tpu.memory_space<vmem>>
        %dma_start3A_141 = arith.constant 0 : i32
        %dma_start3A_142 = tpu.memref_slice %arg7[%add3A_135, %dma_start3A_141] : memref<80x128xi32, #tpu.memory_space<vmem>> -> memref<1x128xi32, #tpu.memory_space<vmem>>
        %dma_start3A_143 = tpu.memref_squeeze %dma_start3A_142 : memref<1x128xi32, #tpu.memory_space<vmem>> -> memref<128xi32, #tpu.memory_space<vmem>>
        %dma_start3A_144 = arith.constant 0 : i32
        %dma_start3A_145 = arith.constant 0 : i32
        %dma_start3A_146 = tpu.memref_slice %arg11[%dma_start3A_144, %dma_start3A_145] : memref<10112x64xf32, #tpu.memory_space<vmem_shared>> -> memref<10112x64xf32, #tpu.memory_space<vmem_shared>>
        tpu.enqueue_indirect_dma source(%dma_start3A_146 : memref<10112x64xf32, #tpu.memory_space<vmem_shared>>) target(%dma_start3A_140 : memref<128x64xf32, #tpu.memory_space<vmem>>) offsets(%dma_start3A_143 : memref<128xi32, #tpu.memory_space<vmem>>) semaphore(%arg14 : memref<!tpu.dma_semaphore, #tpu.memory_space<semaphore_mem>>)
      } else {
      }
      %run_scoped3A_87 = arith.constant 0 : i32
      "tpu.region"() ({
        %run_scoped3A_134 = tpu.sem_alloc : memref<!tpu.dma_semaphore, #tpu.memory_space<semaphore_mem>>
        %dma_start3A_135 = arith.constant 0 : i32
        %dma_start3A_136 = arith.constant 0 : i32
        %dma_start3A_137 = tpu.memref_slice %arg9[%run_scoped3A_87, %dma_start3A_135, %dma_start3A_136] : memref<3x128x64xf32, #tpu.memory_space<vmem>> -> memref<1x128x64xf32, #tpu.memory_space<vmem>>
        %dma_start3A_138 = tpu.memref_squeeze %dma_start3A_137 : memref<1x128x64xf32, #tpu.memory_space<vmem>> -> memref<128x64xf32, #tpu.memory_space<vmem>>
        %dma_start3A_139 = arith.constant 0 : i32
        %dma_start3A_140 = tpu.memref_slice %arg8[%add3A_69, %dma_start3A_139] : memref<80x128xi32, #tpu.memory_space<vmem>> -> memref<1x128xi32, #tpu.memory_space<vmem>>
        %dma_start3A_141 = tpu.memref_squeeze %dma_start3A_140 : memref<1x128xi32, #tpu.memory_space<vmem>> -> memref<128xi32, #tpu.memory_space<vmem>>
        %dma_start3A_142 = arith.constant 0 : i32
        %dma_start3A_143 = arith.constant 0 : i32
        %dma_start3A_144 = tpu.memref_slice %arg10[%dma_start3A_142, %dma_start3A_143] : memref<10112x64xf32, #tpu.memory_space<vmem_shared>> -> memref<10112x64xf32, #tpu.memory_space<vmem_shared>>
        tpu.enqueue_indirect_dma source(%dma_start3A_138 : memref<128x64xf32, #tpu.memory_space<vmem>>) target(%dma_start3A_144 : memref<10112x64xf32, #tpu.memory_space<vmem_shared>>) offsets(%dma_start3A_141 : memref<128xi32, #tpu.memory_space<vmem>>) semaphore(%run_scoped3A_134 : memref<!tpu.dma_semaphore, #tpu.memory_space<semaphore_mem>>) {add = true}
        %dma_wait3A_145 = arith.constant 0 : i32
        %dma_wait3A_146 = arith.constant 0 : i32
        %dma_wait3A_147 = tpu.memref_slice %arg9[%run_scoped3A_87, %dma_wait3A_145, %dma_wait3A_146] : memref<3x128x64xf32, #tpu.memory_space<vmem>> -> memref<1x128x64xf32, #tpu.memory_space<vmem>>
        %dma_wait3A_148 = tpu.memref_squeeze %dma_wait3A_147 : memref<1x128x64xf32, #tpu.memory_space<vmem>> -> memref<128x64xf32, #tpu.memory_space<vmem>>
        %dma_wait3A_149 = arith.constant 0 : i32
        %dma_wait3A_150 = tpu.memref_slice %arg8[%add3A_69, %dma_wait3A_149] : memref<80x128xi32, #tpu.memory_space<vmem>> -> memref<1x128xi32, #tpu.memory_space<vmem>>
        %dma_wait3A_151 = tpu.memref_squeeze %dma_wait3A_150 : memref<1x128xi32, #tpu.memory_space<vmem>> -> memref<128xi32, #tpu.memory_space<vmem>>
        %dma_wait3A_152 = arith.constant 0 : i32
        %dma_wait3A_153 = arith.constant 0 : i32
        %dma_wait3A_154 = tpu.memref_slice %arg10[%dma_wait3A_152, %dma_wait3A_153] : memref<10112x64xf32, #tpu.memory_space<vmem_shared>> -> memref<10112x64xf32, #tpu.memory_space<vmem_shared>>
        tpu.wait_indirect_dma semaphore(%run_scoped3A_134 : memref<!tpu.dma_semaphore, #tpu.memory_space<semaphore_mem>>) src(%dma_wait3A_148 : memref<128x64xf32, #tpu.memory_space<vmem>>) dst(%dma_wait3A_154 : memref<10112x64xf32, #tpu.memory_space<vmem_shared>>)
        tpu.yield
      }) : () -> ()
      %mul3A_88 = arith.constant 3 : i32
      %mul3A_89 = arith.muli %scan3A_65, %mul3A_88 : i32
      %add3A_90 = arith.constant 1 : i32
      %add3A_91 = arith.addi %mul3A_89, %add3A_90 : i32
      %dma_wait3A_92 = arith.constant 1 : i32
      %dma_wait3A_93 = arith.constant 0 : i32
      %dma_wait3A_94 = arith.constant 0 : i32
      %dma_wait3A_95 = tpu.memref_slice %arg9[%dma_wait3A_92, %dma_wait3A_93, %dma_wait3A_94] : memref<3x128x64xf32, #tpu.memory_space<vmem>> -> memref<1x128x64xf32, #tpu.memory_space<vmem>>
      %dma_wait3A_96 = tpu.memref_squeeze %dma_wait3A_95 : memref<1x128x64xf32, #tpu.memory_space<vmem>> -> memref<128x64xf32, #tpu.memory_space<vmem>>
      %dma_wait3A_97 = arith.constant 0 : i32
      %dma_wait3A_98 = tpu.memref_slice %arg7[%add3A_91, %dma_wait3A_97] : memref<80x128xi32, #tpu.memory_space<vmem>> -> memref<1x128xi32, #tpu.memory_space<vmem>>
      %dma_wait3A_99 = tpu.memref_squeeze %dma_wait3A_98 : memref<1x128xi32, #tpu.memory_space<vmem>> -> memref<128xi32, #tpu.memory_space<vmem>>
      %dma_wait3A_100 = arith.constant 0 : i32
      %dma_wait3A_101 = arith.constant 0 : i32
      %dma_wait3A_102 = tpu.memref_slice %arg11[%dma_wait3A_100, %dma_wait3A_101] : memref<10112x64xf32, #tpu.memory_space<vmem_shared>> -> memref<10112x64xf32, #tpu.memory_space<vmem_shared>>
      tpu.wait_indirect_dma semaphore(%arg13 : memref<!tpu.dma_semaphore, #tpu.memory_space<semaphore_mem>>) src(%dma_wait3A_102 : memref<10112x64xf32, #tpu.memory_space<vmem_shared>>) dst(%dma_wait3A_96 : memref<128x64xf32, #tpu.memory_space<vmem>>)
      %add3A_103 = arith.constant 2 : i32
      %add3A_104 = arith.addi %add3A_91, %add3A_103 : i32
      %lt3A_105 = arith.constant 80 : i32
      %lt3A_106 = arith.cmpi slt, %add3A_104, %lt3A_105 : i32
      %convert_element_type3A_107 = arith.extui %lt3A_106 : i1 to i32
      %cond3A_108 = arith.constant 0 : i32
      %cond3A_109 = arith.cmpi ne, %convert_element_type3A_107, %cond3A_108 : i32
      scf.if %cond3A_109 {
        %add3A_134 = arith.constant 2 : i32
        %add3A_135 = arith.addi %add3A_91, %add3A_134 : i32
        %dma_start3A_136 = arith.constant 0 : i32
        %dma_start3A_137 = arith.constant 0 : i32
        %dma_start3A_138 = arith.constant 0 : i32
        %dma_start3A_139 = tpu.memref_slice %arg9[%dma_start3A_136, %dma_start3A_137, %dma_start3A_138] : memref<3x128x64xf32, #tpu.memory_space<vmem>> -> memref<1x128x64xf32, #tpu.memory_space<vmem>>
        %dma_start3A_140 = tpu.memref_squeeze %dma_start3A_139 : memref<1x128x64xf32, #tpu.memory_space<vmem>> -> memref<128x64xf32, #tpu.memory_space<vmem>>
        %dma_start3A_141 = arith.constant 0 : i32
        %dma_start3A_142 = tpu.memref_slice %arg7[%add3A_135, %dma_start3A_141] : memref<80x128xi32, #tpu.memory_space<vmem>> -> memref<1x128xi32, #tpu.memory_space<vmem>>
        %dma_start3A_143 = tpu.memref_squeeze %dma_start3A_142 : memref<1x128xi32, #tpu.memory_space<vmem>> -> memref<128xi32, #tpu.memory_space<vmem>>
        %dma_start3A_144 = arith.constant 0 : i32
        %dma_start3A_145 = arith.constant 0 : i32
        %dma_start3A_146 = tpu.memref_slice %arg11[%dma_start3A_144, %dma_start3A_145] : memref<10112x64xf32, #tpu.memory_space<vmem_shared>> -> memref<10112x64xf32, #tpu.memory_space<vmem_shared>>
        tpu.enqueue_indirect_dma source(%dma_start3A_146 : memref<10112x64xf32, #tpu.memory_space<vmem_shared>>) target(%dma_start3A_140 : memref<128x64xf32, #tpu.memory_space<vmem>>) offsets(%dma_start3A_143 : memref<128xi32, #tpu.memory_space<vmem>>) semaphore(%arg12 : memref<!tpu.dma_semaphore, #tpu.memory_space<semaphore_mem>>)
      } else {
      }
      %run_scoped3A_110 = arith.constant 1 : i32
      "tpu.region"() ({
        %run_scoped3A_134 = tpu.sem_alloc : memref<!tpu.dma_semaphore, #tpu.memory_space<semaphore_mem>>
        %dma_start3A_135 = arith.constant 0 : i32
        %dma_start3A_136 = arith.constant 0 : i32
        %dma_start3A_137 = tpu.memref_slice %arg9[%run_scoped3A_110, %dma_start3A_135, %dma_start3A_136] : memref<3x128x64xf32, #tpu.memory_space<vmem>> -> memref<1x128x64xf32, #tpu.memory_space<vmem>>
        %dma_start3A_138 = tpu.memref_squeeze %dma_start3A_137 : memref<1x128x64xf32, #tpu.memory_space<vmem>> -> memref<128x64xf32, #tpu.memory_space<vmem>>
        %dma_start3A_139 = arith.constant 0 : i32
        %dma_start3A_140 = tpu.memref_slice %arg8[%add3A_91, %dma_start3A_139] : memref<80x128xi32, #tpu.memory_space<vmem>> -> memref<1x128xi32, #tpu.memory_space<vmem>>
        %dma_start3A_141 = tpu.memref_squeeze %dma_start3A_140 : memref<1x128xi32, #tpu.memory_space<vmem>> -> memref<128xi32, #tpu.memory_space<vmem>>
        %dma_start3A_142 = arith.constant 0 : i32
        %dma_start3A_143 = arith.constant 0 : i32
        %dma_start3A_144 = tpu.memref_slice %arg10[%dma_start3A_142, %dma_start3A_143] : memref<10112x64xf32, #tpu.memory_space<vmem_shared>> -> memref<10112x64xf32, #tpu.memory_space<vmem_shared>>
        tpu.enqueue_indirect_dma source(%dma_start3A_138 : memref<128x64xf32, #tpu.memory_space<vmem>>) target(%dma_start3A_144 : memref<10112x64xf32, #tpu.memory_space<vmem_shared>>) offsets(%dma_start3A_141 : memref<128xi32, #tpu.memory_space<vmem>>) semaphore(%run_scoped3A_134 : memref<!tpu.dma_semaphore, #tpu.memory_space<semaphore_mem>>) {add = true}
        %dma_wait3A_145 = arith.constant 0 : i32
        %dma_wait3A_146 = arith.constant 0 : i32
        %dma_wait3A_147 = tpu.memref_slice %arg9[%run_scoped3A_110, %dma_wait3A_145, %dma_wait3A_146] : memref<3x128x64xf32, #tpu.memory_space<vmem>> -> memref<1x128x64xf32, #tpu.memory_space<vmem>>
        %dma_wait3A_148 = tpu.memref_squeeze %dma_wait3A_147 : memref<1x128x64xf32, #tpu.memory_space<vmem>> -> memref<128x64xf32, #tpu.memory_space<vmem>>
        %dma_wait3A_149 = arith.constant 0 : i32
        %dma_wait3A_150 = tpu.memref_slice %arg8[%add3A_91, %dma_wait3A_149] : memref<80x128xi32, #tpu.memory_space<vmem>> -> memref<1x128xi32, #tpu.memory_space<vmem>>
        %dma_wait3A_151 = tpu.memref_squeeze %dma_wait3A_150 : memref<1x128xi32, #tpu.memory_space<vmem>> -> memref<128xi32, #tpu.memory_space<vmem>>
        %dma_wait3A_152 = arith.constant 0 : i32
        %dma_wait3A_153 = arith.constant 0 : i32
        %dma_wait3A_154 = tpu.memref_slice %arg10[%dma_wait3A_152, %dma_wait3A_153] : memref<10112x64xf32, #tpu.memory_space<vmem_shared>> -> memref<10112x64xf32, #tpu.memory_space<vmem_shared>>
        tpu.wait_indirect_dma semaphore(%run_scoped3A_134 : memref<!tpu.dma_semaphore, #tpu.memory_space<semaphore_mem>>) src(%dma_wait3A_148 : memref<128x64xf32, #tpu.memory_space<vmem>>) dst(%dma_wait3A_154 : memref<10112x64xf32, #tpu.memory_space<vmem_shared>>)
        tpu.yield
      }) : () -> ()
      %mul3A_111 = arith.constant 3 : i32
      %mul3A_112 = arith.muli %scan3A_65, %mul3A_111 : i32
      %add3A_113 = arith.constant 2 : i32
      %add3A_114 = arith.addi %mul3A_112, %add3A_113 : i32
      %dma_wait3A_115 = arith.constant 2 : i32
      %dma_wait3A_116 = arith.constant 0 : i32
      %dma_wait3A_117 = arith.constant 0 : i32
      %dma_wait3A_118 = tpu.memref_slice %arg9[%dma_wait3A_115, %dma_wait3A_116, %dma_wait3A_117] : memref<3x128x64xf32, #tpu.memory_space<vmem>> -> memref<1x128x64xf32, #tpu.memory_space<vmem>>
      %dma_wait3A_119 = tpu.memref_squeeze %dma_wait3A_118 : memref<1x128x64xf32, #tpu.memory_space<vmem>> -> memref<128x64xf32, #tpu.memory_space<vmem>>
      %dma_wait3A_120 = arith.constant 0 : i32
      %dma_wait3A_121 = tpu.memref_slice %arg7[%add3A_114, %dma_wait3A_120] : memref<80x128xi32, #tpu.memory_space<vmem>> -> memref<1x128xi32, #tpu.memory_space<vmem>>
      %dma_wait3A_122 = tpu.memref_squeeze %dma_wait3A_121 : memref<1x128xi32, #tpu.memory_space<vmem>> -> memref<128xi32, #tpu.memory_space<vmem>>
      %dma_wait3A_123 = arith.constant 0 : i32
      %dma_wait3A_124 = arith.constant 0 : i32
      %dma_wait3A_125 = tpu.memref_slice %arg11[%dma_wait3A_123, %dma_wait3A_124] : memref<10112x64xf32, #tpu.memory_space<vmem_shared>> -> memref<10112x64xf32, #tpu.memory_space<vmem_shared>>
      tpu.wait_indirect_dma semaphore(%arg14 : memref<!tpu.dma_semaphore, #tpu.memory_space<semaphore_mem>>) src(%dma_wait3A_125 : memref<10112x64xf32, #tpu.memory_space<vmem_shared>>) dst(%dma_wait3A_119 : memref<128x64xf32, #tpu.memory_space<vmem>>)
      %add3A_126 = arith.constant 2 : i32
      %add3A_127 = arith.addi %add3A_114, %add3A_126 : i32
      %lt3A_128 = arith.constant 80 : i32
      %lt3A_129 = arith.cmpi slt, %add3A_127, %lt3A_128 : i32
      %convert_element_type3A_130 = arith.extui %lt3A_129 : i1 to i32
      %cond3A_131 = arith.constant 0 : i32
      %cond3A_132 = arith.cmpi ne, %convert_element_type3A_130, %cond3A_131 : i32
      scf.if %cond3A_132 {
        %add3A_134 = arith.constant 2 : i32
        %add3A_135 = arith.addi %add3A_114, %add3A_134 : i32
        %dma_start3A_136 = arith.constant 1 : i32
        %dma_start3A_137 = arith.constant 0 : i32
        %dma_start3A_138 = arith.constant 0 : i32
        %dma_start3A_139 = tpu.memref_slice %arg9[%dma_start3A_136, %dma_start3A_137, %dma_start3A_138] : memref<3x128x64xf32, #tpu.memory_space<vmem>> -> memref<1x128x64xf32, #tpu.memory_space<vmem>>
        %dma_start3A_140 = tpu.memref_squeeze %dma_start3A_139 : memref<1x128x64xf32, #tpu.memory_space<vmem>> -> memref<128x64xf32, #tpu.memory_space<vmem>>
        %dma_start3A_141 = arith.constant 0 : i32
        %dma_start3A_142 = tpu.memref_slice %arg7[%add3A_135, %dma_start3A_141] : memref<80x128xi32, #tpu.memory_space<vmem>> -> memref<1x128xi32, #tpu.memory_space<vmem>>
        %dma_start3A_143 = tpu.memref_squeeze %dma_start3A_142 : memref<1x128xi32, #tpu.memory_space<vmem>> -> memref<128xi32, #tpu.memory_space<vmem>>
        %dma_start3A_144 = arith.constant 0 : i32
        %dma_start3A_145 = arith.constant 0 : i32
        %dma_start3A_146 = tpu.memref_slice %arg11[%dma_start3A_144, %dma_start3A_145] : memref<10112x64xf32, #tpu.memory_space<vmem_shared>> -> memref<10112x64xf32, #tpu.memory_space<vmem_shared>>
        tpu.enqueue_indirect_dma source(%dma_start3A_146 : memref<10112x64xf32, #tpu.memory_space<vmem_shared>>) target(%dma_start3A_140 : memref<128x64xf32, #tpu.memory_space<vmem>>) offsets(%dma_start3A_143 : memref<128xi32, #tpu.memory_space<vmem>>) semaphore(%arg13 : memref<!tpu.dma_semaphore, #tpu.memory_space<semaphore_mem>>)
      } else {
      }
      %run_scoped3A_133 = arith.constant 2 : i32
      "tpu.region"() ({
        %run_scoped3A_134 = tpu.sem_alloc : memref<!tpu.dma_semaphore, #tpu.memory_space<semaphore_mem>>
        %dma_start3A_135 = arith.constant 0 : i32
        %dma_start3A_136 = arith.constant 0 : i32
        %dma_start3A_137 = tpu.memref_slice %arg9[%run_scoped3A_133, %dma_start3A_135, %dma_start3A_136] : memref<3x128x64xf32, #tpu.memory_space<vmem>> -> memref<1x128x64xf32, #tpu.memory_space<vmem>>
        %dma_start3A_138 = tpu.memref_squeeze %dma_start3A_137 : memref<1x128x64xf32, #tpu.memory_space<vmem>> -> memref<128x64xf32, #tpu.memory_space<vmem>>
        %dma_start3A_139 = arith.constant 0 : i32
        %dma_start3A_140 = tpu.memref_slice %arg8[%add3A_114, %dma_start3A_139] : memref<80x128xi32, #tpu.memory_space<vmem>> -> memref<1x128xi32, #tpu.memory_space<vmem>>
        %dma_start3A_141 = tpu.memref_squeeze %dma_start3A_140 : memref<1x128xi32, #tpu.memory_space<vmem>> -> memref<128xi32, #tpu.memory_space<vmem>>
        %dma_start3A_142 = arith.constant 0 : i32
        %dma_start3A_143 = arith.constant 0 : i32
        %dma_start3A_144 = tpu.memref_slice %arg10[%dma_start3A_142, %dma_start3A_143] : memref<10112x64xf32, #tpu.memory_space<vmem_shared>> -> memref<10112x64xf32, #tpu.memory_space<vmem_shared>>
        tpu.enqueue_indirect_dma source(%dma_start3A_138 : memref<128x64xf32, #tpu.memory_space<vmem>>) target(%dma_start3A_144 : memref<10112x64xf32, #tpu.memory_space<vmem_shared>>) offsets(%dma_start3A_141 : memref<128xi32, #tpu.memory_space<vmem>>) semaphore(%run_scoped3A_134 : memref<!tpu.dma_semaphore, #tpu.memory_space<semaphore_mem>>) {add = true}
        %dma_wait3A_145 = arith.constant 0 : i32
        %dma_wait3A_146 = arith.constant 0 : i32
        %dma_wait3A_147 = tpu.memref_slice %arg9[%run_scoped3A_133, %dma_wait3A_145, %dma_wait3A_146] : memref<3x128x64xf32, #tpu.memory_space<vmem>> -> memref<1x128x64xf32, #tpu.memory_space<vmem>>
        %dma_wait3A_148 = tpu.memref_squeeze %dma_wait3A_147 : memref<1x128x64xf32, #tpu.memory_space<vmem>> -> memref<128x64xf32, #tpu.memory_space<vmem>>
        %dma_wait3A_149 = arith.constant 0 : i32
        %dma_wait3A_150 = tpu.memref_slice %arg8[%add3A_114, %dma_wait3A_149] : memref<80x128xi32, #tpu.memory_space<vmem>> -> memref<1x128xi32, #tpu.memory_space<vmem>>
        %dma_wait3A_151 = tpu.memref_squeeze %dma_wait3A_150 : memref<1x128xi32, #tpu.memory_space<vmem>> -> memref<128xi32, #tpu.memory_space<vmem>>
        %dma_wait3A_152 = arith.constant 0 : i32
        %dma_wait3A_153 = arith.constant 0 : i32
        %dma_wait3A_154 = tpu.memref_slice %arg10[%dma_wait3A_152, %dma_wait3A_153] : memref<10112x64xf32, #tpu.memory_space<vmem_shared>> -> memref<10112x64xf32, #tpu.memory_space<vmem_shared>>
        tpu.wait_indirect_dma semaphore(%run_scoped3A_134 : memref<!tpu.dma_semaphore, #tpu.memory_space<semaphore_mem>>) src(%dma_wait3A_148 : memref<128x64xf32, #tpu.memory_space<vmem>>) dst(%dma_wait3A_154 : memref<10112x64xf32, #tpu.memory_space<vmem_shared>>)
        tpu.yield
      }) : () -> ()
    }
    %scan3A_37 = arith.constant 26 : i32
    %dma_wait3A = arith.constant 78 : i32
    %dma_wait3A_38 = arith.constant 0 : i32
    %dma_wait3A_39 = arith.constant 0 : i32
    %dma_wait3A_40 = arith.constant 0 : i32
    %dma_wait3A_41 = tpu.memref_slice %arg9[%dma_wait3A_38, %dma_wait3A_39, %dma_wait3A_40] : memref<3x128x64xf32, #tpu.memory_space<vmem>> -> memref<1x128x64xf32, #tpu.memory_space<vmem>>
    %dma_wait3A_42 = tpu.memref_squeeze %dma_wait3A_41 : memref<1x128x64xf32, #tpu.memory_space<vmem>> -> memref<128x64xf32, #tpu.memory_space<vmem>>
    %dma_wait3A_43 = arith.constant 0 : i32
    %dma_wait3A_44 = tpu.memref_slice %arg7[%dma_wait3A, %dma_wait3A_43] : memref<80x128xi32, #tpu.memory_space<vmem>> -> memref<1x128xi32, #tpu.memory_space<vmem>>
    %dma_wait3A_45 = tpu.memref_squeeze %dma_wait3A_44 : memref<1x128xi32, #tpu.memory_space<vmem>> -> memref<128xi32, #tpu.memory_space<vmem>>
    %dma_wait3A_46 = arith.constant 0 : i32
    %dma_wait3A_47 = arith.constant 0 : i32
    %dma_wait3A_48 = tpu.memref_slice %arg11[%dma_wait3A_46, %dma_wait3A_47] : memref<10112x64xf32, #tpu.memory_space<vmem_shared>> -> memref<10112x64xf32, #tpu.memory_space<vmem_shared>>
    tpu.wait_indirect_dma semaphore(%arg12 : memref<!tpu.dma_semaphore, #tpu.memory_space<semaphore_mem>>) src(%dma_wait3A_48 : memref<10112x64xf32, #tpu.memory_space<vmem_shared>>) dst(%dma_wait3A_42 : memref<128x64xf32, #tpu.memory_space<vmem>>)
    %run_scoped3A = arith.constant 0 : i32
    %run_scoped3A_49 = arith.constant 78 : i32
    "tpu.region"() ({
      %run_scoped3A_65 = tpu.sem_alloc : memref<!tpu.dma_semaphore, #tpu.memory_space<semaphore_mem>>
      %dma_start3A_66 = arith.constant 0 : i32
      %dma_start3A_67 = arith.constant 0 : i32
      %dma_start3A_68 = tpu.memref_slice %arg9[%run_scoped3A, %dma_start3A_66, %dma_start3A_67] : memref<3x128x64xf32, #tpu.memory_space<vmem>> -> memref<1x128x64xf32, #tpu.memory_space<vmem>>
      %dma_start3A_69 = tpu.memref_squeeze %dma_start3A_68 : memref<1x128x64xf32, #tpu.memory_space<vmem>> -> memref<128x64xf32, #tpu.memory_space<vmem>>
      %dma_start3A_70 = arith.constant 0 : i32
      %dma_start3A_71 = tpu.memref_slice %arg8[%run_scoped3A_49, %dma_start3A_70] : memref<80x128xi32, #tpu.memory_space<vmem>> -> memref<1x128xi32, #tpu.memory_space<vmem>>
      %dma_start3A_72 = tpu.memref_squeeze %dma_start3A_71 : memref<1x128xi32, #tpu.memory_space<vmem>> -> memref<128xi32, #tpu.memory_space<vmem>>
      %dma_start3A_73 = arith.constant 0 : i32
      %dma_start3A_74 = arith.constant 0 : i32
      %dma_start3A_75 = tpu.memref_slice %arg10[%dma_start3A_73, %dma_start3A_74] : memref<10112x64xf32, #tpu.memory_space<vmem_shared>> -> memref<10112x64xf32, #tpu.memory_space<vmem_shared>>
      tpu.enqueue_indirect_dma source(%dma_start3A_69 : memref<128x64xf32, #tpu.memory_space<vmem>>) target(%dma_start3A_75 : memref<10112x64xf32, #tpu.memory_space<vmem_shared>>) offsets(%dma_start3A_72 : memref<128xi32, #tpu.memory_space<vmem>>) semaphore(%run_scoped3A_65 : memref<!tpu.dma_semaphore, #tpu.memory_space<semaphore_mem>>) {add = true}
      %dma_wait3A_76 = arith.constant 0 : i32
      %dma_wait3A_77 = arith.constant 0 : i32
      %dma_wait3A_78 = tpu.memref_slice %arg9[%run_scoped3A, %dma_wait3A_76, %dma_wait3A_77] : memref<3x128x64xf32, #tpu.memory_space<vmem>> -> memref<1x128x64xf32, #tpu.memory_space<vmem>>
      %dma_wait3A_79 = tpu.memref_squeeze %dma_wait3A_78 : memref<1x128x64xf32, #tpu.memory_space<vmem>> -> memref<128x64xf32, #tpu.memory_space<vmem>>
      %dma_wait3A_80 = arith.constant 0 : i32
      %dma_wait3A_81 = tpu.memref_slice %arg8[%run_scoped3A_49, %dma_wait3A_80] : memref<80x128xi32, #tpu.memory_space<vmem>> -> memref<1x128xi32, #tpu.memory_space<vmem>>
      %dma_wait3A_82 = tpu.memref_squeeze %dma_wait3A_81 : memref<1x128xi32, #tpu.memory_space<vmem>> -> memref<128xi32, #tpu.memory_space<vmem>>
      %dma_wait3A_83 = arith.constant 0 : i32
      %dma_wait3A_84 = arith.constant 0 : i32
      %dma_wait3A_85 = tpu.memref_slice %arg10[%dma_wait3A_83, %dma_wait3A_84] : memref<10112x64xf32, #tpu.memory_space<vmem_shared>> -> memref<10112x64xf32, #tpu.memory_space<vmem_shared>>
      tpu.wait_indirect_dma semaphore(%run_scoped3A_65 : memref<!tpu.dma_semaphore, #tpu.memory_space<semaphore_mem>>) src(%dma_wait3A_79 : memref<128x64xf32, #tpu.memory_space<vmem>>) dst(%dma_wait3A_85 : memref<10112x64xf32, #tpu.memory_space<vmem_shared>>)
      tpu.yield
    }) : () -> ()
    %dma_wait3A_50 = arith.constant 79 : i32
    %dma_wait3A_51 = arith.constant 1 : i32
    %dma_wait3A_52 = arith.constant 0 : i32
    %dma_wait3A_53 = arith.constant 0 : i32
    %dma_wait3A_54 = tpu.memref_slice %arg9[%dma_wait3A_51, %dma_wait3A_52, %dma_wait3A_53] : memref<3x128x64xf32, #tpu.memory_space<vmem>> -> memref<1x128x64xf32, #tpu.memory_space<vmem>>
    %dma_wait3A_55 = tpu.memref_squeeze %dma_wait3A_54 : memref<1x128x64xf32, #tpu.memory_space<vmem>> -> memref<128x64xf32, #tpu.memory_space<vmem>>
    %dma_wait3A_56 = arith.constant 0 : i32
    %dma_wait3A_57 = tpu.memref_slice %arg7[%dma_wait3A_50, %dma_wait3A_56] : memref<80x128xi32, #tpu.memory_space<vmem>> -> memref<1x128xi32, #tpu.memory_space<vmem>>
    %dma_wait3A_58 = tpu.memref_squeeze %dma_wait3A_57 : memref<1x128xi32, #tpu.memory_space<vmem>> -> memref<128xi32, #tpu.memory_space<vmem>>
    %dma_wait3A_59 = arith.constant 0 : i32
    %dma_wait3A_60 = arith.constant 0 : i32
    %dma_wait3A_61 = tpu.memref_slice %arg11[%dma_wait3A_59, %dma_wait3A_60] : memref<10112x64xf32, #tpu.memory_space<vmem_shared>> -> memref<10112x64xf32, #tpu.memory_space<vmem_shared>>
    tpu.wait_indirect_dma semaphore(%arg13 : memref<!tpu.dma_semaphore, #tpu.memory_space<semaphore_mem>>) src(%dma_wait3A_61 : memref<10112x64xf32, #tpu.memory_space<vmem_shared>>) dst(%dma_wait3A_55 : memref<128x64xf32, #tpu.memory_space<vmem>>)
    %run_scoped3A_62 = arith.constant 1 : i32
    %run_scoped3A_63 = arith.constant 79 : i32
    "tpu.region"() ({
      %run_scoped3A_65 = tpu.sem_alloc : memref<!tpu.dma_semaphore, #tpu.memory_space<semaphore_mem>>
      %dma_start3A_66 = arith.constant 0 : i32
      %dma_start3A_67 = arith.constant 0 : i32
      %dma_start3A_68 = tpu.memref_slice %arg9[%run_scoped3A_62, %dma_start3A_66, %dma_start3A_67] : memref<3x128x64xf32, #tpu.memory_space<vmem>> -> memref<1x128x64xf32, #tpu.memory_space<vmem>>
      %dma_start3A_69 = tpu.memref_squeeze %dma_start3A_68 : memref<1x128x64xf32, #tpu.memory_space<vmem>> -> memref<128x64xf32, #tpu.memory_space<vmem>>
      %dma_start3A_70 = arith.constant 0 : i32
      %dma_start3A_71 = tpu.memref_slice %arg8[%run_scoped3A_63, %dma_start3A_70] : memref<80x128xi32, #tpu.memory_space<vmem>> -> memref<1x128xi32, #tpu.memory_space<vmem>>
      %dma_start3A_72 = tpu.memref_squeeze %dma_start3A_71 : memref<1x128xi32, #tpu.memory_space<vmem>> -> memref<128xi32, #tpu.memory_space<vmem>>
      %dma_start3A_73 = arith.constant 0 : i32
      %dma_start3A_74 = arith.constant 0 : i32
      %dma_start3A_75 = tpu.memref_slice %arg10[%dma_start3A_73, %dma_start3A_74] : memref<10112x64xf32, #tpu.memory_space<vmem_shared>> -> memref<10112x64xf32, #tpu.memory_space<vmem_shared>>
      tpu.enqueue_indirect_dma source(%dma_start3A_69 : memref<128x64xf32, #tpu.memory_space<vmem>>) target(%dma_start3A_75 : memref<10112x64xf32, #tpu.memory_space<vmem_shared>>) offsets(%dma_start3A_72 : memref<128xi32, #tpu.memory_space<vmem>>) semaphore(%run_scoped3A_65 : memref<!tpu.dma_semaphore, #tpu.memory_space<semaphore_mem>>) {add = true}
      %dma_wait3A_76 = arith.constant 0 : i32
      %dma_wait3A_77 = arith.constant 0 : i32
      %dma_wait3A_78 = tpu.memref_slice %arg9[%run_scoped3A_62, %dma_wait3A_76, %dma_wait3A_77] : memref<3x128x64xf32, #tpu.memory_space<vmem>> -> memref<1x128x64xf32, #tpu.memory_space<vmem>>
      %dma_wait3A_79 = tpu.memref_squeeze %dma_wait3A_78 : memref<1x128x64xf32, #tpu.memory_space<vmem>> -> memref<128x64xf32, #tpu.memory_space<vmem>>
      %dma_wait3A_80 = arith.constant 0 : i32
      %dma_wait3A_81 = tpu.memref_slice %arg8[%run_scoped3A_63, %dma_wait3A_80] : memref<80x128xi32, #tpu.memory_space<vmem>> -> memref<1x128xi32, #tpu.memory_space<vmem>>
      %dma_wait3A_82 = tpu.memref_squeeze %dma_wait3A_81 : memref<1x128xi32, #tpu.memory_space<vmem>> -> memref<128xi32, #tpu.memory_space<vmem>>
      %dma_wait3A_83 = arith.constant 0 : i32
      %dma_wait3A_84 = arith.constant 0 : i32
      %dma_wait3A_85 = tpu.memref_slice %arg10[%dma_wait3A_83, %dma_wait3A_84] : memref<10112x64xf32, #tpu.memory_space<vmem_shared>> -> memref<10112x64xf32, #tpu.memory_space<vmem_shared>>
      tpu.wait_indirect_dma semaphore(%run_scoped3A_65 : memref<!tpu.dma_semaphore, #tpu.memory_space<semaphore_mem>>) src(%dma_wait3A_79 : memref<128x64xf32, #tpu.memory_space<vmem>>) dst(%dma_wait3A_85 : memref<10112x64xf32, #tpu.memory_space<vmem_shared>>)
      tpu.yield
    }) : () -> ()
    %barrier3A_64 = arith.constant 0 : index
    tpu.barrier barrier_id(%barrier3A_64)
    "tpu.region"() ({
      %run_scoped3A_65 = tpu.sem_alloc : memref<!tpu.dma_semaphore, #tpu.memory_space<semaphore_mem>>
      %dma_start3A_66 = arith.constant 0 : i32
      %dma_start3A_67 = tpu.memref_slice %arg6[%arg0, %mul3A_2, %dma_start3A_66] : memref<2x10112x64xf32, #tpu.memory_space<hbm>> -> memref<1x632x64xf32, #tpu.memory_space<hbm>>
      %dma_start3A_68 = tpu.memref_squeeze %dma_start3A_67 : memref<1x632x64xf32, #tpu.memory_space<hbm>> -> memref<632x64xf32, #tpu.memory_space<hbm>>
      %dma_start3A_69 = arith.constant 0 : i32
      %dma_start3A_70 = tpu.memref_slice %arg10[%mul3A_2, %dma_start3A_69] : memref<10112x64xf32, #tpu.memory_space<vmem_shared>> -> memref<632x64xf32, #tpu.memory_space<vmem_shared>>
      tpu.enqueue_dma source(%dma_start3A_70 : memref<632x64xf32, #tpu.memory_space<vmem_shared>>) target(%dma_start3A_68 : memref<632x64xf32, #tpu.memory_space<hbm>>) target_semaphore(%run_scoped3A_65 : memref<!tpu.dma_semaphore, #tpu.memory_space<semaphore_mem>>)
      %dma_wait3A_71 = arith.constant 0 : i32
      %dma_wait3A_72 = tpu.memref_slice %arg6[%arg0, %mul3A_2, %dma_wait3A_71] : memref<2x10112x64xf32, #tpu.memory_space<hbm>> -> memref<1x632x64xf32, #tpu.memory_space<hbm>>
      %dma_wait3A_73 = tpu.memref_squeeze %dma_wait3A_72 : memref<1x632x64xf32, #tpu.memory_space<hbm>> -> memref<632x64xf32, #tpu.memory_space<hbm>>
      %dma_wait3A_74 = arith.constant 0 : i32
      %dma_wait3A_75 = tpu.memref_slice %arg10[%mul3A_2, %dma_wait3A_74] : memref<10112x64xf32, #tpu.memory_space<vmem_shared>> -> memref<632x64xf32, #tpu.memory_space<vmem_shared>>
      tpu.wait_dma2 semaphore(%run_scoped3A_65 : memref<!tpu.dma_semaphore, #tpu.memory_space<semaphore_mem>>) src(%dma_wait3A_75 : memref<632x64xf32, #tpu.memory_space<vmem_shared>>) dst(%dma_wait3A_73 : memref<632x64xf32, #tpu.memory_space<hbm>>)
      tpu.yield
    }) : () -> ()
    return
  }
}

#map = affine_map<(d0, d1) -> (0, 0, 0)>
#map1 = affine_map<(d0, d1) -> (0, 0)>
module attributes {stable_mosaic.version = 14 : i64} {
  func.func @_deg_sc(%arg0: i32, %arg1: i32, %arg2: memref<32x80x128xi32, #tpu.memory_space<hbm>>, %arg3: memref<10112x16xf32, #tpu.memory_space<hbm>>, %arg4: memref<128x16xf32, #tpu.memory_space<hbm>>, %arg5: memref<2x10112x16xf32, #tpu.memory_space<hbm>>, %arg6: memref<80x128xi32, #tpu.memory_space<vmem>>, %arg7: memref<128x16xf32, #tpu.memory_space<vmem>>, %arg8: memref<10112x16xf32, #tpu.memory_space<vmem_shared>>) attributes {dimension_semantics = [#tpu.dimension_semantics<core_parallel>, #tpu.dimension_semantics<subcore_parallel>], iteration_bounds = array<i64: 2, 16>, scalar_prefetch = 0 : i64, scratch_operands = 3 : i64, tpu.core_type = #tpu.core_type<sc_vector_subcore>, window_params = [{transform_indices = #map}, {transform_indices = #map1}, {transform_indices = #map1}, {transform_indices = #map}]} {
    %mul3A = arith.constant 16 : i32
    %mul3A_0 = arith.muli %arg0, %mul3A : i32
    %add3A = arith.addi %mul3A_0, %arg1 : i32
    %mul3A_1 = arith.constant 632 : i32
    %mul3A_2 = arith.muli %arg1, %mul3A_1 : i32
    %mul3A_3 = arith.constant 632 : i32
    %mul3A_4 = arith.muli %arg1, %mul3A_3 : i32
    "tpu.region"() ({
      %run_scoped3A = tpu.sem_alloc : memref<!tpu.dma_semaphore, #tpu.memory_space<semaphore_mem>>
      %dma_start3A = arith.constant 0 : i32
      %dma_start3A_15 = tpu.memref_slice %arg8[%mul3A_4, %dma_start3A] : memref<10112x16xf32, #tpu.memory_space<vmem_shared>> -> memref<632x16xf32, #tpu.memory_space<vmem_shared>>
      %dma_start3A_16 = arith.constant 0 : i32
      %dma_start3A_17 = tpu.memref_slice %arg3[%mul3A_2, %dma_start3A_16] : memref<10112x16xf32, #tpu.memory_space<hbm>> -> memref<632x16xf32, #tpu.memory_space<hbm>>
      tpu.enqueue_dma source(%dma_start3A_17 : memref<632x16xf32, #tpu.memory_space<hbm>>) target(%dma_start3A_15 : memref<632x16xf32, #tpu.memory_space<vmem_shared>>) target_semaphore(%run_scoped3A : memref<!tpu.dma_semaphore, #tpu.memory_space<semaphore_mem>>)
      %dma_wait3A = arith.constant 0 : i32
      %dma_wait3A_18 = tpu.memref_slice %arg8[%mul3A_4, %dma_wait3A] : memref<10112x16xf32, #tpu.memory_space<vmem_shared>> -> memref<632x16xf32, #tpu.memory_space<vmem_shared>>
      %dma_wait3A_19 = arith.constant 0 : i32
      %dma_wait3A_20 = tpu.memref_slice %arg3[%mul3A_2, %dma_wait3A_19] : memref<10112x16xf32, #tpu.memory_space<hbm>> -> memref<632x16xf32, #tpu.memory_space<hbm>>
      tpu.wait_dma2 semaphore(%run_scoped3A : memref<!tpu.dma_semaphore, #tpu.memory_space<semaphore_mem>>) src(%dma_wait3A_20 : memref<632x16xf32, #tpu.memory_space<hbm>>) dst(%dma_wait3A_18 : memref<632x16xf32, #tpu.memory_space<vmem_shared>>)
      tpu.yield
    }) : () -> ()
    "tpu.region"() ({
      %run_scoped3A = tpu.sem_alloc : memref<!tpu.dma_semaphore, #tpu.memory_space<semaphore_mem>>
      tpu.enqueue_dma source(%arg4 : memref<128x16xf32, #tpu.memory_space<hbm>>) target(%arg7 : memref<128x16xf32, #tpu.memory_space<vmem>>) target_semaphore(%run_scoped3A : memref<!tpu.dma_semaphore, #tpu.memory_space<semaphore_mem>>)
      tpu.wait_dma2 semaphore(%run_scoped3A : memref<!tpu.dma_semaphore, #tpu.memory_space<semaphore_mem>>) src(%arg4 : memref<128x16xf32, #tpu.memory_space<hbm>>) dst(%arg7 : memref<128x16xf32, #tpu.memory_space<vmem>>)
      tpu.yield
    }) : () -> ()
    "tpu.region"() ({
      %run_scoped3A = tpu.sem_alloc : memref<!tpu.dma_semaphore, #tpu.memory_space<semaphore_mem>>
      %dma_start3A = arith.constant 0 : i32
      %dma_start3A_15 = arith.constant 0 : i32
      %dma_start3A_16 = tpu.memref_slice %arg2[%add3A, %dma_start3A, %dma_start3A_15] : memref<32x80x128xi32, #tpu.memory_space<hbm>> -> memref<1x80x128xi32, #tpu.memory_space<hbm>>
      %dma_start3A_17 = tpu.memref_squeeze %dma_start3A_16 : memref<1x80x128xi32, #tpu.memory_space<hbm>> -> memref<80x128xi32, #tpu.memory_space<hbm>>
      %dma_start3A_18 = arith.constant 0 : i32
      %dma_start3A_19 = arith.constant 0 : i32
      %dma_start3A_20 = tpu.memref_slice %arg2[%add3A, %dma_start3A_18, %dma_start3A_19] : memref<32x80x128xi32, #tpu.memory_space<hbm>> -> memref<1x80x128xi32, #tpu.memory_space<hbm>>
      %dma_start3A_21 = tpu.memref_squeeze %dma_start3A_20 : memref<1x80x128xi32, #tpu.memory_space<hbm>> -> memref<80x128xi32, #tpu.memory_space<hbm>>
      tpu.enqueue_dma source(%dma_start3A_21 : memref<80x128xi32, #tpu.memory_space<hbm>>) target(%arg6 : memref<80x128xi32, #tpu.memory_space<vmem>>) target_semaphore(%run_scoped3A : memref<!tpu.dma_semaphore, #tpu.memory_space<semaphore_mem>>)
      %dma_wait3A = arith.constant 0 : i32
      %dma_wait3A_22 = arith.constant 0 : i32
      %dma_wait3A_23 = tpu.memref_slice %arg2[%add3A, %dma_wait3A, %dma_wait3A_22] : memref<32x80x128xi32, #tpu.memory_space<hbm>> -> memref<1x80x128xi32, #tpu.memory_space<hbm>>
      %dma_wait3A_24 = tpu.memref_squeeze %dma_wait3A_23 : memref<1x80x128xi32, #tpu.memory_space<hbm>> -> memref<80x128xi32, #tpu.memory_space<hbm>>
      %dma_wait3A_25 = arith.constant 0 : i32
      %dma_wait3A_26 = arith.constant 0 : i32
      %dma_wait3A_27 = tpu.memref_slice %arg2[%add3A, %dma_wait3A_25, %dma_wait3A_26] : memref<32x80x128xi32, #tpu.memory_space<hbm>> -> memref<1x80x128xi32, #tpu.memory_space<hbm>>
      %dma_wait3A_28 = tpu.memref_squeeze %dma_wait3A_27 : memref<1x80x128xi32, #tpu.memory_space<hbm>> -> memref<80x128xi32, #tpu.memory_space<hbm>>
      tpu.wait_dma2 semaphore(%run_scoped3A : memref<!tpu.dma_semaphore, #tpu.memory_space<semaphore_mem>>) src(%dma_wait3A_28 : memref<80x128xi32, #tpu.memory_space<hbm>>) dst(%arg6 : memref<80x128xi32, #tpu.memory_space<vmem>>)
      tpu.yield
    }) : () -> ()
    %barrier3A = arith.constant 0 : index
    tpu.barrier barrier_id(%barrier3A)
    %scan3A = arith.constant 0 : i32
    %scan3A_5 = arith.constant 0 : i32
    %scan3A_6 = arith.constant 80 : i32
    %scan3A_7 = arith.addi %scan3A_5, %scan3A_6 : i32
    %scan3A_8 = arith.constant 1 : i32
    scf.for %scan3A_15 = %scan3A_5 to %scan3A_7 step %scan3A_8  : i32 {
      "tpu.region"() ({
        %run_scoped3A = tpu.sem_alloc : memref<!tpu.dma_semaphore, #tpu.memory_space<semaphore_mem>>
        %dma_start3A = arith.constant 0 : i32
        %dma_start3A_16 = tpu.memref_slice %arg6[%scan3A_15, %dma_start3A] : memref<80x128xi32, #tpu.memory_space<vmem>> -> memref<1x128xi32, #tpu.memory_space<vmem>>
        %dma_start3A_17 = tpu.memref_squeeze %dma_start3A_16 : memref<1x128xi32, #tpu.memory_space<vmem>> -> memref<128xi32, #tpu.memory_space<vmem>>
        %dma_start3A_18 = arith.constant 0 : i32
        %dma_start3A_19 = arith.constant 0 : i32
        %dma_start3A_20 = tpu.memref_slice %arg8[%dma_start3A_18, %dma_start3A_19] : memref<10112x16xf32, #tpu.memory_space<vmem_shared>> -> memref<10112x16xf32, #tpu.memory_space<vmem_shared>>
        tpu.enqueue_indirect_dma source(%arg7 : memref<128x16xf32, #tpu.memory_space<vmem>>) target(%dma_start3A_20 : memref<10112x16xf32, #tpu.memory_space<vmem_shared>>) offsets(%dma_start3A_17 : memref<128xi32, #tpu.memory_space<vmem>>) semaphore(%run_scoped3A : memref<!tpu.dma_semaphore, #tpu.memory_space<semaphore_mem>>) {add = true}
        %dma_wait3A = arith.constant 0 : i32
        %dma_wait3A_21 = tpu.memref_slice %arg6[%scan3A_15, %dma_wait3A] : memref<80x128xi32, #tpu.memory_space<vmem>> -> memref<1x128xi32, #tpu.memory_space<vmem>>
        %dma_wait3A_22 = tpu.memref_squeeze %dma_wait3A_21 : memref<1x128xi32, #tpu.memory_space<vmem>> -> memref<128xi32, #tpu.memory_space<vmem>>
        %dma_wait3A_23 = arith.constant 0 : i32
        %dma_wait3A_24 = arith.constant 0 : i32
        %dma_wait3A_25 = tpu.memref_slice %arg8[%dma_wait3A_23, %dma_wait3A_24] : memref<10112x16xf32, #tpu.memory_space<vmem_shared>> -> memref<10112x16xf32, #tpu.memory_space<vmem_shared>>
        tpu.wait_indirect_dma semaphore(%run_scoped3A : memref<!tpu.dma_semaphore, #tpu.memory_space<semaphore_mem>>) src(%arg7 : memref<128x16xf32, #tpu.memory_space<vmem>>) dst(%dma_wait3A_25 : memref<10112x16xf32, #tpu.memory_space<vmem_shared>>)
        tpu.yield
      }) : () -> ()
    }
    %scan3A_9 = arith.constant 80 : i32
    %barrier3A_10 = arith.constant 0 : index
    tpu.barrier barrier_id(%barrier3A_10)
    %mul3A_11 = arith.constant 632 : i32
    %mul3A_12 = arith.muli %arg1, %mul3A_11 : i32
    %mul3A_13 = arith.constant 632 : i32
    %mul3A_14 = arith.muli %arg1, %mul3A_13 : i32
    "tpu.region"() ({
      %run_scoped3A = tpu.sem_alloc : memref<!tpu.dma_semaphore, #tpu.memory_space<semaphore_mem>>
      %dma_start3A = arith.constant 0 : i32
      %dma_start3A_15 = tpu.memref_slice %arg5[%arg0, %mul3A_14, %dma_start3A] : memref<2x10112x16xf32, #tpu.memory_space<hbm>> -> memref<1x632x16xf32, #tpu.memory_space<hbm>>
      %dma_start3A_16 = tpu.memref_squeeze %dma_start3A_15 : memref<1x632x16xf32, #tpu.memory_space<hbm>> -> memref<632x16xf32, #tpu.memory_space<hbm>>
      %dma_start3A_17 = arith.constant 0 : i32
      %dma_start3A_18 = tpu.memref_slice %arg8[%mul3A_12, %dma_start3A_17] : memref<10112x16xf32, #tpu.memory_space<vmem_shared>> -> memref<632x16xf32, #tpu.memory_space<vmem_shared>>
      tpu.enqueue_dma source(%dma_start3A_18 : memref<632x16xf32, #tpu.memory_space<vmem_shared>>) target(%dma_start3A_16 : memref<632x16xf32, #tpu.memory_space<hbm>>) target_semaphore(%run_scoped3A : memref<!tpu.dma_semaphore, #tpu.memory_space<semaphore_mem>>)
      %dma_wait3A = arith.constant 0 : i32
      %dma_wait3A_19 = tpu.memref_slice %arg5[%arg0, %mul3A_14, %dma_wait3A] : memref<2x10112x16xf32, #tpu.memory_space<hbm>> -> memref<1x632x16xf32, #tpu.memory_space<hbm>>
      %dma_wait3A_20 = tpu.memref_squeeze %dma_wait3A_19 : memref<1x632x16xf32, #tpu.memory_space<hbm>> -> memref<632x16xf32, #tpu.memory_space<hbm>>
      %dma_wait3A_21 = arith.constant 0 : i32
      %dma_wait3A_22 = tpu.memref_slice %arg8[%mul3A_12, %dma_wait3A_21] : memref<10112x16xf32, #tpu.memory_space<vmem_shared>> -> memref<632x16xf32, #tpu.memory_space<vmem_shared>>
      tpu.wait_dma2 semaphore(%run_scoped3A : memref<!tpu.dma_semaphore, #tpu.memory_space<semaphore_mem>>) src(%dma_wait3A_22 : memref<632x16xf32, #tpu.memory_space<vmem_shared>>) dst(%dma_wait3A_20 : memref<632x16xf32, #tpu.memory_space<hbm>>)
      tpu.yield
    }) : () -> ()
    return
  }
}

#map = affine_map<(d0, d1) -> (0, 0)>
#map1 = affine_map<(d0, d1) -> (0, 0, 0)>
module attributes {stable_mosaic.version = 14 : i64} {
  func.func @_agg_sc(%arg0: i32, %arg1: i32, %arg2: memref<10112x64xf32, #tpu.memory_space<hbm>>, %arg3: memref<32x80x128xi32, #tpu.memory_space<hbm>>, %arg4: memref<32x80x128xi32, #tpu.memory_space<hbm>>, %arg5: memref<10112x64xf32, #tpu.memory_space<hbm>>, %arg6: memref<2x10112x64xf32, #tpu.memory_space<hbm>>, %arg7: memref<80x128xi32, #tpu.memory_space<vmem>>, %arg8: memref<80x128xi32, #tpu.memory_space<vmem>>, %arg9: memref<3x128x64xf32, #tpu.memory_space<vmem>>, %arg10: memref<10112x64xf32, #tpu.memory_space<vmem_shared>>, %arg11: memref<10112x64xf32, #tpu.memory_space<vmem_shared>>, %arg12: memref<!tpu.dma_semaphore, #tpu.memory_space<semaphore_mem>>, %arg13: memref<!tpu.dma_semaphore, #tpu.memory_space<semaphore_mem>>, %arg14: memref<!tpu.dma_semaphore, #tpu.memory_space<semaphore_mem>>) attributes {dimension_semantics = [#tpu.dimension_semantics<core_parallel>, #tpu.dimension_semantics<subcore_parallel>], iteration_bounds = array<i64: 2, 16>, scalar_prefetch = 0 : i64, scratch_operands = 8 : i64, tpu.core_type = #tpu.core_type<sc_vector_subcore>, window_params = [{transform_indices = #map}, {transform_indices = #map1}, {transform_indices = #map1}, {transform_indices = #map}, {transform_indices = #map1}]} {
    %mul3A = arith.constant 16 : i32
    %mul3A_0 = arith.muli %arg0, %mul3A : i32
    %add3A = arith.addi %mul3A_0, %arg1 : i32
    %mul3A_1 = arith.constant 632 : i32
    %mul3A_2 = arith.muli %arg1, %mul3A_1 : i32
    %eq3A = arith.constant 0 : i32
    %eq3A_3 = arith.cmpi eq, %arg0, %eq3A : i32
    %convert_element_type3A = arith.extui %eq3A_3 : i1 to i32
    %cond3A = arith.constant 0 : i32
    %cond3A_4 = arith.cmpi ne, %convert_element_type3A, %cond3A : i32
    scf.if %cond3A_4 {
      "tpu.region"() ({
        %run_scoped3A_65 = tpu.sem_alloc : memref<!tpu.dma_semaphore, #tpu.memory_space<semaphore_mem>>
        %dma_start3A_66 = arith.constant 0 : i32
        %dma_start3A_67 = tpu.memref_slice %arg10[%mul3A_2, %dma_start3A_66] : memref<10112x64xf32, #tpu.memory_space<vmem_shared>> -> memref<632x64xf32, #tpu.memory_space<vmem_shared>>
        %dma_start3A_68 = arith.constant 0 : i32
        %dma_start3A_69 = tpu.memref_slice %arg2[%mul3A_2, %dma_start3A_68] : memref<10112x64xf32, #tpu.memory_space<hbm>> -> memref<632x64xf32, #tpu.memory_space<hbm>>
        tpu.enqueue_dma source(%dma_start3A_69 : memref<632x64xf32, #tpu.memory_space<hbm>>) target(%dma_start3A_67 : memref<632x64xf32, #tpu.memory_space<vmem_shared>>) target_semaphore(%run_scoped3A_65 : memref<!tpu.dma_semaphore, #tpu.memory_space<semaphore_mem>>)
        %dma_wait3A_70 = arith.constant 0 : i32
        %dma_wait3A_71 = tpu.memref_slice %arg10[%mul3A_2, %dma_wait3A_70] : memref<10112x64xf32, #tpu.memory_space<vmem_shared>> -> memref<632x64xf32, #tpu.memory_space<vmem_shared>>
        %dma_wait3A_72 = arith.constant 0 : i32
        %dma_wait3A_73 = tpu.memref_slice %arg2[%mul3A_2, %dma_wait3A_72] : memref<10112x64xf32, #tpu.memory_space<hbm>> -> memref<632x64xf32, #tpu.memory_space<hbm>>
        tpu.wait_dma2 semaphore(%run_scoped3A_65 : memref<!tpu.dma_semaphore, #tpu.memory_space<semaphore_mem>>) src(%dma_wait3A_73 : memref<632x64xf32, #tpu.memory_space<hbm>>) dst(%dma_wait3A_71 : memref<632x64xf32, #tpu.memory_space<vmem_shared>>)
        tpu.yield
      }) : () -> ()
    } else {
    }
    %eq3A_5 = arith.constant 1 : i32
    %eq3A_6 = arith.cmpi eq, %arg0, %eq3A_5 : i32
    %convert_element_type3A_7 = arith.extui %eq3A_6 : i1 to i32
    %cond3A_8 = arith.constant 0 : i32
    %cond3A_9 = arith.cmpi ne, %convert_element_type3A_7, %cond3A_8 : i32
    scf.if %cond3A_9 {
      "tpu.region"() ({
        %run_scoped3A_65 = tpu.sem_alloc : memref<!tpu.dma_semaphore, #tpu.memory_space<semaphore_mem>>
        %dma_start3A_66 = arith.constant 0 : i32
        %dma_start3A_67 = tpu.memref_slice %arg10[%mul3A_2, %dma_start3A_66] : memref<10112x64xf32, #tpu.memory_space<vmem_shared>> -> memref<632x64xf32, #tpu.memory_space<vmem_shared>>
        %dma_start3A_68 = arith.constant 0 : i32
        %dma_start3A_69 = tpu.memref_slice %arg5[%mul3A_2, %dma_start3A_68] : memref<10112x64xf32, #tpu.memory_space<hbm>> -> memref<632x64xf32, #tpu.memory_space<hbm>>
        tpu.enqueue_dma source(%dma_start3A_69 : memref<632x64xf32, #tpu.memory_space<hbm>>) target(%dma_start3A_67 : memref<632x64xf32, #tpu.memory_space<vmem_shared>>) target_semaphore(%run_scoped3A_65 : memref<!tpu.dma_semaphore, #tpu.memory_space<semaphore_mem>>)
        %dma_wait3A_70 = arith.constant 0 : i32
        %dma_wait3A_71 = tpu.memref_slice %arg10[%mul3A_2, %dma_wait3A_70] : memref<10112x64xf32, #tpu.memory_space<vmem_shared>> -> memref<632x64xf32, #tpu.memory_space<vmem_shared>>
        %dma_wait3A_72 = arith.constant 0 : i32
        %dma_wait3A_73 = tpu.memref_slice %arg5[%mul3A_2, %dma_wait3A_72] : memref<10112x64xf32, #tpu.memory_space<hbm>> -> memref<632x64xf32, #tpu.memory_space<hbm>>
        tpu.wait_dma2 semaphore(%run_scoped3A_65 : memref<!tpu.dma_semaphore, #tpu.memory_space<semaphore_mem>>) src(%dma_wait3A_73 : memref<632x64xf32, #tpu.memory_space<hbm>>) dst(%dma_wait3A_71 : memref<632x64xf32, #tpu.memory_space<vmem_shared>>)
        tpu.yield
      }) : () -> ()
    } else {
    }
    "tpu.region"() ({
      %run_scoped3A_65 = tpu.sem_alloc : memref<!tpu.dma_semaphore, #tpu.memory_space<semaphore_mem>>
      %dma_start3A_66 = arith.constant 0 : i32
      %dma_start3A_67 = tpu.memref_slice %arg11[%mul3A_2, %dma_start3A_66] : memref<10112x64xf32, #tpu.memory_space<vmem_shared>> -> memref<632x64xf32, #tpu.memory_space<vmem_shared>>
      %dma_start3A_68 = arith.constant 0 : i32
      %dma_start3A_69 = tpu.memref_slice %arg2[%mul3A_2, %dma_start3A_68] : memref<10112x64xf32, #tpu.memory_space<hbm>> -> memref<632x64xf32, #tpu.memory_space<hbm>>
      tpu.enqueue_dma source(%dma_start3A_69 : memref<632x64xf32, #tpu.memory_space<hbm>>) target(%dma_start3A_67 : memref<632x64xf32, #tpu.memory_space<vmem_shared>>) target_semaphore(%run_scoped3A_65 : memref<!tpu.dma_semaphore, #tpu.memory_space<semaphore_mem>>)
      %dma_wait3A_70 = arith.constant 0 : i32
      %dma_wait3A_71 = tpu.memref_slice %arg11[%mul3A_2, %dma_wait3A_70] : memref<10112x64xf32, #tpu.memory_space<vmem_shared>> -> memref<632x64xf32, #tpu.memory_space<vmem_shared>>
      %dma_wait3A_72 = arith.constant 0 : i32
      %dma_wait3A_73 = tpu.memref_slice %arg2[%mul3A_2, %dma_wait3A_72] : memref<10112x64xf32, #tpu.memory_space<hbm>> -> memref<632x64xf32, #tpu.memory_space<hbm>>
      tpu.wait_dma2 semaphore(%run_scoped3A_65 : memref<!tpu.dma_semaphore, #tpu.memory_space<semaphore_mem>>) src(%dma_wait3A_73 : memref<632x64xf32, #tpu.memory_space<hbm>>) dst(%dma_wait3A_71 : memref<632x64xf32, #tpu.memory_space<vmem_shared>>)
      tpu.yield
    }) : () -> ()
    "tpu.region"() ({
      %run_scoped3A_65 = tpu.sem_alloc : memref<!tpu.dma_semaphore, #tpu.memory_space<semaphore_mem>>
      %dma_start3A_66 = arith.constant 0 : i32
      %dma_start3A_67 = arith.constant 0 : i32
      %dma_start3A_68 = tpu.memref_slice %arg3[%add3A, %dma_start3A_66, %dma_start3A_67] : memref<32x80x128xi32, #tpu.memory_space<hbm>> -> memref<1x80x128xi32, #tpu.memory_space<hbm>>
      %dma_start3A_69 = tpu.memref_squeeze %dma_start3A_68 : memref<1x80x128xi32, #tpu.memory_space<hbm>> -> memref<80x128xi32, #tpu.memory_space<hbm>>
      %dma_start3A_70 = arith.constant 0 : i32
      %dma_start3A_71 = arith.constant 0 : i32
      %dma_start3A_72 = tpu.memref_slice %arg3[%add3A, %dma_start3A_70, %dma_start3A_71] : memref<32x80x128xi32, #tpu.memory_space<hbm>> -> memref<1x80x128xi32, #tpu.memory_space<hbm>>
      %dma_start3A_73 = tpu.memref_squeeze %dma_start3A_72 : memref<1x80x128xi32, #tpu.memory_space<hbm>> -> memref<80x128xi32, #tpu.memory_space<hbm>>
      tpu.enqueue_dma source(%dma_start3A_73 : memref<80x128xi32, #tpu.memory_space<hbm>>) target(%arg7 : memref<80x128xi32, #tpu.memory_space<vmem>>) target_semaphore(%run_scoped3A_65 : memref<!tpu.dma_semaphore, #tpu.memory_space<semaphore_mem>>)
      %dma_wait3A_74 = arith.constant 0 : i32
      %dma_wait3A_75 = arith.constant 0 : i32
      %dma_wait3A_76 = tpu.memref_slice %arg3[%add3A, %dma_wait3A_74, %dma_wait3A_75] : memref<32x80x128xi32, #tpu.memory_space<hbm>> -> memref<1x80x128xi32, #tpu.memory_space<hbm>>
      %dma_wait3A_77 = tpu.memref_squeeze %dma_wait3A_76 : memref<1x80x128xi32, #tpu.memory_space<hbm>> -> memref<80x128xi32, #tpu.memory_space<hbm>>
      %dma_wait3A_78 = arith.constant 0 : i32
      %dma_wait3A_79 = arith.constant 0 : i32
      %dma_wait3A_80 = tpu.memref_slice %arg3[%add3A, %dma_wait3A_78, %dma_wait3A_79] : memref<32x80x128xi32, #tpu.memory_space<hbm>> -> memref<1x80x128xi32, #tpu.memory_space<hbm>>
      %dma_wait3A_81 = tpu.memref_squeeze %dma_wait3A_80 : memref<1x80x128xi32, #tpu.memory_space<hbm>> -> memref<80x128xi32, #tpu.memory_space<hbm>>
      tpu.wait_dma2 semaphore(%run_scoped3A_65 : memref<!tpu.dma_semaphore, #tpu.memory_space<semaphore_mem>>) src(%dma_wait3A_81 : memref<80x128xi32, #tpu.memory_space<hbm>>) dst(%arg7 : memref<80x128xi32, #tpu.memory_space<vmem>>)
      tpu.yield
    }) : () -> ()
    "tpu.region"() ({
      %run_scoped3A_65 = tpu.sem_alloc : memref<!tpu.dma_semaphore, #tpu.memory_space<semaphore_mem>>
      %dma_start3A_66 = arith.constant 0 : i32
      %dma_start3A_67 = arith.constant 0 : i32
      %dma_start3A_68 = tpu.memref_slice %arg4[%add3A, %dma_start3A_66, %dma_start3A_67] : memref<32x80x128xi32, #tpu.memory_space<hbm>> -> memref<1x80x128xi32, #tpu.memory_space<hbm>>
      %dma_start3A_69 = tpu.memref_squeeze %dma_start3A_68 : memref<1x80x128xi32, #tpu.memory_space<hbm>> -> memref<80x128xi32, #tpu.memory_space<hbm>>
      %dma_start3A_70 = arith.constant 0 : i32
      %dma_start3A_71 = arith.constant 0 : i32
      %dma_start3A_72 = tpu.memref_slice %arg4[%add3A, %dma_start3A_70, %dma_start3A_71] : memref<32x80x128xi32, #tpu.memory_space<hbm>> -> memref<1x80x128xi32, #tpu.memory_space<hbm>>
      %dma_start3A_73 = tpu.memref_squeeze %dma_start3A_72 : memref<1x80x128xi32, #tpu.memory_space<hbm>> -> memref<80x128xi32, #tpu.memory_space<hbm>>
      tpu.enqueue_dma source(%dma_start3A_73 : memref<80x128xi32, #tpu.memory_space<hbm>>) target(%arg8 : memref<80x128xi32, #tpu.memory_space<vmem>>) target_semaphore(%run_scoped3A_65 : memref<!tpu.dma_semaphore, #tpu.memory_space<semaphore_mem>>)
      %dma_wait3A_74 = arith.constant 0 : i32
      %dma_wait3A_75 = arith.constant 0 : i32
      %dma_wait3A_76 = tpu.memref_slice %arg4[%add3A, %dma_wait3A_74, %dma_wait3A_75] : memref<32x80x128xi32, #tpu.memory_space<hbm>> -> memref<1x80x128xi32, #tpu.memory_space<hbm>>
      %dma_wait3A_77 = tpu.memref_squeeze %dma_wait3A_76 : memref<1x80x128xi32, #tpu.memory_space<hbm>> -> memref<80x128xi32, #tpu.memory_space<hbm>>
      %dma_wait3A_78 = arith.constant 0 : i32
      %dma_wait3A_79 = arith.constant 0 : i32
      %dma_wait3A_80 = tpu.memref_slice %arg4[%add3A, %dma_wait3A_78, %dma_wait3A_79] : memref<32x80x128xi32, #tpu.memory_space<hbm>> -> memref<1x80x128xi32, #tpu.memory_space<hbm>>
      %dma_wait3A_81 = tpu.memref_squeeze %dma_wait3A_80 : memref<1x80x128xi32, #tpu.memory_space<hbm>> -> memref<80x128xi32, #tpu.memory_space<hbm>>
      tpu.wait_dma2 semaphore(%run_scoped3A_65 : memref<!tpu.dma_semaphore, #tpu.memory_space<semaphore_mem>>) src(%dma_wait3A_81 : memref<80x128xi32, #tpu.memory_space<hbm>>) dst(%arg8 : memref<80x128xi32, #tpu.memory_space<vmem>>)
      tpu.yield
    }) : () -> ()
    %barrier3A = arith.constant 0 : index
    tpu.barrier barrier_id(%barrier3A)
    %dma_start3A = arith.constant 0 : i32
    %dma_start3A_10 = arith.constant 0 : i32
    %dma_start3A_11 = arith.constant 0 : i32
    %dma_start3A_12 = arith.constant 0 : i32
    %dma_start3A_13 = tpu.memref_slice %arg9[%dma_start3A_10, %dma_start3A_11, %dma_start3A_12] : memref<3x128x64xf32, #tpu.memory_space<vmem>> -> memref<1x128x64xf32, #tpu.memory_space<vmem>>
    %dma_start3A_14 = tpu.memref_squeeze %dma_start3A_13 : memref<1x128x64xf32, #tpu.memory_space<vmem>> -> memref<128x64xf32, #tpu.memory_space<vmem>>
    %dma_start3A_15 = arith.constant 0 : i32
    %dma_start3A_16 = tpu.memref_slice %arg7[%dma_start3A, %dma_start3A_15] : memref<80x128xi32, #tpu.memory_space<vmem>> -> memref<1x128xi32, #tpu.memory_space<vmem>>
    %dma_start3A_17 = tpu.memref_squeeze %dma_start3A_16 : memref<1x128xi32, #tpu.memory_space<vmem>> -> memref<128xi32, #tpu.memory_space<vmem>>
    %dma_start3A_18 = arith.constant 0 : i32
    %dma_start3A_19 = arith.constant 0 : i32
    %dma_start3A_20 = tpu.memref_slice %arg11[%dma_start3A_18, %dma_start3A_19] : memref<10112x64xf32, #tpu.memory_space<vmem_shared>> -> memref<10112x64xf32, #tpu.memory_space<vmem_shared>>
    tpu.enqueue_indirect_dma source(%dma_start3A_20 : memref<10112x64xf32, #tpu.memory_space<vmem_shared>>) target(%dma_start3A_14 : memref<128x64xf32, #tpu.memory_space<vmem>>) offsets(%dma_start3A_17 : memref<128xi32, #tpu.memory_space<vmem>>) semaphore(%arg12 : memref<!tpu.dma_semaphore, #tpu.memory_space<semaphore_mem>>)
    %dma_start3A_21 = arith.constant 1 : i32
    %dma_start3A_22 = arith.constant 1 : i32
    %dma_start3A_23 = arith.constant 0 : i32
    %dma_start3A_24 = arith.constant 0 : i32
    %dma_start3A_25 = tpu.memref_slice %arg9[%dma_start3A_22, %dma_start3A_23, %dma_start3A_24] : memref<3x128x64xf32, #tpu.memory_space<vmem>> -> memref<1x128x64xf32, #tpu.memory_space<vmem>>
    %dma_start3A_26 = tpu.memref_squeeze %dma_start3A_25 : memref<1x128x64xf32, #tpu.memory_space<vmem>> -> memref<128x64xf32, #tpu.memory_space<vmem>>
    %dma_start3A_27 = arith.constant 0 : i32
    %dma_start3A_28 = tpu.memref_slice %arg7[%dma_start3A_21, %dma_start3A_27] : memref<80x128xi32, #tpu.memory_space<vmem>> -> memref<1x128xi32, #tpu.memory_space<vmem>>
    %dma_start3A_29 = tpu.memref_squeeze %dma_start3A_28 : memref<1x128xi32, #tpu.memory_space<vmem>> -> memref<128xi32, #tpu.memory_space<vmem>>
    %dma_start3A_30 = arith.constant 0 : i32
    %dma_start3A_31 = arith.constant 0 : i32
    %dma_start3A_32 = tpu.memref_slice %arg11[%dma_start3A_30, %dma_start3A_31] : memref<10112x64xf32, #tpu.memory_space<vmem_shared>> -> memref<10112x64xf32, #tpu.memory_space<vmem_shared>>
    tpu.enqueue_indirect_dma source(%dma_start3A_32 : memref<10112x64xf32, #tpu.memory_space<vmem_shared>>) target(%dma_start3A_26 : memref<128x64xf32, #tpu.memory_space<vmem>>) offsets(%dma_start3A_29 : memref<128xi32, #tpu.memory_space<vmem>>) semaphore(%arg13 : memref<!tpu.dma_semaphore, #tpu.memory_space<semaphore_mem>>)
    %scan3A = arith.constant 0 : i32
    %scan3A_33 = arith.constant 0 : i32
    %scan3A_34 = arith.constant 26 : i32
    %scan3A_35 = arith.addi %scan3A_33, %scan3A_34 : i32
    %scan3A_36 = arith.constant 1 : i32
    scf.for %scan3A_65 = %scan3A_33 to %scan3A_35 step %scan3A_36  : i32 {
      %mul3A_66 = arith.constant 3 : i32
      %mul3A_67 = arith.muli %scan3A_65, %mul3A_66 : i32
      %add3A_68 = arith.constant 0 : i32
      %add3A_69 = arith.addi %mul3A_67, %add3A_68 : i32
      %dma_wait3A_70 = arith.constant 0 : i32
      %dma_wait3A_71 = arith.constant 0 : i32
      %dma_wait3A_72 = arith.constant 0 : i32
      %dma_wait3A_73 = tpu.memref_slice %arg9[%dma_wait3A_70, %dma_wait3A_71, %dma_wait3A_72] : memref<3x128x64xf32, #tpu.memory_space<vmem>> -> memref<1x128x64xf32, #tpu.memory_space<vmem>>
      %dma_wait3A_74 = tpu.memref_squeeze %dma_wait3A_73 : memref<1x128x64xf32, #tpu.memory_space<vmem>> -> memref<128x64xf32, #tpu.memory_space<vmem>>
      %dma_wait3A_75 = arith.constant 0 : i32
      %dma_wait3A_76 = tpu.memref_slice %arg7[%add3A_69, %dma_wait3A_75] : memref<80x128xi32, #tpu.memory_space<vmem>> -> memref<1x128xi32, #tpu.memory_space<vmem>>
      %dma_wait3A_77 = tpu.memref_squeeze %dma_wait3A_76 : memref<1x128xi32, #tpu.memory_space<vmem>> -> memref<128xi32, #tpu.memory_space<vmem>>
      %dma_wait3A_78 = arith.constant 0 : i32
      %dma_wait3A_79 = arith.constant 0 : i32
      %dma_wait3A_80 = tpu.memref_slice %arg11[%dma_wait3A_78, %dma_wait3A_79] : memref<10112x64xf32, #tpu.memory_space<vmem_shared>> -> memref<10112x64xf32, #tpu.memory_space<vmem_shared>>
      tpu.wait_indirect_dma semaphore(%arg12 : memref<!tpu.dma_semaphore, #tpu.memory_space<semaphore_mem>>) src(%dma_wait3A_80 : memref<10112x64xf32, #tpu.memory_space<vmem_shared>>) dst(%dma_wait3A_74 : memref<128x64xf32, #tpu.memory_space<vmem>>)
      %add3A_81 = arith.constant 2 : i32
      %add3A_82 = arith.addi %add3A_69, %add3A_81 : i32
      %lt3A = arith.constant 80 : i32
      %lt3A_83 = arith.cmpi slt, %add3A_82, %lt3A : i32
      %convert_element_type3A_84 = arith.extui %lt3A_83 : i1 to i32
      %cond3A_85 = arith.constant 0 : i32
      %cond3A_86 = arith.cmpi ne, %convert_element_type3A_84, %cond3A_85 : i32
      scf.if %cond3A_86 {
        %add3A_134 = arith.constant 2 : i32
        %add3A_135 = arith.addi %add3A_69, %add3A_134 : i32
        %dma_start3A_136 = arith.constant 2 : i32
        %dma_start3A_137 = arith.constant 0 : i32
        %dma_start3A_138 = arith.constant 0 : i32
        %dma_start3A_139 = tpu.memref_slice %arg9[%dma_start3A_136, %dma_start3A_137, %dma_start3A_138] : memref<3x128x64xf32, #tpu.memory_space<vmem>> -> memref<1x128x64xf32, #tpu.memory_space<vmem>>
        %dma_start3A_140 = tpu.memref_squeeze %dma_start3A_139 : memref<1x128x64xf32, #tpu.memory_space<vmem>> -> memref<128x64xf32, #tpu.memory_space<vmem>>
        %dma_start3A_141 = arith.constant 0 : i32
        %dma_start3A_142 = tpu.memref_slice %arg7[%add3A_135, %dma_start3A_141] : memref<80x128xi32, #tpu.memory_space<vmem>> -> memref<1x128xi32, #tpu.memory_space<vmem>>
        %dma_start3A_143 = tpu.memref_squeeze %dma_start3A_142 : memref<1x128xi32, #tpu.memory_space<vmem>> -> memref<128xi32, #tpu.memory_space<vmem>>
        %dma_start3A_144 = arith.constant 0 : i32
        %dma_start3A_145 = arith.constant 0 : i32
        %dma_start3A_146 = tpu.memref_slice %arg11[%dma_start3A_144, %dma_start3A_145] : memref<10112x64xf32, #tpu.memory_space<vmem_shared>> -> memref<10112x64xf32, #tpu.memory_space<vmem_shared>>
        tpu.enqueue_indirect_dma source(%dma_start3A_146 : memref<10112x64xf32, #tpu.memory_space<vmem_shared>>) target(%dma_start3A_140 : memref<128x64xf32, #tpu.memory_space<vmem>>) offsets(%dma_start3A_143 : memref<128xi32, #tpu.memory_space<vmem>>) semaphore(%arg14 : memref<!tpu.dma_semaphore, #tpu.memory_space<semaphore_mem>>)
      } else {
      }
      %run_scoped3A_87 = arith.constant 0 : i32
      "tpu.region"() ({
        %run_scoped3A_134 = tpu.sem_alloc : memref<!tpu.dma_semaphore, #tpu.memory_space<semaphore_mem>>
        %dma_start3A_135 = arith.constant 0 : i32
        %dma_start3A_136 = arith.constant 0 : i32
        %dma_start3A_137 = tpu.memref_slice %arg9[%run_scoped3A_87, %dma_start3A_135, %dma_start3A_136] : memref<3x128x64xf32, #tpu.memory_space<vmem>> -> memref<1x128x64xf32, #tpu.memory_space<vmem>>
        %dma_start3A_138 = tpu.memref_squeeze %dma_start3A_137 : memref<1x128x64xf32, #tpu.memory_space<vmem>> -> memref<128x64xf32, #tpu.memory_space<vmem>>
        %dma_start3A_139 = arith.constant 0 : i32
        %dma_start3A_140 = tpu.memref_slice %arg8[%add3A_69, %dma_start3A_139] : memref<80x128xi32, #tpu.memory_space<vmem>> -> memref<1x128xi32, #tpu.memory_space<vmem>>
        %dma_start3A_141 = tpu.memref_squeeze %dma_start3A_140 : memref<1x128xi32, #tpu.memory_space<vmem>> -> memref<128xi32, #tpu.memory_space<vmem>>
        %dma_start3A_142 = arith.constant 0 : i32
        %dma_start3A_143 = arith.constant 0 : i32
        %dma_start3A_144 = tpu.memref_slice %arg10[%dma_start3A_142, %dma_start3A_143] : memref<10112x64xf32, #tpu.memory_space<vmem_shared>> -> memref<10112x64xf32, #tpu.memory_space<vmem_shared>>
        tpu.enqueue_indirect_dma source(%dma_start3A_138 : memref<128x64xf32, #tpu.memory_space<vmem>>) target(%dma_start3A_144 : memref<10112x64xf32, #tpu.memory_space<vmem_shared>>) offsets(%dma_start3A_141 : memref<128xi32, #tpu.memory_space<vmem>>) semaphore(%run_scoped3A_134 : memref<!tpu.dma_semaphore, #tpu.memory_space<semaphore_mem>>) {add = true}
        %dma_wait3A_145 = arith.constant 0 : i32
        %dma_wait3A_146 = arith.constant 0 : i32
        %dma_wait3A_147 = tpu.memref_slice %arg9[%run_scoped3A_87, %dma_wait3A_145, %dma_wait3A_146] : memref<3x128x64xf32, #tpu.memory_space<vmem>> -> memref<1x128x64xf32, #tpu.memory_space<vmem>>
        %dma_wait3A_148 = tpu.memref_squeeze %dma_wait3A_147 : memref<1x128x64xf32, #tpu.memory_space<vmem>> -> memref<128x64xf32, #tpu.memory_space<vmem>>
        %dma_wait3A_149 = arith.constant 0 : i32
        %dma_wait3A_150 = tpu.memref_slice %arg8[%add3A_69, %dma_wait3A_149] : memref<80x128xi32, #tpu.memory_space<vmem>> -> memref<1x128xi32, #tpu.memory_space<vmem>>
        %dma_wait3A_151 = tpu.memref_squeeze %dma_wait3A_150 : memref<1x128xi32, #tpu.memory_space<vmem>> -> memref<128xi32, #tpu.memory_space<vmem>>
        %dma_wait3A_152 = arith.constant 0 : i32
        %dma_wait3A_153 = arith.constant 0 : i32
        %dma_wait3A_154 = tpu.memref_slice %arg10[%dma_wait3A_152, %dma_wait3A_153] : memref<10112x64xf32, #tpu.memory_space<vmem_shared>> -> memref<10112x64xf32, #tpu.memory_space<vmem_shared>>
        tpu.wait_indirect_dma semaphore(%run_scoped3A_134 : memref<!tpu.dma_semaphore, #tpu.memory_space<semaphore_mem>>) src(%dma_wait3A_148 : memref<128x64xf32, #tpu.memory_space<vmem>>) dst(%dma_wait3A_154 : memref<10112x64xf32, #tpu.memory_space<vmem_shared>>)
        tpu.yield
      }) : () -> ()
      %mul3A_88 = arith.constant 3 : i32
      %mul3A_89 = arith.muli %scan3A_65, %mul3A_88 : i32
      %add3A_90 = arith.constant 1 : i32
      %add3A_91 = arith.addi %mul3A_89, %add3A_90 : i32
      %dma_wait3A_92 = arith.constant 1 : i32
      %dma_wait3A_93 = arith.constant 0 : i32
      %dma_wait3A_94 = arith.constant 0 : i32
      %dma_wait3A_95 = tpu.memref_slice %arg9[%dma_wait3A_92, %dma_wait3A_93, %dma_wait3A_94] : memref<3x128x64xf32, #tpu.memory_space<vmem>> -> memref<1x128x64xf32, #tpu.memory_space<vmem>>
      %dma_wait3A_96 = tpu.memref_squeeze %dma_wait3A_95 : memref<1x128x64xf32, #tpu.memory_space<vmem>> -> memref<128x64xf32, #tpu.memory_space<vmem>>
      %dma_wait3A_97 = arith.constant 0 : i32
      %dma_wait3A_98 = tpu.memref_slice %arg7[%add3A_91, %dma_wait3A_97] : memref<80x128xi32, #tpu.memory_space<vmem>> -> memref<1x128xi32, #tpu.memory_space<vmem>>
      %dma_wait3A_99 = tpu.memref_squeeze %dma_wait3A_98 : memref<1x128xi32, #tpu.memory_space<vmem>> -> memref<128xi32, #tpu.memory_space<vmem>>
      %dma_wait3A_100 = arith.constant 0 : i32
      %dma_wait3A_101 = arith.constant 0 : i32
      %dma_wait3A_102 = tpu.memref_slice %arg11[%dma_wait3A_100, %dma_wait3A_101] : memref<10112x64xf32, #tpu.memory_space<vmem_shared>> -> memref<10112x64xf32, #tpu.memory_space<vmem_shared>>
      tpu.wait_indirect_dma semaphore(%arg13 : memref<!tpu.dma_semaphore, #tpu.memory_space<semaphore_mem>>) src(%dma_wait3A_102 : memref<10112x64xf32, #tpu.memory_space<vmem_shared>>) dst(%dma_wait3A_96 : memref<128x64xf32, #tpu.memory_space<vmem>>)
      %add3A_103 = arith.constant 2 : i32
      %add3A_104 = arith.addi %add3A_91, %add3A_103 : i32
      %lt3A_105 = arith.constant 80 : i32
      %lt3A_106 = arith.cmpi slt, %add3A_104, %lt3A_105 : i32
      %convert_element_type3A_107 = arith.extui %lt3A_106 : i1 to i32
      %cond3A_108 = arith.constant 0 : i32
      %cond3A_109 = arith.cmpi ne, %convert_element_type3A_107, %cond3A_108 : i32
      scf.if %cond3A_109 {
        %add3A_134 = arith.constant 2 : i32
        %add3A_135 = arith.addi %add3A_91, %add3A_134 : i32
        %dma_start3A_136 = arith.constant 0 : i32
        %dma_start3A_137 = arith.constant 0 : i32
        %dma_start3A_138 = arith.constant 0 : i32
        %dma_start3A_139 = tpu.memref_slice %arg9[%dma_start3A_136, %dma_start3A_137, %dma_start3A_138] : memref<3x128x64xf32, #tpu.memory_space<vmem>> -> memref<1x128x64xf32, #tpu.memory_space<vmem>>
        %dma_start3A_140 = tpu.memref_squeeze %dma_start3A_139 : memref<1x128x64xf32, #tpu.memory_space<vmem>> -> memref<128x64xf32, #tpu.memory_space<vmem>>
        %dma_start3A_141 = arith.constant 0 : i32
        %dma_start3A_142 = tpu.memref_slice %arg7[%add3A_135, %dma_start3A_141] : memref<80x128xi32, #tpu.memory_space<vmem>> -> memref<1x128xi32, #tpu.memory_space<vmem>>
        %dma_start3A_143 = tpu.memref_squeeze %dma_start3A_142 : memref<1x128xi32, #tpu.memory_space<vmem>> -> memref<128xi32, #tpu.memory_space<vmem>>
        %dma_start3A_144 = arith.constant 0 : i32
        %dma_start3A_145 = arith.constant 0 : i32
        %dma_start3A_146 = tpu.memref_slice %arg11[%dma_start3A_144, %dma_start3A_145] : memref<10112x64xf32, #tpu.memory_space<vmem_shared>> -> memref<10112x64xf32, #tpu.memory_space<vmem_shared>>
        tpu.enqueue_indirect_dma source(%dma_start3A_146 : memref<10112x64xf32, #tpu.memory_space<vmem_shared>>) target(%dma_start3A_140 : memref<128x64xf32, #tpu.memory_space<vmem>>) offsets(%dma_start3A_143 : memref<128xi32, #tpu.memory_space<vmem>>) semaphore(%arg12 : memref<!tpu.dma_semaphore, #tpu.memory_space<semaphore_mem>>)
      } else {
      }
      %run_scoped3A_110 = arith.constant 1 : i32
      "tpu.region"() ({
        %run_scoped3A_134 = tpu.sem_alloc : memref<!tpu.dma_semaphore, #tpu.memory_space<semaphore_mem>>
        %dma_start3A_135 = arith.constant 0 : i32
        %dma_start3A_136 = arith.constant 0 : i32
        %dma_start3A_137 = tpu.memref_slice %arg9[%run_scoped3A_110, %dma_start3A_135, %dma_start3A_136] : memref<3x128x64xf32, #tpu.memory_space<vmem>> -> memref<1x128x64xf32, #tpu.memory_space<vmem>>
        %dma_start3A_138 = tpu.memref_squeeze %dma_start3A_137 : memref<1x128x64xf32, #tpu.memory_space<vmem>> -> memref<128x64xf32, #tpu.memory_space<vmem>>
        %dma_start3A_139 = arith.constant 0 : i32
        %dma_start3A_140 = tpu.memref_slice %arg8[%add3A_91, %dma_start3A_139] : memref<80x128xi32, #tpu.memory_space<vmem>> -> memref<1x128xi32, #tpu.memory_space<vmem>>
        %dma_start3A_141 = tpu.memref_squeeze %dma_start3A_140 : memref<1x128xi32, #tpu.memory_space<vmem>> -> memref<128xi32, #tpu.memory_space<vmem>>
        %dma_start3A_142 = arith.constant 0 : i32
        %dma_start3A_143 = arith.constant 0 : i32
        %dma_start3A_144 = tpu.memref_slice %arg10[%dma_start3A_142, %dma_start3A_143] : memref<10112x64xf32, #tpu.memory_space<vmem_shared>> -> memref<10112x64xf32, #tpu.memory_space<vmem_shared>>
        tpu.enqueue_indirect_dma source(%dma_start3A_138 : memref<128x64xf32, #tpu.memory_space<vmem>>) target(%dma_start3A_144 : memref<10112x64xf32, #tpu.memory_space<vmem_shared>>) offsets(%dma_start3A_141 : memref<128xi32, #tpu.memory_space<vmem>>) semaphore(%run_scoped3A_134 : memref<!tpu.dma_semaphore, #tpu.memory_space<semaphore_mem>>) {add = true}
        %dma_wait3A_145 = arith.constant 0 : i32
        %dma_wait3A_146 = arith.constant 0 : i32
        %dma_wait3A_147 = tpu.memref_slice %arg9[%run_scoped3A_110, %dma_wait3A_145, %dma_wait3A_146] : memref<3x128x64xf32, #tpu.memory_space<vmem>> -> memref<1x128x64xf32, #tpu.memory_space<vmem>>
        %dma_wait3A_148 = tpu.memref_squeeze %dma_wait3A_147 : memref<1x128x64xf32, #tpu.memory_space<vmem>> -> memref<128x64xf32, #tpu.memory_space<vmem>>
        %dma_wait3A_149 = arith.constant 0 : i32
        %dma_wait3A_150 = tpu.memref_slice %arg8[%add3A_91, %dma_wait3A_149] : memref<80x128xi32, #tpu.memory_space<vmem>> -> memref<1x128xi32, #tpu.memory_space<vmem>>
        %dma_wait3A_151 = tpu.memref_squeeze %dma_wait3A_150 : memref<1x128xi32, #tpu.memory_space<vmem>> -> memref<128xi32, #tpu.memory_space<vmem>>
        %dma_wait3A_152 = arith.constant 0 : i32
        %dma_wait3A_153 = arith.constant 0 : i32
        %dma_wait3A_154 = tpu.memref_slice %arg10[%dma_wait3A_152, %dma_wait3A_153] : memref<10112x64xf32, #tpu.memory_space<vmem_shared>> -> memref<10112x64xf32, #tpu.memory_space<vmem_shared>>
        tpu.wait_indirect_dma semaphore(%run_scoped3A_134 : memref<!tpu.dma_semaphore, #tpu.memory_space<semaphore_mem>>) src(%dma_wait3A_148 : memref<128x64xf32, #tpu.memory_space<vmem>>) dst(%dma_wait3A_154 : memref<10112x64xf32, #tpu.memory_space<vmem_shared>>)
        tpu.yield
      }) : () -> ()
      %mul3A_111 = arith.constant 3 : i32
      %mul3A_112 = arith.muli %scan3A_65, %mul3A_111 : i32
      %add3A_113 = arith.constant 2 : i32
      %add3A_114 = arith.addi %mul3A_112, %add3A_113 : i32
      %dma_wait3A_115 = arith.constant 2 : i32
      %dma_wait3A_116 = arith.constant 0 : i32
      %dma_wait3A_117 = arith.constant 0 : i32
      %dma_wait3A_118 = tpu.memref_slice %arg9[%dma_wait3A_115, %dma_wait3A_116, %dma_wait3A_117] : memref<3x128x64xf32, #tpu.memory_space<vmem>> -> memref<1x128x64xf32, #tpu.memory_space<vmem>>
      %dma_wait3A_119 = tpu.memref_squeeze %dma_wait3A_118 : memref<1x128x64xf32, #tpu.memory_space<vmem>> -> memref<128x64xf32, #tpu.memory_space<vmem>>
      %dma_wait3A_120 = arith.constant 0 : i32
      %dma_wait3A_121 = tpu.memref_slice %arg7[%add3A_114, %dma_wait3A_120] : memref<80x128xi32, #tpu.memory_space<vmem>> -> memref<1x128xi32, #tpu.memory_space<vmem>>
      %dma_wait3A_122 = tpu.memref_squeeze %dma_wait3A_121 : memref<1x128xi32, #tpu.memory_space<vmem>> -> memref<128xi32, #tpu.memory_space<vmem>>
      %dma_wait3A_123 = arith.constant 0 : i32
      %dma_wait3A_124 = arith.constant 0 : i32
      %dma_wait3A_125 = tpu.memref_slice %arg11[%dma_wait3A_123, %dma_wait3A_124] : memref<10112x64xf32, #tpu.memory_space<vmem_shared>> -> memref<10112x64xf32, #tpu.memory_space<vmem_shared>>
      tpu.wait_indirect_dma semaphore(%arg14 : memref<!tpu.dma_semaphore, #tpu.memory_space<semaphore_mem>>) src(%dma_wait3A_125 : memref<10112x64xf32, #tpu.memory_space<vmem_shared>>) dst(%dma_wait3A_119 : memref<128x64xf32, #tpu.memory_space<vmem>>)
      %add3A_126 = arith.constant 2 : i32
      %add3A_127 = arith.addi %add3A_114, %add3A_126 : i32
      %lt3A_128 = arith.constant 80 : i32
      %lt3A_129 = arith.cmpi slt, %add3A_127, %lt3A_128 : i32
      %convert_element_type3A_130 = arith.extui %lt3A_129 : i1 to i32
      %cond3A_131 = arith.constant 0 : i32
      %cond3A_132 = arith.cmpi ne, %convert_element_type3A_130, %cond3A_131 : i32
      scf.if %cond3A_132 {
        %add3A_134 = arith.constant 2 : i32
        %add3A_135 = arith.addi %add3A_114, %add3A_134 : i32
        %dma_start3A_136 = arith.constant 1 : i32
        %dma_start3A_137 = arith.constant 0 : i32
        %dma_start3A_138 = arith.constant 0 : i32
        %dma_start3A_139 = tpu.memref_slice %arg9[%dma_start3A_136, %dma_start3A_137, %dma_start3A_138] : memref<3x128x64xf32, #tpu.memory_space<vmem>> -> memref<1x128x64xf32, #tpu.memory_space<vmem>>
        %dma_start3A_140 = tpu.memref_squeeze %dma_start3A_139 : memref<1x128x64xf32, #tpu.memory_space<vmem>> -> memref<128x64xf32, #tpu.memory_space<vmem>>
        %dma_start3A_141 = arith.constant 0 : i32
        %dma_start3A_142 = tpu.memref_slice %arg7[%add3A_135, %dma_start3A_141] : memref<80x128xi32, #tpu.memory_space<vmem>> -> memref<1x128xi32, #tpu.memory_space<vmem>>
        %dma_start3A_143 = tpu.memref_squeeze %dma_start3A_142 : memref<1x128xi32, #tpu.memory_space<vmem>> -> memref<128xi32, #tpu.memory_space<vmem>>
        %dma_start3A_144 = arith.constant 0 : i32
        %dma_start3A_145 = arith.constant 0 : i32
        %dma_start3A_146 = tpu.memref_slice %arg11[%dma_start3A_144, %dma_start3A_145] : memref<10112x64xf32, #tpu.memory_space<vmem_shared>> -> memref<10112x64xf32, #tpu.memory_space<vmem_shared>>
        tpu.enqueue_indirect_dma source(%dma_start3A_146 : memref<10112x64xf32, #tpu.memory_space<vmem_shared>>) target(%dma_start3A_140 : memref<128x64xf32, #tpu.memory_space<vmem>>) offsets(%dma_start3A_143 : memref<128xi32, #tpu.memory_space<vmem>>) semaphore(%arg13 : memref<!tpu.dma_semaphore, #tpu.memory_space<semaphore_mem>>)
      } else {
      }
      %run_scoped3A_133 = arith.constant 2 : i32
      "tpu.region"() ({
        %run_scoped3A_134 = tpu.sem_alloc : memref<!tpu.dma_semaphore, #tpu.memory_space<semaphore_mem>>
        %dma_start3A_135 = arith.constant 0 : i32
        %dma_start3A_136 = arith.constant 0 : i32
        %dma_start3A_137 = tpu.memref_slice %arg9[%run_scoped3A_133, %dma_start3A_135, %dma_start3A_136] : memref<3x128x64xf32, #tpu.memory_space<vmem>> -> memref<1x128x64xf32, #tpu.memory_space<vmem>>
        %dma_start3A_138 = tpu.memref_squeeze %dma_start3A_137 : memref<1x128x64xf32, #tpu.memory_space<vmem>> -> memref<128x64xf32, #tpu.memory_space<vmem>>
        %dma_start3A_139 = arith.constant 0 : i32
        %dma_start3A_140 = tpu.memref_slice %arg8[%add3A_114, %dma_start3A_139] : memref<80x128xi32, #tpu.memory_space<vmem>> -> memref<1x128xi32, #tpu.memory_space<vmem>>
        %dma_start3A_141 = tpu.memref_squeeze %dma_start3A_140 : memref<1x128xi32, #tpu.memory_space<vmem>> -> memref<128xi32, #tpu.memory_space<vmem>>
        %dma_start3A_142 = arith.constant 0 : i32
        %dma_start3A_143 = arith.constant 0 : i32
        %dma_start3A_144 = tpu.memref_slice %arg10[%dma_start3A_142, %dma_start3A_143] : memref<10112x64xf32, #tpu.memory_space<vmem_shared>> -> memref<10112x64xf32, #tpu.memory_space<vmem_shared>>
        tpu.enqueue_indirect_dma source(%dma_start3A_138 : memref<128x64xf32, #tpu.memory_space<vmem>>) target(%dma_start3A_144 : memref<10112x64xf32, #tpu.memory_space<vmem_shared>>) offsets(%dma_start3A_141 : memref<128xi32, #tpu.memory_space<vmem>>) semaphore(%run_scoped3A_134 : memref<!tpu.dma_semaphore, #tpu.memory_space<semaphore_mem>>) {add = true}
        %dma_wait3A_145 = arith.constant 0 : i32
        %dma_wait3A_146 = arith.constant 0 : i32
        %dma_wait3A_147 = tpu.memref_slice %arg9[%run_scoped3A_133, %dma_wait3A_145, %dma_wait3A_146] : memref<3x128x64xf32, #tpu.memory_space<vmem>> -> memref<1x128x64xf32, #tpu.memory_space<vmem>>
        %dma_wait3A_148 = tpu.memref_squeeze %dma_wait3A_147 : memref<1x128x64xf32, #tpu.memory_space<vmem>> -> memref<128x64xf32, #tpu.memory_space<vmem>>
        %dma_wait3A_149 = arith.constant 0 : i32
        %dma_wait3A_150 = tpu.memref_slice %arg8[%add3A_114, %dma_wait3A_149] : memref<80x128xi32, #tpu.memory_space<vmem>> -> memref<1x128xi32, #tpu.memory_space<vmem>>
        %dma_wait3A_151 = tpu.memref_squeeze %dma_wait3A_150 : memref<1x128xi32, #tpu.memory_space<vmem>> -> memref<128xi32, #tpu.memory_space<vmem>>
        %dma_wait3A_152 = arith.constant 0 : i32
        %dma_wait3A_153 = arith.constant 0 : i32
        %dma_wait3A_154 = tpu.memref_slice %arg10[%dma_wait3A_152, %dma_wait3A_153] : memref<10112x64xf32, #tpu.memory_space<vmem_shared>> -> memref<10112x64xf32, #tpu.memory_space<vmem_shared>>
        tpu.wait_indirect_dma semaphore(%run_scoped3A_134 : memref<!tpu.dma_semaphore, #tpu.memory_space<semaphore_mem>>) src(%dma_wait3A_148 : memref<128x64xf32, #tpu.memory_space<vmem>>) dst(%dma_wait3A_154 : memref<10112x64xf32, #tpu.memory_space<vmem_shared>>)
        tpu.yield
      }) : () -> ()
    }
    %scan3A_37 = arith.constant 26 : i32
    %dma_wait3A = arith.constant 78 : i32
    %dma_wait3A_38 = arith.constant 0 : i32
    %dma_wait3A_39 = arith.constant 0 : i32
    %dma_wait3A_40 = arith.constant 0 : i32
    %dma_wait3A_41 = tpu.memref_slice %arg9[%dma_wait3A_38, %dma_wait3A_39, %dma_wait3A_40] : memref<3x128x64xf32, #tpu.memory_space<vmem>> -> memref<1x128x64xf32, #tpu.memory_space<vmem>>
    %dma_wait3A_42 = tpu.memref_squeeze %dma_wait3A_41 : memref<1x128x64xf32, #tpu.memory_space<vmem>> -> memref<128x64xf32, #tpu.memory_space<vmem>>
    %dma_wait3A_43 = arith.constant 0 : i32
    %dma_wait3A_44 = tpu.memref_slice %arg7[%dma_wait3A, %dma_wait3A_43] : memref<80x128xi32, #tpu.memory_space<vmem>> -> memref<1x128xi32, #tpu.memory_space<vmem>>
    %dma_wait3A_45 = tpu.memref_squeeze %dma_wait3A_44 : memref<1x128xi32, #tpu.memory_space<vmem>> -> memref<128xi32, #tpu.memory_space<vmem>>
    %dma_wait3A_46 = arith.constant 0 : i32
    %dma_wait3A_47 = arith.constant 0 : i32
    %dma_wait3A_48 = tpu.memref_slice %arg11[%dma_wait3A_46, %dma_wait3A_47] : memref<10112x64xf32, #tpu.memory_space<vmem_shared>> -> memref<10112x64xf32, #tpu.memory_space<vmem_shared>>
    tpu.wait_indirect_dma semaphore(%arg12 : memref<!tpu.dma_semaphore, #tpu.memory_space<semaphore_mem>>) src(%dma_wait3A_48 : memref<10112x64xf32, #tpu.memory_space<vmem_shared>>) dst(%dma_wait3A_42 : memref<128x64xf32, #tpu.memory_space<vmem>>)
    %run_scoped3A = arith.constant 0 : i32
    %run_scoped3A_49 = arith.constant 78 : i32
    "tpu.region"() ({
      %run_scoped3A_65 = tpu.sem_alloc : memref<!tpu.dma_semaphore, #tpu.memory_space<semaphore_mem>>
      %dma_start3A_66 = arith.constant 0 : i32
      %dma_start3A_67 = arith.constant 0 : i32
      %dma_start3A_68 = tpu.memref_slice %arg9[%run_scoped3A, %dma_start3A_66, %dma_start3A_67] : memref<3x128x64xf32, #tpu.memory_space<vmem>> -> memref<1x128x64xf32, #tpu.memory_space<vmem>>
      %dma_start3A_69 = tpu.memref_squeeze %dma_start3A_68 : memref<1x128x64xf32, #tpu.memory_space<vmem>> -> memref<128x64xf32, #tpu.memory_space<vmem>>
      %dma_start3A_70 = arith.constant 0 : i32
      %dma_start3A_71 = tpu.memref_slice %arg8[%run_scoped3A_49, %dma_start3A_70] : memref<80x128xi32, #tpu.memory_space<vmem>> -> memref<1x128xi32, #tpu.memory_space<vmem>>
      %dma_start3A_72 = tpu.memref_squeeze %dma_start3A_71 : memref<1x128xi32, #tpu.memory_space<vmem>> -> memref<128xi32, #tpu.memory_space<vmem>>
      %dma_start3A_73 = arith.constant 0 : i32
      %dma_start3A_74 = arith.constant 0 : i32
      %dma_start3A_75 = tpu.memref_slice %arg10[%dma_start3A_73, %dma_start3A_74] : memref<10112x64xf32, #tpu.memory_space<vmem_shared>> -> memref<10112x64xf32, #tpu.memory_space<vmem_shared>>
      tpu.enqueue_indirect_dma source(%dma_start3A_69 : memref<128x64xf32, #tpu.memory_space<vmem>>) target(%dma_start3A_75 : memref<10112x64xf32, #tpu.memory_space<vmem_shared>>) offsets(%dma_start3A_72 : memref<128xi32, #tpu.memory_space<vmem>>) semaphore(%run_scoped3A_65 : memref<!tpu.dma_semaphore, #tpu.memory_space<semaphore_mem>>) {add = true}
      %dma_wait3A_76 = arith.constant 0 : i32
      %dma_wait3A_77 = arith.constant 0 : i32
      %dma_wait3A_78 = tpu.memref_slice %arg9[%run_scoped3A, %dma_wait3A_76, %dma_wait3A_77] : memref<3x128x64xf32, #tpu.memory_space<vmem>> -> memref<1x128x64xf32, #tpu.memory_space<vmem>>
      %dma_wait3A_79 = tpu.memref_squeeze %dma_wait3A_78 : memref<1x128x64xf32, #tpu.memory_space<vmem>> -> memref<128x64xf32, #tpu.memory_space<vmem>>
      %dma_wait3A_80 = arith.constant 0 : i32
      %dma_wait3A_81 = tpu.memref_slice %arg8[%run_scoped3A_49, %dma_wait3A_80] : memref<80x128xi32, #tpu.memory_space<vmem>> -> memref<1x128xi32, #tpu.memory_space<vmem>>
      %dma_wait3A_82 = tpu.memref_squeeze %dma_wait3A_81 : memref<1x128xi32, #tpu.memory_space<vmem>> -> memref<128xi32, #tpu.memory_space<vmem>>
      %dma_wait3A_83 = arith.constant 0 : i32
      %dma_wait3A_84 = arith.constant 0 : i32
      %dma_wait3A_85 = tpu.memref_slice %arg10[%dma_wait3A_83, %dma_wait3A_84] : memref<10112x64xf32, #tpu.memory_space<vmem_shared>> -> memref<10112x64xf32, #tpu.memory_space<vmem_shared>>
      tpu.wait_indirect_dma semaphore(%run_scoped3A_65 : memref<!tpu.dma_semaphore, #tpu.memory_space<semaphore_mem>>) src(%dma_wait3A_79 : memref<128x64xf32, #tpu.memory_space<vmem>>) dst(%dma_wait3A_85 : memref<10112x64xf32, #tpu.memory_space<vmem_shared>>)
      tpu.yield
    }) : () -> ()
    %dma_wait3A_50 = arith.constant 79 : i32
    %dma_wait3A_51 = arith.constant 1 : i32
    %dma_wait3A_52 = arith.constant 0 : i32
    %dma_wait3A_53 = arith.constant 0 : i32
    %dma_wait3A_54 = tpu.memref_slice %arg9[%dma_wait3A_51, %dma_wait3A_52, %dma_wait3A_53] : memref<3x128x64xf32, #tpu.memory_space<vmem>> -> memref<1x128x64xf32, #tpu.memory_space<vmem>>
    %dma_wait3A_55 = tpu.memref_squeeze %dma_wait3A_54 : memref<1x128x64xf32, #tpu.memory_space<vmem>> -> memref<128x64xf32, #tpu.memory_space<vmem>>
    %dma_wait3A_56 = arith.constant 0 : i32
    %dma_wait3A_57 = tpu.memref_slice %arg7[%dma_wait3A_50, %dma_wait3A_56] : memref<80x128xi32, #tpu.memory_space<vmem>> -> memref<1x128xi32, #tpu.memory_space<vmem>>
    %dma_wait3A_58 = tpu.memref_squeeze %dma_wait3A_57 : memref<1x128xi32, #tpu.memory_space<vmem>> -> memref<128xi32, #tpu.memory_space<vmem>>
    %dma_wait3A_59 = arith.constant 0 : i32
    %dma_wait3A_60 = arith.constant 0 : i32
    %dma_wait3A_61 = tpu.memref_slice %arg11[%dma_wait3A_59, %dma_wait3A_60] : memref<10112x64xf32, #tpu.memory_space<vmem_shared>> -> memref<10112x64xf32, #tpu.memory_space<vmem_shared>>
    tpu.wait_indirect_dma semaphore(%arg13 : memref<!tpu.dma_semaphore, #tpu.memory_space<semaphore_mem>>) src(%dma_wait3A_61 : memref<10112x64xf32, #tpu.memory_space<vmem_shared>>) dst(%dma_wait3A_55 : memref<128x64xf32, #tpu.memory_space<vmem>>)
    %run_scoped3A_62 = arith.constant 1 : i32
    %run_scoped3A_63 = arith.constant 79 : i32
    "tpu.region"() ({
      %run_scoped3A_65 = tpu.sem_alloc : memref<!tpu.dma_semaphore, #tpu.memory_space<semaphore_mem>>
      %dma_start3A_66 = arith.constant 0 : i32
      %dma_start3A_67 = arith.constant 0 : i32
      %dma_start3A_68 = tpu.memref_slice %arg9[%run_scoped3A_62, %dma_start3A_66, %dma_start3A_67] : memref<3x128x64xf32, #tpu.memory_space<vmem>> -> memref<1x128x64xf32, #tpu.memory_space<vmem>>
      %dma_start3A_69 = tpu.memref_squeeze %dma_start3A_68 : memref<1x128x64xf32, #tpu.memory_space<vmem>> -> memref<128x64xf32, #tpu.memory_space<vmem>>
      %dma_start3A_70 = arith.constant 0 : i32
      %dma_start3A_71 = tpu.memref_slice %arg8[%run_scoped3A_63, %dma_start3A_70] : memref<80x128xi32, #tpu.memory_space<vmem>> -> memref<1x128xi32, #tpu.memory_space<vmem>>
      %dma_start3A_72 = tpu.memref_squeeze %dma_start3A_71 : memref<1x128xi32, #tpu.memory_space<vmem>> -> memref<128xi32, #tpu.memory_space<vmem>>
      %dma_start3A_73 = arith.constant 0 : i32
      %dma_start3A_74 = arith.constant 0 : i32
      %dma_start3A_75 = tpu.memref_slice %arg10[%dma_start3A_73, %dma_start3A_74] : memref<10112x64xf32, #tpu.memory_space<vmem_shared>> -> memref<10112x64xf32, #tpu.memory_space<vmem_shared>>
      tpu.enqueue_indirect_dma source(%dma_start3A_69 : memref<128x64xf32, #tpu.memory_space<vmem>>) target(%dma_start3A_75 : memref<10112x64xf32, #tpu.memory_space<vmem_shared>>) offsets(%dma_start3A_72 : memref<128xi32, #tpu.memory_space<vmem>>) semaphore(%run_scoped3A_65 : memref<!tpu.dma_semaphore, #tpu.memory_space<semaphore_mem>>) {add = true}
      %dma_wait3A_76 = arith.constant 0 : i32
      %dma_wait3A_77 = arith.constant 0 : i32
      %dma_wait3A_78 = tpu.memref_slice %arg9[%run_scoped3A_62, %dma_wait3A_76, %dma_wait3A_77] : memref<3x128x64xf32, #tpu.memory_space<vmem>> -> memref<1x128x64xf32, #tpu.memory_space<vmem>>
      %dma_wait3A_79 = tpu.memref_squeeze %dma_wait3A_78 : memref<1x128x64xf32, #tpu.memory_space<vmem>> -> memref<128x64xf32, #tpu.memory_space<vmem>>
      %dma_wait3A_80 = arith.constant 0 : i32
      %dma_wait3A_81 = tpu.memref_slice %arg8[%run_scoped3A_63, %dma_wait3A_80] : memref<80x128xi32, #tpu.memory_space<vmem>> -> memref<1x128xi32, #tpu.memory_space<vmem>>
      %dma_wait3A_82 = tpu.memref_squeeze %dma_wait3A_81 : memref<1x128xi32, #tpu.memory_space<vmem>> -> memref<128xi32, #tpu.memory_space<vmem>>
      %dma_wait3A_83 = arith.constant 0 : i32
      %dma_wait3A_84 = arith.constant 0 : i32
      %dma_wait3A_85 = tpu.memref_slice %arg10[%dma_wait3A_83, %dma_wait3A_84] : memref<10112x64xf32, #tpu.memory_space<vmem_shared>> -> memref<10112x64xf32, #tpu.memory_space<vmem_shared>>
      tpu.wait_indirect_dma semaphore(%run_scoped3A_65 : memref<!tpu.dma_semaphore, #tpu.memory_space<semaphore_mem>>) src(%dma_wait3A_79 : memref<128x64xf32, #tpu.memory_space<vmem>>) dst(%dma_wait3A_85 : memref<10112x64xf32, #tpu.memory_space<vmem_shared>>)
      tpu.yield
    }) : () -> ()
    %barrier3A_64 = arith.constant 0 : index
    tpu.barrier barrier_id(%barrier3A_64)
    "tpu.region"() ({
      %run_scoped3A_65 = tpu.sem_alloc : memref<!tpu.dma_semaphore, #tpu.memory_space<semaphore_mem>>
      %dma_start3A_66 = arith.constant 0 : i32
      %dma_start3A_67 = tpu.memref_slice %arg6[%arg0, %mul3A_2, %dma_start3A_66] : memref<2x10112x64xf32, #tpu.memory_space<hbm>> -> memref<1x632x64xf32, #tpu.memory_space<hbm>>
      %dma_start3A_68 = tpu.memref_squeeze %dma_start3A_67 : memref<1x632x64xf32, #tpu.memory_space<hbm>> -> memref<632x64xf32, #tpu.memory_space<hbm>>
      %dma_start3A_69 = arith.constant 0 : i32
      %dma_start3A_70 = tpu.memref_slice %arg10[%mul3A_2, %dma_start3A_69] : memref<10112x64xf32, #tpu.memory_space<vmem_shared>> -> memref<632x64xf32, #tpu.memory_space<vmem_shared>>
      tpu.enqueue_dma source(%dma_start3A_70 : memref<632x64xf32, #tpu.memory_space<vmem_shared>>) target(%dma_start3A_68 : memref<632x64xf32, #tpu.memory_space<hbm>>) target_semaphore(%run_scoped3A_65 : memref<!tpu.dma_semaphore, #tpu.memory_space<semaphore_mem>>)
      %dma_wait3A_71 = arith.constant 0 : i32
      %dma_wait3A_72 = tpu.memref_slice %arg6[%arg0, %mul3A_2, %dma_wait3A_71] : memref<2x10112x64xf32, #tpu.memory_space<hbm>> -> memref<1x632x64xf32, #tpu.memory_space<hbm>>
      %dma_wait3A_73 = tpu.memref_squeeze %dma_wait3A_72 : memref<1x632x64xf32, #tpu.memory_space<hbm>> -> memref<632x64xf32, #tpu.memory_space<hbm>>
      %dma_wait3A_74 = arith.constant 0 : i32
      %dma_wait3A_75 = tpu.memref_slice %arg10[%mul3A_2, %dma_wait3A_74] : memref<10112x64xf32, #tpu.memory_space<vmem_shared>> -> memref<632x64xf32, #tpu.memory_space<vmem_shared>>
      tpu.wait_dma2 semaphore(%run_scoped3A_65 : memref<!tpu.dma_semaphore, #tpu.memory_space<semaphore_mem>>) src(%dma_wait3A_75 : memref<632x64xf32, #tpu.memory_space<vmem_shared>>) dst(%dma_wait3A_73 : memref<632x64xf32, #tpu.memory_space<hbm>>)
      tpu.yield
    }) : () -> ()
    return
  }
}

#map = affine_map<(d0, d1) -> (0, 0)>
#map1 = affine_map<(d0, d1) -> (0, 0, 0)>
module attributes {stable_mosaic.version = 14 : i64} {
  func.func @_agg_sc(%arg0: i32, %arg1: i32, %arg2: memref<10112x64xf32, #tpu.memory_space<hbm>>, %arg3: memref<32x80x128xi32, #tpu.memory_space<hbm>>, %arg4: memref<32x80x128xi32, #tpu.memory_space<hbm>>, %arg5: memref<10112x64xf32, #tpu.memory_space<hbm>>, %arg6: memref<2x10112x64xf32, #tpu.memory_space<hbm>>, %arg7: memref<80x128xi32, #tpu.memory_space<vmem>>, %arg8: memref<80x128xi32, #tpu.memory_space<vmem>>, %arg9: memref<3x128x64xf32, #tpu.memory_space<vmem>>, %arg10: memref<10112x64xf32, #tpu.memory_space<vmem_shared>>, %arg11: memref<10112x64xf32, #tpu.memory_space<vmem_shared>>, %arg12: memref<!tpu.dma_semaphore, #tpu.memory_space<semaphore_mem>>, %arg13: memref<!tpu.dma_semaphore, #tpu.memory_space<semaphore_mem>>, %arg14: memref<!tpu.dma_semaphore, #tpu.memory_space<semaphore_mem>>) attributes {dimension_semantics = [#tpu.dimension_semantics<core_parallel>, #tpu.dimension_semantics<subcore_parallel>], iteration_bounds = array<i64: 2, 16>, scalar_prefetch = 0 : i64, scratch_operands = 8 : i64, tpu.core_type = #tpu.core_type<sc_vector_subcore>, window_params = [{transform_indices = #map}, {transform_indices = #map1}, {transform_indices = #map1}, {transform_indices = #map}, {transform_indices = #map1}]} {
    %mul3A = arith.constant 16 : i32
    %mul3A_0 = arith.muli %arg0, %mul3A : i32
    %add3A = arith.addi %mul3A_0, %arg1 : i32
    %mul3A_1 = arith.constant 632 : i32
    %mul3A_2 = arith.muli %arg1, %mul3A_1 : i32
    %eq3A = arith.constant 0 : i32
    %eq3A_3 = arith.cmpi eq, %arg0, %eq3A : i32
    %convert_element_type3A = arith.extui %eq3A_3 : i1 to i32
    %cond3A = arith.constant 0 : i32
    %cond3A_4 = arith.cmpi ne, %convert_element_type3A, %cond3A : i32
    scf.if %cond3A_4 {
      "tpu.region"() ({
        %run_scoped3A_65 = tpu.sem_alloc : memref<!tpu.dma_semaphore, #tpu.memory_space<semaphore_mem>>
        %dma_start3A_66 = arith.constant 0 : i32
        %dma_start3A_67 = tpu.memref_slice %arg10[%mul3A_2, %dma_start3A_66] : memref<10112x64xf32, #tpu.memory_space<vmem_shared>> -> memref<632x64xf32, #tpu.memory_space<vmem_shared>>
        %dma_start3A_68 = arith.constant 0 : i32
        %dma_start3A_69 = tpu.memref_slice %arg2[%mul3A_2, %dma_start3A_68] : memref<10112x64xf32, #tpu.memory_space<hbm>> -> memref<632x64xf32, #tpu.memory_space<hbm>>
        tpu.enqueue_dma source(%dma_start3A_69 : memref<632x64xf32, #tpu.memory_space<hbm>>) target(%dma_start3A_67 : memref<632x64xf32, #tpu.memory_space<vmem_shared>>) target_semaphore(%run_scoped3A_65 : memref<!tpu.dma_semaphore, #tpu.memory_space<semaphore_mem>>)
        %dma_wait3A_70 = arith.constant 0 : i32
        %dma_wait3A_71 = tpu.memref_slice %arg10[%mul3A_2, %dma_wait3A_70] : memref<10112x64xf32, #tpu.memory_space<vmem_shared>> -> memref<632x64xf32, #tpu.memory_space<vmem_shared>>
        %dma_wait3A_72 = arith.constant 0 : i32
        %dma_wait3A_73 = tpu.memref_slice %arg2[%mul3A_2, %dma_wait3A_72] : memref<10112x64xf32, #tpu.memory_space<hbm>> -> memref<632x64xf32, #tpu.memory_space<hbm>>
        tpu.wait_dma2 semaphore(%run_scoped3A_65 : memref<!tpu.dma_semaphore, #tpu.memory_space<semaphore_mem>>) src(%dma_wait3A_73 : memref<632x64xf32, #tpu.memory_space<hbm>>) dst(%dma_wait3A_71 : memref<632x64xf32, #tpu.memory_space<vmem_shared>>)
        tpu.yield
      }) : () -> ()
    } else {
    }
    %eq3A_5 = arith.constant 1 : i32
    %eq3A_6 = arith.cmpi eq, %arg0, %eq3A_5 : i32
    %convert_element_type3A_7 = arith.extui %eq3A_6 : i1 to i32
    %cond3A_8 = arith.constant 0 : i32
    %cond3A_9 = arith.cmpi ne, %convert_element_type3A_7, %cond3A_8 : i32
    scf.if %cond3A_9 {
      "tpu.region"() ({
        %run_scoped3A_65 = tpu.sem_alloc : memref<!tpu.dma_semaphore, #tpu.memory_space<semaphore_mem>>
        %dma_start3A_66 = arith.constant 0 : i32
        %dma_start3A_67 = tpu.memref_slice %arg10[%mul3A_2, %dma_start3A_66] : memref<10112x64xf32, #tpu.memory_space<vmem_shared>> -> memref<632x64xf32, #tpu.memory_space<vmem_shared>>
        %dma_start3A_68 = arith.constant 0 : i32
        %dma_start3A_69 = tpu.memref_slice %arg5[%mul3A_2, %dma_start3A_68] : memref<10112x64xf32, #tpu.memory_space<hbm>> -> memref<632x64xf32, #tpu.memory_space<hbm>>
        tpu.enqueue_dma source(%dma_start3A_69 : memref<632x64xf32, #tpu.memory_space<hbm>>) target(%dma_start3A_67 : memref<632x64xf32, #tpu.memory_space<vmem_shared>>) target_semaphore(%run_scoped3A_65 : memref<!tpu.dma_semaphore, #tpu.memory_space<semaphore_mem>>)
        %dma_wait3A_70 = arith.constant 0 : i32
        %dma_wait3A_71 = tpu.memref_slice %arg10[%mul3A_2, %dma_wait3A_70] : memref<10112x64xf32, #tpu.memory_space<vmem_shared>> -> memref<632x64xf32, #tpu.memory_space<vmem_shared>>
        %dma_wait3A_72 = arith.constant 0 : i32
        %dma_wait3A_73 = tpu.memref_slice %arg5[%mul3A_2, %dma_wait3A_72] : memref<10112x64xf32, #tpu.memory_space<hbm>> -> memref<632x64xf32, #tpu.memory_space<hbm>>
        tpu.wait_dma2 semaphore(%run_scoped3A_65 : memref<!tpu.dma_semaphore, #tpu.memory_space<semaphore_mem>>) src(%dma_wait3A_73 : memref<632x64xf32, #tpu.memory_space<hbm>>) dst(%dma_wait3A_71 : memref<632x64xf32, #tpu.memory_space<vmem_shared>>)
        tpu.yield
      }) : () -> ()
    } else {
    }
    "tpu.region"() ({
      %run_scoped3A_65 = tpu.sem_alloc : memref<!tpu.dma_semaphore, #tpu.memory_space<semaphore_mem>>
      %dma_start3A_66 = arith.constant 0 : i32
      %dma_start3A_67 = tpu.memref_slice %arg11[%mul3A_2, %dma_start3A_66] : memref<10112x64xf32, #tpu.memory_space<vmem_shared>> -> memref<632x64xf32, #tpu.memory_space<vmem_shared>>
      %dma_start3A_68 = arith.constant 0 : i32
      %dma_start3A_69 = tpu.memref_slice %arg2[%mul3A_2, %dma_start3A_68] : memref<10112x64xf32, #tpu.memory_space<hbm>> -> memref<632x64xf32, #tpu.memory_space<hbm>>
      tpu.enqueue_dma source(%dma_start3A_69 : memref<632x64xf32, #tpu.memory_space<hbm>>) target(%dma_start3A_67 : memref<632x64xf32, #tpu.memory_space<vmem_shared>>) target_semaphore(%run_scoped3A_65 : memref<!tpu.dma_semaphore, #tpu.memory_space<semaphore_mem>>)
      %dma_wait3A_70 = arith.constant 0 : i32
      %dma_wait3A_71 = tpu.memref_slice %arg11[%mul3A_2, %dma_wait3A_70] : memref<10112x64xf32, #tpu.memory_space<vmem_shared>> -> memref<632x64xf32, #tpu.memory_space<vmem_shared>>
      %dma_wait3A_72 = arith.constant 0 : i32
      %dma_wait3A_73 = tpu.memref_slice %arg2[%mul3A_2, %dma_wait3A_72] : memref<10112x64xf32, #tpu.memory_space<hbm>> -> memref<632x64xf32, #tpu.memory_space<hbm>>
      tpu.wait_dma2 semaphore(%run_scoped3A_65 : memref<!tpu.dma_semaphore, #tpu.memory_space<semaphore_mem>>) src(%dma_wait3A_73 : memref<632x64xf32, #tpu.memory_space<hbm>>) dst(%dma_wait3A_71 : memref<632x64xf32, #tpu.memory_space<vmem_shared>>)
      tpu.yield
    }) : () -> ()
    "tpu.region"() ({
      %run_scoped3A_65 = tpu.sem_alloc : memref<!tpu.dma_semaphore, #tpu.memory_space<semaphore_mem>>
      %dma_start3A_66 = arith.constant 0 : i32
      %dma_start3A_67 = arith.constant 0 : i32
      %dma_start3A_68 = tpu.memref_slice %arg3[%add3A, %dma_start3A_66, %dma_start3A_67] : memref<32x80x128xi32, #tpu.memory_space<hbm>> -> memref<1x80x128xi32, #tpu.memory_space<hbm>>
      %dma_start3A_69 = tpu.memref_squeeze %dma_start3A_68 : memref<1x80x128xi32, #tpu.memory_space<hbm>> -> memref<80x128xi32, #tpu.memory_space<hbm>>
      %dma_start3A_70 = arith.constant 0 : i32
      %dma_start3A_71 = arith.constant 0 : i32
      %dma_start3A_72 = tpu.memref_slice %arg3[%add3A, %dma_start3A_70, %dma_start3A_71] : memref<32x80x128xi32, #tpu.memory_space<hbm>> -> memref<1x80x128xi32, #tpu.memory_space<hbm>>
      %dma_start3A_73 = tpu.memref_squeeze %dma_start3A_72 : memref<1x80x128xi32, #tpu.memory_space<hbm>> -> memref<80x128xi32, #tpu.memory_space<hbm>>
      tpu.enqueue_dma source(%dma_start3A_73 : memref<80x128xi32, #tpu.memory_space<hbm>>) target(%arg7 : memref<80x128xi32, #tpu.memory_space<vmem>>) target_semaphore(%run_scoped3A_65 : memref<!tpu.dma_semaphore, #tpu.memory_space<semaphore_mem>>)
      %dma_wait3A_74 = arith.constant 0 : i32
      %dma_wait3A_75 = arith.constant 0 : i32
      %dma_wait3A_76 = tpu.memref_slice %arg3[%add3A, %dma_wait3A_74, %dma_wait3A_75] : memref<32x80x128xi32, #tpu.memory_space<hbm>> -> memref<1x80x128xi32, #tpu.memory_space<hbm>>
      %dma_wait3A_77 = tpu.memref_squeeze %dma_wait3A_76 : memref<1x80x128xi32, #tpu.memory_space<hbm>> -> memref<80x128xi32, #tpu.memory_space<hbm>>
      %dma_wait3A_78 = arith.constant 0 : i32
      %dma_wait3A_79 = arith.constant 0 : i32
      %dma_wait3A_80 = tpu.memref_slice %arg3[%add3A, %dma_wait3A_78, %dma_wait3A_79] : memref<32x80x128xi32, #tpu.memory_space<hbm>> -> memref<1x80x128xi32, #tpu.memory_space<hbm>>
      %dma_wait3A_81 = tpu.memref_squeeze %dma_wait3A_80 : memref<1x80x128xi32, #tpu.memory_space<hbm>> -> memref<80x128xi32, #tpu.memory_space<hbm>>
      tpu.wait_dma2 semaphore(%run_scoped3A_65 : memref<!tpu.dma_semaphore, #tpu.memory_space<semaphore_mem>>) src(%dma_wait3A_81 : memref<80x128xi32, #tpu.memory_space<hbm>>) dst(%arg7 : memref<80x128xi32, #tpu.memory_space<vmem>>)
      tpu.yield
    }) : () -> ()
    "tpu.region"() ({
      %run_scoped3A_65 = tpu.sem_alloc : memref<!tpu.dma_semaphore, #tpu.memory_space<semaphore_mem>>
      %dma_start3A_66 = arith.constant 0 : i32
      %dma_start3A_67 = arith.constant 0 : i32
      %dma_start3A_68 = tpu.memref_slice %arg4[%add3A, %dma_start3A_66, %dma_start3A_67] : memref<32x80x128xi32, #tpu.memory_space<hbm>> -> memref<1x80x128xi32, #tpu.memory_space<hbm>>
      %dma_start3A_69 = tpu.memref_squeeze %dma_start3A_68 : memref<1x80x128xi32, #tpu.memory_space<hbm>> -> memref<80x128xi32, #tpu.memory_space<hbm>>
      %dma_start3A_70 = arith.constant 0 : i32
      %dma_start3A_71 = arith.constant 0 : i32
      %dma_start3A_72 = tpu.memref_slice %arg4[%add3A, %dma_start3A_70, %dma_start3A_71] : memref<32x80x128xi32, #tpu.memory_space<hbm>> -> memref<1x80x128xi32, #tpu.memory_space<hbm>>
      %dma_start3A_73 = tpu.memref_squeeze %dma_start3A_72 : memref<1x80x128xi32, #tpu.memory_space<hbm>> -> memref<80x128xi32, #tpu.memory_space<hbm>>
      tpu.enqueue_dma source(%dma_start3A_73 : memref<80x128xi32, #tpu.memory_space<hbm>>) target(%arg8 : memref<80x128xi32, #tpu.memory_space<vmem>>) target_semaphore(%run_scoped3A_65 : memref<!tpu.dma_semaphore, #tpu.memory_space<semaphore_mem>>)
      %dma_wait3A_74 = arith.constant 0 : i32
      %dma_wait3A_75 = arith.constant 0 : i32
      %dma_wait3A_76 = tpu.memref_slice %arg4[%add3A, %dma_wait3A_74, %dma_wait3A_75] : memref<32x80x128xi32, #tpu.memory_space<hbm>> -> memref<1x80x128xi32, #tpu.memory_space<hbm>>
      %dma_wait3A_77 = tpu.memref_squeeze %dma_wait3A_76 : memref<1x80x128xi32, #tpu.memory_space<hbm>> -> memref<80x128xi32, #tpu.memory_space<hbm>>
      %dma_wait3A_78 = arith.constant 0 : i32
      %dma_wait3A_79 = arith.constant 0 : i32
      %dma_wait3A_80 = tpu.memref_slice %arg4[%add3A, %dma_wait3A_78, %dma_wait3A_79] : memref<32x80x128xi32, #tpu.memory_space<hbm>> -> memref<1x80x128xi32, #tpu.memory_space<hbm>>
      %dma_wait3A_81 = tpu.memref_squeeze %dma_wait3A_80 : memref<1x80x128xi32, #tpu.memory_space<hbm>> -> memref<80x128xi32, #tpu.memory_space<hbm>>
      tpu.wait_dma2 semaphore(%run_scoped3A_65 : memref<!tpu.dma_semaphore, #tpu.memory_space<semaphore_mem>>) src(%dma_wait3A_81 : memref<80x128xi32, #tpu.memory_space<hbm>>) dst(%arg8 : memref<80x128xi32, #tpu.memory_space<vmem>>)
      tpu.yield
    }) : () -> ()
    %barrier3A = arith.constant 0 : index
    tpu.barrier barrier_id(%barrier3A)
    %dma_start3A = arith.constant 0 : i32
    %dma_start3A_10 = arith.constant 0 : i32
    %dma_start3A_11 = arith.constant 0 : i32
    %dma_start3A_12 = arith.constant 0 : i32
    %dma_start3A_13 = tpu.memref_slice %arg9[%dma_start3A_10, %dma_start3A_11, %dma_start3A_12] : memref<3x128x64xf32, #tpu.memory_space<vmem>> -> memref<1x128x64xf32, #tpu.memory_space<vmem>>
    %dma_start3A_14 = tpu.memref_squeeze %dma_start3A_13 : memref<1x128x64xf32, #tpu.memory_space<vmem>> -> memref<128x64xf32, #tpu.memory_space<vmem>>
    %dma_start3A_15 = arith.constant 0 : i32
    %dma_start3A_16 = tpu.memref_slice %arg7[%dma_start3A, %dma_start3A_15] : memref<80x128xi32, #tpu.memory_space<vmem>> -> memref<1x128xi32, #tpu.memory_space<vmem>>
    %dma_start3A_17 = tpu.memref_squeeze %dma_start3A_16 : memref<1x128xi32, #tpu.memory_space<vmem>> -> memref<128xi32, #tpu.memory_space<vmem>>
    %dma_start3A_18 = arith.constant 0 : i32
    %dma_start3A_19 = arith.constant 0 : i32
    %dma_start3A_20 = tpu.memref_slice %arg11[%dma_start3A_18, %dma_start3A_19] : memref<10112x64xf32, #tpu.memory_space<vmem_shared>> -> memref<10112x64xf32, #tpu.memory_space<vmem_shared>>
    tpu.enqueue_indirect_dma source(%dma_start3A_20 : memref<10112x64xf32, #tpu.memory_space<vmem_shared>>) target(%dma_start3A_14 : memref<128x64xf32, #tpu.memory_space<vmem>>) offsets(%dma_start3A_17 : memref<128xi32, #tpu.memory_space<vmem>>) semaphore(%arg12 : memref<!tpu.dma_semaphore, #tpu.memory_space<semaphore_mem>>)
    %dma_start3A_21 = arith.constant 1 : i32
    %dma_start3A_22 = arith.constant 1 : i32
    %dma_start3A_23 = arith.constant 0 : i32
    %dma_start3A_24 = arith.constant 0 : i32
    %dma_start3A_25 = tpu.memref_slice %arg9[%dma_start3A_22, %dma_start3A_23, %dma_start3A_24] : memref<3x128x64xf32, #tpu.memory_space<vmem>> -> memref<1x128x64xf32, #tpu.memory_space<vmem>>
    %dma_start3A_26 = tpu.memref_squeeze %dma_start3A_25 : memref<1x128x64xf32, #tpu.memory_space<vmem>> -> memref<128x64xf32, #tpu.memory_space<vmem>>
    %dma_start3A_27 = arith.constant 0 : i32
    %dma_start3A_28 = tpu.memref_slice %arg7[%dma_start3A_21, %dma_start3A_27] : memref<80x128xi32, #tpu.memory_space<vmem>> -> memref<1x128xi32, #tpu.memory_space<vmem>>
    %dma_start3A_29 = tpu.memref_squeeze %dma_start3A_28 : memref<1x128xi32, #tpu.memory_space<vmem>> -> memref<128xi32, #tpu.memory_space<vmem>>
    %dma_start3A_30 = arith.constant 0 : i32
    %dma_start3A_31 = arith.constant 0 : i32
    %dma_start3A_32 = tpu.memref_slice %arg11[%dma_start3A_30, %dma_start3A_31] : memref<10112x64xf32, #tpu.memory_space<vmem_shared>> -> memref<10112x64xf32, #tpu.memory_space<vmem_shared>>
    tpu.enqueue_indirect_dma source(%dma_start3A_32 : memref<10112x64xf32, #tpu.memory_space<vmem_shared>>) target(%dma_start3A_26 : memref<128x64xf32, #tpu.memory_space<vmem>>) offsets(%dma_start3A_29 : memref<128xi32, #tpu.memory_space<vmem>>) semaphore(%arg13 : memref<!tpu.dma_semaphore, #tpu.memory_space<semaphore_mem>>)
    %scan3A = arith.constant 0 : i32
    %scan3A_33 = arith.constant 0 : i32
    %scan3A_34 = arith.constant 26 : i32
    %scan3A_35 = arith.addi %scan3A_33, %scan3A_34 : i32
    %scan3A_36 = arith.constant 1 : i32
    scf.for %scan3A_65 = %scan3A_33 to %scan3A_35 step %scan3A_36  : i32 {
      %mul3A_66 = arith.constant 3 : i32
      %mul3A_67 = arith.muli %scan3A_65, %mul3A_66 : i32
      %add3A_68 = arith.constant 0 : i32
      %add3A_69 = arith.addi %mul3A_67, %add3A_68 : i32
      %dma_wait3A_70 = arith.constant 0 : i32
      %dma_wait3A_71 = arith.constant 0 : i32
      %dma_wait3A_72 = arith.constant 0 : i32
      %dma_wait3A_73 = tpu.memref_slice %arg9[%dma_wait3A_70, %dma_wait3A_71, %dma_wait3A_72] : memref<3x128x64xf32, #tpu.memory_space<vmem>> -> memref<1x128x64xf32, #tpu.memory_space<vmem>>
      %dma_wait3A_74 = tpu.memref_squeeze %dma_wait3A_73 : memref<1x128x64xf32, #tpu.memory_space<vmem>> -> memref<128x64xf32, #tpu.memory_space<vmem>>
      %dma_wait3A_75 = arith.constant 0 : i32
      %dma_wait3A_76 = tpu.memref_slice %arg7[%add3A_69, %dma_wait3A_75] : memref<80x128xi32, #tpu.memory_space<vmem>> -> memref<1x128xi32, #tpu.memory_space<vmem>>
      %dma_wait3A_77 = tpu.memref_squeeze %dma_wait3A_76 : memref<1x128xi32, #tpu.memory_space<vmem>> -> memref<128xi32, #tpu.memory_space<vmem>>
      %dma_wait3A_78 = arith.constant 0 : i32
      %dma_wait3A_79 = arith.constant 0 : i32
      %dma_wait3A_80 = tpu.memref_slice %arg11[%dma_wait3A_78, %dma_wait3A_79] : memref<10112x64xf32, #tpu.memory_space<vmem_shared>> -> memref<10112x64xf32, #tpu.memory_space<vmem_shared>>
      tpu.wait_indirect_dma semaphore(%arg12 : memref<!tpu.dma_semaphore, #tpu.memory_space<semaphore_mem>>) src(%dma_wait3A_80 : memref<10112x64xf32, #tpu.memory_space<vmem_shared>>) dst(%dma_wait3A_74 : memref<128x64xf32, #tpu.memory_space<vmem>>)
      %add3A_81 = arith.constant 2 : i32
      %add3A_82 = arith.addi %add3A_69, %add3A_81 : i32
      %lt3A = arith.constant 80 : i32
      %lt3A_83 = arith.cmpi slt, %add3A_82, %lt3A : i32
      %convert_element_type3A_84 = arith.extui %lt3A_83 : i1 to i32
      %cond3A_85 = arith.constant 0 : i32
      %cond3A_86 = arith.cmpi ne, %convert_element_type3A_84, %cond3A_85 : i32
      scf.if %cond3A_86 {
        %add3A_134 = arith.constant 2 : i32
        %add3A_135 = arith.addi %add3A_69, %add3A_134 : i32
        %dma_start3A_136 = arith.constant 2 : i32
        %dma_start3A_137 = arith.constant 0 : i32
        %dma_start3A_138 = arith.constant 0 : i32
        %dma_start3A_139 = tpu.memref_slice %arg9[%dma_start3A_136, %dma_start3A_137, %dma_start3A_138] : memref<3x128x64xf32, #tpu.memory_space<vmem>> -> memref<1x128x64xf32, #tpu.memory_space<vmem>>
        %dma_start3A_140 = tpu.memref_squeeze %dma_start3A_139 : memref<1x128x64xf32, #tpu.memory_space<vmem>> -> memref<128x64xf32, #tpu.memory_space<vmem>>
        %dma_start3A_141 = arith.constant 0 : i32
        %dma_start3A_142 = tpu.memref_slice %arg7[%add3A_135, %dma_start3A_141] : memref<80x128xi32, #tpu.memory_space<vmem>> -> memref<1x128xi32, #tpu.memory_space<vmem>>
        %dma_start3A_143 = tpu.memref_squeeze %dma_start3A_142 : memref<1x128xi32, #tpu.memory_space<vmem>> -> memref<128xi32, #tpu.memory_space<vmem>>
        %dma_start3A_144 = arith.constant 0 : i32
        %dma_start3A_145 = arith.constant 0 : i32
        %dma_start3A_146 = tpu.memref_slice %arg11[%dma_start3A_144, %dma_start3A_145] : memref<10112x64xf32, #tpu.memory_space<vmem_shared>> -> memref<10112x64xf32, #tpu.memory_space<vmem_shared>>
        tpu.enqueue_indirect_dma source(%dma_start3A_146 : memref<10112x64xf32, #tpu.memory_space<vmem_shared>>) target(%dma_start3A_140 : memref<128x64xf32, #tpu.memory_space<vmem>>) offsets(%dma_start3A_143 : memref<128xi32, #tpu.memory_space<vmem>>) semaphore(%arg14 : memref<!tpu.dma_semaphore, #tpu.memory_space<semaphore_mem>>)
      } else {
      }
      %run_scoped3A_87 = arith.constant 0 : i32
      "tpu.region"() ({
        %run_scoped3A_134 = tpu.sem_alloc : memref<!tpu.dma_semaphore, #tpu.memory_space<semaphore_mem>>
        %dma_start3A_135 = arith.constant 0 : i32
        %dma_start3A_136 = arith.constant 0 : i32
        %dma_start3A_137 = tpu.memref_slice %arg9[%run_scoped3A_87, %dma_start3A_135, %dma_start3A_136] : memref<3x128x64xf32, #tpu.memory_space<vmem>> -> memref<1x128x64xf32, #tpu.memory_space<vmem>>
        %dma_start3A_138 = tpu.memref_squeeze %dma_start3A_137 : memref<1x128x64xf32, #tpu.memory_space<vmem>> -> memref<128x64xf32, #tpu.memory_space<vmem>>
        %dma_start3A_139 = arith.constant 0 : i32
        %dma_start3A_140 = tpu.memref_slice %arg8[%add3A_69, %dma_start3A_139] : memref<80x128xi32, #tpu.memory_space<vmem>> -> memref<1x128xi32, #tpu.memory_space<vmem>>
        %dma_start3A_141 = tpu.memref_squeeze %dma_start3A_140 : memref<1x128xi32, #tpu.memory_space<vmem>> -> memref<128xi32, #tpu.memory_space<vmem>>
        %dma_start3A_142 = arith.constant 0 : i32
        %dma_start3A_143 = arith.constant 0 : i32
        %dma_start3A_144 = tpu.memref_slice %arg10[%dma_start3A_142, %dma_start3A_143] : memref<10112x64xf32, #tpu.memory_space<vmem_shared>> -> memref<10112x64xf32, #tpu.memory_space<vmem_shared>>
        tpu.enqueue_indirect_dma source(%dma_start3A_138 : memref<128x64xf32, #tpu.memory_space<vmem>>) target(%dma_start3A_144 : memref<10112x64xf32, #tpu.memory_space<vmem_shared>>) offsets(%dma_start3A_141 : memref<128xi32, #tpu.memory_space<vmem>>) semaphore(%run_scoped3A_134 : memref<!tpu.dma_semaphore, #tpu.memory_space<semaphore_mem>>) {add = true}
        %dma_wait3A_145 = arith.constant 0 : i32
        %dma_wait3A_146 = arith.constant 0 : i32
        %dma_wait3A_147 = tpu.memref_slice %arg9[%run_scoped3A_87, %dma_wait3A_145, %dma_wait3A_146] : memref<3x128x64xf32, #tpu.memory_space<vmem>> -> memref<1x128x64xf32, #tpu.memory_space<vmem>>
        %dma_wait3A_148 = tpu.memref_squeeze %dma_wait3A_147 : memref<1x128x64xf32, #tpu.memory_space<vmem>> -> memref<128x64xf32, #tpu.memory_space<vmem>>
        %dma_wait3A_149 = arith.constant 0 : i32
        %dma_wait3A_150 = tpu.memref_slice %arg8[%add3A_69, %dma_wait3A_149] : memref<80x128xi32, #tpu.memory_space<vmem>> -> memref<1x128xi32, #tpu.memory_space<vmem>>
        %dma_wait3A_151 = tpu.memref_squeeze %dma_wait3A_150 : memref<1x128xi32, #tpu.memory_space<vmem>> -> memref<128xi32, #tpu.memory_space<vmem>>
        %dma_wait3A_152 = arith.constant 0 : i32
        %dma_wait3A_153 = arith.constant 0 : i32
        %dma_wait3A_154 = tpu.memref_slice %arg10[%dma_wait3A_152, %dma_wait3A_153] : memref<10112x64xf32, #tpu.memory_space<vmem_shared>> -> memref<10112x64xf32, #tpu.memory_space<vmem_shared>>
        tpu.wait_indirect_dma semaphore(%run_scoped3A_134 : memref<!tpu.dma_semaphore, #tpu.memory_space<semaphore_mem>>) src(%dma_wait3A_148 : memref<128x64xf32, #tpu.memory_space<vmem>>) dst(%dma_wait3A_154 : memref<10112x64xf32, #tpu.memory_space<vmem_shared>>)
        tpu.yield
      }) : () -> ()
      %mul3A_88 = arith.constant 3 : i32
      %mul3A_89 = arith.muli %scan3A_65, %mul3A_88 : i32
      %add3A_90 = arith.constant 1 : i32
      %add3A_91 = arith.addi %mul3A_89, %add3A_90 : i32
      %dma_wait3A_92 = arith.constant 1 : i32
      %dma_wait3A_93 = arith.constant 0 : i32
      %dma_wait3A_94 = arith.constant 0 : i32
      %dma_wait3A_95 = tpu.memref_slice %arg9[%dma_wait3A_92, %dma_wait3A_93, %dma_wait3A_94] : memref<3x128x64xf32, #tpu.memory_space<vmem>> -> memref<1x128x64xf32, #tpu.memory_space<vmem>>
      %dma_wait3A_96 = tpu.memref_squeeze %dma_wait3A_95 : memref<1x128x64xf32, #tpu.memory_space<vmem>> -> memref<128x64xf32, #tpu.memory_space<vmem>>
      %dma_wait3A_97 = arith.constant 0 : i32
      %dma_wait3A_98 = tpu.memref_slice %arg7[%add3A_91, %dma_wait3A_97] : memref<80x128xi32, #tpu.memory_space<vmem>> -> memref<1x128xi32, #tpu.memory_space<vmem>>
      %dma_wait3A_99 = tpu.memref_squeeze %dma_wait3A_98 : memref<1x128xi32, #tpu.memory_space<vmem>> -> memref<128xi32, #tpu.memory_space<vmem>>
      %dma_wait3A_100 = arith.constant 0 : i32
      %dma_wait3A_101 = arith.constant 0 : i32
      %dma_wait3A_102 = tpu.memref_slice %arg11[%dma_wait3A_100, %dma_wait3A_101] : memref<10112x64xf32, #tpu.memory_space<vmem_shared>> -> memref<10112x64xf32, #tpu.memory_space<vmem_shared>>
      tpu.wait_indirect_dma semaphore(%arg13 : memref<!tpu.dma_semaphore, #tpu.memory_space<semaphore_mem>>) src(%dma_wait3A_102 : memref<10112x64xf32, #tpu.memory_space<vmem_shared>>) dst(%dma_wait3A_96 : memref<128x64xf32, #tpu.memory_space<vmem>>)
      %add3A_103 = arith.constant 2 : i32
      %add3A_104 = arith.addi %add3A_91, %add3A_103 : i32
      %lt3A_105 = arith.constant 80 : i32
      %lt3A_106 = arith.cmpi slt, %add3A_104, %lt3A_105 : i32
      %convert_element_type3A_107 = arith.extui %lt3A_106 : i1 to i32
      %cond3A_108 = arith.constant 0 : i32
      %cond3A_109 = arith.cmpi ne, %convert_element_type3A_107, %cond3A_108 : i32
      scf.if %cond3A_109 {
        %add3A_134 = arith.constant 2 : i32
        %add3A_135 = arith.addi %add3A_91, %add3A_134 : i32
        %dma_start3A_136 = arith.constant 0 : i32
        %dma_start3A_137 = arith.constant 0 : i32
        %dma_start3A_138 = arith.constant 0 : i32
        %dma_start3A_139 = tpu.memref_slice %arg9[%dma_start3A_136, %dma_start3A_137, %dma_start3A_138] : memref<3x128x64xf32, #tpu.memory_space<vmem>> -> memref<1x128x64xf32, #tpu.memory_space<vmem>>
        %dma_start3A_140 = tpu.memref_squeeze %dma_start3A_139 : memref<1x128x64xf32, #tpu.memory_space<vmem>> -> memref<128x64xf32, #tpu.memory_space<vmem>>
        %dma_start3A_141 = arith.constant 0 : i32
        %dma_start3A_142 = tpu.memref_slice %arg7[%add3A_135, %dma_start3A_141] : memref<80x128xi32, #tpu.memory_space<vmem>> -> memref<1x128xi32, #tpu.memory_space<vmem>>
        %dma_start3A_143 = tpu.memref_squeeze %dma_start3A_142 : memref<1x128xi32, #tpu.memory_space<vmem>> -> memref<128xi32, #tpu.memory_space<vmem>>
        %dma_start3A_144 = arith.constant 0 : i32
        %dma_start3A_145 = arith.constant 0 : i32
        %dma_start3A_146 = tpu.memref_slice %arg11[%dma_start3A_144, %dma_start3A_145] : memref<10112x64xf32, #tpu.memory_space<vmem_shared>> -> memref<10112x64xf32, #tpu.memory_space<vmem_shared>>
        tpu.enqueue_indirect_dma source(%dma_start3A_146 : memref<10112x64xf32, #tpu.memory_space<vmem_shared>>) target(%dma_start3A_140 : memref<128x64xf32, #tpu.memory_space<vmem>>) offsets(%dma_start3A_143 : memref<128xi32, #tpu.memory_space<vmem>>) semaphore(%arg12 : memref<!tpu.dma_semaphore, #tpu.memory_space<semaphore_mem>>)
      } else {
      }
      %run_scoped3A_110 = arith.constant 1 : i32
      "tpu.region"() ({
        %run_scoped3A_134 = tpu.sem_alloc : memref<!tpu.dma_semaphore, #tpu.memory_space<semaphore_mem>>
        %dma_start3A_135 = arith.constant 0 : i32
        %dma_start3A_136 = arith.constant 0 : i32
        %dma_start3A_137 = tpu.memref_slice %arg9[%run_scoped3A_110, %dma_start3A_135, %dma_start3A_136] : memref<3x128x64xf32, #tpu.memory_space<vmem>> -> memref<1x128x64xf32, #tpu.memory_space<vmem>>
        %dma_start3A_138 = tpu.memref_squeeze %dma_start3A_137 : memref<1x128x64xf32, #tpu.memory_space<vmem>> -> memref<128x64xf32, #tpu.memory_space<vmem>>
        %dma_start3A_139 = arith.constant 0 : i32
        %dma_start3A_140 = tpu.memref_slice %arg8[%add3A_91, %dma_start3A_139] : memref<80x128xi32, #tpu.memory_space<vmem>> -> memref<1x128xi32, #tpu.memory_space<vmem>>
        %dma_start3A_141 = tpu.memref_squeeze %dma_start3A_140 : memref<1x128xi32, #tpu.memory_space<vmem>> -> memref<128xi32, #tpu.memory_space<vmem>>
        %dma_start3A_142 = arith.constant 0 : i32
        %dma_start3A_143 = arith.constant 0 : i32
        %dma_start3A_144 = tpu.memref_slice %arg10[%dma_start3A_142, %dma_start3A_143] : memref<10112x64xf32, #tpu.memory_space<vmem_shared>> -> memref<10112x64xf32, #tpu.memory_space<vmem_shared>>
        tpu.enqueue_indirect_dma source(%dma_start3A_138 : memref<128x64xf32, #tpu.memory_space<vmem>>) target(%dma_start3A_144 : memref<10112x64xf32, #tpu.memory_space<vmem_shared>>) offsets(%dma_start3A_141 : memref<128xi32, #tpu.memory_space<vmem>>) semaphore(%run_scoped3A_134 : memref<!tpu.dma_semaphore, #tpu.memory_space<semaphore_mem>>) {add = true}
        %dma_wait3A_145 = arith.constant 0 : i32
        %dma_wait3A_146 = arith.constant 0 : i32
        %dma_wait3A_147 = tpu.memref_slice %arg9[%run_scoped3A_110, %dma_wait3A_145, %dma_wait3A_146] : memref<3x128x64xf32, #tpu.memory_space<vmem>> -> memref<1x128x64xf32, #tpu.memory_space<vmem>>
        %dma_wait3A_148 = tpu.memref_squeeze %dma_wait3A_147 : memref<1x128x64xf32, #tpu.memory_space<vmem>> -> memref<128x64xf32, #tpu.memory_space<vmem>>
        %dma_wait3A_149 = arith.constant 0 : i32
        %dma_wait3A_150 = tpu.memref_slice %arg8[%add3A_91, %dma_wait3A_149] : memref<80x128xi32, #tpu.memory_space<vmem>> -> memref<1x128xi32, #tpu.memory_space<vmem>>
        %dma_wait3A_151 = tpu.memref_squeeze %dma_wait3A_150 : memref<1x128xi32, #tpu.memory_space<vmem>> -> memref<128xi32, #tpu.memory_space<vmem>>
        %dma_wait3A_152 = arith.constant 0 : i32
        %dma_wait3A_153 = arith.constant 0 : i32
        %dma_wait3A_154 = tpu.memref_slice %arg10[%dma_wait3A_152, %dma_wait3A_153] : memref<10112x64xf32, #tpu.memory_space<vmem_shared>> -> memref<10112x64xf32, #tpu.memory_space<vmem_shared>>
        tpu.wait_indirect_dma semaphore(%run_scoped3A_134 : memref<!tpu.dma_semaphore, #tpu.memory_space<semaphore_mem>>) src(%dma_wait3A_148 : memref<128x64xf32, #tpu.memory_space<vmem>>) dst(%dma_wait3A_154 : memref<10112x64xf32, #tpu.memory_space<vmem_shared>>)
        tpu.yield
      }) : () -> ()
      %mul3A_111 = arith.constant 3 : i32
      %mul3A_112 = arith.muli %scan3A_65, %mul3A_111 : i32
      %add3A_113 = arith.constant 2 : i32
      %add3A_114 = arith.addi %mul3A_112, %add3A_113 : i32
      %dma_wait3A_115 = arith.constant 2 : i32
      %dma_wait3A_116 = arith.constant 0 : i32
      %dma_wait3A_117 = arith.constant 0 : i32
      %dma_wait3A_118 = tpu.memref_slice %arg9[%dma_wait3A_115, %dma_wait3A_116, %dma_wait3A_117] : memref<3x128x64xf32, #tpu.memory_space<vmem>> -> memref<1x128x64xf32, #tpu.memory_space<vmem>>
      %dma_wait3A_119 = tpu.memref_squeeze %dma_wait3A_118 : memref<1x128x64xf32, #tpu.memory_space<vmem>> -> memref<128x64xf32, #tpu.memory_space<vmem>>
      %dma_wait3A_120 = arith.constant 0 : i32
      %dma_wait3A_121 = tpu.memref_slice %arg7[%add3A_114, %dma_wait3A_120] : memref<80x128xi32, #tpu.memory_space<vmem>> -> memref<1x128xi32, #tpu.memory_space<vmem>>
      %dma_wait3A_122 = tpu.memref_squeeze %dma_wait3A_121 : memref<1x128xi32, #tpu.memory_space<vmem>> -> memref<128xi32, #tpu.memory_space<vmem>>
      %dma_wait3A_123 = arith.constant 0 : i32
      %dma_wait3A_124 = arith.constant 0 : i32
      %dma_wait3A_125 = tpu.memref_slice %arg11[%dma_wait3A_123, %dma_wait3A_124] : memref<10112x64xf32, #tpu.memory_space<vmem_shared>> -> memref<10112x64xf32, #tpu.memory_space<vmem_shared>>
      tpu.wait_indirect_dma semaphore(%arg14 : memref<!tpu.dma_semaphore, #tpu.memory_space<semaphore_mem>>) src(%dma_wait3A_125 : memref<10112x64xf32, #tpu.memory_space<vmem_shared>>) dst(%dma_wait3A_119 : memref<128x64xf32, #tpu.memory_space<vmem>>)
      %add3A_126 = arith.constant 2 : i32
      %add3A_127 = arith.addi %add3A_114, %add3A_126 : i32
      %lt3A_128 = arith.constant 80 : i32
      %lt3A_129 = arith.cmpi slt, %add3A_127, %lt3A_128 : i32
      %convert_element_type3A_130 = arith.extui %lt3A_129 : i1 to i32
      %cond3A_131 = arith.constant 0 : i32
      %cond3A_132 = arith.cmpi ne, %convert_element_type3A_130, %cond3A_131 : i32
      scf.if %cond3A_132 {
        %add3A_134 = arith.constant 2 : i32
        %add3A_135 = arith.addi %add3A_114, %add3A_134 : i32
        %dma_start3A_136 = arith.constant 1 : i32
        %dma_start3A_137 = arith.constant 0 : i32
        %dma_start3A_138 = arith.constant 0 : i32
        %dma_start3A_139 = tpu.memref_slice %arg9[%dma_start3A_136, %dma_start3A_137, %dma_start3A_138] : memref<3x128x64xf32, #tpu.memory_space<vmem>> -> memref<1x128x64xf32, #tpu.memory_space<vmem>>
        %dma_start3A_140 = tpu.memref_squeeze %dma_start3A_139 : memref<1x128x64xf32, #tpu.memory_space<vmem>> -> memref<128x64xf32, #tpu.memory_space<vmem>>
        %dma_start3A_141 = arith.constant 0 : i32
        %dma_start3A_142 = tpu.memref_slice %arg7[%add3A_135, %dma_start3A_141] : memref<80x128xi32, #tpu.memory_space<vmem>> -> memref<1x128xi32, #tpu.memory_space<vmem>>
        %dma_start3A_143 = tpu.memref_squeeze %dma_start3A_142 : memref<1x128xi32, #tpu.memory_space<vmem>> -> memref<128xi32, #tpu.memory_space<vmem>>
        %dma_start3A_144 = arith.constant 0 : i32
        %dma_start3A_145 = arith.constant 0 : i32
        %dma_start3A_146 = tpu.memref_slice %arg11[%dma_start3A_144, %dma_start3A_145] : memref<10112x64xf32, #tpu.memory_space<vmem_shared>> -> memref<10112x64xf32, #tpu.memory_space<vmem_shared>>
        tpu.enqueue_indirect_dma source(%dma_start3A_146 : memref<10112x64xf32, #tpu.memory_space<vmem_shared>>) target(%dma_start3A_140 : memref<128x64xf32, #tpu.memory_space<vmem>>) offsets(%dma_start3A_143 : memref<128xi32, #tpu.memory_space<vmem>>) semaphore(%arg13 : memref<!tpu.dma_semaphore, #tpu.memory_space<semaphore_mem>>)
      } else {
      }
      %run_scoped3A_133 = arith.constant 2 : i32
      "tpu.region"() ({
        %run_scoped3A_134 = tpu.sem_alloc : memref<!tpu.dma_semaphore, #tpu.memory_space<semaphore_mem>>
        %dma_start3A_135 = arith.constant 0 : i32
        %dma_start3A_136 = arith.constant 0 : i32
        %dma_start3A_137 = tpu.memref_slice %arg9[%run_scoped3A_133, %dma_start3A_135, %dma_start3A_136] : memref<3x128x64xf32, #tpu.memory_space<vmem>> -> memref<1x128x64xf32, #tpu.memory_space<vmem>>
        %dma_start3A_138 = tpu.memref_squeeze %dma_start3A_137 : memref<1x128x64xf32, #tpu.memory_space<vmem>> -> memref<128x64xf32, #tpu.memory_space<vmem>>
        %dma_start3A_139 = arith.constant 0 : i32
        %dma_start3A_140 = tpu.memref_slice %arg8[%add3A_114, %dma_start3A_139] : memref<80x128xi32, #tpu.memory_space<vmem>> -> memref<1x128xi32, #tpu.memory_space<vmem>>
        %dma_start3A_141 = tpu.memref_squeeze %dma_start3A_140 : memref<1x128xi32, #tpu.memory_space<vmem>> -> memref<128xi32, #tpu.memory_space<vmem>>
        %dma_start3A_142 = arith.constant 0 : i32
        %dma_start3A_143 = arith.constant 0 : i32
        %dma_start3A_144 = tpu.memref_slice %arg10[%dma_start3A_142, %dma_start3A_143] : memref<10112x64xf32, #tpu.memory_space<vmem_shared>> -> memref<10112x64xf32, #tpu.memory_space<vmem_shared>>
        tpu.enqueue_indirect_dma source(%dma_start3A_138 : memref<128x64xf32, #tpu.memory_space<vmem>>) target(%dma_start3A_144 : memref<10112x64xf32, #tpu.memory_space<vmem_shared>>) offsets(%dma_start3A_141 : memref<128xi32, #tpu.memory_space<vmem>>) semaphore(%run_scoped3A_134 : memref<!tpu.dma_semaphore, #tpu.memory_space<semaphore_mem>>) {add = true}
        %dma_wait3A_145 = arith.constant 0 : i32
        %dma_wait3A_146 = arith.constant 0 : i32
        %dma_wait3A_147 = tpu.memref_slice %arg9[%run_scoped3A_133, %dma_wait3A_145, %dma_wait3A_146] : memref<3x128x64xf32, #tpu.memory_space<vmem>> -> memref<1x128x64xf32, #tpu.memory_space<vmem>>
        %dma_wait3A_148 = tpu.memref_squeeze %dma_wait3A_147 : memref<1x128x64xf32, #tpu.memory_space<vmem>> -> memref<128x64xf32, #tpu.memory_space<vmem>>
        %dma_wait3A_149 = arith.constant 0 : i32
        %dma_wait3A_150 = tpu.memref_slice %arg8[%add3A_114, %dma_wait3A_149] : memref<80x128xi32, #tpu.memory_space<vmem>> -> memref<1x128xi32, #tpu.memory_space<vmem>>
        %dma_wait3A_151 = tpu.memref_squeeze %dma_wait3A_150 : memref<1x128xi32, #tpu.memory_space<vmem>> -> memref<128xi32, #tpu.memory_space<vmem>>
        %dma_wait3A_152 = arith.constant 0 : i32
        %dma_wait3A_153 = arith.constant 0 : i32
        %dma_wait3A_154 = tpu.memref_slice %arg10[%dma_wait3A_152, %dma_wait3A_153] : memref<10112x64xf32, #tpu.memory_space<vmem_shared>> -> memref<10112x64xf32, #tpu.memory_space<vmem_shared>>
        tpu.wait_indirect_dma semaphore(%run_scoped3A_134 : memref<!tpu.dma_semaphore, #tpu.memory_space<semaphore_mem>>) src(%dma_wait3A_148 : memref<128x64xf32, #tpu.memory_space<vmem>>) dst(%dma_wait3A_154 : memref<10112x64xf32, #tpu.memory_space<vmem_shared>>)
        tpu.yield
      }) : () -> ()
    }
    %scan3A_37 = arith.constant 26 : i32
    %dma_wait3A = arith.constant 78 : i32
    %dma_wait3A_38 = arith.constant 0 : i32
    %dma_wait3A_39 = arith.constant 0 : i32
    %dma_wait3A_40 = arith.constant 0 : i32
    %dma_wait3A_41 = tpu.memref_slice %arg9[%dma_wait3A_38, %dma_wait3A_39, %dma_wait3A_40] : memref<3x128x64xf32, #tpu.memory_space<vmem>> -> memref<1x128x64xf32, #tpu.memory_space<vmem>>
    %dma_wait3A_42 = tpu.memref_squeeze %dma_wait3A_41 : memref<1x128x64xf32, #tpu.memory_space<vmem>> -> memref<128x64xf32, #tpu.memory_space<vmem>>
    %dma_wait3A_43 = arith.constant 0 : i32
    %dma_wait3A_44 = tpu.memref_slice %arg7[%dma_wait3A, %dma_wait3A_43] : memref<80x128xi32, #tpu.memory_space<vmem>> -> memref<1x128xi32, #tpu.memory_space<vmem>>
    %dma_wait3A_45 = tpu.memref_squeeze %dma_wait3A_44 : memref<1x128xi32, #tpu.memory_space<vmem>> -> memref<128xi32, #tpu.memory_space<vmem>>
    %dma_wait3A_46 = arith.constant 0 : i32
    %dma_wait3A_47 = arith.constant 0 : i32
    %dma_wait3A_48 = tpu.memref_slice %arg11[%dma_wait3A_46, %dma_wait3A_47] : memref<10112x64xf32, #tpu.memory_space<vmem_shared>> -> memref<10112x64xf32, #tpu.memory_space<vmem_shared>>
    tpu.wait_indirect_dma semaphore(%arg12 : memref<!tpu.dma_semaphore, #tpu.memory_space<semaphore_mem>>) src(%dma_wait3A_48 : memref<10112x64xf32, #tpu.memory_space<vmem_shared>>) dst(%dma_wait3A_42 : memref<128x64xf32, #tpu.memory_space<vmem>>)
    %run_scoped3A = arith.constant 0 : i32
    %run_scoped3A_49 = arith.constant 78 : i32
    "tpu.region"() ({
      %run_scoped3A_65 = tpu.sem_alloc : memref<!tpu.dma_semaphore, #tpu.memory_space<semaphore_mem>>
      %dma_start3A_66 = arith.constant 0 : i32
      %dma_start3A_67 = arith.constant 0 : i32
      %dma_start3A_68 = tpu.memref_slice %arg9[%run_scoped3A, %dma_start3A_66, %dma_start3A_67] : memref<3x128x64xf32, #tpu.memory_space<vmem>> -> memref<1x128x64xf32, #tpu.memory_space<vmem>>
      %dma_start3A_69 = tpu.memref_squeeze %dma_start3A_68 : memref<1x128x64xf32, #tpu.memory_space<vmem>> -> memref<128x64xf32, #tpu.memory_space<vmem>>
      %dma_start3A_70 = arith.constant 0 : i32
      %dma_start3A_71 = tpu.memref_slice %arg8[%run_scoped3A_49, %dma_start3A_70] : memref<80x128xi32, #tpu.memory_space<vmem>> -> memref<1x128xi32, #tpu.memory_space<vmem>>
      %dma_start3A_72 = tpu.memref_squeeze %dma_start3A_71 : memref<1x128xi32, #tpu.memory_space<vmem>> -> memref<128xi32, #tpu.memory_space<vmem>>
      %dma_start3A_73 = arith.constant 0 : i32
      %dma_start3A_74 = arith.constant 0 : i32
      %dma_start3A_75 = tpu.memref_slice %arg10[%dma_start3A_73, %dma_start3A_74] : memref<10112x64xf32, #tpu.memory_space<vmem_shared>> -> memref<10112x64xf32, #tpu.memory_space<vmem_shared>>
      tpu.enqueue_indirect_dma source(%dma_start3A_69 : memref<128x64xf32, #tpu.memory_space<vmem>>) target(%dma_start3A_75 : memref<10112x64xf32, #tpu.memory_space<vmem_shared>>) offsets(%dma_start3A_72 : memref<128xi32, #tpu.memory_space<vmem>>) semaphore(%run_scoped3A_65 : memref<!tpu.dma_semaphore, #tpu.memory_space<semaphore_mem>>) {add = true}
      %dma_wait3A_76 = arith.constant 0 : i32
      %dma_wait3A_77 = arith.constant 0 : i32
      %dma_wait3A_78 = tpu.memref_slice %arg9[%run_scoped3A, %dma_wait3A_76, %dma_wait3A_77] : memref<3x128x64xf32, #tpu.memory_space<vmem>> -> memref<1x128x64xf32, #tpu.memory_space<vmem>>
      %dma_wait3A_79 = tpu.memref_squeeze %dma_wait3A_78 : memref<1x128x64xf32, #tpu.memory_space<vmem>> -> memref<128x64xf32, #tpu.memory_space<vmem>>
      %dma_wait3A_80 = arith.constant 0 : i32
      %dma_wait3A_81 = tpu.memref_slice %arg8[%run_scoped3A_49, %dma_wait3A_80] : memref<80x128xi32, #tpu.memory_space<vmem>> -> memref<1x128xi32, #tpu.memory_space<vmem>>
      %dma_wait3A_82 = tpu.memref_squeeze %dma_wait3A_81 : memref<1x128xi32, #tpu.memory_space<vmem>> -> memref<128xi32, #tpu.memory_space<vmem>>
      %dma_wait3A_83 = arith.constant 0 : i32
      %dma_wait3A_84 = arith.constant 0 : i32
      %dma_wait3A_85 = tpu.memref_slice %arg10[%dma_wait3A_83, %dma_wait3A_84] : memref<10112x64xf32, #tpu.memory_space<vmem_shared>> -> memref<10112x64xf32, #tpu.memory_space<vmem_shared>>
      tpu.wait_indirect_dma semaphore(%run_scoped3A_65 : memref<!tpu.dma_semaphore, #tpu.memory_space<semaphore_mem>>) src(%dma_wait3A_79 : memref<128x64xf32, #tpu.memory_space<vmem>>) dst(%dma_wait3A_85 : memref<10112x64xf32, #tpu.memory_space<vmem_shared>>)
      tpu.yield
    }) : () -> ()
    %dma_wait3A_50 = arith.constant 79 : i32
    %dma_wait3A_51 = arith.constant 1 : i32
    %dma_wait3A_52 = arith.constant 0 : i32
    %dma_wait3A_53 = arith.constant 0 : i32
    %dma_wait3A_54 = tpu.memref_slice %arg9[%dma_wait3A_51, %dma_wait3A_52, %dma_wait3A_53] : memref<3x128x64xf32, #tpu.memory_space<vmem>> -> memref<1x128x64xf32, #tpu.memory_space<vmem>>
    %dma_wait3A_55 = tpu.memref_squeeze %dma_wait3A_54 : memref<1x128x64xf32, #tpu.memory_space<vmem>> -> memref<128x64xf32, #tpu.memory_space<vmem>>
    %dma_wait3A_56 = arith.constant 0 : i32
    %dma_wait3A_57 = tpu.memref_slice %arg7[%dma_wait3A_50, %dma_wait3A_56] : memref<80x128xi32, #tpu.memory_space<vmem>> -> memref<1x128xi32, #tpu.memory_space<vmem>>
    %dma_wait3A_58 = tpu.memref_squeeze %dma_wait3A_57 : memref<1x128xi32, #tpu.memory_space<vmem>> -> memref<128xi32, #tpu.memory_space<vmem>>
    %dma_wait3A_59 = arith.constant 0 : i32
    %dma_wait3A_60 = arith.constant 0 : i32
    %dma_wait3A_61 = tpu.memref_slice %arg11[%dma_wait3A_59, %dma_wait3A_60] : memref<10112x64xf32, #tpu.memory_space<vmem_shared>> -> memref<10112x64xf32, #tpu.memory_space<vmem_shared>>
    tpu.wait_indirect_dma semaphore(%arg13 : memref<!tpu.dma_semaphore, #tpu.memory_space<semaphore_mem>>) src(%dma_wait3A_61 : memref<10112x64xf32, #tpu.memory_space<vmem_shared>>) dst(%dma_wait3A_55 : memref<128x64xf32, #tpu.memory_space<vmem>>)
    %run_scoped3A_62 = arith.constant 1 : i32
    %run_scoped3A_63 = arith.constant 79 : i32
    "tpu.region"() ({
      %run_scoped3A_65 = tpu.sem_alloc : memref<!tpu.dma_semaphore, #tpu.memory_space<semaphore_mem>>
      %dma_start3A_66 = arith.constant 0 : i32
      %dma_start3A_67 = arith.constant 0 : i32
      %dma_start3A_68 = tpu.memref_slice %arg9[%run_scoped3A_62, %dma_start3A_66, %dma_start3A_67] : memref<3x128x64xf32, #tpu.memory_space<vmem>> -> memref<1x128x64xf32, #tpu.memory_space<vmem>>
      %dma_start3A_69 = tpu.memref_squeeze %dma_start3A_68 : memref<1x128x64xf32, #tpu.memory_space<vmem>> -> memref<128x64xf32, #tpu.memory_space<vmem>>
      %dma_start3A_70 = arith.constant 0 : i32
      %dma_start3A_71 = tpu.memref_slice %arg8[%run_scoped3A_63, %dma_start3A_70] : memref<80x128xi32, #tpu.memory_space<vmem>> -> memref<1x128xi32, #tpu.memory_space<vmem>>
      %dma_start3A_72 = tpu.memref_squeeze %dma_start3A_71 : memref<1x128xi32, #tpu.memory_space<vmem>> -> memref<128xi32, #tpu.memory_space<vmem>>
      %dma_start3A_73 = arith.constant 0 : i32
      %dma_start3A_74 = arith.constant 0 : i32
      %dma_start3A_75 = tpu.memref_slice %arg10[%dma_start3A_73, %dma_start3A_74] : memref<10112x64xf32, #tpu.memory_space<vmem_shared>> -> memref<10112x64xf32, #tpu.memory_space<vmem_shared>>
      tpu.enqueue_indirect_dma source(%dma_start3A_69 : memref<128x64xf32, #tpu.memory_space<vmem>>) target(%dma_start3A_75 : memref<10112x64xf32, #tpu.memory_space<vmem_shared>>) offsets(%dma_start3A_72 : memref<128xi32, #tpu.memory_space<vmem>>) semaphore(%run_scoped3A_65 : memref<!tpu.dma_semaphore, #tpu.memory_space<semaphore_mem>>) {add = true}
      %dma_wait3A_76 = arith.constant 0 : i32
      %dma_wait3A_77 = arith.constant 0 : i32
      %dma_wait3A_78 = tpu.memref_slice %arg9[%run_scoped3A_62, %dma_wait3A_76, %dma_wait3A_77] : memref<3x128x64xf32, #tpu.memory_space<vmem>> -> memref<1x128x64xf32, #tpu.memory_space<vmem>>
      %dma_wait3A_79 = tpu.memref_squeeze %dma_wait3A_78 : memref<1x128x64xf32, #tpu.memory_space<vmem>> -> memref<128x64xf32, #tpu.memory_space<vmem>>
      %dma_wait3A_80 = arith.constant 0 : i32
      %dma_wait3A_81 = tpu.memref_slice %arg8[%run_scoped3A_63, %dma_wait3A_80] : memref<80x128xi32, #tpu.memory_space<vmem>> -> memref<1x128xi32, #tpu.memory_space<vmem>>
      %dma_wait3A_82 = tpu.memref_squeeze %dma_wait3A_81 : memref<1x128xi32, #tpu.memory_space<vmem>> -> memref<128xi32, #tpu.memory_space<vmem>>
      %dma_wait3A_83 = arith.constant 0 : i32
      %dma_wait3A_84 = arith.constant 0 : i32
      %dma_wait3A_85 = tpu.memref_slice %arg10[%dma_wait3A_83, %dma_wait3A_84] : memref<10112x64xf32, #tpu.memory_space<vmem_shared>> -> memref<10112x64xf32, #tpu.memory_space<vmem_shared>>
      tpu.wait_indirect_dma semaphore(%run_scoped3A_65 : memref<!tpu.dma_semaphore, #tpu.memory_space<semaphore_mem>>) src(%dma_wait3A_79 : memref<128x64xf32, #tpu.memory_space<vmem>>) dst(%dma_wait3A_85 : memref<10112x64xf32, #tpu.memory_space<vmem_shared>>)
      tpu.yield
    }) : () -> ()
    %barrier3A_64 = arith.constant 0 : index
    tpu.barrier barrier_id(%barrier3A_64)
    "tpu.region"() ({
      %run_scoped3A_65 = tpu.sem_alloc : memref<!tpu.dma_semaphore, #tpu.memory_space<semaphore_mem>>
      %dma_start3A_66 = arith.constant 0 : i32
      %dma_start3A_67 = tpu.memref_slice %arg6[%arg0, %mul3A_2, %dma_start3A_66] : memref<2x10112x64xf32, #tpu.memory_space<hbm>> -> memref<1x632x64xf32, #tpu.memory_space<hbm>>
      %dma_start3A_68 = tpu.memref_squeeze %dma_start3A_67 : memref<1x632x64xf32, #tpu.memory_space<hbm>> -> memref<632x64xf32, #tpu.memory_space<hbm>>
      %dma_start3A_69 = arith.constant 0 : i32
      %dma_start3A_70 = tpu.memref_slice %arg10[%mul3A_2, %dma_start3A_69] : memref<10112x64xf32, #tpu.memory_space<vmem_shared>> -> memref<632x64xf32, #tpu.memory_space<vmem_shared>>
      tpu.enqueue_dma source(%dma_start3A_70 : memref<632x64xf32, #tpu.memory_space<vmem_shared>>) target(%dma_start3A_68 : memref<632x64xf32, #tpu.memory_space<hbm>>) target_semaphore(%run_scoped3A_65 : memref<!tpu.dma_semaphore, #tpu.memory_space<semaphore_mem>>)
      %dma_wait3A_71 = arith.constant 0 : i32
      %dma_wait3A_72 = tpu.memref_slice %arg6[%arg0, %mul3A_2, %dma_wait3A_71] : memref<2x10112x64xf32, #tpu.memory_space<hbm>> -> memref<1x632x64xf32, #tpu.memory_space<hbm>>
      %dma_wait3A_73 = tpu.memref_squeeze %dma_wait3A_72 : memref<1x632x64xf32, #tpu.memory_space<hbm>> -> memref<632x64xf32, #tpu.memory_space<hbm>>
      %dma_wait3A_74 = arith.constant 0 : i32
      %dma_wait3A_75 = tpu.memref_slice %arg10[%mul3A_2, %dma_wait3A_74] : memref<10112x64xf32, #tpu.memory_space<vmem_shared>> -> memref<632x64xf32, #tpu.memory_space<vmem_shared>>
      tpu.wait_dma2 semaphore(%run_scoped3A_65 : memref<!tpu.dma_semaphore, #tpu.memory_space<semaphore_mem>>) src(%dma_wait3A_75 : memref<632x64xf32, #tpu.memory_space<vmem_shared>>) dst(%dma_wait3A_73 : memref<632x64xf32, #tpu.memory_space<hbm>>)
      tpu.yield
    }) : () -> ()
    return
  }
}

module attributes {stable_mosaic.version = 14 : i64} {
  func.func @_tc_first(%arg0: memref<10000x128xf32, #tpu.memory_space<vmem>>, %arg1: memref<128x64xf32, #tpu.memory_space<vmem>>, %arg2: memref<2x10112x16xf32, #tpu.memory_space<vmem>>, %arg3: memref<10112x64xf32, #tpu.memory_space<vmem>>, %arg4: memref<10112x16xf32, #tpu.memory_space<vmem>>) attributes {dimension_semantics = [], scalar_prefetch = 0 : i64, scratch_operands = 0 : i64, tpu.core_type = #tpu.core_type<tc>} {
    %get3A = arith.constant 0 : index
    %get3A_0 = arith.constant 0 : index
    %get3A_1 = arith.constant 0 : index
    %get3A_2 = vector.load %arg2[%get3A, %get3A_0, %get3A_1] : memref<2x10112x16xf32, #tpu.memory_space<vmem>>, vector<1x10112x1xf32>
    %get3A_3 = vector.shape_cast %get3A_2 : vector<1x10112x1xf32> to vector<10112x1xf32>
    %get3A_4 = arith.constant 1 : index
    %get3A_5 = arith.constant 0 : index
    %get3A_6 = arith.constant 0 : index
    %get3A_7 = vector.load %arg2[%get3A_4, %get3A_5, %get3A_6] : memref<2x10112x16xf32, #tpu.memory_space<vmem>>, vector<1x10112x1xf32>
    %get3A_8 = vector.shape_cast %get3A_7 : vector<1x10112x1xf32> to vector<10112x1xf32>
    %add3A = arith.addf %get3A_3, %get3A_8 : vector<10112x1xf32>
    %add3A_9 = arith.constant 1.000000e+00 : f32
    %add3A_10 = vector.broadcast %add3A_9 : f32 to vector<10112x1xf32>
    %add3A_11 = arith.addf %add3A, %add3A_10 : vector<10112x1xf32>
    %iota3A = tpu.iota {dimensions = array<i32: 0>} : vector<10112x1xi32>
    %lt3A = arith.constant 10000 : i32
    %lt3A_12 = vector.broadcast %lt3A : i32 to vector<10112x1xi32>
    %lt3A_13 = arith.cmpi slt, %iota3A, %lt3A_12 : vector<10112x1xi32>
    %rsqrt3A = math.rsqrt %add3A_11 : vector<10112x1xf32>
    %jit3A = arith.constant 0.000000e+00 : f32
    %broadcast_in_dim3A = vector.broadcast %jit3A : f32 to vector<10112x1xf32>
    %select_n3A = arith.select %lt3A_13, %rsqrt3A, %broadcast_in_dim3A : vector<10112x1xi1>, vector<10112x1xf32>
    %get3A_14 = arith.constant 0 : index
    %get3A_15 = arith.constant 0 : index
    %get3A_16 = vector.load %arg0[%get3A_14, %get3A_15] : memref<10000x128xf32, #tpu.memory_space<vmem>>, vector<10000x128xf32>
    %get3A_17 = arith.constant 0 : index
    %get3A_18 = arith.constant 0 : index
    %get3A_19 = vector.load %arg1[%get3A_17, %get3A_18] : memref<128x64xf32, #tpu.memory_space<vmem>>, vector<128x64xf32>
    %dot_general3A = arith.constant dense<0.000000e+00> : vector<10000x64xf32>
    %dot_general3A_20 = tpu.matmul %get3A_16, %get3A_19, %dot_general3A {dimension_numbers = #tpu.dot_dimension_numbers<[1], [0], [0], [1], [0, 0, 1, 1], [], []>, transpose_lhs_hint = false} : vector<10000x128xf32>, vector<128x64xf32>, vector<10000x64xf32> -> vector<10000x64xf32>
    %slice3A = vector.extract_strided_slice %select_n3A {offsets = [0, 0], sizes = [10000, 1], strides = [1, 1]} : vector<10112x1xf32> to vector<10000x1xf32>
    %mul3A = vector.broadcast %slice3A : vector<10000x1xf32> to vector<10000x64xf32>
    %mul3A_21 = arith.mulf %dot_general3A_20, %mul3A : vector<10000x64xf32>
    %swap3A = arith.constant 0 : index
    %swap3A_22 = arith.constant 0 : index
    %swap3A_23 = vector.load %arg3[%swap3A, %swap3A_22] : memref<10112x64xf32, #tpu.memory_space<vmem>>, vector<10000x64xf32>
    tpu.vector_store %arg3[%swap3A, %swap3A_22], %mul3A_21 {strides = array<i32>} : memref<10112x64xf32, #tpu.memory_space<vmem>>, vector<10000x64xf32>,
    %broadcast_in_dim3A_24 = arith.constant 0.000000e+00 : f32
    %broadcast_in_dim3A_25 = vector.broadcast %broadcast_in_dim3A_24 : f32 to vector<112x64xf32>
    %swap3A_26 = arith.constant 10000 : index
    %swap3A_27 = arith.constant 0 : index
    %swap3A_28 = vector.load %arg3[%swap3A_26, %swap3A_27] : memref<10112x64xf32, #tpu.memory_space<vmem>>, vector<112x64xf32>
    tpu.vector_store %arg3[%swap3A_26, %swap3A_27], %broadcast_in_dim3A_25 {strides = array<i32>} : memref<10112x64xf32, #tpu.memory_space<vmem>>, vector<112x64xf32>,
    %broadcast_in_dim3A_29 = vector.shape_cast %select_n3A : vector<10112x1xf32> to vector<10112x1xf32>
    %broadcast_in_dim3A_30 = vector.broadcast %broadcast_in_dim3A_29 : vector<10112x1xf32> to vector<10112x16xf32>
    %swap3A_31 = arith.constant 0 : index
    %swap3A_32 = arith.constant 0 : index
    %swap3A_33 = vector.load %arg4[%swap3A_31, %swap3A_32] : memref<10112x16xf32, #tpu.memory_space<vmem>>, vector<10112x16xf32>
    tpu.vector_store %arg4[%swap3A_31, %swap3A_32], %broadcast_in_dim3A_30 {strides = array<i32>} : memref<10112x16xf32, #tpu.memory_space<vmem>>, vector<10112x16xf32>,
    return
  }
}

module attributes {stable_mosaic.version = 14 : i64} {
  func.func @_tc_mid(%arg0: i32, %arg1: memref<2x1264x64xf32, #tpu.memory_space<vmem>>, %arg2: memref<1264x16xf32, #tpu.memory_space<vmem>>, %arg3: memref<1x64xf32, #tpu.memory_space<vmem>>, %arg4: memref<64x64xf32, #tpu.memory_space<vmem>>, %arg5: memref<1264x64xf32, #tpu.memory_space<vmem>>) attributes {dimension_semantics = [#tpu.dimension_semantics<arbitrary>], iteration_bounds = array<i64: 8>, scalar_prefetch = 0 : i64, scratch_operands = 0 : i64, tpu.core_type = #tpu.core_type<tc>, window_params = [{transform_indices = @transform_0, window_bounds = array<i64: 2, 1264, 64>}, {transform_indices = @transform_1, window_bounds = array<i64: 1264, 16>}, {pipeline_mode = #tpu.pipeline_mode<synchronous>, transform_indices = @transform_2, window_bounds = array<i64: 1, 64>}, {pipeline_mode = #tpu.pipeline_mode<synchronous>, transform_indices = @transform_3, window_bounds = array<i64: 64, 64>}, {transform_indices = @transform_4, window_bounds = array<i64: 1264, 64>}]} {
    %get3A = arith.constant 0 : index
    %get3A_0 = arith.constant 0 : index
    %get3A_1 = vector.load %arg2[%get3A, %get3A_0] : memref<1264x16xf32, #tpu.memory_space<vmem>>, vector<1264x1xf32>
    %get3A_2 = arith.constant 0 : index
    %get3A_3 = arith.constant 0 : index
    %get3A_4 = arith.constant 0 : index
    %get3A_5 = vector.load %arg1[%get3A_2, %get3A_3, %get3A_4] : memref<2x1264x64xf32, #tpu.memory_space<vmem>>, vector<1x1264x64xf32>
    %get3A_6 = vector.shape_cast %get3A_5 : vector<1x1264x64xf32> to vector<1264x64xf32>
    %get3A_7 = arith.constant 1 : index
    %get3A_8 = arith.constant 0 : index
    %get3A_9 = arith.constant 0 : index
    %get3A_10 = vector.load %arg1[%get3A_7, %get3A_8, %get3A_9] : memref<2x1264x64xf32, #tpu.memory_space<vmem>>, vector<1x1264x64xf32>
    %get3A_11 = vector.shape_cast %get3A_10 : vector<1x1264x64xf32> to vector<1264x64xf32>
    %add3A = arith.addf %get3A_6, %get3A_11 : vector<1264x64xf32>
    %mul3A = vector.broadcast %get3A_1 : vector<1264x1xf32> to vector<1264x64xf32>
    %mul3A_12 = arith.mulf %add3A, %mul3A : vector<1264x64xf32>
    %get3A_13 = arith.constant 0 : index
    %get3A_14 = arith.constant 0 : index
    %get3A_15 = vector.load %arg3[%get3A_13, %get3A_14] : memref<1x64xf32, #tpu.memory_space<vmem>>, vector<1x64xf32>
    %add3A_16 = vector.broadcast %get3A_15 : vector<1x64xf32> to vector<1264x64xf32>
    %add3A_17 = arith.addf %mul3A_12, %add3A_16 : vector<1264x64xf32>
    %max3A = arith.constant 0.000000e+00 : f32
    %max3A_18 = vector.broadcast %max3A : f32 to vector<1264x64xf32>
    %max3A_19 = arith.maximumf %add3A_17, %max3A_18 : vector<1264x64xf32>
    %get3A_20 = arith.constant 0 : index
    %get3A_21 = arith.constant 0 : index
    %get3A_22 = vector.load %arg4[%get3A_20, %get3A_21] : memref<64x64xf32, #tpu.memory_space<vmem>>, vector<64x64xf32>
    %dot_general3A = arith.constant dense<0.000000e+00> : vector<1264x64xf32>
    %dot_general3A_23 = tpu.matmul %max3A_19, %get3A_22, %dot_general3A {dimension_numbers = #tpu.dot_dimension_numbers<[1], [0], [0], [1], [0, 0, 1, 1], [], []>, transpose_lhs_hint = false} : vector<1264x64xf32>, vector<64x64xf32>, vector<1264x64xf32> -> vector<1264x64xf32>
    %mul3A_24 = vector.broadcast %get3A_1 : vector<1264x1xf32> to vector<1264x64xf32>
    %mul3A_25 = arith.mulf %dot_general3A_23, %mul3A_24 : vector<1264x64xf32>
    %swap3A = arith.constant 0 : index
    %swap3A_26 = arith.constant 0 : index
    %swap3A_27 = vector.load %arg5[%swap3A, %swap3A_26] : memref<1264x64xf32, #tpu.memory_space<vmem>>, vector<1264x64xf32>
    tpu.vector_store %arg5[%swap3A, %swap3A_26], %mul3A_25 {strides = array<i32>} : memref<1264x64xf32, #tpu.memory_space<vmem>>, vector<1264x64xf32>,
    return
  }
  func.func @transform_0(%arg0: i32) -> (i32, i32, i32) {
    %c0_i32 = arith.constant 0 : i32
    %c0_i32_0 = arith.constant 0 : i32
    %c0_i32_1 = arith.constant 0 : i32
    return %c0_i32, %arg0, %c0_i32_0 : i32, i32, i32
  }
  func.func @transform_1(%arg0: i32) -> (i32, i32) {
    %c0_i32 = arith.constant 0 : i32
    %c0_i32_0 = arith.constant 0 : i32
    return %arg0, %c0_i32 : i32, i32
  }
  func.func @transform_2(%arg0: i32) -> (i32, i32) {
    %c0_i32 = arith.constant 0 : i32
    %c0_i32_0 = arith.constant 0 : i32
    %c0_i32_1 = arith.constant 0 : i32
    return %c0_i32, %c0_i32_0 : i32, i32
  }
  func.func @transform_3(%arg0: i32) -> (i32, i32) {
    %c0_i32 = arith.constant 0 : i32
    %c0_i32_0 = arith.constant 0 : i32
    %c0_i32_1 = arith.constant 0 : i32
    return %c0_i32, %c0_i32_0 : i32, i32
  }
  func.func @transform_4(%arg0: i32) -> (i32, i32) {
    %c0_i32 = arith.constant 0 : i32
    %c0_i32_0 = arith.constant 0 : i32
    return %arg0, %c0_i32 : i32, i32
  }
}

module attributes {stable_mosaic.version = 14 : i64} {
  func.func @_tc_pre4(%arg0: i32, %arg1: memref<2x1264x64xf32, #tpu.memory_space<vmem>>, %arg2: memref<1264x16xf32, #tpu.memory_space<vmem>>, %arg3: memref<1x64xf32, #tpu.memory_space<vmem>>, %arg4: memref<1264x64xf32, #tpu.memory_space<vmem>>) attributes {dimension_semantics = [#tpu.dimension_semantics<arbitrary>], iteration_bounds = array<i64: 8>, scalar_prefetch = 0 : i64, scratch_operands = 0 : i64, tpu.core_type = #tpu.core_type<tc>, window_params = [{transform_indices = @transform_0, window_bounds = array<i64: 2, 1264, 64>}, {transform_indices = @transform_1, window_bounds = array<i64: 1264, 16>}, {pipeline_mode = #tpu.pipeline_mode<synchronous>, transform_indices = @transform_2, window_bounds = array<i64: 1, 64>}, {transform_indices = @transform_3, window_bounds = array<i64: 1264, 64>}]} {
    %get3A = arith.constant 0 : index
    %get3A_0 = arith.constant 0 : index
    %get3A_1 = vector.load %arg2[%get3A, %get3A_0] : memref<1264x16xf32, #tpu.memory_space<vmem>>, vector<1264x1xf32>
    %get3A_2 = arith.constant 0 : index
    %get3A_3 = arith.constant 0 : index
    %get3A_4 = arith.constant 0 : index
    %get3A_5 = vector.load %arg1[%get3A_2, %get3A_3, %get3A_4] : memref<2x1264x64xf32, #tpu.memory_space<vmem>>, vector<1x1264x64xf32>
    %get3A_6 = vector.shape_cast %get3A_5 : vector<1x1264x64xf32> to vector<1264x64xf32>
    %get3A_7 = arith.constant 1 : index
    %get3A_8 = arith.constant 0 : index
    %get3A_9 = arith.constant 0 : index
    %get3A_10 = vector.load %arg1[%get3A_7, %get3A_8, %get3A_9] : memref<2x1264x64xf32, #tpu.memory_space<vmem>>, vector<1x1264x64xf32>
    %get3A_11 = vector.shape_cast %get3A_10 : vector<1x1264x64xf32> to vector<1264x64xf32>
    %add3A = arith.addf %get3A_6, %get3A_11 : vector<1264x64xf32>
    %mul3A = vector.broadcast %get3A_1 : vector<1264x1xf32> to vector<1264x64xf32>
    %mul3A_12 = arith.mulf %add3A, %mul3A : vector<1264x64xf32>
    %get3A_13 = arith.constant 0 : index
    %get3A_14 = arith.constant 0 : index
    %get3A_15 = vector.load %arg3[%get3A_13, %get3A_14] : memref<1x64xf32, #tpu.memory_space<vmem>>, vector<1x64xf32>
    %add3A_16 = vector.broadcast %get3A_15 : vector<1x64xf32> to vector<1264x64xf32>
    %add3A_17 = arith.addf %mul3A_12, %add3A_16 : vector<1264x64xf32>
    %max3A = arith.constant 0.000000e+00 : f32
    %max3A_18 = vector.broadcast %max3A : f32 to vector<1264x64xf32>
    %max3A_19 = arith.maximumf %add3A_17, %max3A_18 : vector<1264x64xf32>
    %mul3A_20 = vector.broadcast %get3A_1 : vector<1264x1xf32> to vector<1264x64xf32>
    %mul3A_21 = arith.mulf %max3A_19, %mul3A_20 : vector<1264x64xf32>
    %swap3A = arith.constant 0 : index
    %swap3A_22 = arith.constant 0 : index
    %swap3A_23 = vector.load %arg4[%swap3A, %swap3A_22] : memref<1264x64xf32, #tpu.memory_space<vmem>>, vector<1264x64xf32>
    tpu.vector_store %arg4[%swap3A, %swap3A_22], %mul3A_21 {strides = array<i32>} : memref<1264x64xf32, #tpu.memory_space<vmem>>, vector<1264x64xf32>,
    return
  }
  func.func @transform_0(%arg0: i32) -> (i32, i32, i32) {
    %c0_i32 = arith.constant 0 : i32
    %c0_i32_0 = arith.constant 0 : i32
    %c0_i32_1 = arith.constant 0 : i32
    return %c0_i32, %arg0, %c0_i32_0 : i32, i32, i32
  }
  func.func @transform_1(%arg0: i32) -> (i32, i32) {
    %c0_i32 = arith.constant 0 : i32
    %c0_i32_0 = arith.constant 0 : i32
    return %arg0, %c0_i32 : i32, i32
  }
  func.func @transform_2(%arg0: i32) -> (i32, i32) {
    %c0_i32 = arith.constant 0 : i32
    %c0_i32_0 = arith.constant 0 : i32
    %c0_i32_1 = arith.constant 0 : i32
    return %c0_i32, %c0_i32_0 : i32, i32
  }
  func.func @transform_3(%arg0: i32) -> (i32, i32) {
    %c0_i32 = arith.constant 0 : i32
    %c0_i32_0 = arith.constant 0 : i32
    return %arg0, %c0_i32 : i32, i32
  }
}

module attributes {stable_mosaic.version = 14 : i64} {
  func.func @_tc_last(%arg0: memref<2x10112x64xf32, #tpu.memory_space<vmem>>, %arg1: memref<10112x16xf32, #tpu.memory_space<vmem>>, %arg2: memref<64x128xf32, #tpu.memory_space<vmem>>, %arg3: memref<1x128xf32, #tpu.memory_space<vmem>>, %arg4: memref<10000x128xf32, #tpu.memory_space<vmem>>) attributes {dimension_semantics = [], scalar_prefetch = 0 : i64, scratch_operands = 0 : i64, tpu.core_type = #tpu.core_type<tc>} {
    %get3A = arith.constant 0 : index
    %get3A_0 = arith.constant 0 : index
    %get3A_1 = vector.load %arg1[%get3A, %get3A_0] : memref<10112x16xf32, #tpu.memory_space<vmem>>, vector<10000x1xf32>
    %get3A_2 = arith.constant 0 : index
    %get3A_3 = arith.constant 0 : index
    %get3A_4 = arith.constant 0 : index
    %get3A_5 = vector.load %arg0[%get3A_2, %get3A_3, %get3A_4] : memref<2x10112x64xf32, #tpu.memory_space<vmem>>, vector<1x10000x64xf32>
    %get3A_6 = vector.shape_cast %get3A_5 : vector<1x10000x64xf32> to vector<10000x64xf32>
    %get3A_7 = arith.constant 1 : index
    %get3A_8 = arith.constant 0 : index
    %get3A_9 = arith.constant 0 : index
    %get3A_10 = vector.load %arg0[%get3A_7, %get3A_8, %get3A_9] : memref<2x10112x64xf32, #tpu.memory_space<vmem>>, vector<1x10000x64xf32>
    %get3A_11 = vector.shape_cast %get3A_10 : vector<1x10000x64xf32> to vector<10000x64xf32>
    %add3A = arith.addf %get3A_6, %get3A_11 : vector<10000x64xf32>
    %mul3A = vector.broadcast %get3A_1 : vector<10000x1xf32> to vector<10000x64xf32>
    %mul3A_12 = arith.mulf %add3A, %mul3A : vector<10000x64xf32>
    %get3A_13 = arith.constant 0 : index
    %get3A_14 = arith.constant 0 : index
    %get3A_15 = vector.load %arg2[%get3A_13, %get3A_14] : memref<64x128xf32, #tpu.memory_space<vmem>>, vector<64x128xf32>
    %dot_general3A = arith.constant dense<0.000000e+00> : vector<10000x128xf32>
    %dot_general3A_16 = tpu.matmul %mul3A_12, %get3A_15, %dot_general3A {dimension_numbers = #tpu.dot_dimension_numbers<[1], [0], [0], [1], [0, 0, 1, 1], [], []>, transpose_lhs_hint = false} : vector<10000x64xf32>, vector<64x128xf32>, vector<10000x128xf32> -> vector<10000x128xf32>
    %get3A_17 = arith.constant 0 : index
    %get3A_18 = arith.constant 0 : index
    %get3A_19 = vector.load %arg3[%get3A_17, %get3A_18] : memref<1x128xf32, #tpu.memory_space<vmem>>, vector<1x128xf32>
    %add3A_20 = vector.broadcast %get3A_19 : vector<1x128xf32> to vector<10000x128xf32>
    %add3A_21 = arith.addf %dot_general3A_16, %add3A_20 : vector<10000x128xf32>
    %swap3A = arith.constant 0 : index
    %swap3A_22 = arith.constant 0 : index
    %swap3A_23 = vector.load %arg4[%swap3A, %swap3A_22] : memref<10000x128xf32, #tpu.memory_space<vmem>>, vector<10000x128xf32>
    tpu.vector_store %arg4[%swap3A, %swap3A_22], %add3A_21 {strides = array<i32>} : memref<10000x128xf32, #tpu.memory_space<vmem>>, vector<10000x128xf32>,
    return
  }
}

</mosaic_0001>

<sc_bundles>
// kernel: kernel.12.cloned.1.call-start
scs
__scs_entry_jumppad:
0x0: {  	(pc) =	sbr.rel $0x88, $3  }
0x1: {  	(tag) =	ssettag $0x0;
	lr =	simm.s32 $0x1  }
0x2: {  	[smem:$0x3F97] =	sst lr;
	_ =	strace $0xD0000000  }
0x3: {  	_ = 	snop  }
0x4: {  	_ = 	snop  }
0x5: {  	_ = 	snop  }
0x6: {  	_ = 	snop  }
0x7: {  	_ = 	snop  }
__scs_overlays_trampoline_lowered:
0x8: {  	[smem:$0x3FA6] =	sst s0  }
0x9: {  	[smem:$0x3FA7] =	sst s1  }
0xa: {  	[smem:$0x3FA8] =	sst s2  }
0xb: {  	[smem:$0x3FA9] =	sst s3  }
0xc: {  	[smem:$0x3FAA] =	sst s4  }
0xd: {  	[smem:$0x3FAB] =	sst s5  }
0xe: {  	[smem:$0x3FAC] =	sst s6  }
0xf: {  	[smem:$0x3FAD] =	sst s7  }
0x10: {  	[smem:$0x3FAE] =	sst s8  }
0x11: {  	[smem:$0x3FAF] =	sst s9;
	s0 =	simm.s32 @!p0 $0x0  }
0x12: {  	s1 =	sld [smem:$0x3F95];
	s0 =	simm.s32 @p0 $0x1  }
0x13: {  	[smem:$0x3FB0] =	sst s0;
	s0 =	simm.s32 @!p1 $0x0  }
0x14: {  	s2 =	sld [smem:$0x3F94];
	s0 =	simm.s32 @p1 $0x1  }
0x15: {  	[smem:$0x3FB1] =	sst s0;
	s0 =	simm.s32 @!p2 $0x0  }
0x16: {  	s3 =	sld [smem:$0x3FDB];
	s0 =	simm.s32 @p2 $0x1  }
0x17: {  	s4 =	simm.s32 $0x1BF5;
	[smem:$0x3FB3] =	sst s0  }
0x18: {  	s0 =	sld [smem:$0x3F96];
	_ =	swait.ge [sflag:s4], $0x0  }
0x19: {  	s7 =	sld [smem:$0x3F97]  }
0x1a: {  	s8 =	sadd.s32 $0xFFFFE003, lr  }
0x1b: {  	s9 =	sadd.s32 $0xFFFFFEF7, lr;
	s5 =	simm.s32 $0xFFFFFFFF;
	p2 =	slt.u32 s8, $0xFFFFF086  }
0x1c: {  	p1 =	slt.u32 s9, $0xF7A;
	s5 =	simm.s32 @!p2 $0x0  }
0x1d: {  	s5 =	simm.s32 @p1 $0x1;
	p0 =	seq.s32 s7, s2  }
0x1e: {  	s7 =	smul.u32 @!p0 $0xF7A, s2;
	p2 =	seq.s32 @!p0 s5, $0x0  }
0x1f: {  	s9 =	smul.u32 $0xF7A, s1;
	s8 =	simm.s32 @!p0 $0x1BF5;
	p2 =	por !p2, p0  }
0x20: {  	[sflag:s8] =	ssyncset.s32 @!p0 $0xFFFFF086;
	s6 =	sadd.s32 @!p0 s3, s7;
	s7 =	simm.s32 @!p0 $0x108  }
0x21: {  	s3 =	sadd.s32 s3, s9;
	s6 =	sadd.s32 @!p0 $0x88, s6;
	s7 =	simm.s32 @p2 $0x1082  }
0x22: {  	[simem:s7], [sflag:s8] =	dma.local @!p0 [hbm:s6], $0xF7A  }
0x23: {  	s9 =	sor.u32 $0xD0000000, s2;
	s6 =	simm.s32 $0x108;
	_ =	swait.ge @!p0 [sflag:s8], $0x0  }
0x24: {  	s3 =	sadd.s32 $0x88, s3;
	s6 =	simm.s32 @!p1 $0x1082;
	[sflag:s4] =	ssyncset.s32 $0xFFFFF086  }
0x25: {  	[simem:s6], [sflag:s4] =	dma.local [hbm:s3], $0xF7A  }
0x26: {  	[smem:$0x3F97] =	sst s1;
	(tag) =	ssettag s2;
	_ =	strace s9  }
0x27: {  	s1 =	sld [smem:$0x3FA7]  }
0x28: {  	s2 =	sld [smem:$0x3FA8]  }
0x29: {  	s4 =	sld [smem:$0x3FAA]  }
0x2a: {  	p0 =	seq.s32 s5, $0x0;
	s5 =	sld [smem:$0x3FAB]  }
0x2b: {  	s6 =	sld [smem:$0x3FAC]  }
0x2c: {  	s7 =	sld [smem:$0x3FAD]  }
0x2d: {  	s3 =	simm.s32 $0x108;
	s8 =	sld [smem:$0x3FAE]  }
0x2e: {  	s3 =	simm.s32 @!p0 $0x1082;
	s9 =	sld [smem:$0x3FAF]  }
0x2f: {  	lr =	sadd.s32 s0, s3;
	s0 =	sld [smem:$0x3FA6]  }
0x30: {  	s3 =	sld [smem:$0x3FA9]  }
0x31: {  	[smem:$0x3FB2] =	sst s10  }
0x32: {  	s10 =	sld [smem:$0x3FB0];
	_ =	sdelay $0x3  }
0x33: {  	p0 =	seq.s32 s10, $0x1;
	s10 =	sld [smem:$0x3FB2];
	_ =	sdelay $0x3  }
0x34: {  	[smem:$0x3FB2] =	sst s10  }
0x35: {  	s10 =	sld [smem:$0x3FB1];
	_ =	sdelay $0x3  }
0x36: {  	p1 =	seq.s32 s10, $0x1;
	s10 =	sld [smem:$0x3FB2];
	_ =	sdelay $0x3  }
0x37: {  	[smem:$0x3FB2] =	sst s10  }
0x38: {  	s10 =	sld [smem:$0x3FB3]  }
0x39: {  	_ = 	snop;
	(pc) =	sbr.ind lr, $3  }
0x3a: {  	_ = 	snop  }
0x3b: {  	_ = 	snop  }
0x3c: {  	p2 =	seq.s32 s10, $0x1;
	s10 =	sld [smem:$0x3FB2]  }
0x3d: {  	_ =	shalt  }
0x3e: {  	_ =	shalt  }
0x3f: {  	_ =	shalt  }
0x40: {  	_ =	shalt  }
0x41: {  	_ =	shalt  }
0x42: {  	_ =	shalt  }
0x43: {  	_ =	shalt  }
0x44: {  	_ =	shalt  }
0x45: {  	_ =	shalt  }
0x46: {  	_ =	shalt  }
0x47: {  	_ =	shalt  }
0x48: {  	_ =	shalt  }
0x49: {  	_ =	shalt  }
0x4a: {  	_ =	shalt  }
0x4b: {  	_ =	shalt  }
0x4c: {  	_ =	shalt  }
0x4d: {  	_ =	shalt  }
0x4e: {  	_ =	shalt  }
0x4f: {  	_ =	shalt  }
0x50: {  	_ =	shalt  }
0x51: {  	_ =	shalt  }
0x52: {  	_ =	shalt  }
0x53: {  	_ =	shalt  }
0x54: {  	_ =	shalt  }
0x55: {  	_ =	shalt  }
0x56: {  	_ =	shalt  }
0x57: {  	_ =	shalt  }
0x58: {  	_ =	shalt  }
0x59: {  	_ =	shalt  }
0x5a: {  	_ =	shalt  }
0x5b: {  	_ =	shalt  }
0x5c: {  	_ =	shalt  }
0x5d: {  	_ =	shalt  }
0x5e: {  	_ =	shalt  }
0x5f: {  	_ =	shalt  }
0x60: {  	_ =	shalt  }
0x61: {  	_ =	shalt  }
0x62: {  	_ =	shalt  }
0x63: {  	_ =	shalt  }
0x64: {  	_ =	shalt  }
0x65: {  	_ =	shalt  }
0x66: {  	_ =	shalt  }
0x67: {  	_ =	shalt  }
0x68: {  	_ =	shalt  }
0x69: {  	_ =	shalt  }
0x6a: {  	_ =	shalt  }
0x6b: {  	_ =	shalt  }
0x6c: {  	_ =	shalt  }
0x6d: {  	_ =	shalt  }
0x6e: {  	_ =	shalt  }
0x6f: {  	_ =	shalt  }
0x70: {  	_ =	shalt  }
0x71: {  	_ =	shalt  }
0x72: {  	_ =	shalt  }
0x73: {  	_ =	shalt  }
0x74: {  	_ =	shalt  }
0x75: {  	_ =	shalt  }
0x76: {  	_ =	shalt  }
0x77: {  	_ =	shalt  }
0x78: {  	_ =	shalt  }
0x79: {  	_ =	shalt  }
0x7a: {  	_ =	shalt  }
0x7b: {  	_ =	shalt  }
0x7c: {  	_ =	shalt  }
0x7d: {  	_ =	shalt  }
0x7e: {  	_ =	shalt  }
0x7f: {  	_ =	shalt  }
0x80: {  	_ =	shalt  }
0x81: {  	_ =	shalt  }
0x82: {  	_ =	shalt  }
0x83: {  	_ =	shalt  }
0x84: {  	_ =	shalt  }
0x85: {  	_ =	shalt  }
0x86: {  	_ =	shalt  }
0x87: {  	_ =	shalt  }
.Lfunc_end0:
.L_simem_size_0:
called_computation_lowered:
.L_overlay_start_0:
0x88: {  	s2 =	sld [smem:$0x3FD9]  }
0x89: {  	s3 =	sld [smem:$0x3FFE];
	_ =	sdelay $0x1  }
0x8a: {  	s1 =	srdreg.scid  }
0x8b: {  	s0 =	sand.u32 $0x1, s1  }
0x8c: {  	s17 =	sshll.u32 s0, $0xA;
	s2 =	sadd.s32 s3, s2  }
0x8d: {  	s2 =	sadd.s32 s2, s17  }
0x8e: {  	[smem:$0x3FBE] =	sst s2  }
0x8f: {  	_ = 	snop  }
0x90: {  	s2 =	sld [smem:$0x3FD0];
	(tm) =	ssettm $0x1  }
0x91: {  	s18 =	sld [smem:$0x3FFB];
	_ =	sdelay $0x3  }
0x92: {  	_ =	strace s18  }
0x93: {  	s3 =	sld [smem:$0x3FFC];
	_ =	sdelay $0x3  }
0x94: {  	_ =	strace s3  }
0x95: {  	s3 =	sld [smem:$0x3FFD];
	_ =	sdelay $0x3  }
0x96: {  	_ =	strace s3  }
0x97: {  	_ =	strace $0x8FFFFFFF  }
0x98: {  	s19 =	sld [smem:$0x3FDB];
	_ =	sdelay $0x1  }
0x99: {  	s4 =	simm.s32 $_scs_section_size  }
0x9a: {  	s5 =	simm.s32 $_size__tile_overlayer_lowered;
	s6 =	simm.s32 $_tile_overlayer_lowered  }
0x9b: {  	s22 =	simm.s32 $0x1BFF;
	s21 =	sshll.u32 s6, $0x1;
	s3 =	sadd.s32 s4, s19  }
0x9c: {  	s7 =	simm.s32 $0x0;
	s20 =	sshll.u32 s5, $0x1;
	s5 =	sadd.s32 s21, s3  }
0x9d: {  	[timem:s7], [sflag:s22] =	dma.local [hbm:s5], s20  }
0x9e: {  	_ =	swait.ge [sflag:s22], s20  }
0x9f: {  	s4 =	ssub.s32 $0x0, s20;
	[sflag:s22] =	ssyncset.done $0x0  }
0xa0: {  	[sflag:s22] =	ssyncadd.s32 s4;
	_ =	sdelay $0x1  }
0xa1: {  	s23 =	simm.s32 $0x1B8B  }
0xa2: {  	_ =	swait.ge [sflag:s23], $0x1  }
0xa3: {  	[sflag:s23] =	ssyncset.done $0x0  }
0xa4: {  	s25 =	simm.s32 $0x1B8E;
	s24 =	sld [smem:$0x3FFE];
	[sflag:s23] =	ssyncadd.s32 $0xFFFFFFFF  }
0xa5: {  	s26 =	simm.s32 $execute0_lowered;
	[smem:$0x3FD2] =	sst s25  }
0xa6: {  	s5 =	sshll.u32 s26, $0x1;
	_ =	strace $0x80000046;
	[dreg:$0x1] =	wrdreg $0xFFFFFFFF  }
0xa7: {  	s28 =	simm.s32 $_size_execute0_lowered;
	s3 =	sadd.s32 s3, s5;
	[dreg:$0x0] =	wrdreg $0x0  }
0xa8: {  	s5 =	sshll.u32 s28, $0x1;
	[dreg:$0x2] =	wrdreg s3  }
0xa9: {  	[dreg:$0x3] =	wrdreg s5  }
0xaa: {  	[dreg:$0x4] =	wrdreg $0xC0  }
0xab: {  	_ =	task [dreg:s7], $0x5FFFF  }
0xac: {  	[dreg:$0x1] =	wrdreg $0xFFFFFFFF  }
0xad: {  	[dreg:$0x0] =	wrdreg $0x60  }
0xae: {  	[dreg:$0x2] =	wrdreg s24  }
0xaf: {  	[dreg:$0x3] =	wrdreg s2  }
0xb0: {  	[dreg:$0x4] =	wrdreg $0x30000  }
0xb1: {  	[dreg:$0x5] =	wrdreg $0x9  }
0xb2: {  	_ =	task.clear_ibuf [dreg:s7], $0x6FFFF;
	_ =	strace $0x90000046  }
0xb3: {  	s29 =	simm.s32 $0x9;
	_ =	strace $0x80000048  }
0xb4: {  	_ =	swait.ge [sflag:s29], $0x1  }
0xb5: {  	[sflag:s29] =	ssyncadd.s32 $0xFFFFFFFF  }
0xb6: {  	_ =	strace $0x90000048  }
0xb7: {  	_ =	sfence  }
0xb8: {  	s30 =	sld [smem:$0x0];
	_ =	sdelay $0x2  }
0xb9: {  	s31 =	sshll.u32 s1, $0xD;
	s1 =	sshrl.u32 s1, $0x2  }
0xba: {  	s3 =	sand.u32 $0x4000, s31;
	s1 =	sadd.s32 s1, s30  }
0xbb: {  	s0 =	sor.u32 s3, s0;
	s1 =	sshll.u32 s1, $0x11  }
0xbc: {  	s0 =	sor.u32 s1, s0  }
0xbd: {  	s0 =	sadd.s32 $0x8F2B, s0  }
0xbe: {  	[sflag:s0] =	ssyncadd.remote.s32 $0x1  }
0xbf: {  	_ =	sfence.sel $0xFFFF  }
0xc0: {  	[dreg:$0x0] =	wrdreg $0xFFFFFFFF;
	(pc) =	sbr.abs _section_cstart, $3  }
0xc1: {  	[dreg:$0x1] =	wrdreg $0xFFFFFFFF  }
0xc2: {  	_ =	task.clear_ibuf [dreg:s7], $0x2FFFF;
	_ =	strace $0x9FFFFFFF  }
0xc3: {  	(tm) =	ssettm $0x7FFFFFFF  }
tec
execute0_lowered:
.L_overlay_start_1:
0x0: {  	(tag) =	ssettag $0x1  }
0x1: {  	s4 =	rddreg [dreg:$0x0]  }
0x2: {  	s0 =	srdreg.scid;
	s8 =	rddreg [dreg:$0x1]  }
0x3: {  	s2 =	rddreg [dreg:$0x2];
	s3 =	simm.s32 $0x0;
	s13 =	simm.s32 $0x80  }
0x4: {  	s14 =	simm.s32 $0x0;
	s5 =	sand.u32 $0x1, s0;
	s0 =	stileid.u32  }
0x5: {  	[smem:$0x7FF] =	sst s3;
	s1 =	sshll.u32 s5, $0x4;
	s7 =	smul.u32 $0x2780, s0  }
0x6: {  	s10 =	ssub.s32 $0x2, s5;
	s5 =	smul.u32 $0x27800, s5;
	s31 =	sshll.u32 s0, $0x6  }
0x7: {  	s6 =	sor.u32 s0, s1;
	s1 =	rddreg [dreg:$0x3];
	_ =	strace $0x80000047  }
0x8: {  	s11 =	sshrl.u32 s10, $0x1;
	s6 =	smul.u32 $0x500, s6;
	s29 =	sshrl.u32 s7, $0x3  }
0x9: {  	s10 =	ssub.s32 s10, s11;
	s30 =	sadd.s32 s7, s2;
	s7 =	sadd.s32 s7, s5  }
0xa: {  	s11 =	simm.s32 $0x1;
	s12 =	sshrl.u32 s7, $0x3;
	s9 =	sadd.s32 s6, s4  }
0xb: {  	s6 =	sadd.s32 s29, s4;
	s4 =	sadd.s32 $0x11600, s4;
	s8 =	sadd.s32 s8, s12  }
0xc: {  	s12 =	simm.s32 $0x2800;
	s5 =	sadd.s32 $0xC600, s6;
	s6 =	sor.u32 $0x1C01, s31  }
0xd: {  	s7 =	sadd.s32 $0x2600, s9;
	s9 =	smax.u32 s10, $0x1;
	s10 =	sshrl.u32 s30, $0x3  }
.LBB2_1:
0xe: {  	[spmem:s10], [sflag:s6] =	dma.local [hbm:s5], $0x4F0  }
0xf: {  	_ =	swait.ge [sflag:s11], $0x4F0  }
0x10: {  	[sflag:s11] =	ssyncset.done $0x0  }
0x11: {  	[sflag:s11] =	ssyncadd.s32 $0xFFFFFB10  }
0x12: {  	[tilespmem:s12], [sflag:$0x1] =	stream.linear.gather [hbm4b:s4+s3], $0x800, $0x38;
	[tilespmem:$0x5780] =	vst v63  }
0x13: {  	_ =	swait.ge [sflag:s11], $0x800  }
0x14: {  	[sflag:s11] =	ssyncset.done $0x0  }
0x15: {  	[sflag:s11] =	ssyncadd.s32 $0xFFFFF800  }
0x16: {  	[tilespmem:s3], [sflag:$0x1] =	stream.linear.gather [hbm4b:s7+s3], $0x2800, $0x38;
	[tilespmem:$0x5780] =	vst v63  }
0x17: {  	_ =	swait.ge [sflag:s11], $0x2800  }
0x18: {  	[sflag:s11] =	ssyncset.done $0x0  }
0x19: {  	[sflag:s11] =	ssyncadd.s32 $0xFFFFD800  }
0x1a: {  	s15 =	simm.s32 $0x0;
	[bflag:$0x0] =	sbarrier.arrive $0xFFFF  }
0x1b: {  	[spmem:s2] =	stream.indirect.scatter.add.f32 [tilespmem:s12], [sflag:$0x1], $0x10, s15, s13, $0xb8;
	[tilespmem:$0x5780] =	vst v63  }
0x1c: {  	_ =	swait.ge [sflag:s11], $0x800  }
0x1d: {  	s15 =	simm.s32 $0x200;
	[sflag:s11] =	ssyncset.done $0x0  }
.LBB2_2:
0x1e: {  	s16 =	sshra.s32 s15, $0x2;
	[sflag:s11] =	ssyncadd.s32 $0xFFFFF800;
	p0 =	sne.s32 s15, $0x9E00  }
0x1f: {  	[spmem:s2] =	stream.indirect.scatter.add.f32 [tilespmem:s12], [sflag:$0x1], $0x10, s16, s13, $0xb8;
	[tilespmem:$0x5780] =	vst v63  }
.Ltmp0:
0x20: {  	_ = 	snop;
	(pc) =	sbr.rel @p0 .LBB2_2-.Ltmp0, $4  }
0x21: {  	_ = 	snop  }
0x22: {  	s15 =	sadd.s32 $0x200, s15  }
0x23: {  	_ =	swait.ge [sflag:s11], $0x800  }
0x24: {  	[sflag:s11] =	ssyncset.done $0x0  }
0x25: {  	s14 =	sadd.s32 $0x1, s14  }
0x26: {  	[sflag:s11] =	ssyncadd.s32 $0xFFFFF800;
	p0 =	sne.s32 s14, s9  }
.Ltmp1:
0x27: {  	[bflag:$0x0] =	sbarrier.arrive $0xFFFF;
	(pc) =	sbr.rel @p0 .LBB2_1-.Ltmp1, $4  }
0x28: {  	[hbm:s8], [sflag:s6] =	dma.local [spmem:s10], $0x4F0  }
0x29: {  	_ =	swait.ge [sflag:s11], $0x4F0  }
0x2a: {  	[sflag:s11] =	ssyncset.done $0x0  }
0x2b: {  	[sflag:s11] =	ssyncadd.s32 $0xFFFFFB10  }
0x2c: {  	_ =	sfence.sel $0x180000  }
0x2d: {  	[bflag:$0x0] =	sbarrier.arrive $0xFFFF  }
0x2e: {  	p0 =	sne.s32 s0, $0x0;
	_ =	strace $0x90000047  }
0x2f: {  	s0 =	sadd.s32 @!p0 $0x100000, s1;
	[bflag:$0x2] =	sbarrier.arrive $0xFFFF  }
0x30: {  	[sflag:s0] =	ssyncadd.tile.s32 @!p0 $0x1;
	_ =	shalt  }
.Lfunc_end2:
_tile_overlayer_lowered:
.L_overlay_start_2:
0x31: {  	(tag) =	ssettag $0x2  }
0x32: {  	s0 =	rddreg [dreg:$0x0];
	s2 =	stileid.u32  }
0x33: {  	s1 =	rddreg [dreg:$0x1];
	p0 =	sne.s32 s2, $0x0  }
0x34: {  	s3 =	rddreg [dreg:$0x2];
	[bflag:$0x3] =	sbarrier.arrive $0xFFFF;
	s2 =	simm.s32 @!p0 $0x1C01  }
0x35: {  	[timem:s3], [sflag:s2] =	dma.local @!p0 [hbm:s0], s1  }
0x36: {  	s0 =	simm.s32 @!p0 $0x1  }
0x37: {  	_ =	swait.ge @!p0 [sflag:s0], s1  }
0x38: {  	s1 =	ssub.s32 @!p0 $0x0, s1;
	[sflag:s0] =	ssyncset.done @!p0 $0x0  }
0x39: {  	[sflag:s0] =	ssyncadd.s32 @!p0 s1  }
0x3a: {  	[bflag:$0x3] =	sbarrier.arrive $0xFFFF  }
0x3b: {  	_ =	shalt  }

// kernel: kernel.15.cloned.1.call-start
scs
__scs_entry_jumppad:
0x0: {  	(pc) =	sbr.rel $0x88, $3  }
0x1: {  	(tag) =	ssettag $0x0;
	lr =	simm.s32 $0x1  }
0x2: {  	[smem:$0x3F97] =	sst lr;
	_ =	strace $0xD0000000  }
0x3: {  	_ = 	snop  }
0x4: {  	_ = 	snop  }
0x5: {  	_ = 	snop  }
0x6: {  	_ = 	snop  }
0x7: {  	_ = 	snop  }
__scs_overlays_trampoline_lowered:
0x8: {  	[smem:$0x3FA6] =	sst s0  }
0x9: {  	[smem:$0x3FA7] =	sst s1  }
0xa: {  	[smem:$0x3FA8] =	sst s2  }
0xb: {  	[smem:$0x3FA9] =	sst s3  }
0xc: {  	[smem:$0x3FAA] =	sst s4  }
0xd: {  	[smem:$0x3FAB] =	sst s5  }
0xe: {  	[smem:$0x3FAC] =	sst s6  }
0xf: {  	[smem:$0x3FAD] =	sst s7  }
0x10: {  	[smem:$0x3FAE] =	sst s8  }
0x11: {  	[smem:$0x3FAF] =	sst s9;
	s0 =	simm.s32 @!p0 $0x0  }
0x12: {  	s1 =	sld [smem:$0x3F95];
	s0 =	simm.s32 @p0 $0x1  }
0x13: {  	[smem:$0x3FB0] =	sst s0;
	s0 =	simm.s32 @!p1 $0x0  }
0x14: {  	s2 =	sld [smem:$0x3F94];
	s0 =	simm.s32 @p1 $0x1  }
0x15: {  	[smem:$0x3FB1] =	sst s0;
	s0 =	simm.s32 @!p2 $0x0  }
0x16: {  	s3 =	sld [smem:$0x3FDB];
	s0 =	simm.s32 @p2 $0x1  }
0x17: {  	s4 =	simm.s32 $0x1BF5;
	[smem:$0x3FB3] =	sst s0  }
0x18: {  	s0 =	sld [smem:$0x3F96];
	_ =	swait.ge [sflag:s4], $0x0  }
0x19: {  	s7 =	sld [smem:$0x3F97]  }
0x1a: {  	s8 =	sadd.s32 $0xFFFFE003, lr  }
0x1b: {  	s9 =	sadd.s32 $0xFFFFFEF7, lr;
	s5 =	simm.s32 $0xFFFFFFFF;
	p2 =	slt.u32 s8, $0xFFFFF086  }
0x1c: {  	p1 =	slt.u32 s9, $0xF7A;
	s5 =	simm.s32 @!p2 $0x0  }
0x1d: {  	s5 =	simm.s32 @p1 $0x1;
	p0 =	seq.s32 s7, s2  }
0x1e: {  	s7 =	smul.u32 @!p0 $0xF7A, s2;
	p2 =	seq.s32 @!p0 s5, $0x0  }
0x1f: {  	s9 =	smul.u32 $0xF7A, s1;
	s8 =	simm.s32 @!p0 $0x1BF5;
	p2 =	por !p2, p0  }
0x20: {  	[sflag:s8] =	ssyncset.s32 @!p0 $0xFFFFF086;
	s6 =	sadd.s32 @!p0 s3, s7;
	s7 =	simm.s32 @!p0 $0x108  }
0x21: {  	s3 =	sadd.s32 s3, s9;
	s6 =	sadd.s32 @!p0 $0x88, s6;
	s7 =	simm.s32 @p2 $0x1082  }
0x22: {  	[simem:s7], [sflag:s8] =	dma.local @!p0 [hbm:s6], $0xF7A  }
0x23: {  	s9 =	sor.u32 $0xD0000000, s2;
	s6 =	simm.s32 $0x108;
	_ =	swait.ge @!p0 [sflag:s8], $0x0  }
0x24: {  	s3 =	sadd.s32 $0x88, s3;
	s6 =	simm.s32 @!p1 $0x1082;
	[sflag:s4] =	ssyncset.s32 $0xFFFFF086  }
0x25: {  	[simem:s6], [sflag:s4] =	dma.local [hbm:s3], $0xF7A  }
0x26: {  	[smem:$0x3F97] =	sst s1;
	(tag) =	ssettag s2;
	_ =	strace s9  }
0x27: {  	s1 =	sld [smem:$0x3FA7]  }
0x28: {  	s2 =	sld [smem:$0x3FA8]  }
0x29: {  	s4 =	sld [smem:$0x3FAA]  }
0x2a: {  	p0 =	seq.s32 s5, $0x0;
	s5 =	sld [smem:$0x3FAB]  }
0x2b: {  	s6 =	sld [smem:$0x3FAC]  }
0x2c: {  	s7 =	sld [smem:$0x3FAD]  }
0x2d: {  	s3 =	simm.s32 $0x108;
	s8 =	sld [smem:$0x3FAE]  }
0x2e: {  	s3 =	simm.s32 @!p0 $0x1082;
	s9 =	sld [smem:$0x3FAF]  }
0x2f: {  	lr =	sadd.s32 s0, s3;
	s0 =	sld [smem:$0x3FA6]  }
0x30: {  	s3 =	sld [smem:$0x3FA9]  }
0x31: {  	[smem:$0x3FB2] =	sst s10  }
0x32: {  	s10 =	sld [smem:$0x3FB0];
	_ =	sdelay $0x3  }
0x33: {  	p0 =	seq.s32 s10, $0x1;
	s10 =	sld [smem:$0x3FB2];
	_ =	sdelay $0x3  }
0x34: {  	[smem:$0x3FB2] =	sst s10  }
0x35: {  	s10 =	sld [smem:$0x3FB1];
	_ =	sdelay $0x3  }
0x36: {  	p1 =	seq.s32 s10, $0x1;
	s10 =	sld [smem:$0x3FB2];
	_ =	sdelay $0x3  }
0x37: {  	[smem:$0x3FB2] =	sst s10  }
0x38: {  	s10 =	sld [smem:$0x3FB3]  }
0x39: {  	_ = 	snop;
	(pc) =	sbr.ind lr, $3  }
0x3a: {  	_ = 	snop  }
0x3b: {  	_ = 	snop  }
0x3c: {  	p2 =	seq.s32 s10, $0x1;
	s10 =	sld [smem:$0x3FB2]  }
0x3d: {  	_ =	shalt  }
0x3e: {  	_ =	shalt  }
0x3f: {  	_ =	shalt  }
0x40: {  	_ =	shalt  }
0x41: {  	_ =	shalt  }
0x42: {  	_ =	shalt  }
0x43: {  	_ =	shalt  }
0x44: {  	_ =	shalt  }
0x45: {  	_ =	shalt  }
0x46: {  	_ =	shalt  }
0x47: {  	_ =	shalt  }
0x48: {  	_ =	shalt  }
0x49: {  	_ =	shalt  }
0x4a: {  	_ =	shalt  }
0x4b: {  	_ =	shalt  }
0x4c: {  	_ =	shalt  }
0x4d: {  	_ =	shalt  }
0x4e: {  	_ =	shalt  }
0x4f: {  	_ =	shalt  }
0x50: {  	_ =	shalt  }
0x51: {  	_ =	shalt  }
0x52: {  	_ =	shalt  }
0x53: {  	_ =	shalt  }
0x54: {  	_ =	shalt  }
0x55: {  	_ =	shalt  }
0x56: {  	_ =	shalt  }
0x57: {  	_ =	shalt  }
0x58: {  	_ =	shalt  }
0x59: {  	_ =	shalt  }
0x5a: {  	_ =	shalt  }
0x5b: {  	_ =	shalt  }
0x5c: {  	_ =	shalt  }
0x5d: {  	_ =	shalt  }
0x5e: {  	_ =	shalt  }
0x5f: {  	_ =	shalt  }
0x60: {  	_ =	shalt  }
0x61: {  	_ =	shalt  }
0x62: {  	_ =	shalt  }
0x63: {  	_ =	shalt  }
0x64: {  	_ =	shalt  }
0x65: {  	_ =	shalt  }
0x66: {  	_ =	shalt  }
0x67: {  	_ =	shalt  }
0x68: {  	_ =	shalt  }
0x69: {  	_ =	shalt  }
0x6a: {  	_ =	shalt  }
0x6b: {  	_ =	shalt  }
0x6c: {  	_ =	shalt  }
0x6d: {  	_ =	shalt  }
0x6e: {  	_ =	shalt  }
0x6f: {  	_ =	shalt  }
0x70: {  	_ =	shalt  }
0x71: {  	_ =	shalt  }
0x72: {  	_ =	shalt  }
0x73: {  	_ =	shalt  }
0x74: {  	_ =	shalt  }
0x75: {  	_ =	shalt  }
0x76: {  	_ =	shalt  }
0x77: {  	_ =	shalt  }
0x78: {  	_ =	shalt  }
0x79: {  	_ =	shalt  }
0x7a: {  	_ =	shalt  }
0x7b: {  	_ =	shalt  }
0x7c: {  	_ =	shalt  }
0x7d: {  	_ =	shalt  }
0x7e: {  	_ =	shalt  }
0x7f: {  	_ =	shalt  }
0x80: {  	_ =	shalt  }
0x81: {  	_ =	shalt  }
0x82: {  	_ =	shalt  }
0x83: {  	_ =	shalt  }
0x84: {  	_ =	shalt  }
0x85: {  	_ =	shalt  }
0x86: {  	_ =	shalt  }
0x87: {  	_ =	shalt  }
.Lfunc_end0:
.L_simem_size_0:
called_computation.1_lowered:
.L_overlay_start_0:
0x88: {  	s2 =	sld [smem:$0x3FD9]  }
0x89: {  	s3 =	sld [smem:$0x3FFE];
	_ =	sdelay $0x1  }
0x8a: {  	s1 =	srdreg.scid  }
0x8b: {  	s0 =	sand.u32 $0x1, s1  }
0x8c: {  	s17 =	sshll.u32 s0, $0xA;
	s2 =	sadd.s32 s3, s2  }
0x8d: {  	s2 =	sadd.s32 s2, s17  }
0x8e: {  	[smem:$0x3FBE] =	sst s2  }
0x8f: {  	_ = 	snop  }
0x90: {  	s2 =	sld [smem:$0x3FD0];
	(tm) =	ssettm $0x1  }
0x91: {  	s18 =	sld [smem:$0x3FFB];
	_ =	sdelay $0x3  }
0x92: {  	_ =	strace s18  }
0x93: {  	s3 =	sld [smem:$0x3FFC];
	_ =	sdelay $0x3  }
0x94: {  	_ =	strace s3  }
0x95: {  	s3 =	sld [smem:$0x3FFD];
	_ =	sdelay $0x3  }
0x96: {  	_ =	strace s3  }
0x97: {  	_ =	strace $0x8FFFFFFF  }
0x98: {  	s19 =	sld [smem:$0x3FDB];
	_ =	sdelay $0x1  }
0x99: {  	s4 =	simm.s32 $_scs_section_size  }
0x9a: {  	s5 =	simm.s32 $_size__tile_overlayer_lowered;
	s6 =	simm.s32 $_tile_overlayer_lowered  }
0x9b: {  	s22 =	simm.s32 $0x1BFF;
	s21 =	sshll.u32 s6, $0x1;
	s3 =	sadd.s32 s4, s19  }
0x9c: {  	s7 =	simm.s32 $0x0;
	s20 =	sshll.u32 s5, $0x1;
	s5 =	sadd.s32 s21, s3  }
0x9d: {  	[timem:s7], [sflag:s22] =	dma.local [hbm:s5], s20  }
0x9e: {  	_ =	swait.ge [sflag:s22], s20  }
0x9f: {  	s4 =	ssub.s32 $0x0, s20;
	[sflag:s22] =	ssyncset.done $0x0  }
0xa0: {  	[sflag:s22] =	ssyncadd.s32 s4;
	_ =	sdelay $0x1  }
0xa1: {  	s23 =	simm.s32 $0x1B8B  }
0xa2: {  	_ =	swait.ge [sflag:s23], $0x1  }
0xa3: {  	[sflag:s23] =	ssyncset.done $0x0  }
0xa4: {  	s25 =	simm.s32 $0x1B8E;
	s24 =	sld [smem:$0x3FFE];
	[sflag:s23] =	ssyncadd.s32 $0xFFFFFFFF  }
0xa5: {  	s26 =	simm.s32 $execute0_lowered;
	[smem:$0x3FD2] =	sst s25  }
0xa6: {  	s5 =	sshll.u32 s26, $0x1;
	_ =	strace $0x80000049;
	[dreg:$0x1] =	wrdreg $0xFFFFFFFF  }
0xa7: {  	s28 =	simm.s32 $_size_execute0_lowered;
	s3 =	sadd.s32 s3, s5;
	[dreg:$0x0] =	wrdreg $0x0  }
0xa8: {  	s5 =	sshll.u32 s28, $0x1;
	[dreg:$0x2] =	wrdreg s3  }
0xa9: {  	[dreg:$0x3] =	wrdreg s5  }
0xaa: {  	[dreg:$0x4] =	wrdreg $0xC0  }
0xab: {  	_ =	task [dreg:s7], $0x5FFFF  }
0xac: {  	[dreg:$0x1] =	wrdreg $0xFFFFFFFF  }
0xad: {  	[dreg:$0x0] =	wrdreg $0x60  }
0xae: {  	[dreg:$0x2] =	wrdreg s2  }
0xaf: {  	[dreg:$0x3] =	wrdreg s24  }
0xb0: {  	[dreg:$0x4] =	wrdreg $0xB0000  }
0xb1: {  	[dreg:$0x5] =	wrdreg $0x14E000  }
0xb2: {  	[dreg:$0x6] =	wrdreg $0x9  }
0xb3: {  	_ =	task.clear_ibuf [dreg:s7], $0x7FFFF;
	_ =	strace $0x90000049  }
0xb4: {  	s29 =	simm.s32 $0x9;
	_ =	strace $0x8000004B  }
0xb5: {  	_ =	swait.ge [sflag:s29], $0x1  }
0xb6: {  	[sflag:s29] =	ssyncadd.s32 $0xFFFFFFFF  }
0xb7: {  	_ =	strace $0x9000004B  }
0xb8: {  	_ =	sfence  }
0xb9: {  	s30 =	sld [smem:$0x0];
	_ =	sdelay $0x2  }
0xba: {  	s31 =	sshll.u32 s1, $0xD;
	s1 =	sshrl.u32 s1, $0x2  }
0xbb: {  	s3 =	sand.u32 $0x4000, s31;
	s1 =	sadd.s32 s1, s30  }
0xbc: {  	s0 =	sor.u32 s3, s0;
	s1 =	sshll.u32 s1, $0x11  }
0xbd: {  	s0 =	sor.u32 s1, s0  }
0xbe: {  	s0 =	sadd.s32 $0x8F2B, s0  }
0xbf: {  	[sflag:s0] =	ssyncadd.remote.s32 $0x1  }
0xc0: {  	_ =	sfence.sel $0xFFFF  }
0xc1: {  	[dreg:$0x0] =	wrdreg $0xFFFFFFFF;
	(pc) =	sbr.abs _section_cstart, $3  }
0xc2: {  	[dreg:$0x1] =	wrdreg $0xFFFFFFFF  }
0xc3: {  	_ =	task.clear_ibuf [dreg:s7], $0x2FFFF;
	_ =	strace $0x9FFFFFFF  }
0xc4: {  	(tm) =	ssettm $0x7FFFFFFF  }
0xc5: {  	_ =	shalt  }
tec
execute0_lowered:
.L_overlay_start_1:
0x0: {  	(tag) =	ssettag $0x1  }
0x1: {  	s6 =	rddreg [dreg:$0x0]  }
0x2: {  	s7 =	rddreg [dreg:$0x1]  }
0x3: {  	s0 =	srdreg.scid;
	s2 =	rddreg [dreg:$0x2]  }
0x4: {  	s3 =	rddreg [dreg:$0x3];
	s4 =	simm.s32 $0x0;
	s16 =	simm.s32 $0x80  }
0x5: {  	s17 =	simm.s32 $0x5000;
	s18 =	simm.s32 $0x7000;
	s19 =	simm.s32 $0x1  }
0x6: {  	s20 =	simm.s32 $0x9000;
	s21 =	simm.s32 $0x2;
	s22 =	simm.s32 $0x3  }
0x7: {  	s23 =	simm.s32 $0x4F00;
	s5 =	sand.u32 $0x1, s0;
	s0 =	stileid.u32  }
0x8: {  	s24 =	simm.s32 $0x4F80;
	s25 =	simm.s32 $0x0;
	s9 =	smul.u32 $0x9E00, s0  }
0x9: {  	[smem:$0x7FF] =	sst s4;
	s1 =	sshll.u32 s5, $0x4;
	s10 =	smul.u32 $0x9E000, s5  }
0xa: {  	s12 =	ssub.s32 $0x2, s5;
	p0 =	seq.s32 s5, $0x1;
	s1 =	sor.u32 s0, s1  }
0xb: {  	s31 =	sshll.u32 s0, $0x6;
	s30 =	sshrl.u32 s12, $0x1;
	s8 =	smul.u32 $0x500, s1  }
0xc: {  	s1 =	rddreg [dreg:$0x4];
	_ =	strace $0x8000004A;
	s10 =	sadd.s32 s9, s10  }
0xd: {  	s11 =	sshrl.u32 s9, $0x3;
	s12 =	ssub.s32 s12, s30;
	s14 =	sadd.s32 s9, s2  }
0xe: {  	s15 =	sadd.s32 s9, s3;
	s10 =	sshrl.u32 s10, $0x3;
	s13 =	sadd.s32 s11, s7  }
0xf: {  	s5 =	sadd.s32 s6, s11;
	s8 =	sadd.s32 s8, s7;
	s10 =	sadd.s32 s10, s7  }
0x10: {  	s11 =	sadd.s32 $0x1B800, s13;
	s9 =	smov.u32 s5;
	s13 =	simm.s32 $0x4  }
0x11: {  	s6 =	sadd.s32 $0x11800, s8;
	s7 =	sadd.s32 $0x2600, s8;
	s8 =	sadd.s32 $0x2F400, s10  }
0x12: {  	s10 =	smax.u32 s12, $0x1;
	s9 =	smov.u32 @p0 s11;
	s11 =	sor.u32 $0x1C04, s31  }
0x13: {  	s12 =	sshrl.u32 s14, $0x3;
	s14 =	sshrl.u32 s15, $0x3;
	s15 =	simm.s32 $0x2800  }
.LBB2_1:
0x14: {  	[spmem:s12], [sflag:s11] =	dma.local [hbm:s9], $0x13C0  }
0x15: {  	_ =	swait.ge [sflag:s13], $0x13C0  }
0x16: {  	[sflag:s13] =	ssyncset.done $0x0  }
0x17: {  	[sflag:s13] =	ssyncadd.s32 $0xFFFFEC40  }
0x18: {  	[spmem:s14], [sflag:s11] =	dma.local [hbm:s5], $0x13C0  }
0x19: {  	_ =	swait.ge [sflag:s13], $0x13C0  }
0x1a: {  	[sflag:s13] =	ssyncset.done $0x0  }
0x1b: {  	[sflag:s13] =	ssyncadd.s32 $0xFFFFEC40  }
0x1c: {  	[tilespmem:s4], [sflag:$0x4] =	stream.linear.gather [hbm4b:s6+s4], $0x2800, $0x38;
	[tilespmem:$0x1EC00] =	vst v63  }
0x1d: {  	_ =	swait.ge [sflag:s13], $0x2800  }
0x1e: {  	[sflag:s13] =	ssyncset.done $0x0  }
0x1f: {  	[sflag:s13] =	ssyncadd.s32 $0xFFFFD800  }
0x20: {  	[tilespmem:s15], [sflag:$0x4] =	stream.linear.gather [hbm4b:s7+s4], $0x2800, $0x38;
	[tilespmem:$0x1EC00] =	vst v63  }
0x21: {  	_ =	swait.ge [sflag:s13], $0x2800  }
0x22: {  	[sflag:s13] =	ssyncset.done $0x0  }
0x23: {  	[sflag:s13] =	ssyncadd.s32 $0xFFFFD800  }
0x24: {  	[bflag:$0x0] =	sbarrier.arrive $0xFFFF  }
0x25: {  	[tilespmem:s17], [sflag:$0x1] =	stream.indirect.gather [spmem:s3], $0x40, s4, s16, $0xb8;
	[tilespmem:$0x1EC00] =	vst v63  }
0x26: {  	_ = 	snop  }
0x27: {  	[tilespmem:s18], [sflag:$0x2] =	stream.indirect.gather [spmem:s3], $0x40, s16, s16, $0xb8;
	[tilespmem:$0x1EC00] =	vst v63  }
0x28: {  	_ =	swait.ge [sflag:s19], $0x2000  }
0x29: {  	[sflag:s19] =	ssyncset.done $0x0  }
0x2a: {  	s26 =	simm.s32 $0x100;
	[sflag:s19] =	ssyncadd.s32 $0xFFFFE000  }
0x2b: {  	[tilespmem:s20], [sflag:$0x3] =	stream.indirect.gather [spmem:s3], $0x40, s26, s16, $0xb8;
	[tilespmem:$0x1EC00] =	vst v63  }
0x2c: {  	s31 =	simm.s32 $0x2800  }
0x2d: {  	[spmem:s2] =	stream.indirect.scatter.add.f32 [tilespmem:s17], [sflag:$0x4], $0x40, s31, s16, $0xb8;
	[tilespmem:$0x1EC00] =	vst v63  }
0x2e: {  	_ =	swait.ge [sflag:s13], $0x2000  }
0x2f: {  	[sflag:s13] =	ssyncset.done $0x0  }
0x30: {  	[sflag:s13] =	ssyncadd.s32 $0xFFFFE000  }
0x31: {  	_ =	swait.ge [sflag:s21], $0x2000  }
0x32: {  	[sflag:s21] =	ssyncset.done $0x0  }
0x33: {  	s28 =	simm.s32 $0x180;
	[sflag:s21] =	ssyncadd.s32 $0xFFFFE000  }
0x34: {  	[tilespmem:s17], [sflag:$0x1] =	stream.indirect.gather [spmem:s3], $0x40, s28, s16, $0xb8;
	[tilespmem:$0x1EC00] =	vst v63  }
0x35: {  	s29 =	simm.s32 $0x2880  }
0x36: {  	[spmem:s2] =	stream.indirect.scatter.add.f32 [tilespmem:s18], [sflag:$0x4], $0x40, s29, s16, $0xb8;
	[tilespmem:$0x1EC00] =	vst v63  }
0x37: {  	_ =	swait.ge [sflag:s13], $0x2000  }
0x38: {  	[sflag:s13] =	ssyncset.done $0x0  }
0x39: {  	[sflag:s13] =	ssyncadd.s32 $0xFFFFE000  }
0x3a: {  	_ =	swait.ge [sflag:s22], $0x2000  }
0x3b: {  	[sflag:s22] =	ssyncset.done $0x0  }
0x3c: {  	s30 =	simm.s32 $0x200;
	[sflag:s22] =	ssyncadd.s32 $0xFFFFE000  }
0x3d: {  	[tilespmem:s18], [sflag:$0x2] =	stream.indirect.gather [spmem:s3], $0x40, s30, s16, $0xb8;
	[tilespmem:$0x1EC00] =	vst v63  }
0x3e: {  	s31 =	simm.s32 $0x2900  }
0x3f: {  	[spmem:s2] =	stream.indirect.scatter.add.f32 [tilespmem:s20], [sflag:$0x4], $0x40, s31, s16, $0xb8;
	[tilespmem:$0x1EC00] =	vst v63  }
0x40: {  	_ =	swait.ge [sflag:s13], $0x2000  }
0x41: {  	s26 =	simm.s32 $0x600;
	[sflag:s13] =	ssyncset.done $0x0  }
.LBB2_2:
0x42: {  	p0 =	sne.s32 s26, $0x9600  }
0x43: {  	[sflag:s13] =	ssyncadd.s32 $0xFFFFE000;
	s28 =	smov.u32 s26;
	s26 =	sadd.s32 $0x600, s26  }
0x44: {  	_ = 	snop  }
0x45: {  	_ =	swait.ge [sflag:s19], $0x2000  }
0x46: {  	s28 =	sshra.s32 s28, $0x2;
	[sflag:s19] =	ssyncset.done $0x0  }
0x47: {  	s29 =	sadd.s32 $0x100, s28;
	[sflag:s19] =	ssyncadd.s32 $0xFFFFE000  }
0x48: {  	[tilespmem:s20], [sflag:$0x3] =	stream.indirect.gather [spmem:s3], $0x40, s29, s16, $0xb8;
	[tilespmem:$0x1EC00] =	vst v63  }
0x49: {  	s29 =	sadd.s32 $0x2800, s28  }
0x4a: {  	[spmem:s2] =	stream.indirect.scatter.add.f32 [tilespmem:s17], [sflag:$0x4], $0x40, s29, s16, $0xb8;
	[tilespmem:$0x1EC00] =	vst v63  }
0x4b: {  	_ =	swait.ge [sflag:s13], $0x2000  }
0x4c: {  	[sflag:s13] =	ssyncset.done $0x0  }
0x4d: {  	[sflag:s13] =	ssyncadd.s32 $0xFFFFE000  }
0x4e: {  	_ =	swait.ge [sflag:s21], $0x2000  }
0x4f: {  	[sflag:s21] =	ssyncset.done $0x0  }
0x50: {  	s29 =	sadd.s32 $0x180, s28;
	[sflag:s21] =	ssyncadd.s32 $0xFFFFE000  }
0x51: {  	[tilespmem:s17], [sflag:$0x1] =	stream.indirect.gather [spmem:s3], $0x40, s29, s16, $0xb8;
	[tilespmem:$0x1EC00] =	vst v63  }
0x52: {  	s29 =	sadd.s32 $0x2880, s28  }
0x53: {  	[spmem:s2] =	stream.indirect.scatter.add.f32 [tilespmem:s18], [sflag:$0x4], $0x40, s29, s16, $0xb8;
	[tilespmem:$0x1EC00] =	vst v63  }
0x54: {  	_ =	swait.ge [sflag:s13], $0x2000  }
0x55: {  	[sflag:s13] =	ssyncset.done $0x0  }
0x56: {  	[sflag:s13] =	ssyncadd.s32 $0xFFFFE000  }
0x57: {  	_ =	swait.ge [sflag:s22], $0x2000  }
0x58: {  	[sflag:s22] =	ssyncset.done $0x0  }
0x59: {  	s29 =	sadd.s32 $0x200, s28;
	[sflag:s22] =	ssyncadd.s32 $0xFFFFE000  }
0x5a: {  	[tilespmem:s18], [sflag:$0x2] =	stream.indirect.gather [spmem:s3], $0x40, s29, s16, $0xb8;
	[tilespmem:$0x1EC00] =	vst v63  }
.Ltmp0:
0x5b: {  	_ = 	snop;
	(pc) =	sbr.rel @p0 .LBB2_2-.Ltmp0, $4  }
0x5c: {  	s28 =	sadd.s32 $0x2900, s28  }
0x5d: {  	[spmem:s2] =	stream.indirect.scatter.add.f32 [tilespmem:s20], [sflag:$0x4], $0x40, s28, s16, $0xb8;
	[tilespmem:$0x1EC00] =	vst v63  }
0x5e: {  	_ =	swait.ge [sflag:s13], $0x2000  }
0x5f: {  	[sflag:s13] =	ssyncset.done $0x0  }
0x60: {  	[sflag:s13] =	ssyncadd.s32 $0xFFFFE000  }
0x61: {  	_ =	swait.ge [sflag:s19], $0x2000  }
0x62: {  	[sflag:s19] =	ssyncset.done $0x0  }
0x63: {  	[sflag:s19] =	ssyncadd.s32 $0xFFFFE000  }
0x64: {  	[spmem:s2] =	stream.indirect.scatter.add.f32 [tilespmem:s17], [sflag:$0x4], $0x40, s23, s16, $0xb8;
	[tilespmem:$0x1EC00] =	vst v63  }
0x65: {  	_ =	swait.ge [sflag:s13], $0x2000  }
0x66: {  	[sflag:s13] =	ssyncset.done $0x0  }
0x67: {  	[sflag:s13] =	ssyncadd.s32 $0xFFFFE000  }
0x68: {  	_ =	swait.ge [sflag:s21], $0x2000  }
0x69: {  	[sflag:s21] =	ssyncset.done $0x0  }
0x6a: {  	[sflag:s21] =	ssyncadd.s32 $0xFFFFE000  }
0x6b: {  	[spmem:s2] =	stream.indirect.scatter.add.f32 [tilespmem:s18], [sflag:$0x4], $0x40, s24, s16, $0xb8;
	[tilespmem:$0x1EC00] =	vst v63  }
0x6c: {  	_ =	swait.ge [sflag:s13], $0x2000  }
0x6d: {  	s25 =	sadd.s32 $0x1, s25;
	[sflag:s13] =	ssyncset.done $0x0  }
0x6e: {  	p0 =	sne.s32 s25, s10;
	[sflag:s13] =	ssyncadd.s32 $0xFFFFE000  }
.Ltmp1:
0x6f: {  	[bflag:$0x0] =	sbarrier.arrive $0xFFFF;
	(pc) =	sbr.rel @p0 .LBB2_1-.Ltmp1, $4  }
0x70: {  	[hbm:s8], [sflag:s11] =	dma.local [spmem:s12], $0x13C0  }
0x71: {  	_ =	swait.ge [sflag:s13], $0x13C0  }
0x72: {  	[sflag:s13] =	ssyncset.done $0x0  }
0x73: {  	[sflag:s13] =	ssyncadd.s32 $0xFFFFEC40  }
0x74: {  	_ =	sfence.sel $0x180000  }
0x75: {  	[bflag:$0x0] =	sbarrier.arrive $0xFFFF  }
0x76: {  	p0 =	sne.s32 s0, $0x0;
	_ =	strace $0x9000004A  }
0x77: {  	s0 =	sadd.s32 @!p0 $0x100000, s1;
	[bflag:$0x2] =	sbarrier.arrive $0xFFFF  }
0x78: {  	[sflag:s0] =	ssyncadd.tile.s32 @!p0 $0x1;
	_ =	shalt  }
.Lfunc_end2:
_tile_overlayer_lowered:
.L_overlay_start_2:
0x79: {  	(tag) =	ssettag $0x2  }
0x7a: {  	s0 =	rddreg [dreg:$0x0];
	s2 =	stileid.u32  }
0x7b: {  	s1 =	rddreg [dreg:$0x1];
	p0 =	sne.s32 s2, $0x0  }
0x7c: {  	s3 =	rddreg [dreg:$0x2];
	[bflag:$0x3] =	sbarrier.arrive $0xFFFF;
	s2 =	simm.s32 @!p0 $0x1C04  }
0x7d: {  	[timem:s3], [sflag:s2] =	dma.local @!p0 [hbm:s0], s1  }
0x7e: {  	s0 =	simm.s32 @!p0 $0x4  }
0x7f: {  	_ =	swait.ge @!p0 [sflag:s0], s1  }
0x80: {  	s1 =	ssub.s32 @!p0 $0x0, s1;
	[sflag:s0] =	ssyncset.done @!p0 $0x0  }
0x81: {  	[sflag:s0] =	ssyncadd.s32 @!p0 s1  }
0x82: {  	[bflag:$0x3] =	sbarrier.arrive $0xFFFF  }
0x83: {  	_ =	shalt  }

// kernel: kernel.18.cloned.1.call-start
scs
__scs_entry_jumppad:
0x0: {  	(pc) =	sbr.rel $0x88, $3  }
0x1: {  	(tag) =	ssettag $0x0;
	lr =	simm.s32 $0x1  }
0x2: {  	[smem:$0x3F97] =	sst lr;
	_ =	strace $0xD0000000  }
0x3: {  	_ = 	snop  }
0x4: {  	_ = 	snop  }
0x5: {  	_ = 	snop  }
0x6: {  	_ = 	snop  }
0x7: {  	_ = 	snop  }
__scs_overlays_trampoline_lowered:
0x8: {  	[smem:$0x3FA6] =	sst s0  }
0x9: {  	[smem:$0x3FA7] =	sst s1  }
0xa: {  	[smem:$0x3FA8] =	sst s2  }
0xb: {  	[smem:$0x3FA9] =	sst s3  }
0xc: {  	[smem:$0x3FAA] =	sst s4  }
0xd: {  	[smem:$0x3FAB] =	sst s5  }
0xe: {  	[smem:$0x3FAC] =	sst s6  }
0xf: {  	[smem:$0x3FAD] =	sst s7  }
0x10: {  	[smem:$0x3FAE] =	sst s8  }
0x11: {  	[smem:$0x3FAF] =	sst s9;
	s0 =	simm.s32 @!p0 $0x0  }
0x12: {  	s1 =	sld [smem:$0x3F95];
	s0 =	simm.s32 @p0 $0x1  }
0x13: {  	[smem:$0x3FB0] =	sst s0;
	s0 =	simm.s32 @!p1 $0x0  }
0x14: {  	s2 =	sld [smem:$0x3F94];
	s0 =	simm.s32 @p1 $0x1  }
0x15: {  	[smem:$0x3FB1] =	sst s0;
	s0 =	simm.s32 @!p2 $0x0  }
0x16: {  	s3 =	sld [smem:$0x3FDB];
	s0 =	simm.s32 @p2 $0x1  }
0x17: {  	s4 =	simm.s32 $0x1BF5;
	[smem:$0x3FB3] =	sst s0  }
0x18: {  	s0 =	sld [smem:$0x3F96];
	_ =	swait.ge [sflag:s4], $0x0  }
0x19: {  	s7 =	sld [smem:$0x3F97]  }
0x1a: {  	s8 =	sadd.s32 $0xFFFFE003, lr  }
0x1b: {  	s9 =	sadd.s32 $0xFFFFFEF7, lr;
	s5 =	simm.s32 $0xFFFFFFFF;
	p2 =	slt.u32 s8, $0xFFFFF086  }
0x1c: {  	p1 =	slt.u32 s9, $0xF7A;
	s5 =	simm.s32 @!p2 $0x0  }
0x1d: {  	s5 =	simm.s32 @p1 $0x1;
	p0 =	seq.s32 s7, s2  }
0x1e: {  	s7 =	smul.u32 @!p0 $0xF7A, s2;
	p2 =	seq.s32 @!p0 s5, $0x0  }
0x1f: {  	s9 =	smul.u32 $0xF7A, s1;
	s8 =	simm.s32 @!p0 $0x1BF5;
	p2 =	por !p2, p0  }
0x20: {  	[sflag:s8] =	ssyncset.s32 @!p0 $0xFFFFF086;
	s6 =	sadd.s32 @!p0 s3, s7;
	s7 =	simm.s32 @!p0 $0x108  }
0x21: {  	s3 =	sadd.s32 s3, s9;
	s6 =	sadd.s32 @!p0 $0x88, s6;
	s7 =	simm.s32 @p2 $0x1082  }
0x22: {  	[simem:s7], [sflag:s8] =	dma.local @!p0 [hbm:s6], $0xF7A  }
0x23: {  	s9 =	sor.u32 $0xD0000000, s2;
	s6 =	simm.s32 $0x108;
	_ =	swait.ge @!p0 [sflag:s8], $0x0  }
0x24: {  	s3 =	sadd.s32 $0x88, s3;
	s6 =	simm.s32 @!p1 $0x1082;
	[sflag:s4] =	ssyncset.s32 $0xFFFFF086  }
0x25: {  	[simem:s6], [sflag:s4] =	dma.local [hbm:s3], $0xF7A  }
0x26: {  	[smem:$0x3F97] =	sst s1;
	(tag) =	ssettag s2;
	_ =	strace s9  }
0x27: {  	s1 =	sld [smem:$0x3FA7]  }
0x28: {  	s2 =	sld [smem:$0x3FA8]  }
0x29: {  	s4 =	sld [smem:$0x3FAA]  }
0x2a: {  	p0 =	seq.s32 s5, $0x0;
	s5 =	sld [smem:$0x3FAB]  }
0x2b: {  	s6 =	sld [smem:$0x3FAC]  }
0x2c: {  	s7 =	sld [smem:$0x3FAD]  }
0x2d: {  	s3 =	simm.s32 $0x108;
	s8 =	sld [smem:$0x3FAE]  }
0x2e: {  	s3 =	simm.s32 @!p0 $0x1082;
	s9 =	sld [smem:$0x3FAF]  }
0x2f: {  	lr =	sadd.s32 s0, s3;
	s0 =	sld [smem:$0x3FA6]  }
0x30: {  	s3 =	sld [smem:$0x3FA9]  }
0x31: {  	[smem:$0x3FB2] =	sst s10  }
0x32: {  	s10 =	sld [smem:$0x3FB0];
	_ =	sdelay $0x3  }
0x33: {  	p0 =	seq.s32 s10, $0x1;
	s10 =	sld [smem:$0x3FB2];
	_ =	sdelay $0x3  }
0x34: {  	[smem:$0x3FB2] =	sst s10  }
0x35: {  	s10 =	sld [smem:$0x3FB1];
	_ =	sdelay $0x3  }
0x36: {  	p1 =	seq.s32 s10, $0x1;
	s10 =	sld [smem:$0x3FB2];
	_ =	sdelay $0x3  }
0x37: {  	[smem:$0x3FB2] =	sst s10  }
0x38: {  	s10 =	sld [smem:$0x3FB3]  }
0x39: {  	_ = 	snop;
	(pc) =	sbr.ind lr, $3  }
0x3a: {  	_ = 	snop  }
0x3b: {  	_ = 	snop  }
0x3c: {  	p2 =	seq.s32 s10, $0x1;
	s10 =	sld [smem:$0x3FB2]  }
0x3d: {  	_ =	shalt  }
0x3e: {  	_ =	shalt  }
0x3f: {  	_ =	shalt  }
0x40: {  	_ =	shalt  }
0x41: {  	_ =	shalt  }
0x42: {  	_ =	shalt  }
0x43: {  	_ =	shalt  }
0x44: {  	_ =	shalt  }
0x45: {  	_ =	shalt  }
0x46: {  	_ =	shalt  }
0x47: {  	_ =	shalt  }
0x48: {  	_ =	shalt  }
0x49: {  	_ =	shalt  }
0x4a: {  	_ =	shalt  }
0x4b: {  	_ =	shalt  }
0x4c: {  	_ =	shalt  }
0x4d: {  	_ =	shalt  }
0x4e: {  	_ =	shalt  }
0x4f: {  	_ =	shalt  }
0x50: {  	_ =	shalt  }
0x51: {  	_ =	shalt  }
0x52: {  	_ =	shalt  }
0x53: {  	_ =	shalt  }
0x54: {  	_ =	shalt  }
0x55: {  	_ =	shalt  }
0x56: {  	_ =	shalt  }
0x57: {  	_ =	shalt  }
0x58: {  	_ =	shalt  }
0x59: {  	_ =	shalt  }
0x5a: {  	_ =	shalt  }
0x5b: {  	_ =	shalt  }
0x5c: {  	_ =	shalt  }
0x5d: {  	_ =	shalt  }
0x5e: {  	_ =	shalt  }
0x5f: {  	_ =	shalt  }
0x60: {  	_ =	shalt  }
0x61: {  	_ =	shalt  }
0x62: {  	_ =	shalt  }
0x63: {  	_ =	shalt  }
0x64: {  	_ =	shalt  }
0x65: {  	_ =	shalt  }
0x66: {  	_ =	shalt  }
0x67: {  	_ =	shalt  }
0x68: {  	_ =	shalt  }
0x69: {  	_ =	shalt  }
0x6a: {  	_ =	shalt  }
0x6b: {  	_ =	shalt  }
0x6c: {  	_ =	shalt  }
0x6d: {  	_ =	shalt  }
0x6e: {  	_ =	shalt  }
0x6f: {  	_ =	shalt  }
0x70: {  	_ =	shalt  }
0x71: {  	_ =	shalt  }
0x72: {  	_ =	shalt  }
0x73: {  	_ =	shalt  }
0x74: {  	_ =	shalt  }
0x75: {  	_ =	shalt  }
0x76: {  	_ =	shalt  }
0x77: {  	_ =	shalt  }
0x78: {  	_ =	shalt  }
0x79: {  	_ =	shalt  }
0x7a: {  	_ =	shalt  }
0x7b: {  	_ =	shalt  }
0x7c: {  	_ =	shalt  }
0x7d: {  	_ =	shalt  }
0x7e: {  	_ =	shalt  }
0x7f: {  	_ =	shalt  }
0x80: {  	_ =	shalt  }
0x81: {  	_ =	shalt  }
0x82: {  	_ =	shalt  }
0x83: {  	_ =	shalt  }
0x84: {  	_ =	shalt  }
0x85: {  	_ =	shalt  }
0x86: {  	_ =	shalt  }
0x87: {  	_ =	shalt  }
.Lfunc_end0:
.L_simem_size_0:
called_computation.2_lowered:
.L_overlay_start_0:
0x88: {  	s2 =	sld [smem:$0x3FD9]  }
0x89: {  	s3 =	sld [smem:$0x3FFE];
	_ =	sdelay $0x1  }
0x8a: {  	s1 =	srdreg.scid  }
0x8b: {  	s0 =	sand.u32 $0x1, s1  }
0x8c: {  	s17 =	sshll.u32 s0, $0xA;
	s2 =	sadd.s32 s3, s2  }
0x8d: {  	s2 =	sadd.s32 s2, s17  }
0x8e: {  	[smem:$0x3FBE] =	sst s2  }
0x8f: {  	_ = 	snop  }
0x90: {  	s2 =	sld [smem:$0x3FD0];
	(tm) =	ssettm $0x1  }
0x91: {  	s18 =	sld [smem:$0x3FFB];
	_ =	sdelay $0x3  }
0x92: {  	_ =	strace s18  }
0x93: {  	s3 =	sld [smem:$0x3FFC];
	_ =	sdelay $0x3  }
0x94: {  	_ =	strace s3  }
0x95: {  	s3 =	sld [smem:$0x3FFD];
	_ =	sdelay $0x3  }
0x96: {  	_ =	strace s3  }
0x97: {  	_ =	strace $0x8FFFFFFF  }
0x98: {  	s19 =	sld [smem:$0x3FDB];
	_ =	sdelay $0x1  }
0x99: {  	s4 =	simm.s32 $_scs_section_size  }
0x9a: {  	s5 =	simm.s32 $_size__tile_overlayer_lowered;
	s6 =	simm.s32 $_tile_overlayer_lowered  }
0x9b: {  	s22 =	simm.s32 $0x1BFF;
	s21 =	sshll.u32 s6, $0x1;
	s3 =	sadd.s32 s4, s19  }
0x9c: {  	s7 =	simm.s32 $0x0;
	s20 =	sshll.u32 s5, $0x1;
	s5 =	sadd.s32 s21, s3  }
0x9d: {  	[timem:s7], [sflag:s22] =	dma.local [hbm:s5], s20  }
0x9e: {  	_ =	swait.ge [sflag:s22], s20  }
0x9f: {  	s4 =	ssub.s32 $0x0, s20;
	[sflag:s22] =	ssyncset.done $0x0  }
0xa0: {  	[sflag:s22] =	ssyncadd.s32 s4;
	_ =	sdelay $0x1  }
0xa1: {  	s23 =	simm.s32 $0x1B8B  }
0xa2: {  	_ =	swait.ge [sflag:s23], $0x1  }
0xa3: {  	[sflag:s23] =	ssyncset.done $0x0  }
0xa4: {  	s25 =	simm.s32 $0x1B8E;
	s24 =	sld [smem:$0x3FFE];
	[sflag:s23] =	ssyncadd.s32 $0xFFFFFFFF  }
0xa5: {  	s26 =	simm.s32 $execute0_lowered;
	[smem:$0x3FD2] =	sst s25  }
0xa6: {  	s5 =	sshll.u32 s26, $0x1;
	_ =	strace $0x8000004C;
	[dreg:$0x1] =	wrdreg $0xFFFFFFFF  }
0xa7: {  	s28 =	simm.s32 $_size_execute0_lowered;
	s3 =	sadd.s32 s3, s5;
	[dreg:$0x0] =	wrdreg $0x0  }
0xa8: {  	s5 =	sshll.u32 s28, $0x1;
	[dreg:$0x2] =	wrdreg s3  }
0xa9: {  	[dreg:$0x3] =	wrdreg s5  }
0xaa: {  	[dreg:$0x4] =	wrdreg $0xC0  }
0xab: {  	_ =	task [dreg:s7], $0x5FFFF  }
0xac: {  	[dreg:$0x1] =	wrdreg $0xFFFFFFFF  }
0xad: {  	[dreg:$0x0] =	wrdreg $0x60  }
0xae: {  	[dreg:$0x2] =	wrdreg s2  }
0xaf: {  	[dreg:$0x3] =	wrdreg s24  }
0xb0: {  	[dreg:$0x4] =	wrdreg $0xB0000  }
0xb1: {  	[dreg:$0x5] =	wrdreg $0x14E000  }
0xb2: {  	[dreg:$0x6] =	wrdreg $0x9  }
0xb3: {  	_ =	task.clear_ibuf [dreg:s7], $0x7FFFF;
	_ =	strace $0x9000004C  }
0xb4: {  	s29 =	simm.s32 $0x9;
	_ =	strace $0x8000004E  }
0xb5: {  	_ =	swait.ge [sflag:s29], $0x1  }
0xb6: {  	[sflag:s29] =	ssyncadd.s32 $0xFFFFFFFF  }
0xb7: {  	_ =	strace $0x9000004E  }
0xb8: {  	_ =	sfence  }
0xb9: {  	s30 =	sld [smem:$0x0];
	_ =	sdelay $0x2  }
0xba: {  	s31 =	sshll.u32 s1, $0xD;
	s1 =	sshrl.u32 s1, $0x2  }
0xbb: {  	s3 =	sand.u32 $0x4000, s31;
	s1 =	sadd.s32 s1, s30  }
0xbc: {  	s0 =	sor.u32 s3, s0;
	s1 =	sshll.u32 s1, $0x11  }
0xbd: {  	s0 =	sor.u32 s1, s0  }
0xbe: {  	s0 =	sadd.s32 $0x8F2B, s0  }
0xbf: {  	[sflag:s0] =	ssyncadd.remote.s32 $0x1  }
0xc0: {  	_ =	sfence.sel $0xFFFF  }
0xc1: {  	[dreg:$0x0] =	wrdreg $0xFFFFFFFF;
	(pc) =	sbr.abs _section_cstart, $3  }
0xc2: {  	[dreg:$0x1] =	wrdreg $0xFFFFFFFF  }
0xc3: {  	_ =	task.clear_ibuf [dreg:s7], $0x2FFFF;
	_ =	strace $0x9FFFFFFF  }
0xc4: {  	(tm) =	ssettm $0x7FFFFFFF  }
0xc5: {  	_ =	shalt  }
tec
execute0_lowered:
.L_overlay_start_1:
0x0: {  	(tag) =	ssettag $0x1  }
0x1: {  	s6 =	rddreg [dreg:$0x0]  }
0x2: {  	s7 =	rddreg [dreg:$0x1]  }
0x3: {  	s0 =	srdreg.scid;
	s2 =	rddreg [dreg:$0x2]  }
0x4: {  	s3 =	rddreg [dreg:$0x3];
	s4 =	simm.s32 $0x0;
	s16 =	simm.s32 $0x80  }
0x5: {  	s17 =	simm.s32 $0x5000;
	s18 =	simm.s32 $0x7000;
	s19 =	simm.s32 $0x1  }
0x6: {  	s20 =	simm.s32 $0x9000;
	s21 =	simm.s32 $0x2;
	s22 =	simm.s32 $0x3  }
0x7: {  	s23 =	simm.s32 $0x4F00;
	s5 =	sand.u32 $0x1, s0;
	s0 =	stileid.u32  }
0x8: {  	s24 =	simm.s32 $0x4F80;
	s25 =	simm.s32 $0x0;
	s9 =	smul.u32 $0x9E00, s0  }
0x9: {  	[smem:$0x7FF] =	sst s4;
	s1 =	sshll.u32 s5, $0x4;
	s10 =	smul.u32 $0x9E000, s5  }
0xa: {  	s12 =	ssub.s32 $0x2, s5;
	p0 =	seq.s32 s5, $0x1;
	s1 =	sor.u32 s0, s1  }
0xb: {  	s31 =	sshll.u32 s0, $0x6;
	s30 =	sshrl.u32 s12, $0x1;
	s8 =	smul.u32 $0x500, s1  }
0xc: {  	s1 =	rddreg [dreg:$0x4];
	_ =	strace $0x8000004D;
	s10 =	sadd.s32 s9, s10  }
0xd: {  	s11 =	sshrl.u32 s9, $0x3;
	s12 =	ssub.s32 s12, s30;
	s14 =	sadd.s32 s9, s2  }
0xe: {  	s15 =	sadd.s32 s9, s3;
	s10 =	sshrl.u32 s10, $0x3;
	s13 =	sadd.s32 s11, s7  }
0xf: {  	s5 =	sadd.s32 s6, s11;
	s8 =	sadd.s32 s8, s7;
	s10 =	sadd.s32 s10, s7  }
0x10: {  	s11 =	sadd.s32 $0x1B800, s13;
	s9 =	smov.u32 s5;
	s13 =	simm.s32 $0x4  }
0x11: {  	s6 =	sadd.s32 $0x11800, s8;
	s7 =	sadd.s32 $0x2600, s8;
	s8 =	sadd.s32 $0x2F400, s10  }
0x12: {  	s10 =	smax.u32 s12, $0x1;
	s9 =	smov.u32 @p0 s11;
	s11 =	sor.u32 $0x1C04, s31  }
0x13: {  	s12 =	sshrl.u32 s14, $0x3;
	s14 =	sshrl.u32 s15, $0x3;
	s15 =	simm.s32 $0x2800  }
.LBB2_1:
0x14: {  	[spmem:s12], [sflag:s11] =	dma.local [hbm:s9], $0x13C0  }
0x15: {  	_ =	swait.ge [sflag:s13], $0x13C0  }
0x16: {  	[sflag:s13] =	ssyncset.done $0x0  }
0x17: {  	[sflag:s13] =	ssyncadd.s32 $0xFFFFEC40  }
0x18: {  	[spmem:s14], [sflag:s11] =	dma.local [hbm:s5], $0x13C0  }
0x19: {  	_ =	swait.ge [sflag:s13], $0x13C0  }
0x1a: {  	[sflag:s13] =	ssyncset.done $0x0  }
0x1b: {  	[sflag:s13] =	ssyncadd.s32 $0xFFFFEC40  }
0x1c: {  	[tilespmem:s4], [sflag:$0x4] =	stream.linear.gather [hbm4b:s6+s4], $0x2800, $0x38;
	[tilespmem:$0x1EC00] =	vst v63  }
0x1d: {  	_ =	swait.ge [sflag:s13], $0x2800  }
0x1e: {  	[sflag:s13] =	ssyncset.done $0x0  }
0x1f: {  	[sflag:s13] =	ssyncadd.s32 $0xFFFFD800  }
0x20: {  	[tilespmem:s15], [sflag:$0x4] =	stream.linear.gather [hbm4b:s7+s4], $0x2800, $0x38;
	[tilespmem:$0x1EC00] =	vst v63  }
0x21: {  	_ =	swait.ge [sflag:s13], $0x2800  }
0x22: {  	[sflag:s13] =	ssyncset.done $0x0  }
0x23: {  	[sflag:s13] =	ssyncadd.s32 $0xFFFFD800  }
0x24: {  	[bflag:$0x0] =	sbarrier.arrive $0xFFFF  }
0x25: {  	[tilespmem:s17], [sflag:$0x1] =	stream.indirect.gather [spmem:s3], $0x40, s4, s16, $0xb8;
	[tilespmem:$0x1EC00] =	vst v63  }
0x26: {  	_ = 	snop  }
0x27: {  	[tilespmem:s18], [sflag:$0x2] =	stream.indirect.gather [spmem:s3], $0x40, s16, s16, $0xb8;
	[tilespmem:$0x1EC00] =	vst v63  }
0x28: {  	_ =	swait.ge [sflag:s19], $0x2000  }
0x29: {  	[sflag:s19] =	ssyncset.done $0x0  }
0x2a: {  	s26 =	simm.s32 $0x100;
	[sflag:s19] =	ssyncadd.s32 $0xFFFFE000  }
0x2b: {  	[tilespmem:s20], [sflag:$0x3] =	stream.indirect.gather [spmem:s3], $0x40, s26, s16, $0xb8;
	[tilespmem:$0x1EC00] =	vst v63  }
0x2c: {  	s31 =	simm.s32 $0x2800  }
0x2d: {  	[spmem:s2] =	stream.indirect.scatter.add.f32 [tilespmem:s17], [sflag:$0x4], $0x40, s31, s16, $0xb8;
	[tilespmem:$0x1EC00] =	vst v63  }
0x2e: {  	_ =	swait.ge [sflag:s13], $0x2000  }
0x2f: {  	[sflag:s13] =	ssyncset.done $0x0  }
0x30: {  	[sflag:s13] =	ssyncadd.s32 $0xFFFFE000  }
0x31: {  	_ =	swait.ge [sflag:s21], $0x2000  }
0x32: {  	[sflag:s21] =	ssyncset.done $0x0  }
0x33: {  	s28 =	simm.s32 $0x180;
	[sflag:s21] =	ssyncadd.s32 $0xFFFFE000  }
0x34: {  	[tilespmem:s17], [sflag:$0x1] =	stream.indirect.gather [spmem:s3], $0x40, s28, s16, $0xb8;
	[tilespmem:$0x1EC00] =	vst v63  }
0x35: {  	s29 =	simm.s32 $0x2880  }
0x36: {  	[spmem:s2] =	stream.indirect.scatter.add.f32 [tilespmem:s18], [sflag:$0x4], $0x40, s29, s16, $0xb8;
	[tilespmem:$0x1EC00] =	vst v63  }
0x37: {  	_ =	swait.ge [sflag:s13], $0x2000  }
0x38: {  	[sflag:s13] =	ssyncset.done $0x0  }
0x39: {  	[sflag:s13] =	ssyncadd.s32 $0xFFFFE000  }
0x3a: {  	_ =	swait.ge [sflag:s22], $0x2000  }
0x3b: {  	[sflag:s22] =	ssyncset.done $0x0  }
0x3c: {  	s30 =	simm.s32 $0x200;
	[sflag:s22] =	ssyncadd.s32 $0xFFFFE000  }
0x3d: {  	[tilespmem:s18], [sflag:$0x2] =	stream.indirect.gather [spmem:s3], $0x40, s30, s16, $0xb8;
	[tilespmem:$0x1EC00] =	vst v63  }
0x3e: {  	s31 =	simm.s32 $0x2900  }
0x3f: {  	[spmem:s2] =	stream.indirect.scatter.add.f32 [tilespmem:s20], [sflag:$0x4], $0x40, s31, s16, $0xb8;
	[tilespmem:$0x1EC00] =	vst v63  }
0x40: {  	_ =	swait.ge [sflag:s13], $0x2000  }
0x41: {  	s26 =	simm.s32 $0x600;
	[sflag:s13] =	ssyncset.done $0x0  }
.LBB2_2:
0x42: {  	p0 =	sne.s32 s26, $0x9600  }
0x43: {  	[sflag:s13] =	ssyncadd.s32 $0xFFFFE000;
	s28 =	smov.u32 s26;
	s26 =	sadd.s32 $0x600, s26  }
0x44: {  	_ = 	snop  }
0x45: {  	_ =	swait.ge [sflag:s19], $0x2000  }
0x46: {  	s28 =	sshra.s32 s28, $0x2;
	[sflag:s19] =	ssyncset.done $0x0  }
0x47: {  	s29 =	sadd.s32 $0x100, s28;
	[sflag:s19] =	ssyncadd.s32 $0xFFFFE000  }
0x48: {  	[tilespmem:s20], [sflag:$0x3] =	stream.indirect.gather [spmem:s3], $0x40, s29, s16, $0xb8;
	[tilespmem:$0x1EC00] =	vst v63  }
0x49: {  	s29 =	sadd.s32 $0x2800, s28  }
0x4a: {  	[spmem:s2] =	stream.indirect.scatter.add.f32 [tilespmem:s17], [sflag:$0x4], $0x40, s29, s16, $0xb8;
	[tilespmem:$0x1EC00] =	vst v63  }
0x4b: {  	_ =	swait.ge [sflag:s13], $0x2000  }
0x4c: {  	[sflag:s13] =	ssyncset.done $0x0  }
0x4d: {  	[sflag:s13] =	ssyncadd.s32 $0xFFFFE000  }
0x4e: {  	_ =	swait.ge [sflag:s21], $0x2000  }
0x4f: {  	[sflag:s21] =	ssyncset.done $0x0  }
0x50: {  	s29 =	sadd.s32 $0x180, s28;
	[sflag:s21] =	ssyncadd.s32 $0xFFFFE000  }
0x51: {  	[tilespmem:s17], [sflag:$0x1] =	stream.indirect.gather [spmem:s3], $0x40, s29, s16, $0xb8;
	[tilespmem:$0x1EC00] =	vst v63  }
0x52: {  	s29 =	sadd.s32 $0x2880, s28  }
0x53: {  	[spmem:s2] =	stream.indirect.scatter.add.f32 [tilespmem:s18], [sflag:$0x4], $0x40, s29, s16, $0xb8;
	[tilespmem:$0x1EC00] =	vst v63  }
0x54: {  	_ =	swait.ge [sflag:s13], $0x2000  }
0x55: {  	[sflag:s13] =	ssyncset.done $0x0  }
0x56: {  	[sflag:s13] =	ssyncadd.s32 $0xFFFFE000  }
0x57: {  	_ =	swait.ge [sflag:s22], $0x2000  }
0x58: {  	[sflag:s22] =	ssyncset.done $0x0  }
0x59: {  	s29 =	sadd.s32 $0x200, s28;
	[sflag:s22] =	ssyncadd.s32 $0xFFFFE000  }
0x5a: {  	[tilespmem:s18], [sflag:$0x2] =	stream.indirect.gather [spmem:s3], $0x40, s29, s16, $0xb8;
	[tilespmem:$0x1EC00] =	vst v63  }
.Ltmp0:
0x5b: {  	_ = 	snop;
	(pc) =	sbr.rel @p0 .LBB2_2-.Ltmp0, $4  }
0x5c: {  	s28 =	sadd.s32 $0x2900, s28  }
0x5d: {  	[spmem:s2] =	stream.indirect.scatter.add.f32 [tilespmem:s20], [sflag:$0x4], $0x40, s28, s16, $0xb8;
	[tilespmem:$0x1EC00] =	vst v63  }
0x5e: {  	_ =	swait.ge [sflag:s13], $0x2000  }
0x5f: {  	[sflag:s13] =	ssyncset.done $0x0  }
0x60: {  	[sflag:s13] =	ssyncadd.s32 $0xFFFFE000  }
0x61: {  	_ =	swait.ge [sflag:s19], $0x2000  }
0x62: {  	[sflag:s19] =	ssyncset.done $0x0  }
0x63: {  	[sflag:s19] =	ssyncadd.s32 $0xFFFFE000  }
0x64: {  	[spmem:s2] =	stream.indirect.scatter.add.f32 [tilespmem:s17], [sflag:$0x4], $0x40, s23, s16, $0xb8;
	[tilespmem:$0x1EC00] =	vst v63  }
0x65: {  	_ =	swait.ge [sflag:s13], $0x2000  }
0x66: {  	[sflag:s13] =	ssyncset.done $0x0  }
0x67: {  	[sflag:s13] =	ssyncadd.s32 $0xFFFFE000  }
0x68: {  	_ =	swait.ge [sflag:s21], $0x2000  }
0x69: {  	[sflag:s21] =	ssyncset.done $0x0  }
0x6a: {  	[sflag:s21] =	ssyncadd.s32 $0xFFFFE000  }
0x6b: {  	[spmem:s2] =	stream.indirect.scatter.add.f32 [tilespmem:s18], [sflag:$0x4], $0x40, s24, s16, $0xb8;
	[tilespmem:$0x1EC00] =	vst v63  }
0x6c: {  	_ =	swait.ge [sflag:s13], $0x2000  }
0x6d: {  	s25 =	sadd.s32 $0x1, s25;
	[sflag:s13] =	ssyncset.done $0x0  }
0x6e: {  	p0 =	sne.s32 s25, s10;
	[sflag:s13] =	ssyncadd.s32 $0xFFFFE000  }
.Ltmp1:
0x6f: {  	[bflag:$0x0] =	sbarrier.arrive $0xFFFF;
	(pc) =	sbr.rel @p0 .LBB2_1-.Ltmp1, $4  }
0x70: {  	[hbm:s8], [sflag:s11] =	dma.local [spmem:s12], $0x13C0  }
0x71: {  	_ =	swait.ge [sflag:s13], $0x13C0  }
0x72: {  	[sflag:s13] =	ssyncset.done $0x0  }
0x73: {  	[sflag:s13] =	ssyncadd.s32 $0xFFFFEC40  }
0x74: {  	_ =	sfence.sel $0x180000  }
0x75: {  	[bflag:$0x0] =	sbarrier.arrive $0xFFFF  }
0x76: {  	p0 =	sne.s32 s0, $0x0;
	_ =	strace $0x9000004D  }
0x77: {  	s0 =	sadd.s32 @!p0 $0x100000, s1;
	[bflag:$0x2] =	sbarrier.arrive $0xFFFF  }
0x78: {  	[sflag:s0] =	ssyncadd.tile.s32 @!p0 $0x1;
	_ =	shalt  }
.Lfunc_end2:
_tile_overlayer_lowered:
.L_overlay_start_2:
0x79: {  	(tag) =	ssettag $0x2  }
0x7a: {  	s0 =	rddreg [dreg:$0x0];
	s2 =	stileid.u32  }
0x7b: {  	s1 =	rddreg [dreg:$0x1];
	p0 =	sne.s32 s2, $0x0  }
0x7c: {  	s3 =	rddreg [dreg:$0x2];
	[bflag:$0x3] =	sbarrier.arrive $0xFFFF;
	s2 =	simm.s32 @!p0 $0x1C04  }
0x7d: {  	[timem:s3], [sflag:s2] =	dma.local @!p0 [hbm:s0], s1  }
0x7e: {  	s0 =	simm.s32 @!p0 $0x4  }
0x7f: {  	_ =	swait.ge @!p0 [sflag:s0], s1  }
0x80: {  	s1 =	ssub.s32 @!p0 $0x0, s1;
	[sflag:s0] =	ssyncset.done @!p0 $0x0  }
0x81: {  	[sflag:s0] =	ssyncadd.s32 @!p0 s1  }
0x82: {  	[bflag:$0x3] =	sbarrier.arrive $0xFFFF  }
0x83: {  	_ =	shalt  }

// kernel: kernel.21.cloned.1.call-start
scs
__scs_entry_jumppad:
0x0: {  	(pc) =	sbr.rel $0x88, $3  }
0x1: {  	(tag) =	ssettag $0x0;
	lr =	simm.s32 $0x1  }
0x2: {  	[smem:$0x3F97] =	sst lr;
	_ =	strace $0xD0000000  }
0x3: {  	_ = 	snop  }
0x4: {  	_ = 	snop  }
0x5: {  	_ = 	snop  }
0x6: {  	_ = 	snop  }
0x7: {  	_ = 	snop  }
__scs_overlays_trampoline_lowered:
0x8: {  	[smem:$0x3FA6] =	sst s0  }
0x9: {  	[smem:$0x3FA7] =	sst s1  }
0xa: {  	[smem:$0x3FA8] =	sst s2  }
0xb: {  	[smem:$0x3FA9] =	sst s3  }
0xc: {  	[smem:$0x3FAA] =	sst s4  }
0xd: {  	[smem:$0x3FAB] =	sst s5  }
0xe: {  	[smem:$0x3FAC] =	sst s6  }
0xf: {  	[smem:$0x3FAD] =	sst s7  }
0x10: {  	[smem:$0x3FAE] =	sst s8  }
0x11: {  	[smem:$0x3FAF] =	sst s9;
	s0 =	simm.s32 @!p0 $0x0  }
0x12: {  	s1 =	sld [smem:$0x3F95];
	s0 =	simm.s32 @p0 $0x1  }
0x13: {  	[smem:$0x3FB0] =	sst s0;
	s0 =	simm.s32 @!p1 $0x0  }
0x14: {  	s2 =	sld [smem:$0x3F94];
	s0 =	simm.s32 @p1 $0x1  }
0x15: {  	[smem:$0x3FB1] =	sst s0;
	s0 =	simm.s32 @!p2 $0x0  }
0x16: {  	s3 =	sld [smem:$0x3FDB];
	s0 =	simm.s32 @p2 $0x1  }
0x17: {  	s4 =	simm.s32 $0x1BF5;
	[smem:$0x3FB3] =	sst s0  }
0x18: {  	s0 =	sld [smem:$0x3F96];
	_ =	swait.ge [sflag:s4], $0x0  }
0x19: {  	s7 =	sld [smem:$0x3F97]  }
0x1a: {  	s8 =	sadd.s32 $0xFFFFE003, lr  }
0x1b: {  	s9 =	sadd.s32 $0xFFFFFEF7, lr;
	s5 =	simm.s32 $0xFFFFFFFF;
	p2 =	slt.u32 s8, $0xFFFFF086  }
0x1c: {  	p1 =	slt.u32 s9, $0xF7A;
	s5 =	simm.s32 @!p2 $0x0  }
0x1d: {  	s5 =	simm.s32 @p1 $0x1;
	p0 =	seq.s32 s7, s2  }
0x1e: {  	s7 =	smul.u32 @!p0 $0xF7A, s2;
	p2 =	seq.s32 @!p0 s5, $0x0  }
0x1f: {  	s9 =	smul.u32 $0xF7A, s1;
	s8 =	simm.s32 @!p0 $0x1BF5;
	p2 =	por !p2, p0  }
0x20: {  	[sflag:s8] =	ssyncset.s32 @!p0 $0xFFFFF086;
	s6 =	sadd.s32 @!p0 s3, s7;
	s7 =	simm.s32 @!p0 $0x108  }
0x21: {  	s3 =	sadd.s32 s3, s9;
	s6 =	sadd.s32 @!p0 $0x88, s6;
	s7 =	simm.s32 @p2 $0x1082  }
0x22: {  	[simem:s7], [sflag:s8] =	dma.local @!p0 [hbm:s6], $0xF7A  }
0x23: {  	s9 =	sor.u32 $0xD0000000, s2;
	s6 =	simm.s32 $0x108;
	_ =	swait.ge @!p0 [sflag:s8], $0x0  }
0x24: {  	s3 =	sadd.s32 $0x88, s3;
	s6 =	simm.s32 @!p1 $0x1082;
	[sflag:s4] =	ssyncset.s32 $0xFFFFF086  }
0x25: {  	[simem:s6], [sflag:s4] =	dma.local [hbm:s3], $0xF7A  }
0x26: {  	[smem:$0x3F97] =	sst s1;
	(tag) =	ssettag s2;
	_ =	strace s9  }
0x27: {  	s1 =	sld [smem:$0x3FA7]  }
0x28: {  	s2 =	sld [smem:$0x3FA8]  }
0x29: {  	s4 =	sld [smem:$0x3FAA]  }
0x2a: {  	p0 =	seq.s32 s5, $0x0;
	s5 =	sld [smem:$0x3FAB]  }
0x2b: {  	s6 =	sld [smem:$0x3FAC]  }
0x2c: {  	s7 =	sld [smem:$0x3FAD]  }
0x2d: {  	s3 =	simm.s32 $0x108;
	s8 =	sld [smem:$0x3FAE]  }
0x2e: {  	s3 =	simm.s32 @!p0 $0x1082;
	s9 =	sld [smem:$0x3FAF]  }
0x2f: {  	lr =	sadd.s32 s0, s3;
	s0 =	sld [smem:$0x3FA6]  }
0x30: {  	s3 =	sld [smem:$0x3FA9]  }
0x31: {  	[smem:$0x3FB2] =	sst s10  }
0x32: {  	s10 =	sld [smem:$0x3FB0];
	_ =	sdelay $0x3  }
0x33: {  	p0 =	seq.s32 s10, $0x1;
	s10 =	sld [smem:$0x3FB2];
	_ =	sdelay $0x3  }
0x34: {  	[smem:$0x3FB2] =	sst s10  }
0x35: {  	s10 =	sld [smem:$0x3FB1];
	_ =	sdelay $0x3  }
0x36: {  	p1 =	seq.s32 s10, $0x1;
	s10 =	sld [smem:$0x3FB2];
	_ =	sdelay $0x3  }
0x37: {  	[smem:$0x3FB2] =	sst s10  }
0x38: {  	s10 =	sld [smem:$0x3FB3]  }
0x39: {  	_ = 	snop;
	(pc) =	sbr.ind lr, $3  }
0x3a: {  	_ = 	snop  }
0x3b: {  	_ = 	snop  }
0x3c: {  	p2 =	seq.s32 s10, $0x1;
	s10 =	sld [smem:$0x3FB2]  }
0x3d: {  	_ =	shalt  }
0x3e: {  	_ =	shalt  }
0x3f: {  	_ =	shalt  }
0x40: {  	_ =	shalt  }
0x41: {  	_ =	shalt  }
0x42: {  	_ =	shalt  }
0x43: {  	_ =	shalt  }
0x44: {  	_ =	shalt  }
0x45: {  	_ =	shalt  }
0x46: {  	_ =	shalt  }
0x47: {  	_ =	shalt  }
0x48: {  	_ =	shalt  }
0x49: {  	_ =	shalt  }
0x4a: {  	_ =	shalt  }
0x4b: {  	_ =	shalt  }
0x4c: {  	_ =	shalt  }
0x4d: {  	_ =	shalt  }
0x4e: {  	_ =	shalt  }
0x4f: {  	_ =	shalt  }
0x50: {  	_ =	shalt  }
0x51: {  	_ =	shalt  }
0x52: {  	_ =	shalt  }
0x53: {  	_ =	shalt  }
0x54: {  	_ =	shalt  }
0x55: {  	_ =	shalt  }
0x56: {  	_ =	shalt  }
0x57: {  	_ =	shalt  }
0x58: {  	_ =	shalt  }
0x59: {  	_ =	shalt  }
0x5a: {  	_ =	shalt  }
0x5b: {  	_ =	shalt  }
0x5c: {  	_ =	shalt  }
0x5d: {  	_ =	shalt  }
0x5e: {  	_ =	shalt  }
0x5f: {  	_ =	shalt  }
0x60: {  	_ =	shalt  }
0x61: {  	_ =	shalt  }
0x62: {  	_ =	shalt  }
0x63: {  	_ =	shalt  }
0x64: {  	_ =	shalt  }
0x65: {  	_ =	shalt  }
0x66: {  	_ =	shalt  }
0x67: {  	_ =	shalt  }
0x68: {  	_ =	shalt  }
0x69: {  	_ =	shalt  }
0x6a: {  	_ =	shalt  }
0x6b: {  	_ =	shalt  }
0x6c: {  	_ =	shalt  }
0x6d: {  	_ =	shalt  }
0x6e: {  	_ =	shalt  }
0x6f: {  	_ =	shalt  }
0x70: {  	_ =	shalt  }
0x71: {  	_ =	shalt  }
0x72: {  	_ =	shalt  }
0x73: {  	_ =	shalt  }
0x74: {  	_ =	shalt  }
0x75: {  	_ =	shalt  }
0x76: {  	_ =	shalt  }
0x77: {  	_ =	shalt  }
0x78: {  	_ =	shalt  }
0x79: {  	_ =	shalt  }
0x7a: {  	_ =	shalt  }
0x7b: {  	_ =	shalt  }
0x7c: {  	_ =	shalt  }
0x7d: {  	_ =	shalt  }
0x7e: {  	_ =	shalt  }
0x7f: {  	_ =	shalt  }
0x80: {  	_ =	shalt  }
0x81: {  	_ =	shalt  }
0x82: {  	_ =	shalt  }
0x83: {  	_ =	shalt  }
0x84: {  	_ =	shalt  }
0x85: {  	_ =	shalt  }
0x86: {  	_ =	shalt  }
0x87: {  	_ =	shalt  }
.Lfunc_end0:
.L_simem_size_0:
called_computation.3_lowered:
.L_overlay_start_0:
0x88: {  	s2 =	sld [smem:$0x3FD9]  }
0x89: {  	s3 =	sld [smem:$0x3FFE];
	_ =	sdelay $0x1  }
0x8a: {  	s1 =	srdreg.scid  }
0x8b: {  	s0 =	sand.u32 $0x1, s1  }
0x8c: {  	s17 =	sshll.u32 s0, $0xA;
	s2 =	sadd.s32 s3, s2  }
0x8d: {  	s2 =	sadd.s32 s2, s17  }
0x8e: {  	[smem:$0x3FBE] =	sst s2  }
0x8f: {  	_ = 	snop  }
0x90: {  	s2 =	sld [smem:$0x3FD0];
	(tm) =	ssettm $0x1  }
0x91: {  	s18 =	sld [smem:$0x3FFB];
	_ =	sdelay $0x3  }
0x92: {  	_ =	strace s18  }
0x93: {  	s3 =	sld [smem:$0x3FFC];
	_ =	sdelay $0x3  }
0x94: {  	_ =	strace s3  }
0x95: {  	s3 =	sld [smem:$0x3FFD];
	_ =	sdelay $0x3  }
0x96: {  	_ =	strace s3  }
0x97: {  	_ =	strace $0x8FFFFFFF  }
0x98: {  	s19 =	sld [smem:$0x3FDB];
	_ =	sdelay $0x1  }
0x99: {  	s4 =	simm.s32 $_scs_section_size  }
0x9a: {  	s5 =	simm.s32 $_size__tile_overlayer_lowered;
	s6 =	simm.s32 $_tile_overlayer_lowered  }
0x9b: {  	s22 =	simm.s32 $0x1BFF;
	s21 =	sshll.u32 s6, $0x1;
	s3 =	sadd.s32 s4, s19  }
0x9c: {  	s7 =	simm.s32 $0x0;
	s20 =	sshll.u32 s5, $0x1;
	s5 =	sadd.s32 s21, s3  }
0x9d: {  	[timem:s7], [sflag:s22] =	dma.local [hbm:s5], s20  }
0x9e: {  	_ =	swait.ge [sflag:s22], s20  }
0x9f: {  	s4 =	ssub.s32 $0x0, s20;
	[sflag:s22] =	ssyncset.done $0x0  }
0xa0: {  	[sflag:s22] =	ssyncadd.s32 s4;
	_ =	sdelay $0x1  }
0xa1: {  	s23 =	simm.s32 $0x1B8B  }
0xa2: {  	_ =	swait.ge [sflag:s23], $0x1  }
0xa3: {  	[sflag:s23] =	ssyncset.done $0x0  }
0xa4: {  	s25 =	simm.s32 $0x1B8E;
	s24 =	sld [smem:$0x3FFE];
	[sflag:s23] =	ssyncadd.s32 $0xFFFFFFFF  }
0xa5: {  	s26 =	simm.s32 $execute0_lowered;
	[smem:$0x3FD2] =	sst s25  }
0xa6: {  	s5 =	sshll.u32 s26, $0x1;
	_ =	strace $0x8000004F;
	[dreg:$0x1] =	wrdreg $0xFFFFFFFF  }
0xa7: {  	s28 =	simm.s32 $_size_execute0_lowered;
	s3 =	sadd.s32 s3, s5;
	[dreg:$0x0] =	wrdreg $0x0  }
0xa8: {  	s5 =	sshll.u32 s28, $0x1;
	[dreg:$0x2] =	wrdreg s3  }
0xa9: {  	[dreg:$0x3] =	wrdreg s5  }
0xaa: {  	[dreg:$0x4] =	wrdreg $0xC0  }
0xab: {  	_ =	task [dreg:s7], $0x5FFFF  }
0xac: {  	[dreg:$0x1] =	wrdreg $0xFFFFFFFF  }
0xad: {  	[dreg:$0x0] =	wrdreg $0x60  }
0xae: {  	[dreg:$0x2] =	wrdreg s2  }
0xaf: {  	[dreg:$0x3] =	wrdreg s24  }
0xb0: {  	[dreg:$0x4] =	wrdreg $0xB0000  }
0xb1: {  	[dreg:$0x5] =	wrdreg $0x14E000  }
0xb2: {  	[dreg:$0x6] =	wrdreg $0x9  }
0xb3: {  	_ =	task.clear_ibuf [dreg:s7], $0x7FFFF;
	_ =	strace $0x9000004F  }
0xb4: {  	s29 =	simm.s32 $0x9;
	_ =	strace $0x80000051  }
0xb5: {  	_ =	swait.ge [sflag:s29], $0x1  }
0xb6: {  	[sflag:s29] =	ssyncadd.s32 $0xFFFFFFFF  }
0xb7: {  	_ =	strace $0x90000051  }
0xb8: {  	_ =	sfence  }
0xb9: {  	s30 =	sld [smem:$0x0];
	_ =	sdelay $0x2  }
0xba: {  	s31 =	sshll.u32 s1, $0xD;
	s1 =	sshrl.u32 s1, $0x2  }
0xbb: {  	s3 =	sand.u32 $0x4000, s31;
	s1 =	sadd.s32 s1, s30  }
0xbc: {  	s0 =	sor.u32 s3, s0;
	s1 =	sshll.u32 s1, $0x11  }
0xbd: {  	s0 =	sor.u32 s1, s0  }
0xbe: {  	s0 =	sadd.s32 $0x8F2B, s0  }
0xbf: {  	[sflag:s0] =	ssyncadd.remote.s32 $0x1  }
0xc0: {  	_ =	sfence.sel $0xFFFF  }
0xc1: {  	[dreg:$0x0] =	wrdreg $0xFFFFFFFF;
	(pc) =	sbr.abs _section_cstart, $3  }
0xc2: {  	[dreg:$0x1] =	wrdreg $0xFFFFFFFF  }
0xc3: {  	_ =	task.clear_ibuf [dreg:s7], $0x2FFFF;
	_ =	strace $0x9FFFFFFF  }
0xc4: {  	(tm) =	ssettm $0x7FFFFFFF  }
0xc5: {  	_ =	shalt  }
tec
execute0_lowered:
.L_overlay_start_1:
0x0: {  	(tag) =	ssettag $0x1  }
0x1: {  	s6 =	rddreg [dreg:$0x0]  }
0x2: {  	s7 =	rddreg [dreg:$0x1]  }
0x3: {  	s0 =	srdreg.scid;
	s2 =	rddreg [dreg:$0x2]  }
0x4: {  	s3 =	rddreg [dreg:$0x3];
	s4 =	simm.s32 $0x0;
	s16 =	simm.s32 $0x80  }
0x5: {  	s17 =	simm.s32 $0x5000;
	s18 =	simm.s32 $0x7000;
	s19 =	simm.s32 $0x1  }
0x6: {  	s20 =	simm.s32 $0x9000;
	s21 =	simm.s32 $0x2;
	s22 =	simm.s32 $0x3  }
0x7: {  	s23 =	simm.s32 $0x4F00;
	s5 =	sand.u32 $0x1, s0;
	s0 =	stileid.u32  }
0x8: {  	s24 =	simm.s32 $0x4F80;
	s25 =	simm.s32 $0x0;
	s9 =	smul.u32 $0x9E00, s0  }
0x9: {  	[smem:$0x7FF] =	sst s4;
	s1 =	sshll.u32 s5, $0x4;
	s10 =	smul.u32 $0x9E000, s5  }
0xa: {  	s12 =	ssub.s32 $0x2, s5;
	p0 =	seq.s32 s5, $0x1;
	s1 =	sor.u32 s0, s1  }
0xb: {  	s31 =	sshll.u32 s0, $0x6;
	s30 =	sshrl.u32 s12, $0x1;
	s8 =	smul.u32 $0x500, s1  }
0xc: {  	s1 =	rddreg [dreg:$0x4];
	_ =	strace $0x80000050;
	s10 =	sadd.s32 s9, s10  }
0xd: {  	s11 =	sshrl.u32 s9, $0x3;
	s12 =	ssub.s32 s12, s30;
	s14 =	sadd.s32 s9, s2  }
0xe: {  	s15 =	sadd.s32 s9, s3;
	s10 =	sshrl.u32 s10, $0x3;
	s13 =	sadd.s32 s11, s7  }
0xf: {  	s5 =	sadd.s32 s6, s11;
	s8 =	sadd.s32 s8, s7;
	s10 =	sadd.s32 s10, s7  }
0x10: {  	s11 =	sadd.s32 $0x1B800, s13;
	s9 =	smov.u32 s5;
	s13 =	simm.s32 $0x4  }
0x11: {  	s6 =	sadd.s32 $0x11800, s8;
	s7 =	sadd.s32 $0x2600, s8;
	s8 =	sadd.s32 $0x2F400, s10  }
0x12: {  	s10 =	smax.u32 s12, $0x1;
	s9 =	smov.u32 @p0 s11;
	s11 =	sor.u32 $0x1C04, s31  }
0x13: {  	s12 =	sshrl.u32 s14, $0x3;
	s14 =	sshrl.u32 s15, $0x3;
	s15 =	simm.s32 $0x2800  }
.LBB2_1:
0x14: {  	[spmem:s12], [sflag:s11] =	dma.local [hbm:s9], $0x13C0  }
0x15: {  	_ =	swait.ge [sflag:s13], $0x13C0  }
0x16: {  	[sflag:s13] =	ssyncset.done $0x0  }
0x17: {  	[sflag:s13] =	ssyncadd.s32 $0xFFFFEC40  }
0x18: {  	[spmem:s14], [sflag:s11] =	dma.local [hbm:s5], $0x13C0  }
0x19: {  	_ =	swait.ge [sflag:s13], $0x13C0  }
0x1a: {  	[sflag:s13] =	ssyncset.done $0x0  }
0x1b: {  	[sflag:s13] =	ssyncadd.s32 $0xFFFFEC40  }
0x1c: {  	[tilespmem:s4], [sflag:$0x4] =	stream.linear.gather [hbm4b:s6+s4], $0x2800, $0x38;
	[tilespmem:$0x1EC00] =	vst v63  }
0x1d: {  	_ =	swait.ge [sflag:s13], $0x2800  }
0x1e: {  	[sflag:s13] =	ssyncset.done $0x0  }
0x1f: {  	[sflag:s13] =	ssyncadd.s32 $0xFFFFD800  }
0x20: {  	[tilespmem:s15], [sflag:$0x4] =	stream.linear.gather [hbm4b:s7+s4], $0x2800, $0x38;
	[tilespmem:$0x1EC00] =	vst v63  }
0x21: {  	_ =	swait.ge [sflag:s13], $0x2800  }
0x22: {  	[sflag:s13] =	ssyncset.done $0x0  }
0x23: {  	[sflag:s13] =	ssyncadd.s32 $0xFFFFD800  }
0x24: {  	[bflag:$0x0] =	sbarrier.arrive $0xFFFF  }
0x25: {  	[tilespmem:s17], [sflag:$0x1] =	stream.indirect.gather [spmem:s3], $0x40, s4, s16, $0xb8;
	[tilespmem:$0x1EC00] =	vst v63  }
0x26: {  	_ = 	snop  }
0x27: {  	[tilespmem:s18], [sflag:$0x2] =	stream.indirect.gather [spmem:s3], $0x40, s16, s16, $0xb8;
	[tilespmem:$0x1EC00] =	vst v63  }
0x28: {  	_ =	swait.ge [sflag:s19], $0x2000  }
0x29: {  	[sflag:s19] =	ssyncset.done $0x0  }
0x2a: {  	s26 =	simm.s32 $0x100;
	[sflag:s19] =	ssyncadd.s32 $0xFFFFE000  }
0x2b: {  	[tilespmem:s20], [sflag:$0x3] =	stream.indirect.gather [spmem:s3], $0x40, s26, s16, $0xb8;
	[tilespmem:$0x1EC00] =	vst v63  }
0x2c: {  	s31 =	simm.s32 $0x2800  }
0x2d: {  	[spmem:s2] =	stream.indirect.scatter.add.f32 [tilespmem:s17], [sflag:$0x4], $0x40, s31, s16, $0xb8;
	[tilespmem:$0x1EC00] =	vst v63  }
0x2e: {  	_ =	swait.ge [sflag:s13], $0x2000  }
0x2f: {  	[sflag:s13] =	ssyncset.done $0x0  }
0x30: {  	[sflag:s13] =	ssyncadd.s32 $0xFFFFE000  }
0x31: {  	_ =	swait.ge [sflag:s21], $0x2000  }
0x32: {  	[sflag:s21] =	ssyncset.done $0x0  }
0x33: {  	s28 =	simm.s32 $0x180;
	[sflag:s21] =	ssyncadd.s32 $0xFFFFE000  }
0x34: {  	[tilespmem:s17], [sflag:$0x1] =	stream.indirect.gather [spmem:s3], $0x40, s28, s16, $0xb8;
	[tilespmem:$0x1EC00] =	vst v63  }
0x35: {  	s29 =	simm.s32 $0x2880  }
0x36: {  	[spmem:s2] =	stream.indirect.scatter.add.f32 [tilespmem:s18], [sflag:$0x4], $0x40, s29, s16, $0xb8;
	[tilespmem:$0x1EC00] =	vst v63  }
0x37: {  	_ =	swait.ge [sflag:s13], $0x2000  }
0x38: {  	[sflag:s13] =	ssyncset.done $0x0  }
0x39: {  	[sflag:s13] =	ssyncadd.s32 $0xFFFFE000  }
0x3a: {  	_ =	swait.ge [sflag:s22], $0x2000  }
0x3b: {  	[sflag:s22] =	ssyncset.done $0x0  }
0x3c: {  	s30 =	simm.s32 $0x200;
	[sflag:s22] =	ssyncadd.s32 $0xFFFFE000  }
0x3d: {  	[tilespmem:s18], [sflag:$0x2] =	stream.indirect.gather [spmem:s3], $0x40, s30, s16, $0xb8;
	[tilespmem:$0x1EC00] =	vst v63  }
0x3e: {  	s31 =	simm.s32 $0x2900  }
0x3f: {  	[spmem:s2] =	stream.indirect.scatter.add.f32 [tilespmem:s20], [sflag:$0x4], $0x40, s31, s16, $0xb8;
	[tilespmem:$0x1EC00] =	vst v63  }
0x40: {  	_ =	swait.ge [sflag:s13], $0x2000  }
0x41: {  	s26 =	simm.s32 $0x600;
	[sflag:s13] =	ssyncset.done $0x0  }
.LBB2_2:
0x42: {  	p0 =	sne.s32 s26, $0x9600  }
0x43: {  	[sflag:s13] =	ssyncadd.s32 $0xFFFFE000;
	s28 =	smov.u32 s26;
	s26 =	sadd.s32 $0x600, s26  }
0x44: {  	_ = 	snop  }
0x45: {  	_ =	swait.ge [sflag:s19], $0x2000  }
0x46: {  	s28 =	sshra.s32 s28, $0x2;
	[sflag:s19] =	ssyncset.done $0x0  }
0x47: {  	s29 =	sadd.s32 $0x100, s28;
	[sflag:s19] =	ssyncadd.s32 $0xFFFFE000  }
0x48: {  	[tilespmem:s20], [sflag:$0x3] =	stream.indirect.gather [spmem:s3], $0x40, s29, s16, $0xb8;
	[tilespmem:$0x1EC00] =	vst v63  }
0x49: {  	s29 =	sadd.s32 $0x2800, s28  }
0x4a: {  	[spmem:s2] =	stream.indirect.scatter.add.f32 [tilespmem:s17], [sflag:$0x4], $0x40, s29, s16, $0xb8;
	[tilespmem:$0x1EC00] =	vst v63  }
0x4b: {  	_ =	swait.ge [sflag:s13], $0x2000  }
0x4c: {  	[sflag:s13] =	ssyncset.done $0x0  }
0x4d: {  	[sflag:s13] =	ssyncadd.s32 $0xFFFFE000  }
0x4e: {  	_ =	swait.ge [sflag:s21], $0x2000  }
0x4f: {  	[sflag:s21] =	ssyncset.done $0x0  }
0x50: {  	s29 =	sadd.s32 $0x180, s28;
	[sflag:s21] =	ssyncadd.s32 $0xFFFFE000  }
0x51: {  	[tilespmem:s17], [sflag:$0x1] =	stream.indirect.gather [spmem:s3], $0x40, s29, s16, $0xb8;
	[tilespmem:$0x1EC00] =	vst v63  }
0x52: {  	s29 =	sadd.s32 $0x2880, s28  }
0x53: {  	[spmem:s2] =	stream.indirect.scatter.add.f32 [tilespmem:s18], [sflag:$0x4], $0x40, s29, s16, $0xb8;
	[tilespmem:$0x1EC00] =	vst v63  }
0x54: {  	_ =	swait.ge [sflag:s13], $0x2000  }
0x55: {  	[sflag:s13] =	ssyncset.done $0x0  }
0x56: {  	[sflag:s13] =	ssyncadd.s32 $0xFFFFE000  }
0x57: {  	_ =	swait.ge [sflag:s22], $0x2000  }
0x58: {  	[sflag:s22] =	ssyncset.done $0x0  }
0x59: {  	s29 =	sadd.s32 $0x200, s28;
	[sflag:s22] =	ssyncadd.s32 $0xFFFFE000  }
0x5a: {  	[tilespmem:s18], [sflag:$0x2] =	stream.indirect.gather [spmem:s3], $0x40, s29, s16, $0xb8;
	[tilespmem:$0x1EC00] =	vst v63  }
.Ltmp0:
0x5b: {  	_ = 	snop;
	(pc) =	sbr.rel @p0 .LBB2_2-.Ltmp0, $4  }
0x5c: {  	s28 =	sadd.s32 $0x2900, s28  }
0x5d: {  	[spmem:s2] =	stream.indirect.scatter.add.f32 [tilespmem:s20], [sflag:$0x4], $0x40, s28, s16, $0xb8;
	[tilespmem:$0x1EC00] =	vst v63  }
0x5e: {  	_ =	swait.ge [sflag:s13], $0x2000  }
0x5f: {  	[sflag:s13] =	ssyncset.done $0x0  }
0x60: {  	[sflag:s13] =	ssyncadd.s32 $0xFFFFE000  }
0x61: {  	_ =	swait.ge [sflag:s19], $0x2000  }
0x62: {  	[sflag:s19] =	ssyncset.done $0x0  }
0x63: {  	[sflag:s19] =	ssyncadd.s32 $0xFFFFE000  }
0x64: {  	[spmem:s2] =	stream.indirect.scatter.add.f32 [tilespmem:s17], [sflag:$0x4], $0x40, s23, s16, $0xb8;
	[tilespmem:$0x1EC00] =	vst v63  }
0x65: {  	_ =	swait.ge [sflag:s13], $0x2000  }
0x66: {  	[sflag:s13] =	ssyncset.done $0x0  }
0x67: {  	[sflag:s13] =	ssyncadd.s32 $0xFFFFE000  }
0x68: {  	_ =	swait.ge [sflag:s21], $0x2000  }
0x69: {  	[sflag:s21] =	ssyncset.done $0x0  }
0x6a: {  	[sflag:s21] =	ssyncadd.s32 $0xFFFFE000  }
0x6b: {  	[spmem:s2] =	stream.indirect.scatter.add.f32 [tilespmem:s18], [sflag:$0x4], $0x40, s24, s16, $0xb8;
	[tilespmem:$0x1EC00] =	vst v63  }
0x6c: {  	_ =	swait.ge [sflag:s13], $0x2000  }
0x6d: {  	s25 =	sadd.s32 $0x1, s25;
	[sflag:s13] =	ssyncset.done $0x0  }
0x6e: {  	p0 =	sne.s32 s25, s10;
	[sflag:s13] =	ssyncadd.s32 $0xFFFFE000  }
.Ltmp1:
0x6f: {  	[bflag:$0x0] =	sbarrier.arrive $0xFFFF;
	(pc) =	sbr.rel @p0 .LBB2_1-.Ltmp1, $4  }
0x70: {  	[hbm:s8], [sflag:s11] =	dma.local [spmem:s12], $0x13C0  }
0x71: {  	_ =	swait.ge [sflag:s13], $0x13C0  }
0x72: {  	[sflag:s13] =	ssyncset.done $0x0  }
0x73: {  	[sflag:s13] =	ssyncadd.s32 $0xFFFFEC40  }
0x74: {  	_ =	sfence.sel $0x180000  }
0x75: {  	[bflag:$0x0] =	sbarrier.arrive $0xFFFF  }
0x76: {  	p0 =	sne.s32 s0, $0x0;
	_ =	strace $0x90000050  }
0x77: {  	s0 =	sadd.s32 @!p0 $0x100000, s1;
	[bflag:$0x2] =	sbarrier.arrive $0xFFFF  }
0x78: {  	[sflag:s0] =	ssyncadd.tile.s32 @!p0 $0x1;
	_ =	shalt  }
.Lfunc_end2:
_tile_overlayer_lowered:
.L_overlay_start_2:
0x79: {  	(tag) =	ssettag $0x2  }
0x7a: {  	s0 =	rddreg [dreg:$0x0];
	s2 =	stileid.u32  }
0x7b: {  	s1 =	rddreg [dreg:$0x1];
	p0 =	sne.s32 s2, $0x0  }
0x7c: {  	s3 =	rddreg [dreg:$0x2];
	[bflag:$0x3] =	sbarrier.arrive $0xFFFF;
	s2 =	simm.s32 @!p0 $0x1C04  }
0x7d: {  	[timem:s3], [sflag:s2] =	dma.local @!p0 [hbm:s0], s1  }
0x7e: {  	s0 =	simm.s32 @!p0 $0x4  }
0x7f: {  	_ =	swait.ge @!p0 [sflag:s0], s1  }
0x80: {  	s1 =	ssub.s32 @!p0 $0x0, s1;
	[sflag:s0] =	ssyncset.done @!p0 $0x0  }
0x81: {  	[sflag:s0] =	ssyncadd.s32 @!p0 s1  }
0x82: {  	[bflag:$0x3] =	sbarrier.arrive $0xFFFF  }
0x83: {  	_ =	shalt  }

// kernel: kernel.24.cloned.1.call-start
scs
__scs_entry_jumppad:
0x0: {  	(pc) =	sbr.rel $0x88, $3  }
0x1: {  	(tag) =	ssettag $0x0;
	lr =	simm.s32 $0x1  }
0x2: {  	[smem:$0x3F97] =	sst lr;
	_ =	strace $0xD0000000  }
0x3: {  	_ = 	snop  }
0x4: {  	_ = 	snop  }
0x5: {  	_ = 	snop  }
0x6: {  	_ = 	snop  }
0x7: {  	_ = 	snop  }
__scs_overlays_trampoline_lowered:
0x8: {  	[smem:$0x3FA6] =	sst s0  }
0x9: {  	[smem:$0x3FA7] =	sst s1  }
0xa: {  	[smem:$0x3FA8] =	sst s2  }
0xb: {  	[smem:$0x3FA9] =	sst s3  }
0xc: {  	[smem:$0x3FAA] =	sst s4  }
0xd: {  	[smem:$0x3FAB] =	sst s5  }
0xe: {  	[smem:$0x3FAC] =	sst s6  }
0xf: {  	[smem:$0x3FAD] =	sst s7  }
0x10: {  	[smem:$0x3FAE] =	sst s8  }
0x11: {  	[smem:$0x3FAF] =	sst s9;
	s0 =	simm.s32 @!p0 $0x0  }
0x12: {  	s1 =	sld [smem:$0x3F95];
	s0 =	simm.s32 @p0 $0x1  }
0x13: {  	[smem:$0x3FB0] =	sst s0;
	s0 =	simm.s32 @!p1 $0x0  }
0x14: {  	s2 =	sld [smem:$0x3F94];
	s0 =	simm.s32 @p1 $0x1  }
0x15: {  	[smem:$0x3FB1] =	sst s0;
	s0 =	simm.s32 @!p2 $0x0  }
0x16: {  	s3 =	sld [smem:$0x3FDB];
	s0 =	simm.s32 @p2 $0x1  }
0x17: {  	s4 =	simm.s32 $0x1BF5;
	[smem:$0x3FB3] =	sst s0  }
0x18: {  	s0 =	sld [smem:$0x3F96];
	_ =	swait.ge [sflag:s4], $0x0  }
0x19: {  	s7 =	sld [smem:$0x3F97]  }
0x1a: {  	s8 =	sadd.s32 $0xFFFFE003, lr  }
0x1b: {  	s9 =	sadd.s32 $0xFFFFFEF7, lr;
	s5 =	simm.s32 $0xFFFFFFFF;
	p2 =	slt.u32 s8, $0xFFFFF086  }
0x1c: {  	p1 =	slt.u32 s9, $0xF7A;
	s5 =	simm.s32 @!p2 $0x0  }
0x1d: {  	s5 =	simm.s32 @p1 $0x1;
	p0 =	seq.s32 s7, s2  }
0x1e: {  	s7 =	smul.u32 @!p0 $0xF7A, s2;
	p2 =	seq.s32 @!p0 s5, $0x0  }
0x1f: {  	s9 =	smul.u32 $0xF7A, s1;
	s8 =	simm.s32 @!p0 $0x1BF5;
	p2 =	por !p2, p0  }
0x20: {  	[sflag:s8] =	ssyncset.s32 @!p0 $0xFFFFF086;
	s6 =	sadd.s32 @!p0 s3, s7;
	s7 =	simm.s32 @!p0 $0x108  }
0x21: {  	s3 =	sadd.s32 s3, s9;
	s6 =	sadd.s32 @!p0 $0x88, s6;
	s7 =	simm.s32 @p2 $0x1082  }
0x22: {  	[simem:s7], [sflag:s8] =	dma.local @!p0 [hbm:s6], $0xF7A  }
0x23: {  	s9 =	sor.u32 $0xD0000000, s2;
	s6 =	simm.s32 $0x108;
	_ =	swait.ge @!p0 [sflag:s8], $0x0  }
0x24: {  	s3 =	sadd.s32 $0x88, s3;
	s6 =	simm.s32 @!p1 $0x1082;
	[sflag:s4] =	ssyncset.s32 $0xFFFFF086  }
0x25: {  	[simem:s6], [sflag:s4] =	dma.local [hbm:s3], $0xF7A  }
0x26: {  	[smem:$0x3F97] =	sst s1;
	(tag) =	ssettag s2;
	_ =	strace s9  }
0x27: {  	s1 =	sld [smem:$0x3FA7]  }
0x28: {  	s2 =	sld [smem:$0x3FA8]  }
0x29: {  	s4 =	sld [smem:$0x3FAA]  }
0x2a: {  	p0 =	seq.s32 s5, $0x0;
	s5 =	sld [smem:$0x3FAB]  }
0x2b: {  	s6 =	sld [smem:$0x3FAC]  }
0x2c: {  	s7 =	sld [smem:$0x3FAD]  }
0x2d: {  	s3 =	simm.s32 $0x108;
	s8 =	sld [smem:$0x3FAE]  }
0x2e: {  	s3 =	simm.s32 @!p0 $0x1082;
	s9 =	sld [smem:$0x3FAF]  }
0x2f: {  	lr =	sadd.s32 s0, s3;
	s0 =	sld [smem:$0x3FA6]  }
0x30: {  	s3 =	sld [smem:$0x3FA9]  }
0x31: {  	[smem:$0x3FB2] =	sst s10  }
0x32: {  	s10 =	sld [smem:$0x3FB0];
	_ =	sdelay $0x3  }
0x33: {  	p0 =	seq.s32 s10, $0x1;
	s10 =	sld [smem:$0x3FB2];
	_ =	sdelay $0x3  }
0x34: {  	[smem:$0x3FB2] =	sst s10  }
0x35: {  	s10 =	sld [smem:$0x3FB1];
	_ =	sdelay $0x3  }
0x36: {  	p1 =	seq.s32 s10, $0x1;
	s10 =	sld [smem:$0x3FB2];
	_ =	sdelay $0x3  }
0x37: {  	[smem:$0x3FB2] =	sst s10  }
0x38: {  	s10 =	sld [smem:$0x3FB3]  }
0x39: {  	_ = 	snop;
	(pc) =	sbr.ind lr, $3  }
0x3a: {  	_ = 	snop  }
0x3b: {  	_ = 	snop  }
0x3c: {  	p2 =	seq.s32 s10, $0x1;
	s10 =	sld [smem:$0x3FB2]  }
0x3d: {  	_ =	shalt  }
0x3e: {  	_ =	shalt  }
0x3f: {  	_ =	shalt  }
0x40: {  	_ =	shalt  }
0x41: {  	_ =	shalt  }
0x42: {  	_ =	shalt  }
0x43: {  	_ =	shalt  }
0x44: {  	_ =	shalt  }
0x45: {  	_ =	shalt  }
0x46: {  	_ =	shalt  }
0x47: {  	_ =	shalt  }
0x48: {  	_ =	shalt  }
0x49: {  	_ =	shalt  }
0x4a: {  	_ =	shalt  }
0x4b: {  	_ =	shalt  }
0x4c: {  	_ =	shalt  }
0x4d: {  	_ =	shalt  }
0x4e: {  	_ =	shalt  }
0x4f: {  	_ =	shalt  }
0x50: {  	_ =	shalt  }
0x51: {  	_ =	shalt  }
0x52: {  	_ =	shalt  }
0x53: {  	_ =	shalt  }
0x54: {  	_ =	shalt  }
0x55: {  	_ =	shalt  }
0x56: {  	_ =	shalt  }
0x57: {  	_ =	shalt  }
0x58: {  	_ =	shalt  }
0x59: {  	_ =	shalt  }
0x5a: {  	_ =	shalt  }
0x5b: {  	_ =	shalt  }
0x5c: {  	_ =	shalt  }
0x5d: {  	_ =	shalt  }
0x5e: {  	_ =	shalt  }
0x5f: {  	_ =	shalt  }
0x60: {  	_ =	shalt  }
0x61: {  	_ =	shalt  }
0x62: {  	_ =	shalt  }
0x63: {  	_ =	shalt  }
0x64: {  	_ =	shalt  }
0x65: {  	_ =	shalt  }
0x66: {  	_ =	shalt  }
0x67: {  	_ =	shalt  }
0x68: {  	_ =	shalt  }
0x69: {  	_ =	shalt  }
0x6a: {  	_ =	shalt  }
0x6b: {  	_ =	shalt  }
0x6c: {  	_ =	shalt  }
0x6d: {  	_ =	shalt  }
0x6e: {  	_ =	shalt  }
0x6f: {  	_ =	shalt  }
0x70: {  	_ =	shalt  }
0x71: {  	_ =	shalt  }
0x72: {  	_ =	shalt  }
0x73: {  	_ =	shalt  }
0x74: {  	_ =	shalt  }
0x75: {  	_ =	shalt  }
0x76: {  	_ =	shalt  }
0x77: {  	_ =	shalt  }
0x78: {  	_ =	shalt  }
0x79: {  	_ =	shalt  }
0x7a: {  	_ =	shalt  }
0x7b: {  	_ =	shalt  }
0x7c: {  	_ =	shalt  }
0x7d: {  	_ =	shalt  }
0x7e: {  	_ =	shalt  }
0x7f: {  	_ =	shalt  }
0x80: {  	_ =	shalt  }
0x81: {  	_ =	shalt  }
0x82: {  	_ =	shalt  }
0x83: {  	_ =	shalt  }
0x84: {  	_ =	shalt  }
0x85: {  	_ =	shalt  }
0x86: {  	_ =	shalt  }
0x87: {  	_ =	shalt  }
.Lfunc_end0:
.L_simem_size_0:
called_computation.4_lowered:
.L_overlay_start_0:
0x88: {  	s2 =	sld [smem:$0x3FD9]  }
0x89: {  	s3 =	sld [smem:$0x3FFE];
	_ =	sdelay $0x1  }
0x8a: {  	s1 =	srdreg.scid  }
0x8b: {  	s0 =	sand.u32 $0x1, s1  }
0x8c: {  	s17 =	sshll.u32 s0, $0xA;
	s2 =	sadd.s32 s3, s2  }
0x8d: {  	s2 =	sadd.s32 s2, s17  }
0x8e: {  	[smem:$0x3FBE] =	sst s2  }
0x8f: {  	_ = 	snop  }
0x90: {  	s2 =	sld [smem:$0x3FD0];
	(tm) =	ssettm $0x1  }
0x91: {  	s18 =	sld [smem:$0x3FFB];
	_ =	sdelay $0x3  }
0x92: {  	_ =	strace s18  }
0x93: {  	s3 =	sld [smem:$0x3FFC];
	_ =	sdelay $0x3  }
0x94: {  	_ =	strace s3  }
0x95: {  	s3 =	sld [smem:$0x3FFD];
	_ =	sdelay $0x3  }
0x96: {  	_ =	strace s3  }
0x97: {  	_ =	strace $0x8FFFFFFF  }
0x98: {  	s19 =	sld [smem:$0x3FDB];
	_ =	sdelay $0x1  }
0x99: {  	s4 =	simm.s32 $_scs_section_size  }
0x9a: {  	s5 =	simm.s32 $_size__tile_overlayer_lowered;
	s6 =	simm.s32 $_tile_overlayer_lowered  }
0x9b: {  	s22 =	simm.s32 $0x1BFF;
	s21 =	sshll.u32 s6, $0x1;
	s3 =	sadd.s32 s4, s19  }
0x9c: {  	s7 =	simm.s32 $0x0;
	s20 =	sshll.u32 s5, $0x1;
	s5 =	sadd.s32 s21, s3  }
0x9d: {  	[timem:s7], [sflag:s22] =	dma.local [hbm:s5], s20  }
0x9e: {  	_ =	swait.ge [sflag:s22], s20  }
0x9f: {  	s4 =	ssub.s32 $0x0, s20;
	[sflag:s22] =	ssyncset.done $0x0  }
0xa0: {  	[sflag:s22] =	ssyncadd.s32 s4;
	_ =	sdelay $0x1  }
0xa1: {  	s23 =	simm.s32 $0x1B8B  }
0xa2: {  	_ =	swait.ge [sflag:s23], $0x1  }
0xa3: {  	[sflag:s23] =	ssyncset.done $0x0  }
0xa4: {  	s25 =	simm.s32 $0x1B8E;
	s24 =	sld [smem:$0x3FFE];
	[sflag:s23] =	ssyncadd.s32 $0xFFFFFFFF  }
0xa5: {  	s26 =	simm.s32 $execute0_lowered;
	[smem:$0x3FD2] =	sst s25  }
0xa6: {  	s5 =	sshll.u32 s26, $0x1;
	_ =	strace $0x80000052;
	[dreg:$0x1] =	wrdreg $0xFFFFFFFF  }
0xa7: {  	s28 =	simm.s32 $_size_execute0_lowered;
	s3 =	sadd.s32 s3, s5;
	[dreg:$0x0] =	wrdreg $0x0  }
0xa8: {  	s5 =	sshll.u32 s28, $0x1;
	[dreg:$0x2] =	wrdreg s3  }
0xa9: {  	[dreg:$0x3] =	wrdreg s5  }
0xaa: {  	[dreg:$0x4] =	wrdreg $0xC0  }
0xab: {  	_ =	task [dreg:s7], $0x5FFFF  }
0xac: {  	[dreg:$0x1] =	wrdreg $0xFFFFFFFF  }
0xad: {  	[dreg:$0x0] =	wrdreg $0x60  }
0xae: {  	[dreg:$0x2] =	wrdreg s2  }
0xaf: {  	[dreg:$0x3] =	wrdreg s24  }
0xb0: {  	[dreg:$0x4] =	wrdreg $0xB0000  }
0xb1: {  	[dreg:$0x5] =	wrdreg $0x14E000  }
0xb2: {  	[dreg:$0x6] =	wrdreg $0x9  }
0xb3: {  	_ =	task.clear_ibuf [dreg:s7], $0x7FFFF;
	_ =	strace $0x90000052  }
0xb4: {  	s29 =	simm.s32 $0x9;
	_ =	strace $0x80000054  }
0xb5: {  	_ =	swait.ge [sflag:s29], $0x1  }
0xb6: {  	[sflag:s29] =	ssyncadd.s32 $0xFFFFFFFF  }
0xb7: {  	_ =	strace $0x90000054  }
0xb8: {  	_ =	sfence  }
0xb9: {  	s30 =	sld [smem:$0x0];
	_ =	sdelay $0x2  }
0xba: {  	s31 =	sshll.u32 s1, $0xD;
	s1 =	sshrl.u32 s1, $0x2  }
0xbb: {  	s3 =	sand.u32 $0x4000, s31;
	s1 =	sadd.s32 s1, s30  }
0xbc: {  	s0 =	sor.u32 s3, s0;
	s1 =	sshll.u32 s1, $0x11  }
0xbd: {  	s0 =	sor.u32 s1, s0  }
0xbe: {  	s0 =	sadd.s32 $0x8F2B, s0  }
0xbf: {  	[sflag:s0] =	ssyncadd.remote.s32 $0x1  }
0xc0: {  	_ =	sfence.sel $0xFFFF  }
0xc1: {  	[dreg:$0x0] =	wrdreg $0xFFFFFFFF;
	(pc) =	sbr.abs _section_cstart, $3  }
0xc2: {  	[dreg:$0x1] =	wrdreg $0xFFFFFFFF  }
0xc3: {  	_ =	task.clear_ibuf [dreg:s7], $0x2FFFF;
	_ =	strace $0x9FFFFFFF  }
0xc4: {  	(tm) =	ssettm $0x7FFFFFFF  }
0xc5: {  	_ =	shalt  }
tec
execute0_lowered:
.L_overlay_start_1:
0x0: {  	(tag) =	ssettag $0x1  }
0x1: {  	s6 =	rddreg [dreg:$0x0]  }
0x2: {  	s7 =	rddreg [dreg:$0x1]  }
0x3: {  	s0 =	srdreg.scid;
	s2 =	rddreg [dreg:$0x2]  }
0x4: {  	s3 =	rddreg [dreg:$0x3];
	s4 =	simm.s32 $0x0;
	s16 =	simm.s32 $0x80  }
0x5: {  	s17 =	simm.s32 $0x5000;
	s18 =	simm.s32 $0x7000;
	s19 =	simm.s32 $0x1  }
0x6: {  	s20 =	simm.s32 $0x9000;
	s21 =	simm.s32 $0x2;
	s22 =	simm.s32 $0x3  }
0x7: {  	s23 =	simm.s32 $0x4F00;
	s5 =	sand.u32 $0x1, s0;
	s0 =	stileid.u32  }
0x8: {  	s24 =	simm.s32 $0x4F80;
	s25 =	simm.s32 $0x0;
	s9 =	smul.u32 $0x9E00, s0  }
0x9: {  	[smem:$0x7FF] =	sst s4;
	s1 =	sshll.u32 s5, $0x4;
	s10 =	smul.u32 $0x9E000, s5  }
0xa: {  	s12 =	ssub.s32 $0x2, s5;
	p0 =	seq.s32 s5, $0x1;
	s1 =	sor.u32 s0, s1  }
0xb: {  	s31 =	sshll.u32 s0, $0x6;
	s30 =	sshrl.u32 s12, $0x1;
	s8 =	smul.u32 $0x500, s1  }
0xc: {  	s1 =	rddreg [dreg:$0x4];
	_ =	strace $0x80000053;
	s10 =	sadd.s32 s9, s10  }
0xd: {  	s11 =	sshrl.u32 s9, $0x3;
	s12 =	ssub.s32 s12, s30;
	s14 =	sadd.s32 s9, s2  }
0xe: {  	s15 =	sadd.s32 s9, s3;
	s10 =	sshrl.u32 s10, $0x3;
	s13 =	sadd.s32 s11, s7  }
0xf: {  	s5 =	sadd.s32 s6, s11;
	s8 =	sadd.s32 s8, s7;
	s10 =	sadd.s32 s10, s7  }
0x10: {  	s11 =	sadd.s32 $0x1B800, s13;
	s9 =	smov.u32 s5;
	s13 =	simm.s32 $0x4  }
0x11: {  	s6 =	sadd.s32 $0x11800, s8;
	s7 =	sadd.s32 $0x2600, s8;
	s8 =	sadd.s32 $0x2F400, s10  }
0x12: {  	s10 =	smax.u32 s12, $0x1;
	s9 =	smov.u32 @p0 s11;
	s11 =	sor.u32 $0x1C04, s31  }
0x13: {  	s12 =	sshrl.u32 s14, $0x3;
	s14 =	sshrl.u32 s15, $0x3;
	s15 =	simm.s32 $0x2800  }
.LBB2_1:
0x14: {  	[spmem:s12], [sflag:s11] =	dma.local [hbm:s9], $0x13C0  }
0x15: {  	_ =	swait.ge [sflag:s13], $0x13C0  }
0x16: {  	[sflag:s13] =	ssyncset.done $0x0  }
0x17: {  	[sflag:s13] =	ssyncadd.s32 $0xFFFFEC40  }
0x18: {  	[spmem:s14], [sflag:s11] =	dma.local [hbm:s5], $0x13C0  }
0x19: {  	_ =	swait.ge [sflag:s13], $0x13C0  }
0x1a: {  	[sflag:s13] =	ssyncset.done $0x0  }
0x1b: {  	[sflag:s13] =	ssyncadd.s32 $0xFFFFEC40  }
0x1c: {  	[tilespmem:s4], [sflag:$0x4] =	stream.linear.gather [hbm4b:s6+s4], $0x2800, $0x38;
	[tilespmem:$0x1EC00] =	vst v63  }
0x1d: {  	_ =	swait.ge [sflag:s13], $0x2800  }
0x1e: {  	[sflag:s13] =	ssyncset.done $0x0  }
0x1f: {  	[sflag:s13] =	ssyncadd.s32 $0xFFFFD800  }
0x20: {  	[tilespmem:s15], [sflag:$0x4] =	stream.linear.gather [hbm4b:s7+s4], $0x2800, $0x38;
	[tilespmem:$0x1EC00] =	vst v63  }
0x21: {  	_ =	swait.ge [sflag:s13], $0x2800  }
0x22: {  	[sflag:s13] =	ssyncset.done $0x0  }
0x23: {  	[sflag:s13] =	ssyncadd.s32 $0xFFFFD800  }
0x24: {  	[bflag:$0x0] =	sbarrier.arrive $0xFFFF  }
0x25: {  	[tilespmem:s17], [sflag:$0x1] =	stream.indirect.gather [spmem:s3], $0x40, s4, s16, $0xb8;
	[tilespmem:$0x1EC00] =	vst v63  }
0x26: {  	_ = 	snop  }
0x27: {  	[tilespmem:s18], [sflag:$0x2] =	stream.indirect.gather [spmem:s3], $0x40, s16, s16, $0xb8;
	[tilespmem:$0x1EC00] =	vst v63  }
0x28: {  	_ =	swait.ge [sflag:s19], $0x2000  }
0x29: {  	[sflag:s19] =	ssyncset.done $0x0  }
0x2a: {  	s26 =	simm.s32 $0x100;
	[sflag:s19] =	ssyncadd.s32 $0xFFFFE000  }
0x2b: {  	[tilespmem:s20], [sflag:$0x3] =	stream.indirect.gather [spmem:s3], $0x40, s26, s16, $0xb8;
	[tilespmem:$0x1EC00] =	vst v63  }
0x2c: {  	s31 =	simm.s32 $0x2800  }
0x2d: {  	[spmem:s2] =	stream.indirect.scatter.add.f32 [tilespmem:s17], [sflag:$0x4], $0x40, s31, s16, $0xb8;
	[tilespmem:$0x1EC00] =	vst v63  }
0x2e: {  	_ =	swait.ge [sflag:s13], $0x2000  }
0x2f: {  	[sflag:s13] =	ssyncset.done $0x0  }
0x30: {  	[sflag:s13] =	ssyncadd.s32 $0xFFFFE000  }
0x31: {  	_ =	swait.ge [sflag:s21], $0x2000  }
0x32: {  	[sflag:s21] =	ssyncset.done $0x0  }
0x33: {  	s28 =	simm.s32 $0x180;
	[sflag:s21] =	ssyncadd.s32 $0xFFFFE000  }
0x34: {  	[tilespmem:s17], [sflag:$0x1] =	stream.indirect.gather [spmem:s3], $0x40, s28, s16, $0xb8;
	[tilespmem:$0x1EC00] =	vst v63  }
0x35: {  	s29 =	simm.s32 $0x2880  }
0x36: {  	[spmem:s2] =	stream.indirect.scatter.add.f32 [tilespmem:s18], [sflag:$0x4], $0x40, s29, s16, $0xb8;
	[tilespmem:$0x1EC00] =	vst v63  }
0x37: {  	_ =	swait.ge [sflag:s13], $0x2000  }
0x38: {  	[sflag:s13] =	ssyncset.done $0x0  }
0x39: {  	[sflag:s13] =	ssyncadd.s32 $0xFFFFE000  }
0x3a: {  	_ =	swait.ge [sflag:s22], $0x2000  }
0x3b: {  	[sflag:s22] =	ssyncset.done $0x0  }
0x3c: {  	s30 =	simm.s32 $0x200;
	[sflag:s22] =	ssyncadd.s32 $0xFFFFE000  }
0x3d: {  	[tilespmem:s18], [sflag:$0x2] =	stream.indirect.gather [spmem:s3], $0x40, s30, s16, $0xb8;
	[tilespmem:$0x1EC00] =	vst v63  }
0x3e: {  	s31 =	simm.s32 $0x2900  }
0x3f: {  	[spmem:s2] =	stream.indirect.scatter.add.f32 [tilespmem:s20], [sflag:$0x4], $0x40, s31, s16, $0xb8;
	[tilespmem:$0x1EC00] =	vst v63  }
0x40: {  	_ =	swait.ge [sflag:s13], $0x2000  }
0x41: {  	s26 =	simm.s32 $0x600;
	[sflag:s13] =	ssyncset.done $0x0  }
.LBB2_2:
0x42: {  	p0 =	sne.s32 s26, $0x9600  }
0x43: {  	[sflag:s13] =	ssyncadd.s32 $0xFFFFE000;
	s28 =	smov.u32 s26;
	s26 =	sadd.s32 $0x600, s26  }
0x44: {  	_ = 	snop  }
0x45: {  	_ =	swait.ge [sflag:s19], $0x2000  }
0x46: {  	s28 =	sshra.s32 s28, $0x2;
	[sflag:s19] =	ssyncset.done $0x0  }
0x47: {  	s29 =	sadd.s32 $0x100, s28;
	[sflag:s19] =	ssyncadd.s32 $0xFFFFE000  }
0x48: {  	[tilespmem:s20], [sflag:$0x3] =	stream.indirect.gather [spmem:s3], $0x40, s29, s16, $0xb8;
	[tilespmem:$0x1EC00] =	vst v63  }
0x49: {  	s29 =	sadd.s32 $0x2800, s28  }
0x4a: {  	[spmem:s2] =	stream.indirect.scatter.add.f32 [tilespmem:s17], [sflag:$0x4], $0x40, s29, s16, $0xb8;
	[tilespmem:$0x1EC00] =	vst v63  }
0x4b: {  	_ =	swait.ge [sflag:s13], $0x2000  }
0x4c: {  	[sflag:s13] =	ssyncset.done $0x0  }
0x4d: {  	[sflag:s13] =	ssyncadd.s32 $0xFFFFE000  }
0x4e: {  	_ =	swait.ge [sflag:s21], $0x2000  }
0x4f: {  	[sflag:s21] =	ssyncset.done $0x0  }
0x50: {  	s29 =	sadd.s32 $0x180, s28;
	[sflag:s21] =	ssyncadd.s32 $0xFFFFE000  }
0x51: {  	[tilespmem:s17], [sflag:$0x1] =	stream.indirect.gather [spmem:s3], $0x40, s29, s16, $0xb8;
	[tilespmem:$0x1EC00] =	vst v63  }
0x52: {  	s29 =	sadd.s32 $0x2880, s28  }
0x53: {  	[spmem:s2] =	stream.indirect.scatter.add.f32 [tilespmem:s18], [sflag:$0x4], $0x40, s29, s16, $0xb8;
	[tilespmem:$0x1EC00] =	vst v63  }
0x54: {  	_ =	swait.ge [sflag:s13], $0x2000  }
0x55: {  	[sflag:s13] =	ssyncset.done $0x0  }
0x56: {  	[sflag:s13] =	ssyncadd.s32 $0xFFFFE000  }
0x57: {  	_ =	swait.ge [sflag:s22], $0x2000  }
0x58: {  	[sflag:s22] =	ssyncset.done $0x0  }
0x59: {  	s29 =	sadd.s32 $0x200, s28;
	[sflag:s22] =	ssyncadd.s32 $0xFFFFE000  }
0x5a: {  	[tilespmem:s18], [sflag:$0x2] =	stream.indirect.gather [spmem:s3], $0x40, s29, s16, $0xb8;
	[tilespmem:$0x1EC00] =	vst v63  }
.Ltmp0:
0x5b: {  	_ = 	snop;
	(pc) =	sbr.rel @p0 .LBB2_2-.Ltmp0, $4  }
0x5c: {  	s28 =	sadd.s32 $0x2900, s28  }
0x5d: {  	[spmem:s2] =	stream.indirect.scatter.add.f32 [tilespmem:s20], [sflag:$0x4], $0x40, s28, s16, $0xb8;
	[tilespmem:$0x1EC00] =	vst v63  }
0x5e: {  	_ =	swait.ge [sflag:s13], $0x2000  }
0x5f: {  	[sflag:s13] =	ssyncset.done $0x0  }
0x60: {  	[sflag:s13] =	ssyncadd.s32 $0xFFFFE000  }
0x61: {  	_ =	swait.ge [sflag:s19], $0x2000  }
0x62: {  	[sflag:s19] =	ssyncset.done $0x0  }
0x63: {  	[sflag:s19] =	ssyncadd.s32 $0xFFFFE000  }
0x64: {  	[spmem:s2] =	stream.indirect.scatter.add.f32 [tilespmem:s17], [sflag:$0x4], $0x40, s23, s16, $0xb8;
	[tilespmem:$0x1EC00] =	vst v63  }
0x65: {  	_ =	swait.ge [sflag:s13], $0x2000  }
0x66: {  	[sflag:s13] =	ssyncset.done $0x0  }
0x67: {  	[sflag:s13] =	ssyncadd.s32 $0xFFFFE000  }
0x68: {  	_ =	swait.ge [sflag:s21], $0x2000  }
0x69: {  	[sflag:s21] =	ssyncset.done $0x0  }
0x6a: {  	[sflag:s21] =	ssyncadd.s32 $0xFFFFE000  }
0x6b: {  	[spmem:s2] =	stream.indirect.scatter.add.f32 [tilespmem:s18], [sflag:$0x4], $0x40, s24, s16, $0xb8;
	[tilespmem:$0x1EC00] =	vst v63  }
0x6c: {  	_ =	swait.ge [sflag:s13], $0x2000  }
0x6d: {  	s25 =	sadd.s32 $0x1, s25;
	[sflag:s13] =	ssyncset.done $0x0  }
0x6e: {  	p0 =	sne.s32 s25, s10;
	[sflag:s13] =	ssyncadd.s32 $0xFFFFE000  }
.Ltmp1:
0x6f: {  	[bflag:$0x0] =	sbarrier.arrive $0xFFFF;
	(pc) =	sbr.rel @p0 .LBB2_1-.Ltmp1, $4  }
0x70: {  	[hbm:s8], [sflag:s11] =	dma.local [spmem:s12], $0x13C0  }
0x71: {  	_ =	swait.ge [sflag:s13], $0x13C0  }
0x72: {  	[sflag:s13] =	ssyncset.done $0x0  }
0x73: {  	[sflag:s13] =	ssyncadd.s32 $0xFFFFEC40  }
0x74: {  	_ =	sfence.sel $0x180000  }
0x75: {  	[bflag:$0x0] =	sbarrier.arrive $0xFFFF  }
0x76: {  	p0 =	sne.s32 s0, $0x0;
	_ =	strace $0x90000053  }
0x77: {  	s0 =	sadd.s32 @!p0 $0x100000, s1;
	[bflag:$0x2] =	sbarrier.arrive $0xFFFF  }
0x78: {  	[sflag:s0] =	ssyncadd.tile.s32 @!p0 $0x1;
	_ =	shalt  }
.Lfunc_end2:
_tile_overlayer_lowered:
.L_overlay_start_2:
0x79: {  	(tag) =	ssettag $0x2  }
0x7a: {  	s0 =	rddreg [dreg:$0x0];
	s2 =	stileid.u32  }
0x7b: {  	s1 =	rddreg [dreg:$0x1];
	p0 =	sne.s32 s2, $0x0  }
0x7c: {  	s3 =	rddreg [dreg:$0x2];
	[bflag:$0x3] =	sbarrier.arrive $0xFFFF;
	s2 =	simm.s32 @!p0 $0x1C04  }
0x7d: {  	[timem:s3], [sflag:s2] =	dma.local @!p0 [hbm:s0], s1  }
0x7e: {  	s0 =	simm.s32 @!p0 $0x4  }
0x7f: {  	_ =	swait.ge @!p0 [sflag:s0], s1  }
0x80: {  	s1 =	ssub.s32 @!p0 $0x0, s1;
	[sflag:s0] =	ssyncset.done @!p0 $0x0  }
0x81: {  	[sflag:s0] =	ssyncadd.s32 @!p0 s1  }
0x82: {  	[bflag:$0x3] =	sbarrier.arrive $0xFFFF  }
0x83: {  	_ =	shalt  }

</sc_bundles>
